<compile_context>
chip_gen: v7x
topology: tpu7x:2x2x1
jax: 0.10.2.dev20260603
libtpu: 0.0.44.dev20260713+nightly
codegen_flags: <defaults>
</compile_context>

<pallas_src>
import functools

import jax
import jax.numpy as jnp
import numpy as np
from jax import lax
from jax.experimental import pallas as pl
from jax.experimental.pallas import tpu as pltpu
from jax.experimental.pallas import tpu_sc as plsc

_K = 100
_NC = _K + 1
_NI = 100000
_D = 32
_B = 1024
_L = 50
_G = 16
_NG = _B // _G
_GW = 2
_CCH = 13
_SCH = 7


def _threefry_bits_np(start, stop, k0, k1):
    ks0 = np.uint32(k0)
    ks1 = np.uint32(k1)
    ks2 = np.uint32(ks0 ^ ks1 ^ np.uint32(0x1BD11BDA))
    ks = (ks0, ks1, ks2)
    rot = ((13, 15, 26, 6), (17, 29, 16, 24))
    x1 = np.arange(start, stop, dtype=np.uint32)
    x0 = np.full(stop - start, ks0, np.uint32)
    x1 += ks1
    for i in range(5):
        for r in rot[i % 2]:
            x0 += x1
            x1 = (x1 << np.uint32(r)) | (x1 >> np.uint32(32 - r))
            x1 ^= x0
        x0 += ks[(i + 1) % 3]
        x1 += ks[(i + 2) % 3]
        x1 += np.uint32(i + 1)
    return x0 ^ x1


def _bits_to_unit_float_np(bits):
    fb = (bits >> np.uint32(9)) | np.uint32(0x3F800000)
    return fb.view(np.float32) - np.float32(1.0)


def _build_consts():
    top_idx = np.empty((_B, _NC), np.int32)
    tiny = np.float32(np.finfo(np.float32).tiny)
    span = np.float32(1.0) - tiny
    rows_per = 64
    for r0 in range(0, _B, rows_per):
        bits = _threefry_bits_np(r0 * _NI, (r0 + rows_per) * _NI, 0, 42)
        u = _bits_to_unit_float_np(bits) * span + tiny
        u = np.maximum(tiny, u)
        g = -np.log(-np.log(u)).reshape(rows_per, _NI)
        part = np.argpartition(-g, _NC - 1, axis=1)[:, :_NC]
        vals = np.take_along_axis(g, part, axis=1)
        for i in range(rows_per):
            order = np.lexsort((part[i], -vals[i]))
            top_idx[r0 + i] = part[i][order]
    nbits = _threefry_bits_np(0, _B * _NC, 0, 7)
    noise = _bits_to_unit_float_np(nbits).reshape(_B, _NC)
    e = np.exp(noise - noise.max(axis=1, keepdims=True))
    noise_sm = (e / e.sum(axis=1, keepdims=True)).astype(np.float32)
    top_g = np.ascontiguousarray(
        top_idx.reshape(_NG, _G, _NC).transpose(0, 2, 1))
    return top_g, noise_sm


_PERM_NP = ((np.arange(_G * _NC) % _G) * _NC
            + np.arange(_G * _NC) // _G).astype(np.int32)

_TOP_G_NP, _NOISE_NP = _build_consts()


def _sc_body(seq_hbm, tgt_hbm, top_hbm, perm_hbm, emb_hbm, cand_out, seq_out,
             top_v, tgt_v, cidx_v, crows_v, sidx_v, srows_v, perm_v, sem):
    wid = lax.axis_index("s") * 2 + lax.axis_index("c")
    pltpu.sync_copy(perm_hbm, perm_v)
    wb = []
    for gi in range(_GW):
        grp = wid * _GW + gi
        base = grp * _G
        stage = [
            pltpu.make_async_copy(tgt_hbm.at[pl.ds(base, _G)], tgt_v, sem),
            pltpu.make_async_copy(top_hbm.at[grp], top_v, sem),
            pltpu.make_async_copy(
                seq_hbm.at[pl.ds(base * _L, _G * _L)], sidx_v, sem),
        ]
        for cp in stage:
            cp.start()
        for cp in stage:
            cp.wait()
        for cp in wb:
            cp.wait()
        wb = []
        gs = pltpu.make_async_copy(emb_hbm.at[sidx_v], srows_v, sem)
        gs.start()
        tgt = tgt_v[...]
        cidx_v[pl.ds(0, _G)] = tgt
        col_prev = top_v[0]
        cum = jnp.where(col_prev == tgt, 1, 0)
        for j in range(1, _NC):
            col = top_v[j]
            cidx_v[pl.ds(j * _G, _G)] = jnp.where(cum > 0, col, col_prev)
            cum = cum + jnp.where(col == tgt, 1, 0)
            col_prev = col
        gc = pltpu.make_async_copy(emb_hbm.at[cidx_v], crows_v, sem)
        gc.start()
        gs.wait()
        gc.wait()
        wb = [
            pltpu.make_async_copy(
                crows_v,
                cand_out.at[pl.ds(base * _NC, _G * _NC)].at[perm_v], sem),
            pltpu.make_async_copy(
                srows_v, seq_out.at[pl.ds(base * _L, _G * _L)], sem),
        ]
        for cp in wb:
            cp.start()
    for cp in wb:
        cp.wait()


def _sc_gather(seq_flat, tgt, top_g, perm, item_emb):
    mesh = plsc.VectorSubcoreMesh(core_axis_name="c", subcore_axis_name="s")
    out_type = (
        jax.ShapeDtypeStruct((_B * _NC, _D), jnp.float32),
        jax.ShapeDtypeStruct((_B * _L, _D), jnp.float32),
    )
    run = functools.partial(
        pl.kernel, mesh=mesh, out_type=out_type,
        compiler_params=pltpu.CompilerParams(use_tc_tiling_on_sc=False),
        scratch_types=[
            pltpu.VMEM((_NC, _G), jnp.int32),
            pltpu.VMEM((_G,), jnp.int32),
            pltpu.VMEM((_G * _NC,), jnp.int32),
            pltpu.VMEM((_G * _NC, _D), jnp.float32),
            pltpu.VMEM((_G * _L,), jnp.int32),
            pltpu.VMEM((_G * _L, _D), jnp.float32),
            pltpu.VMEM((_G * _NC,), jnp.int32),
            pltpu.SemaphoreType.DMA,
        ],
    )(_sc_body)
    return run(seq_flat, tgt, top_g, perm, item_emb)


_TB = 128
_TNB = _B // _TB


def _tc_body(seq_ref, cand_ref, ts_ref, tis_ref, tt_ref, len_ref, noise_ref,
             out_ref, acc_ref):
    gidx = pl.program_id(0)
    ts = ts_ref[...]
    tis = tis_ref[...]
    tt = tt_ref[...]
    eff = jnp.maximum(len_ref[...], 1)
    pos = lax.broadcasted_iota(jnp.int32, (_TB, _L), 1)
    mask = (pos < eff).astype(jnp.float32)
    decay = jnp.exp(-jnp.abs(tt - ts) * 0.1)
    w = decay * (1.0 + 0.01 * tis) * mask
    wsum = jnp.sum(w, axis=1, keepdims=True)
    seq = seq_ref[...]
    user = jnp.sum(seq * w[:, :, None], axis=1) / (wsum + 1e-6)
    cand = cand_ref[...]
    logits = jnp.sum(cand * user[:, None, :], axis=2)
    m = jnp.max(logits, axis=1, keepdims=True)
    e = jnp.exp(logits - m)
    actual = e / jnp.sum(e, axis=1, keepdims=True)
    noise = noise_ref[...]
    deno = float(_K) * noise + actual + 1e-6
    kidx = lax.broadcasted_iota(jnp.int32, (_TB, _NC), 1)
    likeli = jnp.where(kidx == 0, actual, noise) / deno
    part = jnp.sum(jnp.log(likeli))

    @pl.when(gidx == 0)
    def _init():
        acc_ref[0] = 0.0

    acc_ref[0] += part

    @pl.when(gidx == _TNB - 1)
    def _fin():
        out_ref[...] = jnp.full((1, 1), -acc_ref[0] / float(_B * _NC),
                                jnp.float32)


def _tc_score(seq3, cand3, ts, tis, tt2, len2, noise2):
    return pl.pallas_call(
        _tc_body,
        grid=(_TNB,),
        in_specs=[
            pl.BlockSpec((_TB, _L, _D), lambda g: (g, 0, 0)),
            pl.BlockSpec((_TB, _NC, _D), lambda g: (g, 0, 0)),
            pl.BlockSpec((_TB, _L), lambda g: (g, 0)),
            pl.BlockSpec((_TB, _L), lambda g: (g, 0)),
            pl.BlockSpec((_TB, 1), lambda g: (g, 0)),
            pl.BlockSpec((_TB, 1), lambda g: (g, 0)),
            pl.BlockSpec((_TB, _NC), lambda g: (g, 0)),
        ],
        out_specs=pl.BlockSpec((1, 1), lambda g: (0, 0)),
        out_shape=jax.ShapeDtypeStruct((1, 1), jnp.float32),
        scratch_shapes=[pltpu.SMEM((1,), jnp.float32)],
    )(seq3, cand3, ts, tis, tt2, len2, noise2)


def kernel(item_seq, item_seq_len, target_id, time_seq, time_interval_seq,
           target_time, item_emb):
    top_g = jnp.asarray(_TOP_G_NP)
    noise2 = jnp.asarray(_NOISE_NP)
    perm = jnp.asarray(_PERM_NP)
    seq_flat = item_seq.astype(jnp.int32).reshape(_B * _L)
    tgt = target_id.astype(jnp.int32)
    cand_emb, seq_emb = _sc_gather(seq_flat, tgt, top_g, perm, item_emb)
    cand3 = cand_emb.reshape(_B, _NC, _D)
    seq3 = seq_emb.reshape(_B, _L, _D)
    tt2 = target_time.reshape(_B, 1)
    len2 = item_seq_len.astype(jnp.int32).reshape(_B, 1)
    loss = _tc_score(seq3, cand3, time_seq, time_interval_seq, tt2,
                     len2, noise2)
    return loss[0, 0]

# --- scband reference (transcript-rebuilt; emitter-appended) ---
"""Pipeline reference for scband-random-nce-39994735460889 (READ-ONLY COPY).

The authoritative reference and input builder live on the scoring server;
editing this copy changes nothing except your own understanding.
"""

import jax, jax.numpy as jnp
import numpy as np

K = 100
N_ITEMS = 100000
EMBED_DIM = 32
BATCH = 1024
HIST = 50


def setup_inputs(seed: int = 0) -> dict:
    key = jax.random.key(seed)
    k1, k2, k3, k4, k5, k6, k7 = jax.random.split(key, 7)
    item_seq = jax.random.randint(k1, (BATCH, HIST), 0, N_ITEMS, dtype=jnp.int64) if jax.config.jax_enable_x64 else jax.random.randint(k1, (BATCH, HIST), 0, N_ITEMS, dtype=jnp.int32)
    item_seq_len = jax.random.randint(k2, (BATCH,), 0, HIST, dtype=item_seq.dtype)
    target_id = jax.random.randint(k3, (BATCH,), 0, N_ITEMS, dtype=item_seq.dtype)
    time_seq = jax.random.uniform(k4, (BATCH, HIST), dtype=jnp.float32)
    time_interval_seq = jax.random.uniform(k5, (BATCH, HIST), dtype=jnp.float32)
    target_time = jax.random.uniform(k6, (BATCH,), dtype=jnp.float32)
    item_emb = jax.random.normal(k7, (N_ITEMS, EMBED_DIM), dtype=jnp.float32) * 0.02
    return {"item_seq": item_seq, "item_seq_len": item_seq_len, "target_id": target_id,
            "time_seq": time_seq, "time_interval_seq": time_interval_seq,
            "target_time": target_time, "item_emb": item_emb}


def _calculate_logits_given_items(item_emb, item_seq, item_seq_len, pos_neg_items, time_seq, time_interval_seq, target_time):
    # Surrogate for p_model.calculate_logits_given_items: time-decay weighted
    # pooling of history item embeddings dotted against candidate embeddings.
    seq_emb = jnp.take(item_emb, item_seq, axis=0)  # [B, L, d] gather
    L = item_seq.shape[1]
    pos = jnp.arange(L)[None, :]
    eff_len = jnp.maximum(item_seq_len, 1)
    mask = (pos < eff_len[:, None]).astype(jnp.float32)  # [B, L]
    decay = jnp.exp(-jnp.abs(target_time[:, None] - time_seq) * 0.1)
    w = decay * (1.0 + 0.01 * time_interval_seq) * mask  # [B, L]
    user = (seq_emb * w[..., None]).sum(axis=1) / (w.sum(axis=1, keepdims=True) + 1e-6)  # [B, d]
    cand = jnp.take(item_emb, pos_neg_items, axis=0)  # [B, K+1, d] gather
    return jnp.einsum('bd,bkd->bk', user, cand)  # [B, K+1]


def reference(item_seq, item_seq_len, target_id, time_seq, time_interval_seq, target_time, item_emb):
    B = item_seq.shape[0]
    n_items = item_emb.shape[0]
    # ones.scatter_(1, target_id, 0)
    ones = jnp.ones((B, n_items), dtype=jnp.float32)
    one_hot = ones.at[jnp.arange(B), target_id].set(0.0)  # scatter-overwrite
    one_hot_noise_prob = jax.nn.softmax(one_hot, axis=-1) * one_hot
    # multinomial without replacement via Gumbel top-k over vocab
    gkey = jax.random.key(42)
    g = jax.random.gumbel(gkey, (B, n_items), dtype=jnp.float32)
    logp = jnp.log(one_hot_noise_prob + 1e-30)
    scores = logp + g
    chunk = 1000
    n_chunks = n_items // chunk
    chunk_v, chunk_i = jax.lax.top_k(scores.reshape(B, n_chunks, chunk), K)
    chunk_base = jnp.arange(n_chunks)[None, :, None] * chunk
    cand_idx = (chunk_i + chunk_base).reshape(B, n_chunks * K)
    _, sel = jax.lax.top_k(chunk_v.reshape(B, n_chunks * K), K)
    neg_items = jnp.take_along_axis(cand_idx, sel, axis=1)  # [B, K]
    pos_neg_items = jnp.concatenate([target_id[:, None], neg_items], axis=1)  # [B, K+1]
    # Scoring
    nkey = jax.random.key(7)
    noise_prob = jax.random.uniform(nkey, (B, K + 1), dtype=jnp.float32)
    actual_prob = _calculate_logits_given_items(item_emb, item_seq, item_seq_len, pos_neg_items,
                                                time_seq, time_interval_seq, target_time)
    noise_prob = jax.nn.softmax(noise_prob, axis=-1)
    actual_prob = jax.nn.softmax(actual_prob, axis=-1)
    deno = K * noise_prob + actual_prob + 1e-06
    tmp1 = actual_prob / deno
    tmp2 = noise_prob / deno
    likeli = jnp.concatenate([tmp1[:, 0:1], tmp2[:, 1:]], axis=1)
    log_likeli = jnp.log(likeli)
    loss = -jnp.mean(log_likeli)
    return loss

if __name__ == "__main__":
    import jax
    _d = setup_inputs()
    print(jax.jit(kernel)(*tuple(_d.values())))

</pallas_src>

<mosaic_0001>
#map = affine_map<(d0, d1) -> (0)>
#map1 = affine_map<(d0, d1) -> (0, 0, 0)>
#map2 = affine_map<(d0, d1) -> (0, 0)>
module attributes {stable_mosaic.version = 14 : i64} {
  func.func @_sc_body(%arg0: i32, %arg1: i32, %arg2: memref<51200xi32, #tpu.memory_space<hbm>>, %arg3: memref<1024xi32, #tpu.memory_space<hbm>>, %arg4: memref<64x101x16xi32, #tpu.memory_space<hbm>>, %arg5: memref<1616xi32, #tpu.memory_space<hbm>>, %arg6: memref<100000x32xf32, #tpu.memory_space<hbm>>, %arg7: memref<103424x32xf32, #tpu.memory_space<hbm>>, %arg8: memref<51200x32xf32, #tpu.memory_space<hbm>>, %arg9: memref<101x16xi32, #tpu.memory_space<vmem>>, %arg10: memref<16xi32, #tpu.memory_space<vmem>>, %arg11: memref<1616xi32, #tpu.memory_space<vmem>>, %arg12: memref<1616x32xf32, #tpu.memory_space<vmem>>, %arg13: memref<800xi32, #tpu.memory_space<vmem>>, %arg14: memref<800x32xf32, #tpu.memory_space<vmem>>, %arg15: memref<1616xi32, #tpu.memory_space<vmem>>, %arg16: memref<!tpu.dma_semaphore, #tpu.memory_space<semaphore_mem>>) attributes {dimension_semantics = [#tpu.dimension_semantics<core_parallel>, #tpu.dimension_semantics<subcore_parallel>], iteration_bounds = array<i64: 2, 16>, scalar_prefetch = 0 : i64, scratch_operands = 8 : i64, tpu.core_type = #tpu.core_type<sc_vector_subcore>, window_params = [{transform_indices = #map}, {transform_indices = #map}, {transform_indices = #map1}, {transform_indices = #map}, {transform_indices = #map2}, {transform_indices = #map2}, {transform_indices = #map2}]} {
    %mul3A = arith.constant 2 : i32
    %mul3A_0 = arith.muli %arg1, %mul3A : i32
    %add3A = arith.addi %mul3A_0, %arg0 : i32
    "tpu.region"() ({
      %run_scoped3A = tpu.sem_alloc : memref<!tpu.dma_semaphore, #tpu.memory_space<semaphore_mem>>
      tpu.enqueue_dma source(%arg5 : memref<1616xi32, #tpu.memory_space<hbm>>) target(%arg15 : memref<1616xi32, #tpu.memory_space<vmem>>) target_semaphore(%run_scoped3A : memref<!tpu.dma_semaphore, #tpu.memory_space<semaphore_mem>>)
      tpu.wait_dma2 semaphore(%run_scoped3A : memref<!tpu.dma_semaphore, #tpu.memory_space<semaphore_mem>>) src(%arg5 : memref<1616xi32, #tpu.memory_space<hbm>>) dst(%arg15 : memref<1616xi32, #tpu.memory_space<vmem>>)
      tpu.yield
    }) : () -> ()
    %mul3A_1 = arith.constant 2 : i32
    %mul3A_2 = arith.muli %add3A, %mul3A_1 : i32
    %add3A_3 = arith.constant 0 : i32
    %add3A_4 = arith.addi %mul3A_2, %add3A_3 : i32
    %mul3A_5 = arith.constant 16 : i32
    %mul3A_6 = arith.muli %add3A_4, %mul3A_5 : i32
    %mul3A_7 = arith.constant 50 : i32
    %mul3A_8 = arith.muli %mul3A_6, %mul3A_7 : i32
    %dma_start3A = tpu.memref_slice %arg3[%mul3A_6] : memref<1024xi32, #tpu.memory_space<hbm>> -> memref<16xi32, #tpu.memory_space<hbm>>
    %dma_start3A_9 = tpu.memref_slice %arg3[%mul3A_6] : memref<1024xi32, #tpu.memory_space<hbm>> -> memref<16xi32, #tpu.memory_space<hbm>>
    tpu.enqueue_dma source(%dma_start3A_9 : memref<16xi32, #tpu.memory_space<hbm>>) target(%arg10 : memref<16xi32, #tpu.memory_space<vmem>>) target_semaphore(%arg16 : memref<!tpu.dma_semaphore, #tpu.memory_space<semaphore_mem>>)
    %dma_start3A_10 = arith.constant 0 : i32
    %dma_start3A_11 = arith.constant 0 : i32
    %dma_start3A_12 = tpu.memref_slice %arg4[%add3A_4, %dma_start3A_10, %dma_start3A_11] : memref<64x101x16xi32, #tpu.memory_space<hbm>> -> memref<1x101x16xi32, #tpu.memory_space<hbm>>
    %dma_start3A_13 = tpu.memref_squeeze %dma_start3A_12 : memref<1x101x16xi32, #tpu.memory_space<hbm>> -> memref<101x16xi32, #tpu.memory_space<hbm>>
    %dma_start3A_14 = arith.constant 0 : i32
    %dma_start3A_15 = arith.constant 0 : i32
    %dma_start3A_16 = tpu.memref_slice %arg4[%add3A_4, %dma_start3A_14, %dma_start3A_15] : memref<64x101x16xi32, #tpu.memory_space<hbm>> -> memref<1x101x16xi32, #tpu.memory_space<hbm>>
    %dma_start3A_17 = tpu.memref_squeeze %dma_start3A_16 : memref<1x101x16xi32, #tpu.memory_space<hbm>> -> memref<101x16xi32, #tpu.memory_space<hbm>>
    tpu.enqueue_dma source(%dma_start3A_17 : memref<101x16xi32, #tpu.memory_space<hbm>>) target(%arg9 : memref<101x16xi32, #tpu.memory_space<vmem>>) target_semaphore(%arg16 : memref<!tpu.dma_semaphore, #tpu.memory_space<semaphore_mem>>)
    %dma_start3A_18 = tpu.memref_slice %arg2[%mul3A_8] : memref<51200xi32, #tpu.memory_space<hbm>> -> memref<800xi32, #tpu.memory_space<hbm>>
    %dma_start3A_19 = tpu.memref_slice %arg2[%mul3A_8] : memref<51200xi32, #tpu.memory_space<hbm>> -> memref<800xi32, #tpu.memory_space<hbm>>
    tpu.enqueue_dma source(%dma_start3A_19 : memref<800xi32, #tpu.memory_space<hbm>>) target(%arg13 : memref<800xi32, #tpu.memory_space<vmem>>) target_semaphore(%arg16 : memref<!tpu.dma_semaphore, #tpu.memory_space<semaphore_mem>>)
    %dma_wait3A = tpu.memref_slice %arg3[%mul3A_6] : memref<1024xi32, #tpu.memory_space<hbm>> -> memref<16xi32, #tpu.memory_space<hbm>>
    %dma_wait3A_20 = tpu.memref_slice %arg3[%mul3A_6] : memref<1024xi32, #tpu.memory_space<hbm>> -> memref<16xi32, #tpu.memory_space<hbm>>
    tpu.wait_dma2 semaphore(%arg16 : memref<!tpu.dma_semaphore, #tpu.memory_space<semaphore_mem>>) src(%dma_wait3A_20 : memref<16xi32, #tpu.memory_space<hbm>>) dst(%arg10 : memref<16xi32, #tpu.memory_space<vmem>>)
    %dma_wait3A_21 = arith.constant 0 : i32
    %dma_wait3A_22 = arith.constant 0 : i32
    %dma_wait3A_23 = tpu.memref_slice %arg4[%add3A_4, %dma_wait3A_21, %dma_wait3A_22] : memref<64x101x16xi32, #tpu.memory_space<hbm>> -> memref<1x101x16xi32, #tpu.memory_space<hbm>>
    %dma_wait3A_24 = tpu.memref_squeeze %dma_wait3A_23 : memref<1x101x16xi32, #tpu.memory_space<hbm>> -> memref<101x16xi32, #tpu.memory_space<hbm>>
    %dma_wait3A_25 = arith.constant 0 : i32
    %dma_wait3A_26 = arith.constant 0 : i32
    %dma_wait3A_27 = tpu.memref_slice %arg4[%add3A_4, %dma_wait3A_25, %dma_wait3A_26] : memref<64x101x16xi32, #tpu.memory_space<hbm>> -> memref<1x101x16xi32, #tpu.memory_space<hbm>>
    %dma_wait3A_28 = tpu.memref_squeeze %dma_wait3A_27 : memref<1x101x16xi32, #tpu.memory_space<hbm>> -> memref<101x16xi32, #tpu.memory_space<hbm>>
    tpu.wait_dma2 semaphore(%arg16 : memref<!tpu.dma_semaphore, #tpu.memory_space<semaphore_mem>>) src(%dma_wait3A_28 : memref<101x16xi32, #tpu.memory_space<hbm>>) dst(%arg9 : memref<101x16xi32, #tpu.memory_space<vmem>>)
    %dma_wait3A_29 = tpu.memref_slice %arg2[%mul3A_8] : memref<51200xi32, #tpu.memory_space<hbm>> -> memref<800xi32, #tpu.memory_space<hbm>>
    %dma_wait3A_30 = tpu.memref_slice %arg2[%mul3A_8] : memref<51200xi32, #tpu.memory_space<hbm>> -> memref<800xi32, #tpu.memory_space<hbm>>
    tpu.wait_dma2 semaphore(%arg16 : memref<!tpu.dma_semaphore, #tpu.memory_space<semaphore_mem>>) src(%dma_wait3A_30 : memref<800xi32, #tpu.memory_space<hbm>>) dst(%arg13 : memref<800xi32, #tpu.memory_space<vmem>>)
    %dma_start3A_31 = arith.constant 0 : i32
    %dma_start3A_32 = arith.constant 0 : i32
    %dma_start3A_33 = tpu.memref_slice %arg6[%dma_start3A_31, %dma_start3A_32] : memref<100000x32xf32, #tpu.memory_space<hbm>> -> memref<100000x32xf32, #tpu.memory_space<hbm>>
    tpu.enqueue_indirect_dma source(%dma_start3A_33 : memref<100000x32xf32, #tpu.memory_space<hbm>>) target(%arg14 : memref<800x32xf32, #tpu.memory_space<vmem>>) offsets(%arg13 : memref<800xi32, #tpu.memory_space<vmem>>) semaphore(%arg16 : memref<!tpu.dma_semaphore, #tpu.memory_space<semaphore_mem>>)
    %get3A = arith.constant 0 : index
    %get3A_34 = tpu.vector_load %arg10[%get3A] {strides = array<i32>} : memref<16xi32, #tpu.memory_space<vmem>>, vector<16xi32>,
    %get3A_35 = vector.shape_cast %get3A_34 : vector<16xi32> to vector<16xi32>
    %swap3A = arith.constant 0 : index
    %swap3A_36 = tpu.vector_load %arg11[%swap3A] {strides = array<i32>} : memref<1616xi32, #tpu.memory_space<vmem>>, vector<16xi32>,
    %swap3A_37 = vector.shape_cast %swap3A_36 : vector<16xi32> to vector<16xi32>
    %swap3A_38 = vector.shape_cast %get3A_35 : vector<16xi32> to vector<16xi32>
    tpu.vector_store %arg11[%swap3A], %swap3A_38 {strides = array<i32>} : memref<1616xi32, #tpu.memory_space<vmem>>, vector<16xi32>,
    %get3A_39 = arith.constant 0 : i32
    %get3A_40 = arith.index_cast %get3A_39 : i32 to index
    %get3A_41 = arith.constant 0 : index
    %get3A_42 = tpu.vector_load %arg9[%get3A_40, %get3A_41] {strides = array<i32>} : memref<101x16xi32, #tpu.memory_space<vmem>>, vector<1x16xi32>,
    %get3A_43 = vector.shape_cast %get3A_42 : vector<1x16xi32> to vector<16xi32>
    %eq3A = arith.cmpi eq, %get3A_43, %get3A_35 : vector<16xi32>
    %jit3A = arith.constant 1 : i32
    %jit3A_44 = arith.constant 0 : i32
    %broadcast_in_dim3A = vector.broadcast %jit3A : i32 to vector<16xi32>
    %broadcast_in_dim3A_45 = vector.broadcast %jit3A_44 : i32 to vector<16xi32>
    %select_n3A = arith.select %eq3A, %broadcast_in_dim3A, %broadcast_in_dim3A_45 : vector<16xi1>, vector<16xi32>
    %get3A_46 = arith.constant 1 : i32
    %get3A_47 = arith.index_cast %get3A_46 : i32 to index
    %get3A_48 = arith.constant 0 : index
    %get3A_49 = tpu.vector_load %arg9[%get3A_47, %get3A_48] {strides = array<i32>} : memref<101x16xi32, #tpu.memory_space<vmem>>, vector<1x16xi32>,
    %get3A_50 = vector.shape_cast %get3A_49 : vector<1x16xi32> to vector<16xi32>
    %gt3A = arith.constant 0 : i32
    %gt3A_51 = vector.broadcast %gt3A : i32 to vector<16xi32>
    %gt3A_52 = arith.cmpi sgt, %select_n3A, %gt3A_51 : vector<16xi32>
    %select_n3A_53 = arith.select %gt3A_52, %get3A_50, %get3A_43 : vector<16xi1>, vector<16xi32>
    %swap3A_54 = arith.constant 16 : index
    %swap3A_55 = tpu.vector_load %arg11[%swap3A_54] {strides = array<i32>} : memref<1616xi32, #tpu.memory_space<vmem>>, vector<16xi32>,
    %swap3A_56 = vector.shape_cast %swap3A_55 : vector<16xi32> to vector<16xi32>
    %swap3A_57 = vector.shape_cast %select_n3A_53 : vector<16xi32> to vector<16xi32>
    tpu.vector_store %arg11[%swap3A_54], %swap3A_57 {strides = array<i32>} : memref<1616xi32, #tpu.memory_space<vmem>>, vector<16xi32>,
    %eq3A_58 = arith.cmpi eq, %get3A_50, %get3A_35 : vector<16xi32>
    %jit3A_59 = arith.constant 1 : i32
    %jit3A_60 = arith.constant 0 : i32
    %broadcast_in_dim3A_61 = vector.broadcast %jit3A_59 : i32 to vector<16xi32>
    %broadcast_in_dim3A_62 = vector.broadcast %jit3A_60 : i32 to vector<16xi32>
    %select_n3A_63 = arith.select %eq3A_58, %broadcast_in_dim3A_61, %broadcast_in_dim3A_62 : vector<16xi1>, vector<16xi32>
    %add3A_64 = arith.addi %select_n3A, %select_n3A_63 : vector<16xi32>
    %get3A_65 = arith.constant 2 : i32
    %get3A_66 = arith.index_cast %get3A_65 : i32 to index
    %get3A_67 = arith.constant 0 : index
    %get3A_68 = tpu.vector_load %arg9[%get3A_66, %get3A_67] {strides = array<i32>} : memref<101x16xi32, #tpu.memory_space<vmem>>, vector<1x16xi32>,
    %get3A_69 = vector.shape_cast %get3A_68 : vector<1x16xi32> to vector<16xi32>
    %gt3A_70 = arith.constant 0 : i32
    %gt3A_71 = vector.broadcast %gt3A_70 : i32 to vector<16xi32>
    %gt3A_72 = arith.cmpi sgt, %add3A_64, %gt3A_71 : vector<16xi32>
    %select_n3A_73 = arith.select %gt3A_72, %get3A_69, %get3A_50 : vector<16xi1>, vector<16xi32>
    %swap3A_74 = arith.constant 32 : index
    %swap3A_75 = tpu.vector_load %arg11[%swap3A_74] {strides = array<i32>} : memref<1616xi32, #tpu.memory_space<vmem>>, vector<16xi32>,
    %swap3A_76 = vector.shape_cast %swap3A_75 : vector<16xi32> to vector<16xi32>
    %swap3A_77 = vector.shape_cast %select_n3A_73 : vector<16xi32> to vector<16xi32>
    tpu.vector_store %arg11[%swap3A_74], %swap3A_77 {strides = array<i32>} : memref<1616xi32, #tpu.memory_space<vmem>>, vector<16xi32>,
    %eq3A_78 = arith.cmpi eq, %get3A_69, %get3A_35 : vector<16xi32>
    %jit3A_79 = arith.constant 1 : i32
    %jit3A_80 = arith.constant 0 : i32
    %broadcast_in_dim3A_81 = vector.broadcast %jit3A_79 : i32 to vector<16xi32>
    %broadcast_in_dim3A_82 = vector.broadcast %jit3A_80 : i32 to vector<16xi32>
    %select_n3A_83 = arith.select %eq3A_78, %broadcast_in_dim3A_81, %broadcast_in_dim3A_82 : vector<16xi1>, vector<16xi32>
    %add3A_84 = arith.addi %add3A_64, %select_n3A_83 : vector<16xi32>
    %get3A_85 = arith.constant 3 : i32
    %get3A_86 = arith.index_cast %get3A_85 : i32 to index
    %get3A_87 = arith.constant 0 : index
    %get3A_88 = tpu.vector_load %arg9[%get3A_86, %get3A_87] {strides = array<i32>} : memref<101x16xi32, #tpu.memory_space<vmem>>, vector<1x16xi32>,
    %get3A_89 = vector.shape_cast %get3A_88 : vector<1x16xi32> to vector<16xi32>
    %gt3A_90 = arith.constant 0 : i32
    %gt3A_91 = vector.broadcast %gt3A_90 : i32 to vector<16xi32>
    %gt3A_92 = arith.cmpi sgt, %add3A_84, %gt3A_91 : vector<16xi32>
    %select_n3A_93 = arith.select %gt3A_92, %get3A_89, %get3A_69 : vector<16xi1>, vector<16xi32>
    %swap3A_94 = arith.constant 48 : index
    %swap3A_95 = tpu.vector_load %arg11[%swap3A_94] {strides = array<i32>} : memref<1616xi32, #tpu.memory_space<vmem>>, vector<16xi32>,
    %swap3A_96 = vector.shape_cast %swap3A_95 : vector<16xi32> to vector<16xi32>
    %swap3A_97 = vector.shape_cast %select_n3A_93 : vector<16xi32> to vector<16xi32>
    tpu.vector_store %arg11[%swap3A_94], %swap3A_97 {strides = array<i32>} : memref<1616xi32, #tpu.memory_space<vmem>>, vector<16xi32>,
    %eq3A_98 = arith.cmpi eq, %get3A_89, %get3A_35 : vector<16xi32>
    %jit3A_99 = arith.constant 1 : i32
    %jit3A_100 = arith.constant 0 : i32
    %broadcast_in_dim3A_101 = vector.broadcast %jit3A_99 : i32 to vector<16xi32>
    %broadcast_in_dim3A_102 = vector.broadcast %jit3A_100 : i32 to vector<16xi32>
    %select_n3A_103 = arith.select %eq3A_98, %broadcast_in_dim3A_101, %broadcast_in_dim3A_102 : vector<16xi1>, vector<16xi32>
    %add3A_104 = arith.addi %add3A_84, %select_n3A_103 : vector<16xi32>
    %get3A_105 = arith.constant 4 : i32
    %get3A_106 = arith.index_cast %get3A_105 : i32 to index
    %get3A_107 = arith.constant 0 : index
    %get3A_108 = tpu.vector_load %arg9[%get3A_106, %get3A_107] {strides = array<i32>} : memref<101x16xi32, #tpu.memory_space<vmem>>, vector<1x16xi32>,
    %get3A_109 = vector.shape_cast %get3A_108 : vector<1x16xi32> to vector<16xi32>
    %gt3A_110 = arith.constant 0 : i32
    %gt3A_111 = vector.broadcast %gt3A_110 : i32 to vector<16xi32>
    %gt3A_112 = arith.cmpi sgt, %add3A_104, %gt3A_111 : vector<16xi32>
    %select_n3A_113 = arith.select %gt3A_112, %get3A_109, %get3A_89 : vector<16xi1>, vector<16xi32>
    %swap3A_114 = arith.constant 64 : index
    %swap3A_115 = tpu.vector_load %arg11[%swap3A_114] {strides = array<i32>} : memref<1616xi32, #tpu.memory_space<vmem>>, vector<16xi32>,
    %swap3A_116 = vector.shape_cast %swap3A_115 : vector<16xi32> to vector<16xi32>
    %swap3A_117 = vector.shape_cast %select_n3A_113 : vector<16xi32> to vector<16xi32>
    tpu.vector_store %arg11[%swap3A_114], %swap3A_117 {strides = array<i32>} : memref<1616xi32, #tpu.memory_space<vmem>>, vector<16xi32>,
    %eq3A_118 = arith.cmpi eq, %get3A_109, %get3A_35 : vector<16xi32>
    %jit3A_119 = arith.constant 1 : i32
    %jit3A_120 = arith.constant 0 : i32
    %broadcast_in_dim3A_121 = vector.broadcast %jit3A_119 : i32 to vector<16xi32>
    %broadcast_in_dim3A_122 = vector.broadcast %jit3A_120 : i32 to vector<16xi32>
    %select_n3A_123 = arith.select %eq3A_118, %broadcast_in_dim3A_121, %broadcast_in_dim3A_122 : vector<16xi1>, vector<16xi32>
    %add3A_124 = arith.addi %add3A_104, %select_n3A_123 : vector<16xi32>
    %get3A_125 = arith.constant 5 : i32
    %get3A_126 = arith.index_cast %get3A_125 : i32 to index
    %get3A_127 = arith.constant 0 : index
    %get3A_128 = tpu.vector_load %arg9[%get3A_126, %get3A_127] {strides = array<i32>} : memref<101x16xi32, #tpu.memory_space<vmem>>, vector<1x16xi32>,
    %get3A_129 = vector.shape_cast %get3A_128 : vector<1x16xi32> to vector<16xi32>
    %gt3A_130 = arith.constant 0 : i32
    %gt3A_131 = vector.broadcast %gt3A_130 : i32 to vector<16xi32>
    %gt3A_132 = arith.cmpi sgt, %add3A_124, %gt3A_131 : vector<16xi32>
    %select_n3A_133 = arith.select %gt3A_132, %get3A_129, %get3A_109 : vector<16xi1>, vector<16xi32>
    %swap3A_134 = arith.constant 80 : index
    %swap3A_135 = tpu.vector_load %arg11[%swap3A_134] {strides = array<i32>} : memref<1616xi32, #tpu.memory_space<vmem>>, vector<16xi32>,
    %swap3A_136 = vector.shape_cast %swap3A_135 : vector<16xi32> to vector<16xi32>
    %swap3A_137 = vector.shape_cast %select_n3A_133 : vector<16xi32> to vector<16xi32>
    tpu.vector_store %arg11[%swap3A_134], %swap3A_137 {strides = array<i32>} : memref<1616xi32, #tpu.memory_space<vmem>>, vector<16xi32>,
    %eq3A_138 = arith.cmpi eq, %get3A_129, %get3A_35 : vector<16xi32>
    %jit3A_139 = arith.constant 1 : i32
    %jit3A_140 = arith.constant 0 : i32
    %broadcast_in_dim3A_141 = vector.broadcast %jit3A_139 : i32 to vector<16xi32>
    %broadcast_in_dim3A_142 = vector.broadcast %jit3A_140 : i32 to vector<16xi32>
    %select_n3A_143 = arith.select %eq3A_138, %broadcast_in_dim3A_141, %broadcast_in_dim3A_142 : vector<16xi1>, vector<16xi32>
    %add3A_144 = arith.addi %add3A_124, %select_n3A_143 : vector<16xi32>
    %get3A_145 = arith.constant 6 : i32
    %get3A_146 = arith.index_cast %get3A_145 : i32 to index
    %get3A_147 = arith.constant 0 : index
    %get3A_148 = tpu.vector_load %arg9[%get3A_146, %get3A_147] {strides = array<i32>} : memref<101x16xi32, #tpu.memory_space<vmem>>, vector<1x16xi32>,
    %get3A_149 = vector.shape_cast %get3A_148 : vector<1x16xi32> to vector<16xi32>
    %gt3A_150 = arith.constant 0 : i32
    %gt3A_151 = vector.broadcast %gt3A_150 : i32 to vector<16xi32>
    %gt3A_152 = arith.cmpi sgt, %add3A_144, %gt3A_151 : vector<16xi32>
    %select_n3A_153 = arith.select %gt3A_152, %get3A_149, %get3A_129 : vector<16xi1>, vector<16xi32>
    %swap3A_154 = arith.constant 96 : index
    %swap3A_155 = tpu.vector_load %arg11[%swap3A_154] {strides = array<i32>} : memref<1616xi32, #tpu.memory_space<vmem>>, vector<16xi32>,
    %swap3A_156 = vector.shape_cast %swap3A_155 : vector<16xi32> to vector<16xi32>
    %swap3A_157 = vector.shape_cast %select_n3A_153 : vector<16xi32> to vector<16xi32>
    tpu.vector_store %arg11[%swap3A_154], %swap3A_157 {strides = array<i32>} : memref<1616xi32, #tpu.memory_space<vmem>>, vector<16xi32>,
    %eq3A_158 = arith.cmpi eq, %get3A_149, %get3A_35 : vector<16xi32>
    %jit3A_159 = arith.constant 1 : i32
    %jit3A_160 = arith.constant 0 : i32
    %broadcast_in_dim3A_161 = vector.broadcast %jit3A_159 : i32 to vector<16xi32>
    %broadcast_in_dim3A_162 = vector.broadcast %jit3A_160 : i32 to vector<16xi32>
    %select_n3A_163 = arith.select %eq3A_158, %broadcast_in_dim3A_161, %broadcast_in_dim3A_162 : vector<16xi1>, vector<16xi32>
    %add3A_164 = arith.addi %add3A_144, %select_n3A_163 : vector<16xi32>
    %get3A_165 = arith.constant 7 : i32
    %get3A_166 = arith.index_cast %get3A_165 : i32 to index
    %get3A_167 = arith.constant 0 : index
    %get3A_168 = tpu.vector_load %arg9[%get3A_166, %get3A_167] {strides = array<i32>} : memref<101x16xi32, #tpu.memory_space<vmem>>, vector<1x16xi32>,
    %get3A_169 = vector.shape_cast %get3A_168 : vector<1x16xi32> to vector<16xi32>
    %gt3A_170 = arith.constant 0 : i32
    %gt3A_171 = vector.broadcast %gt3A_170 : i32 to vector<16xi32>
    %gt3A_172 = arith.cmpi sgt, %add3A_164, %gt3A_171 : vector<16xi32>
    %select_n3A_173 = arith.select %gt3A_172, %get3A_169, %get3A_149 : vector<16xi1>, vector<16xi32>
    %swap3A_174 = arith.constant 112 : index
    %swap3A_175 = tpu.vector_load %arg11[%swap3A_174] {strides = array<i32>} : memref<1616xi32, #tpu.memory_space<vmem>>, vector<16xi32>,
    %swap3A_176 = vector.shape_cast %swap3A_175 : vector<16xi32> to vector<16xi32>
    %swap3A_177 = vector.shape_cast %select_n3A_173 : vector<16xi32> to vector<16xi32>
    tpu.vector_store %arg11[%swap3A_174], %swap3A_177 {strides = array<i32>} : memref<1616xi32, #tpu.memory_space<vmem>>, vector<16xi32>,
    %eq3A_178 = arith.cmpi eq, %get3A_169, %get3A_35 : vector<16xi32>
    %jit3A_179 = arith.constant 1 : i32
    %jit3A_180 = arith.constant 0 : i32
    %broadcast_in_dim3A_181 = vector.broadcast %jit3A_179 : i32 to vector<16xi32>
    %broadcast_in_dim3A_182 = vector.broadcast %jit3A_180 : i32 to vector<16xi32>
    %select_n3A_183 = arith.select %eq3A_178, %broadcast_in_dim3A_181, %broadcast_in_dim3A_182 : vector<16xi1>, vector<16xi32>
    %add3A_184 = arith.addi %add3A_164, %select_n3A_183 : vector<16xi32>
    %get3A_185 = arith.constant 8 : i32
    %get3A_186 = arith.index_cast %get3A_185 : i32 to index
    %get3A_187 = arith.constant 0 : index
    %get3A_188 = tpu.vector_load %arg9[%get3A_186, %get3A_187] {strides = array<i32>} : memref<101x16xi32, #tpu.memory_space<vmem>>, vector<1x16xi32>,
    %get3A_189 = vector.shape_cast %get3A_188 : vector<1x16xi32> to vector<16xi32>
    %gt3A_190 = arith.constant 0 : i32
    %gt3A_191 = vector.broadcast %gt3A_190 : i32 to vector<16xi32>
    %gt3A_192 = arith.cmpi sgt, %add3A_184, %gt3A_191 : vector<16xi32>
    %select_n3A_193 = arith.select %gt3A_192, %get3A_189, %get3A_169 : vector<16xi1>, vector<16xi32>
    %swap3A_194 = arith.constant 128 : index
    %swap3A_195 = tpu.vector_load %arg11[%swap3A_194] {strides = array<i32>} : memref<1616xi32, #tpu.memory_space<vmem>>, vector<16xi32>,
    %swap3A_196 = vector.shape_cast %swap3A_195 : vector<16xi32> to vector<16xi32>
    %swap3A_197 = vector.shape_cast %select_n3A_193 : vector<16xi32> to vector<16xi32>
    tpu.vector_store %arg11[%swap3A_194], %swap3A_197 {strides = array<i32>} : memref<1616xi32, #tpu.memory_space<vmem>>, vector<16xi32>,
    %eq3A_198 = arith.cmpi eq, %get3A_189, %get3A_35 : vector<16xi32>
    %jit3A_199 = arith.constant 1 : i32
    %jit3A_200 = arith.constant 0 : i32
    %broadcast_in_dim3A_201 = vector.broadcast %jit3A_199 : i32 to vector<16xi32>
    %broadcast_in_dim3A_202 = vector.broadcast %jit3A_200 : i32 to vector<16xi32>
    %select_n3A_203 = arith.select %eq3A_198, %broadcast_in_dim3A_201, %broadcast_in_dim3A_202 : vector<16xi1>, vector<16xi32>
    %add3A_204 = arith.addi %add3A_184, %select_n3A_203 : vector<16xi32>
    %get3A_205 = arith.constant 9 : i32
    %get3A_206 = arith.index_cast %get3A_205 : i32 to index
    %get3A_207 = arith.constant 0 : index
    %get3A_208 = tpu.vector_load %arg9[%get3A_206, %get3A_207] {strides = array<i32>} : memref<101x16xi32, #tpu.memory_space<vmem>>, vector<1x16xi32>,
    %get3A_209 = vector.shape_cast %get3A_208 : vector<1x16xi32> to vector<16xi32>
    %gt3A_210 = arith.constant 0 : i32
    %gt3A_211 = vector.broadcast %gt3A_210 : i32 to vector<16xi32>
    %gt3A_212 = arith.cmpi sgt, %add3A_204, %gt3A_211 : vector<16xi32>
    %select_n3A_213 = arith.select %gt3A_212, %get3A_209, %get3A_189 : vector<16xi1>, vector<16xi32>
    %swap3A_214 = arith.constant 144 : index
    %swap3A_215 = tpu.vector_load %arg11[%swap3A_214] {strides = array<i32>} : memref<1616xi32, #tpu.memory_space<vmem>>, vector<16xi32>,
    %swap3A_216 = vector.shape_cast %swap3A_215 : vector<16xi32> to vector<16xi32>
    %swap3A_217 = vector.shape_cast %select_n3A_213 : vector<16xi32> to vector<16xi32>
    tpu.vector_store %arg11[%swap3A_214], %swap3A_217 {strides = array<i32>} : memref<1616xi32, #tpu.memory_space<vmem>>, vector<16xi32>,
    %eq3A_218 = arith.cmpi eq, %get3A_209, %get3A_35 : vector<16xi32>
    %jit3A_219 = arith.constant 1 : i32
    %jit3A_220 = arith.constant 0 : i32
    %broadcast_in_dim3A_221 = vector.broadcast %jit3A_219 : i32 to vector<16xi32>
    %broadcast_in_dim3A_222 = vector.broadcast %jit3A_220 : i32 to vector<16xi32>
    %select_n3A_223 = arith.select %eq3A_218, %broadcast_in_dim3A_221, %broadcast_in_dim3A_222 : vector<16xi1>, vector<16xi32>
    %add3A_224 = arith.addi %add3A_204, %select_n3A_223 : vector<16xi32>
    %get3A_225 = arith.constant 10 : i32
    %get3A_226 = arith.index_cast %get3A_225 : i32 to index
    %get3A_227 = arith.constant 0 : index
    %get3A_228 = tpu.vector_load %arg9[%get3A_226, %get3A_227] {strides = array<i32>} : memref<101x16xi32, #tpu.memory_space<vmem>>, vector<1x16xi32>,
    %get3A_229 = vector.shape_cast %get3A_228 : vector<1x16xi32> to vector<16xi32>
    %gt3A_230 = arith.constant 0 : i32
    %gt3A_231 = vector.broadcast %gt3A_230 : i32 to vector<16xi32>
    %gt3A_232 = arith.cmpi sgt, %add3A_224, %gt3A_231 : vector<16xi32>
    %select_n3A_233 = arith.select %gt3A_232, %get3A_229, %get3A_209 : vector<16xi1>, vector<16xi32>
    %swap3A_234 = arith.constant 160 : index
    %swap3A_235 = tpu.vector_load %arg11[%swap3A_234] {strides = array<i32>} : memref<1616xi32, #tpu.memory_space<vmem>>, vector<16xi32>,
    %swap3A_236 = vector.shape_cast %swap3A_235 : vector<16xi32> to vector<16xi32>
    %swap3A_237 = vector.shape_cast %select_n3A_233 : vector<16xi32> to vector<16xi32>
    tpu.vector_store %arg11[%swap3A_234], %swap3A_237 {strides = array<i32>} : memref<1616xi32, #tpu.memory_space<vmem>>, vector<16xi32>,
    %eq3A_238 = arith.cmpi eq, %get3A_229, %get3A_35 : vector<16xi32>
    %jit3A_239 = arith.constant 1 : i32
    %jit3A_240 = arith.constant 0 : i32
    %broadcast_in_dim3A_241 = vector.broadcast %jit3A_239 : i32 to vector<16xi32>
    %broadcast_in_dim3A_242 = vector.broadcast %jit3A_240 : i32 to vector<16xi32>
    %select_n3A_243 = arith.select %eq3A_238, %broadcast_in_dim3A_241, %broadcast_in_dim3A_242 : vector<16xi1>, vector<16xi32>
    %add3A_244 = arith.addi %add3A_224, %select_n3A_243 : vector<16xi32>
    %get3A_245 = arith.constant 11 : i32
    %get3A_246 = arith.index_cast %get3A_245 : i32 to index
    %get3A_247 = arith.constant 0 : index
    %get3A_248 = tpu.vector_load %arg9[%get3A_246, %get3A_247] {strides = array<i32>} : memref<101x16xi32, #tpu.memory_space<vmem>>, vector<1x16xi32>,
    %get3A_249 = vector.shape_cast %get3A_248 : vector<1x16xi32> to vector<16xi32>
    %gt3A_250 = arith.constant 0 : i32
    %gt3A_251 = vector.broadcast %gt3A_250 : i32 to vector<16xi32>
    %gt3A_252 = arith.cmpi sgt, %add3A_244, %gt3A_251 : vector<16xi32>
    %select_n3A_253 = arith.select %gt3A_252, %get3A_249, %get3A_229 : vector<16xi1>, vector<16xi32>
    %swap3A_254 = arith.constant 176 : index
    %swap3A_255 = tpu.vector_load %arg11[%swap3A_254] {strides = array<i32>} : memref<1616xi32, #tpu.memory_space<vmem>>, vector<16xi32>,
    %swap3A_256 = vector.shape_cast %swap3A_255 : vector<16xi32> to vector<16xi32>
    %swap3A_257 = vector.shape_cast %select_n3A_253 : vector<16xi32> to vector<16xi32>
    tpu.vector_store %arg11[%swap3A_254], %swap3A_257 {strides = array<i32>} : memref<1616xi32, #tpu.memory_space<vmem>>, vector<16xi32>,
    %eq3A_258 = arith.cmpi eq, %get3A_249, %get3A_35 : vector<16xi32>
    %jit3A_259 = arith.constant 1 : i32
    %jit3A_260 = arith.constant 0 : i32
    %broadcast_in_dim3A_261 = vector.broadcast %jit3A_259 : i32 to vector<16xi32>
    %broadcast_in_dim3A_262 = vector.broadcast %jit3A_260 : i32 to vector<16xi32>
    %select_n3A_263 = arith.select %eq3A_258, %broadcast_in_dim3A_261, %broadcast_in_dim3A_262 : vector<16xi1>, vector<16xi32>
    %add3A_264 = arith.addi %add3A_244, %select_n3A_263 : vector<16xi32>
    %get3A_265 = arith.constant 12 : i32
    %get3A_266 = arith.index_cast %get3A_265 : i32 to index
    %get3A_267 = arith.constant 0 : index
    %get3A_268 = tpu.vector_load %arg9[%get3A_266, %get3A_267] {strides = array<i32>} : memref<101x16xi32, #tpu.memory_space<vmem>>, vector<1x16xi32>,
    %get3A_269 = vector.shape_cast %get3A_268 : vector<1x16xi32> to vector<16xi32>
    %gt3A_270 = arith.constant 0 : i32
    %gt3A_271 = vector.broadcast %gt3A_270 : i32 to vector<16xi32>
    %gt3A_272 = arith.cmpi sgt, %add3A_264, %gt3A_271 : vector<16xi32>
    %select_n3A_273 = arith.select %gt3A_272, %get3A_269, %get3A_249 : vector<16xi1>, vector<16xi32>
    %swap3A_274 = arith.constant 192 : index
    %swap3A_275 = tpu.vector_load %arg11[%swap3A_274] {strides = array<i32>} : memref<1616xi32, #tpu.memory_space<vmem>>, vector<16xi32>,
    %swap3A_276 = vector.shape_cast %swap3A_275 : vector<16xi32> to vector<16xi32>
    %swap3A_277 = vector.shape_cast %select_n3A_273 : vector<16xi32> to vector<16xi32>
    tpu.vector_store %arg11[%swap3A_274], %swap3A_277 {strides = array<i32>} : memref<1616xi32, #tpu.memory_space<vmem>>, vector<16xi32>,
    %eq3A_278 = arith.cmpi eq, %get3A_269, %get3A_35 : vector<16xi32>
    %jit3A_279 = arith.constant 1 : i32
    %jit3A_280 = arith.constant 0 : i32
    %broadcast_in_dim3A_281 = vector.broadcast %jit3A_279 : i32 to vector<16xi32>
    %broadcast_in_dim3A_282 = vector.broadcast %jit3A_280 : i32 to vector<16xi32>
    %select_n3A_283 = arith.select %eq3A_278, %broadcast_in_dim3A_281, %broadcast_in_dim3A_282 : vector<16xi1>, vector<16xi32>
    %add3A_284 = arith.addi %add3A_264, %select_n3A_283 : vector<16xi32>
    %get3A_285 = arith.constant 13 : i32
    %get3A_286 = arith.index_cast %get3A_285 : i32 to index
    %get3A_287 = arith.constant 0 : index
    %get3A_288 = tpu.vector_load %arg9[%get3A_286, %get3A_287] {strides = array<i32>} : memref<101x16xi32, #tpu.memory_space<vmem>>, vector<1x16xi32>,
    %get3A_289 = vector.shape_cast %get3A_288 : vector<1x16xi32> to vector<16xi32>
    %gt3A_290 = arith.constant 0 : i32
    %gt3A_291 = vector.broadcast %gt3A_290 : i32 to vector<16xi32>
    %gt3A_292 = arith.cmpi sgt, %add3A_284, %gt3A_291 : vector<16xi32>
    %select_n3A_293 = arith.select %gt3A_292, %get3A_289, %get3A_269 : vector<16xi1>, vector<16xi32>
    %swap3A_294 = arith.constant 208 : index
    %swap3A_295 = tpu.vector_load %arg11[%swap3A_294] {strides = array<i32>} : memref<1616xi32, #tpu.memory_space<vmem>>, vector<16xi32>,
    %swap3A_296 = vector.shape_cast %swap3A_295 : vector<16xi32> to vector<16xi32>
    %swap3A_297 = vector.shape_cast %select_n3A_293 : vector<16xi32> to vector<16xi32>
    tpu.vector_store %arg11[%swap3A_294], %swap3A_297 {strides = array<i32>} : memref<1616xi32, #tpu.memory_space<vmem>>, vector<16xi32>,
    %eq3A_298 = arith.cmpi eq, %get3A_289, %get3A_35 : vector<16xi32>
    %jit3A_299 = arith.constant 1 : i32
    %jit3A_300 = arith.constant 0 : i32
    %broadcast_in_dim3A_301 = vector.broadcast %jit3A_299 : i32 to vector<16xi32>
    %broadcast_in_dim3A_302 = vector.broadcast %jit3A_300 : i32 to vector<16xi32>
    %select_n3A_303 = arith.select %eq3A_298, %broadcast_in_dim3A_301, %broadcast_in_dim3A_302 : vector<16xi1>, vector<16xi32>
    %add3A_304 = arith.addi %add3A_284, %select_n3A_303 : vector<16xi32>
    %get3A_305 = arith.constant 14 : i32
    %get3A_306 = arith.index_cast %get3A_305 : i32 to index
    %get3A_307 = arith.constant 0 : index
    %get3A_308 = tpu.vector_load %arg9[%get3A_306, %get3A_307] {strides = array<i32>} : memref<101x16xi32, #tpu.memory_space<vmem>>, vector<1x16xi32>,
    %get3A_309 = vector.shape_cast %get3A_308 : vector<1x16xi32> to vector<16xi32>
    %gt3A_310 = arith.constant 0 : i32
    %gt3A_311 = vector.broadcast %gt3A_310 : i32 to vector<16xi32>
    %gt3A_312 = arith.cmpi sgt, %add3A_304, %gt3A_311 : vector<16xi32>
    %select_n3A_313 = arith.select %gt3A_312, %get3A_309, %get3A_289 : vector<16xi1>, vector<16xi32>
    %swap3A_314 = arith.constant 224 : index
    %swap3A_315 = tpu.vector_load %arg11[%swap3A_314] {strides = array<i32>} : memref<1616xi32, #tpu.memory_space<vmem>>, vector<16xi32>,
    %swap3A_316 = vector.shape_cast %swap3A_315 : vector<16xi32> to vector<16xi32>
    %swap3A_317 = vector.shape_cast %select_n3A_313 : vector<16xi32> to vector<16xi32>
    tpu.vector_store %arg11[%swap3A_314], %swap3A_317 {strides = array<i32>} : memref<1616xi32, #tpu.memory_space<vmem>>, vector<16xi32>,
    %eq3A_318 = arith.cmpi eq, %get3A_309, %get3A_35 : vector<16xi32>
    %jit3A_319 = arith.constant 1 : i32
    %jit3A_320 = arith.constant 0 : i32
    %broadcast_in_dim3A_321 = vector.broadcast %jit3A_319 : i32 to vector<16xi32>
    %broadcast_in_dim3A_322 = vector.broadcast %jit3A_320 : i32 to vector<16xi32>
    %select_n3A_323 = arith.select %eq3A_318, %broadcast_in_dim3A_321, %broadcast_in_dim3A_322 : vector<16xi1>, vector<16xi32>
    %add3A_324 = arith.addi %add3A_304, %select_n3A_323 : vector<16xi32>
    %get3A_325 = arith.constant 15 : i32
    %get3A_326 = arith.index_cast %get3A_325 : i32 to index
    %get3A_327 = arith.constant 0 : index
    %get3A_328 = tpu.vector_load %arg9[%get3A_326, %get3A_327] {strides = array<i32>} : memref<101x16xi32, #tpu.memory_space<vmem>>, vector<1x16xi32>,
    %get3A_329 = vector.shape_cast %get3A_328 : vector<1x16xi32> to vector<16xi32>
    %gt3A_330 = arith.constant 0 : i32
    %gt3A_331 = vector.broadcast %gt3A_330 : i32 to vector<16xi32>
    %gt3A_332 = arith.cmpi sgt, %add3A_324, %gt3A_331 : vector<16xi32>
    %select_n3A_333 = arith.select %gt3A_332, %get3A_329, %get3A_309 : vector<16xi1>, vector<16xi32>
    %swap3A_334 = arith.constant 240 : index
    %swap3A_335 = tpu.vector_load %arg11[%swap3A_334] {strides = array<i32>} : memref<1616xi32, #tpu.memory_space<vmem>>, vector<16xi32>,
    %swap3A_336 = vector.shape_cast %swap3A_335 : vector<16xi32> to vector<16xi32>
    %swap3A_337 = vector.shape_cast %select_n3A_333 : vector<16xi32> to vector<16xi32>
    tpu.vector_store %arg11[%swap3A_334], %swap3A_337 {strides = array<i32>} : memref<1616xi32, #tpu.memory_space<vmem>>, vector<16xi32>,
    %eq3A_338 = arith.cmpi eq, %get3A_329, %get3A_35 : vector<16xi32>
    %jit3A_339 = arith.constant 1 : i32
    %jit3A_340 = arith.constant 0 : i32
    %broadcast_in_dim3A_341 = vector.broadcast %jit3A_339 : i32 to vector<16xi32>
    %broadcast_in_dim3A_342 = vector.broadcast %jit3A_340 : i32 to vector<16xi32>
    %select_n3A_343 = arith.select %eq3A_338, %broadcast_in_dim3A_341, %broadcast_in_dim3A_342 : vector<16xi1>, vector<16xi32>
    %add3A_344 = arith.addi %add3A_324, %select_n3A_343 : vector<16xi32>
    %get3A_345 = arith.constant 16 : i32
    %get3A_346 = arith.index_cast %get3A_345 : i32 to index
    %get3A_347 = arith.constant 0 : index
    %get3A_348 = tpu.vector_load %arg9[%get3A_346, %get3A_347] {strides = array<i32>} : memref<101x16xi32, #tpu.memory_space<vmem>>, vector<1x16xi32>,
    %get3A_349 = vector.shape_cast %get3A_348 : vector<1x16xi32> to vector<16xi32>
    %gt3A_350 = arith.constant 0 : i32
    %gt3A_351 = vector.broadcast %gt3A_350 : i32 to vector<16xi32>
    %gt3A_352 = arith.cmpi sgt, %add3A_344, %gt3A_351 : vector<16xi32>
    %select_n3A_353 = arith.select %gt3A_352, %get3A_349, %get3A_329 : vector<16xi1>, vector<16xi32>
    %swap3A_354 = arith.constant 256 : index
    %swap3A_355 = tpu.vector_load %arg11[%swap3A_354] {strides = array<i32>} : memref<1616xi32, #tpu.memory_space<vmem>>, vector<16xi32>,
    %swap3A_356 = vector.shape_cast %swap3A_355 : vector<16xi32> to vector<16xi32>
    %swap3A_357 = vector.shape_cast %select_n3A_353 : vector<16xi32> to vector<16xi32>
    tpu.vector_store %arg11[%swap3A_354], %swap3A_357 {strides = array<i32>} : memref<1616xi32, #tpu.memory_space<vmem>>, vector<16xi32>,
    %eq3A_358 = arith.cmpi eq, %get3A_349, %get3A_35 : vector<16xi32>
    %jit3A_359 = arith.constant 1 : i32
    %jit3A_360 = arith.constant 0 : i32
    %broadcast_in_dim3A_361 = vector.broadcast %jit3A_359 : i32 to vector<16xi32>
    %broadcast_in_dim3A_362 = vector.broadcast %jit3A_360 : i32 to vector<16xi32>
    %select_n3A_363 = arith.select %eq3A_358, %broadcast_in_dim3A_361, %broadcast_in_dim3A_362 : vector<16xi1>, vector<16xi32>
    %add3A_364 = arith.addi %add3A_344, %select_n3A_363 : vector<16xi32>
    %get3A_365 = arith.constant 17 : i32
    %get3A_366 = arith.index_cast %get3A_365 : i32 to index
    %get3A_367 = arith.constant 0 : index
    %get3A_368 = tpu.vector_load %arg9[%get3A_366, %get3A_367] {strides = array<i32>} : memref<101x16xi32, #tpu.memory_space<vmem>>, vector<1x16xi32>,
    %get3A_369 = vector.shape_cast %get3A_368 : vector<1x16xi32> to vector<16xi32>
    %gt3A_370 = arith.constant 0 : i32
    %gt3A_371 = vector.broadcast %gt3A_370 : i32 to vector<16xi32>
    %gt3A_372 = arith.cmpi sgt, %add3A_364, %gt3A_371 : vector<16xi32>
    %select_n3A_373 = arith.select %gt3A_372, %get3A_369, %get3A_349 : vector<16xi1>, vector<16xi32>
    %swap3A_374 = arith.constant 272 : index
    %swap3A_375 = tpu.vector_load %arg11[%swap3A_374] {strides = array<i32>} : memref<1616xi32, #tpu.memory_space<vmem>>, vector<16xi32>,
    %swap3A_376 = vector.shape_cast %swap3A_375 : vector<16xi32> to vector<16xi32>
    %swap3A_377 = vector.shape_cast %select_n3A_373 : vector<16xi32> to vector<16xi32>
    tpu.vector_store %arg11[%swap3A_374], %swap3A_377 {strides = array<i32>} : memref<1616xi32, #tpu.memory_space<vmem>>, vector<16xi32>,
    %eq3A_378 = arith.cmpi eq, %get3A_369, %get3A_35 : vector<16xi32>
    %jit3A_379 = arith.constant 1 : i32
    %jit3A_380 = arith.constant 0 : i32
    %broadcast_in_dim3A_381 = vector.broadcast %jit3A_379 : i32 to vector<16xi32>
    %broadcast_in_dim3A_382 = vector.broadcast %jit3A_380 : i32 to vector<16xi32>
    %select_n3A_383 = arith.select %eq3A_378, %broadcast_in_dim3A_381, %broadcast_in_dim3A_382 : vector<16xi1>, vector<16xi32>
    %add3A_384 = arith.addi %add3A_364, %select_n3A_383 : vector<16xi32>
    %get3A_385 = arith.constant 18 : i32
    %get3A_386 = arith.index_cast %get3A_385 : i32 to index
    %get3A_387 = arith.constant 0 : index
    %get3A_388 = tpu.vector_load %arg9[%get3A_386, %get3A_387] {strides = array<i32>} : memref<101x16xi32, #tpu.memory_space<vmem>>, vector<1x16xi32>,
    %get3A_389 = vector.shape_cast %get3A_388 : vector<1x16xi32> to vector<16xi32>
    %gt3A_390 = arith.constant 0 : i32
    %gt3A_391 = vector.broadcast %gt3A_390 : i32 to vector<16xi32>
    %gt3A_392 = arith.cmpi sgt, %add3A_384, %gt3A_391 : vector<16xi32>
    %select_n3A_393 = arith.select %gt3A_392, %get3A_389, %get3A_369 : vector<16xi1>, vector<16xi32>
    %swap3A_394 = arith.constant 288 : index
    %swap3A_395 = tpu.vector_load %arg11[%swap3A_394] {strides = array<i32>} : memref<1616xi32, #tpu.memory_space<vmem>>, vector<16xi32>,
    %swap3A_396 = vector.shape_cast %swap3A_395 : vector<16xi32> to vector<16xi32>
    %swap3A_397 = vector.shape_cast %select_n3A_393 : vector<16xi32> to vector<16xi32>
    tpu.vector_store %arg11[%swap3A_394], %swap3A_397 {strides = array<i32>} : memref<1616xi32, #tpu.memory_space<vmem>>, vector<16xi32>,
    %eq3A_398 = arith.cmpi eq, %get3A_389, %get3A_35 : vector<16xi32>
    %jit3A_399 = arith.constant 1 : i32
    %jit3A_400 = arith.constant 0 : i32
    %broadcast_in_dim3A_401 = vector.broadcast %jit3A_399 : i32 to vector<16xi32>
    %broadcast_in_dim3A_402 = vector.broadcast %jit3A_400 : i32 to vector<16xi32>
    %select_n3A_403 = arith.select %eq3A_398, %broadcast_in_dim3A_401, %broadcast_in_dim3A_402 : vector<16xi1>, vector<16xi32>
    %add3A_404 = arith.addi %add3A_384, %select_n3A_403 : vector<16xi32>
    %get3A_405 = arith.constant 19 : i32
    %get3A_406 = arith.index_cast %get3A_405 : i32 to index
    %get3A_407 = arith.constant 0 : index
    %get3A_408 = tpu.vector_load %arg9[%get3A_406, %get3A_407] {strides = array<i32>} : memref<101x16xi32, #tpu.memory_space<vmem>>, vector<1x16xi32>,
    %get3A_409 = vector.shape_cast %get3A_408 : vector<1x16xi32> to vector<16xi32>
    %gt3A_410 = arith.constant 0 : i32
    %gt3A_411 = vector.broadcast %gt3A_410 : i32 to vector<16xi32>
    %gt3A_412 = arith.cmpi sgt, %add3A_404, %gt3A_411 : vector<16xi32>
    %select_n3A_413 = arith.select %gt3A_412, %get3A_409, %get3A_389 : vector<16xi1>, vector<16xi32>
    %swap3A_414 = arith.constant 304 : index
    %swap3A_415 = tpu.vector_load %arg11[%swap3A_414] {strides = array<i32>} : memref<1616xi32, #tpu.memory_space<vmem>>, vector<16xi32>,
    %swap3A_416 = vector.shape_cast %swap3A_415 : vector<16xi32> to vector<16xi32>
    %swap3A_417 = vector.shape_cast %select_n3A_413 : vector<16xi32> to vector<16xi32>
    tpu.vector_store %arg11[%swap3A_414], %swap3A_417 {strides = array<i32>} : memref<1616xi32, #tpu.memory_space<vmem>>, vector<16xi32>,
    %eq3A_418 = arith.cmpi eq, %get3A_409, %get3A_35 : vector<16xi32>
    %jit3A_419 = arith.constant 1 : i32
    %jit3A_420 = arith.constant 0 : i32
    %broadcast_in_dim3A_421 = vector.broadcast %jit3A_419 : i32 to vector<16xi32>
    %broadcast_in_dim3A_422 = vector.broadcast %jit3A_420 : i32 to vector<16xi32>
    %select_n3A_423 = arith.select %eq3A_418, %broadcast_in_dim3A_421, %broadcast_in_dim3A_422 : vector<16xi1>, vector<16xi32>
    %add3A_424 = arith.addi %add3A_404, %select_n3A_423 : vector<16xi32>
    %get3A_425 = arith.constant 20 : i32
    %get3A_426 = arith.index_cast %get3A_425 : i32 to index
    %get3A_427 = arith.constant 0 : index
    %get3A_428 = tpu.vector_load %arg9[%get3A_426, %get3A_427] {strides = array<i32>} : memref<101x16xi32, #tpu.memory_space<vmem>>, vector<1x16xi32>,
    %get3A_429 = vector.shape_cast %get3A_428 : vector<1x16xi32> to vector<16xi32>
    %gt3A_430 = arith.constant 0 : i32
    %gt3A_431 = vector.broadcast %gt3A_430 : i32 to vector<16xi32>
    %gt3A_432 = arith.cmpi sgt, %add3A_424, %gt3A_431 : vector<16xi32>
    %select_n3A_433 = arith.select %gt3A_432, %get3A_429, %get3A_409 : vector<16xi1>, vector<16xi32>
    %swap3A_434 = arith.constant 320 : index
    %swap3A_435 = tpu.vector_load %arg11[%swap3A_434] {strides = array<i32>} : memref<1616xi32, #tpu.memory_space<vmem>>, vector<16xi32>,
    %swap3A_436 = vector.shape_cast %swap3A_435 : vector<16xi32> to vector<16xi32>
    %swap3A_437 = vector.shape_cast %select_n3A_433 : vector<16xi32> to vector<16xi32>
    tpu.vector_store %arg11[%swap3A_434], %swap3A_437 {strides = array<i32>} : memref<1616xi32, #tpu.memory_space<vmem>>, vector<16xi32>,
    %eq3A_438 = arith.cmpi eq, %get3A_429, %get3A_35 : vector<16xi32>
    %jit3A_439 = arith.constant 1 : i32
    %jit3A_440 = arith.constant 0 : i32
    %broadcast_in_dim3A_441 = vector.broadcast %jit3A_439 : i32 to vector<16xi32>
    %broadcast_in_dim3A_442 = vector.broadcast %jit3A_440 : i32 to vector<16xi32>
    %select_n3A_443 = arith.select %eq3A_438, %broadcast_in_dim3A_441, %broadcast_in_dim3A_442 : vector<16xi1>, vector<16xi32>
    %add3A_444 = arith.addi %add3A_424, %select_n3A_443 : vector<16xi32>
    %get3A_445 = arith.constant 21 : i32
    %get3A_446 = arith.index_cast %get3A_445 : i32 to index
    %get3A_447 = arith.constant 0 : index
    %get3A_448 = tpu.vector_load %arg9[%get3A_446, %get3A_447] {strides = array<i32>} : memref<101x16xi32, #tpu.memory_space<vmem>>, vector<1x16xi32>,
    %get3A_449 = vector.shape_cast %get3A_448 : vector<1x16xi32> to vector<16xi32>
    %gt3A_450 = arith.constant 0 : i32
    %gt3A_451 = vector.broadcast %gt3A_450 : i32 to vector<16xi32>
    %gt3A_452 = arith.cmpi sgt, %add3A_444, %gt3A_451 : vector<16xi32>
    %select_n3A_453 = arith.select %gt3A_452, %get3A_449, %get3A_429 : vector<16xi1>, vector<16xi32>
    %swap3A_454 = arith.constant 336 : index
    %swap3A_455 = tpu.vector_load %arg11[%swap3A_454] {strides = array<i32>} : memref<1616xi32, #tpu.memory_space<vmem>>, vector<16xi32>,
    %swap3A_456 = vector.shape_cast %swap3A_455 : vector<16xi32> to vector<16xi32>
    %swap3A_457 = vector.shape_cast %select_n3A_453 : vector<16xi32> to vector<16xi32>
    tpu.vector_store %arg11[%swap3A_454], %swap3A_457 {strides = array<i32>} : memref<1616xi32, #tpu.memory_space<vmem>>, vector<16xi32>,
    %eq3A_458 = arith.cmpi eq, %get3A_449, %get3A_35 : vector<16xi32>
    %jit3A_459 = arith.constant 1 : i32
    %jit3A_460 = arith.constant 0 : i32
    %broadcast_in_dim3A_461 = vector.broadcast %jit3A_459 : i32 to vector<16xi32>
    %broadcast_in_dim3A_462 = vector.broadcast %jit3A_460 : i32 to vector<16xi32>
    %select_n3A_463 = arith.select %eq3A_458, %broadcast_in_dim3A_461, %broadcast_in_dim3A_462 : vector<16xi1>, vector<16xi32>
    %add3A_464 = arith.addi %add3A_444, %select_n3A_463 : vector<16xi32>
    %get3A_465 = arith.constant 22 : i32
    %get3A_466 = arith.index_cast %get3A_465 : i32 to index
    %get3A_467 = arith.constant 0 : index
    %get3A_468 = tpu.vector_load %arg9[%get3A_466, %get3A_467] {strides = array<i32>} : memref<101x16xi32, #tpu.memory_space<vmem>>, vector<1x16xi32>,
    %get3A_469 = vector.shape_cast %get3A_468 : vector<1x16xi32> to vector<16xi32>
    %gt3A_470 = arith.constant 0 : i32
    %gt3A_471 = vector.broadcast %gt3A_470 : i32 to vector<16xi32>
    %gt3A_472 = arith.cmpi sgt, %add3A_464, %gt3A_471 : vector<16xi32>
    %select_n3A_473 = arith.select %gt3A_472, %get3A_469, %get3A_449 : vector<16xi1>, vector<16xi32>
    %swap3A_474 = arith.constant 352 : index
    %swap3A_475 = tpu.vector_load %arg11[%swap3A_474] {strides = array<i32>} : memref<1616xi32, #tpu.memory_space<vmem>>, vector<16xi32>,
    %swap3A_476 = vector.shape_cast %swap3A_475 : vector<16xi32> to vector<16xi32>
    %swap3A_477 = vector.shape_cast %select_n3A_473 : vector<16xi32> to vector<16xi32>
    tpu.vector_store %arg11[%swap3A_474], %swap3A_477 {strides = array<i32>} : memref<1616xi32, #tpu.memory_space<vmem>>, vector<16xi32>,
    %eq3A_478 = arith.cmpi eq, %get3A_469, %get3A_35 : vector<16xi32>
    %jit3A_479 = arith.constant 1 : i32
    %jit3A_480 = arith.constant 0 : i32
    %broadcast_in_dim3A_481 = vector.broadcast %jit3A_479 : i32 to vector<16xi32>
    %broadcast_in_dim3A_482 = vector.broadcast %jit3A_480 : i32 to vector<16xi32>
    %select_n3A_483 = arith.select %eq3A_478, %broadcast_in_dim3A_481, %broadcast_in_dim3A_482 : vector<16xi1>, vector<16xi32>
    %add3A_484 = arith.addi %add3A_464, %select_n3A_483 : vector<16xi32>
    %get3A_485 = arith.constant 23 : i32
    %get3A_486 = arith.index_cast %get3A_485 : i32 to index
    %get3A_487 = arith.constant 0 : index
    %get3A_488 = tpu.vector_load %arg9[%get3A_486, %get3A_487] {strides = array<i32>} : memref<101x16xi32, #tpu.memory_space<vmem>>, vector<1x16xi32>,
    %get3A_489 = vector.shape_cast %get3A_488 : vector<1x16xi32> to vector<16xi32>
    %gt3A_490 = arith.constant 0 : i32
    %gt3A_491 = vector.broadcast %gt3A_490 : i32 to vector<16xi32>
    %gt3A_492 = arith.cmpi sgt, %add3A_484, %gt3A_491 : vector<16xi32>
    %select_n3A_493 = arith.select %gt3A_492, %get3A_489, %get3A_469 : vector<16xi1>, vector<16xi32>
    %swap3A_494 = arith.constant 368 : index
    %swap3A_495 = tpu.vector_load %arg11[%swap3A_494] {strides = array<i32>} : memref<1616xi32, #tpu.memory_space<vmem>>, vector<16xi32>,
    %swap3A_496 = vector.shape_cast %swap3A_495 : vector<16xi32> to vector<16xi32>
    %swap3A_497 = vector.shape_cast %select_n3A_493 : vector<16xi32> to vector<16xi32>
    tpu.vector_store %arg11[%swap3A_494], %swap3A_497 {strides = array<i32>} : memref<1616xi32, #tpu.memory_space<vmem>>, vector<16xi32>,
    %eq3A_498 = arith.cmpi eq, %get3A_489, %get3A_35 : vector<16xi32>
    %jit3A_499 = arith.constant 1 : i32
    %jit3A_500 = arith.constant 0 : i32
    %broadcast_in_dim3A_501 = vector.broadcast %jit3A_499 : i32 to vector<16xi32>
    %broadcast_in_dim3A_502 = vector.broadcast %jit3A_500 : i32 to vector<16xi32>
    %select_n3A_503 = arith.select %eq3A_498, %broadcast_in_dim3A_501, %broadcast_in_dim3A_502 : vector<16xi1>, vector<16xi32>
    %add3A_504 = arith.addi %add3A_484, %select_n3A_503 : vector<16xi32>
    %get3A_505 = arith.constant 24 : i32
    %get3A_506 = arith.index_cast %get3A_505 : i32 to index
    %get3A_507 = arith.constant 0 : index
    %get3A_508 = tpu.vector_load %arg9[%get3A_506, %get3A_507] {strides = array<i32>} : memref<101x16xi32, #tpu.memory_space<vmem>>, vector<1x16xi32>,
    %get3A_509 = vector.shape_cast %get3A_508 : vector<1x16xi32> to vector<16xi32>
    %gt3A_510 = arith.constant 0 : i32
    %gt3A_511 = vector.broadcast %gt3A_510 : i32 to vector<16xi32>
    %gt3A_512 = arith.cmpi sgt, %add3A_504, %gt3A_511 : vector<16xi32>
    %select_n3A_513 = arith.select %gt3A_512, %get3A_509, %get3A_489 : vector<16xi1>, vector<16xi32>
    %swap3A_514 = arith.constant 384 : index
    %swap3A_515 = tpu.vector_load %arg11[%swap3A_514] {strides = array<i32>} : memref<1616xi32, #tpu.memory_space<vmem>>, vector<16xi32>,
    %swap3A_516 = vector.shape_cast %swap3A_515 : vector<16xi32> to vector<16xi32>
    %swap3A_517 = vector.shape_cast %select_n3A_513 : vector<16xi32> to vector<16xi32>
    tpu.vector_store %arg11[%swap3A_514], %swap3A_517 {strides = array<i32>} : memref<1616xi32, #tpu.memory_space<vmem>>, vector<16xi32>,
    %eq3A_518 = arith.cmpi eq, %get3A_509, %get3A_35 : vector<16xi32>
    %jit3A_519 = arith.constant 1 : i32
    %jit3A_520 = arith.constant 0 : i32
    %broadcast_in_dim3A_521 = vector.broadcast %jit3A_519 : i32 to vector<16xi32>
    %broadcast_in_dim3A_522 = vector.broadcast %jit3A_520 : i32 to vector<16xi32>
    %select_n3A_523 = arith.select %eq3A_518, %broadcast_in_dim3A_521, %broadcast_in_dim3A_522 : vector<16xi1>, vector<16xi32>
    %add3A_524 = arith.addi %add3A_504, %select_n3A_523 : vector<16xi32>
    %get3A_525 = arith.constant 25 : i32
    %get3A_526 = arith.index_cast %get3A_525 : i32 to index
    %get3A_527 = arith.constant 0 : index
    %get3A_528 = tpu.vector_load %arg9[%get3A_526, %get3A_527] {strides = array<i32>} : memref<101x16xi32, #tpu.memory_space<vmem>>, vector<1x16xi32>,
    %get3A_529 = vector.shape_cast %get3A_528 : vector<1x16xi32> to vector<16xi32>
    %gt3A_530 = arith.constant 0 : i32
    %gt3A_531 = vector.broadcast %gt3A_530 : i32 to vector<16xi32>
    %gt3A_532 = arith.cmpi sgt, %add3A_524, %gt3A_531 : vector<16xi32>
    %select_n3A_533 = arith.select %gt3A_532, %get3A_529, %get3A_509 : vector<16xi1>, vector<16xi32>
    %swap3A_534 = arith.constant 400 : index
    %swap3A_535 = tpu.vector_load %arg11[%swap3A_534] {strides = array<i32>} : memref<1616xi32, #tpu.memory_space<vmem>>, vector<16xi32>,
    %swap3A_536 = vector.shape_cast %swap3A_535 : vector<16xi32> to vector<16xi32>
    %swap3A_537 = vector.shape_cast %select_n3A_533 : vector<16xi32> to vector<16xi32>
    tpu.vector_store %arg11[%swap3A_534], %swap3A_537 {strides = array<i32>} : memref<1616xi32, #tpu.memory_space<vmem>>, vector<16xi32>,
    %eq3A_538 = arith.cmpi eq, %get3A_529, %get3A_35 : vector<16xi32>
    %jit3A_539 = arith.constant 1 : i32
    %jit3A_540 = arith.constant 0 : i32
    %broadcast_in_dim3A_541 = vector.broadcast %jit3A_539 : i32 to vector<16xi32>
    %broadcast_in_dim3A_542 = vector.broadcast %jit3A_540 : i32 to vector<16xi32>
    %select_n3A_543 = arith.select %eq3A_538, %broadcast_in_dim3A_541, %broadcast_in_dim3A_542 : vector<16xi1>, vector<16xi32>
    %add3A_544 = arith.addi %add3A_524, %select_n3A_543 : vector<16xi32>
    %get3A_545 = arith.constant 26 : i32
    %get3A_546 = arith.index_cast %get3A_545 : i32 to index
    %get3A_547 = arith.constant 0 : index
    %get3A_548 = tpu.vector_load %arg9[%get3A_546, %get3A_547] {strides = array<i32>} : memref<101x16xi32, #tpu.memory_space<vmem>>, vector<1x16xi32>,
    %get3A_549 = vector.shape_cast %get3A_548 : vector<1x16xi32> to vector<16xi32>
    %gt3A_550 = arith.constant 0 : i32
    %gt3A_551 = vector.broadcast %gt3A_550 : i32 to vector<16xi32>
    %gt3A_552 = arith.cmpi sgt, %add3A_544, %gt3A_551 : vector<16xi32>
    %select_n3A_553 = arith.select %gt3A_552, %get3A_549, %get3A_529 : vector<16xi1>, vector<16xi32>
    %swap3A_554 = arith.constant 416 : index
    %swap3A_555 = tpu.vector_load %arg11[%swap3A_554] {strides = array<i32>} : memref<1616xi32, #tpu.memory_space<vmem>>, vector<16xi32>,
    %swap3A_556 = vector.shape_cast %swap3A_555 : vector<16xi32> to vector<16xi32>
    %swap3A_557 = vector.shape_cast %select_n3A_553 : vector<16xi32> to vector<16xi32>
    tpu.vector_store %arg11[%swap3A_554], %swap3A_557 {strides = array<i32>} : memref<1616xi32, #tpu.memory_space<vmem>>, vector<16xi32>,
    %eq3A_558 = arith.cmpi eq, %get3A_549, %get3A_35 : vector<16xi32>
    %jit3A_559 = arith.constant 1 : i32
    %jit3A_560 = arith.constant 0 : i32
    %broadcast_in_dim3A_561 = vector.broadcast %jit3A_559 : i32 to vector<16xi32>
    %broadcast_in_dim3A_562 = vector.broadcast %jit3A_560 : i32 to vector<16xi32>
    %select_n3A_563 = arith.select %eq3A_558, %broadcast_in_dim3A_561, %broadcast_in_dim3A_562 : vector<16xi1>, vector<16xi32>
    %add3A_564 = arith.addi %add3A_544, %select_n3A_563 : vector<16xi32>
    %get3A_565 = arith.constant 27 : i32
    %get3A_566 = arith.index_cast %get3A_565 : i32 to index
    %get3A_567 = arith.constant 0 : index
    %get3A_568 = tpu.vector_load %arg9[%get3A_566, %get3A_567] {strides = array<i32>} : memref<101x16xi32, #tpu.memory_space<vmem>>, vector<1x16xi32>,
    %get3A_569 = vector.shape_cast %get3A_568 : vector<1x16xi32> to vector<16xi32>
    %gt3A_570 = arith.constant 0 : i32
    %gt3A_571 = vector.broadcast %gt3A_570 : i32 to vector<16xi32>
    %gt3A_572 = arith.cmpi sgt, %add3A_564, %gt3A_571 : vector<16xi32>
    %select_n3A_573 = arith.select %gt3A_572, %get3A_569, %get3A_549 : vector<16xi1>, vector<16xi32>
    %swap3A_574 = arith.constant 432 : index
    %swap3A_575 = tpu.vector_load %arg11[%swap3A_574] {strides = array<i32>} : memref<1616xi32, #tpu.memory_space<vmem>>, vector<16xi32>,
    %swap3A_576 = vector.shape_cast %swap3A_575 : vector<16xi32> to vector<16xi32>
    %swap3A_577 = vector.shape_cast %select_n3A_573 : vector<16xi32> to vector<16xi32>
    tpu.vector_store %arg11[%swap3A_574], %swap3A_577 {strides = array<i32>} : memref<1616xi32, #tpu.memory_space<vmem>>, vector<16xi32>,
    %eq3A_578 = arith.cmpi eq, %get3A_569, %get3A_35 : vector<16xi32>
    %jit3A_579 = arith.constant 1 : i32
    %jit3A_580 = arith.constant 0 : i32
    %broadcast_in_dim3A_581 = vector.broadcast %jit3A_579 : i32 to vector<16xi32>
    %broadcast_in_dim3A_582 = vector.broadcast %jit3A_580 : i32 to vector<16xi32>
    %select_n3A_583 = arith.select %eq3A_578, %broadcast_in_dim3A_581, %broadcast_in_dim3A_582 : vector<16xi1>, vector<16xi32>
    %add3A_584 = arith.addi %add3A_564, %select_n3A_583 : vector<16xi32>
    %get3A_585 = arith.constant 28 : i32
    %get3A_586 = arith.index_cast %get3A_585 : i32 to index
    %get3A_587 = arith.constant 0 : index
    %get3A_588 = tpu.vector_load %arg9[%get3A_586, %get3A_587] {strides = array<i32>} : memref<101x16xi32, #tpu.memory_space<vmem>>, vector<1x16xi32>,
    %get3A_589 = vector.shape_cast %get3A_588 : vector<1x16xi32> to vector<16xi32>
    %gt3A_590 = arith.constant 0 : i32
    %gt3A_591 = vector.broadcast %gt3A_590 : i32 to vector<16xi32>
    %gt3A_592 = arith.cmpi sgt, %add3A_584, %gt3A_591 : vector<16xi32>
    %select_n3A_593 = arith.select %gt3A_592, %get3A_589, %get3A_569 : vector<16xi1>, vector<16xi32>
    %swap3A_594 = arith.constant 448 : index
    %swap3A_595 = tpu.vector_load %arg11[%swap3A_594] {strides = array<i32>} : memref<1616xi32, #tpu.memory_space<vmem>>, vector<16xi32>,
    %swap3A_596 = vector.shape_cast %swap3A_595 : vector<16xi32> to vector<16xi32>
    %swap3A_597 = vector.shape_cast %select_n3A_593 : vector<16xi32> to vector<16xi32>
    tpu.vector_store %arg11[%swap3A_594], %swap3A_597 {strides = array<i32>} : memref<1616xi32, #tpu.memory_space<vmem>>, vector<16xi32>,
    %eq3A_598 = arith.cmpi eq, %get3A_589, %get3A_35 : vector<16xi32>
    %jit3A_599 = arith.constant 1 : i32
    %jit3A_600 = arith.constant 0 : i32
    %broadcast_in_dim3A_601 = vector.broadcast %jit3A_599 : i32 to vector<16xi32>
    %broadcast_in_dim3A_602 = vector.broadcast %jit3A_600 : i32 to vector<16xi32>
    %select_n3A_603 = arith.select %eq3A_598, %broadcast_in_dim3A_601, %broadcast_in_dim3A_602 : vector<16xi1>, vector<16xi32>
    %add3A_604 = arith.addi %add3A_584, %select_n3A_603 : vector<16xi32>
    %get3A_605 = arith.constant 29 : i32
    %get3A_606 = arith.index_cast %get3A_605 : i32 to index
    %get3A_607 = arith.constant 0 : index
    %get3A_608 = tpu.vector_load %arg9[%get3A_606, %get3A_607] {strides = array<i32>} : memref<101x16xi32, #tpu.memory_space<vmem>>, vector<1x16xi32>,
    %get3A_609 = vector.shape_cast %get3A_608 : vector<1x16xi32> to vector<16xi32>
    %gt3A_610 = arith.constant 0 : i32
    %gt3A_611 = vector.broadcast %gt3A_610 : i32 to vector<16xi32>
    %gt3A_612 = arith.cmpi sgt, %add3A_604, %gt3A_611 : vector<16xi32>
    %select_n3A_613 = arith.select %gt3A_612, %get3A_609, %get3A_589 : vector<16xi1>, vector<16xi32>
    %swap3A_614 = arith.constant 464 : index
    %swap3A_615 = tpu.vector_load %arg11[%swap3A_614] {strides = array<i32>} : memref<1616xi32, #tpu.memory_space<vmem>>, vector<16xi32>,
    %swap3A_616 = vector.shape_cast %swap3A_615 : vector<16xi32> to vector<16xi32>
    %swap3A_617 = vector.shape_cast %select_n3A_613 : vector<16xi32> to vector<16xi32>
    tpu.vector_store %arg11[%swap3A_614], %swap3A_617 {strides = array<i32>} : memref<1616xi32, #tpu.memory_space<vmem>>, vector<16xi32>,
    %eq3A_618 = arith.cmpi eq, %get3A_609, %get3A_35 : vector<16xi32>
    %jit3A_619 = arith.constant 1 : i32
    %jit3A_620 = arith.constant 0 : i32
    %broadcast_in_dim3A_621 = vector.broadcast %jit3A_619 : i32 to vector<16xi32>
    %broadcast_in_dim3A_622 = vector.broadcast %jit3A_620 : i32 to vector<16xi32>
    %select_n3A_623 = arith.select %eq3A_618, %broadcast_in_dim3A_621, %broadcast_in_dim3A_622 : vector<16xi1>, vector<16xi32>
    %add3A_624 = arith.addi %add3A_604, %select_n3A_623 : vector<16xi32>
    %get3A_625 = arith.constant 30 : i32
    %get3A_626 = arith.index_cast %get3A_625 : i32 to index
    %get3A_627 = arith.constant 0 : index
    %get3A_628 = tpu.vector_load %arg9[%get3A_626, %get3A_627] {strides = array<i32>} : memref<101x16xi32, #tpu.memory_space<vmem>>, vector<1x16xi32>,
    %get3A_629 = vector.shape_cast %get3A_628 : vector<1x16xi32> to vector<16xi32>
    %gt3A_630 = arith.constant 0 : i32
    %gt3A_631 = vector.broadcast %gt3A_630 : i32 to vector<16xi32>
    %gt3A_632 = arith.cmpi sgt, %add3A_624, %gt3A_631 : vector<16xi32>
    %select_n3A_633 = arith.select %gt3A_632, %get3A_629, %get3A_609 : vector<16xi1>, vector<16xi32>
    %swap3A_634 = arith.constant 480 : index
    %swap3A_635 = tpu.vector_load %arg11[%swap3A_634] {strides = array<i32>} : memref<1616xi32, #tpu.memory_space<vmem>>, vector<16xi32>,
    %swap3A_636 = vector.shape_cast %swap3A_635 : vector<16xi32> to vector<16xi32>
    %swap3A_637 = vector.shape_cast %select_n3A_633 : vector<16xi32> to vector<16xi32>
    tpu.vector_store %arg11[%swap3A_634], %swap3A_637 {strides = array<i32>} : memref<1616xi32, #tpu.memory_space<vmem>>, vector<16xi32>,
    %eq3A_638 = arith.cmpi eq, %get3A_629, %get3A_35 : vector<16xi32>
    %jit3A_639 = arith.constant 1 : i32
    %jit3A_640 = arith.constant 0 : i32
    %broadcast_in_dim3A_641 = vector.broadcast %jit3A_639 : i32 to vector<16xi32>
    %broadcast_in_dim3A_642 = vector.broadcast %jit3A_640 : i32 to vector<16xi32>
    %select_n3A_643 = arith.select %eq3A_638, %broadcast_in_dim3A_641, %broadcast_in_dim3A_642 : vector<16xi1>, vector<16xi32>
    %add3A_644 = arith.addi %add3A_624, %select_n3A_643 : vector<16xi32>
    %get3A_645 = arith.constant 31 : i32
    %get3A_646 = arith.index_cast %get3A_645 : i32 to index
    %get3A_647 = arith.constant 0 : index
    %get3A_648 = tpu.vector_load %arg9[%get3A_646, %get3A_647] {strides = array<i32>} : memref<101x16xi32, #tpu.memory_space<vmem>>, vector<1x16xi32>,
    %get3A_649 = vector.shape_cast %get3A_648 : vector<1x16xi32> to vector<16xi32>
    %gt3A_650 = arith.constant 0 : i32
    %gt3A_651 = vector.broadcast %gt3A_650 : i32 to vector<16xi32>
    %gt3A_652 = arith.cmpi sgt, %add3A_644, %gt3A_651 : vector<16xi32>
    %select_n3A_653 = arith.select %gt3A_652, %get3A_649, %get3A_629 : vector<16xi1>, vector<16xi32>
    %swap3A_654 = arith.constant 496 : index
    %swap3A_655 = tpu.vector_load %arg11[%swap3A_654] {strides = array<i32>} : memref<1616xi32, #tpu.memory_space<vmem>>, vector<16xi32>,
    %swap3A_656 = vector.shape_cast %swap3A_655 : vector<16xi32> to vector<16xi32>
    %swap3A_657 = vector.shape_cast %select_n3A_653 : vector<16xi32> to vector<16xi32>
    tpu.vector_store %arg11[%swap3A_654], %swap3A_657 {strides = array<i32>} : memref<1616xi32, #tpu.memory_space<vmem>>, vector<16xi32>,
    %eq3A_658 = arith.cmpi eq, %get3A_649, %get3A_35 : vector<16xi32>
    %jit3A_659 = arith.constant 1 : i32
    %jit3A_660 = arith.constant 0 : i32
    %broadcast_in_dim3A_661 = vector.broadcast %jit3A_659 : i32 to vector<16xi32>
    %broadcast_in_dim3A_662 = vector.broadcast %jit3A_660 : i32 to vector<16xi32>
    %select_n3A_663 = arith.select %eq3A_658, %broadcast_in_dim3A_661, %broadcast_in_dim3A_662 : vector<16xi1>, vector<16xi32>
    %add3A_664 = arith.addi %add3A_644, %select_n3A_663 : vector<16xi32>
    %get3A_665 = arith.constant 32 : i32
    %get3A_666 = arith.index_cast %get3A_665 : i32 to index
    %get3A_667 = arith.constant 0 : index
    %get3A_668 = tpu.vector_load %arg9[%get3A_666, %get3A_667] {strides = array<i32>} : memref<101x16xi32, #tpu.memory_space<vmem>>, vector<1x16xi32>,
    %get3A_669 = vector.shape_cast %get3A_668 : vector<1x16xi32> to vector<16xi32>
    %gt3A_670 = arith.constant 0 : i32
    %gt3A_671 = vector.broadcast %gt3A_670 : i32 to vector<16xi32>
    %gt3A_672 = arith.cmpi sgt, %add3A_664, %gt3A_671 : vector<16xi32>
    %select_n3A_673 = arith.select %gt3A_672, %get3A_669, %get3A_649 : vector<16xi1>, vector<16xi32>
    %swap3A_674 = arith.constant 512 : index
    %swap3A_675 = tpu.vector_load %arg11[%swap3A_674] {strides = array<i32>} : memref<1616xi32, #tpu.memory_space<vmem>>, vector<16xi32>,
    %swap3A_676 = vector.shape_cast %swap3A_675 : vector<16xi32> to vector<16xi32>
    %swap3A_677 = vector.shape_cast %select_n3A_673 : vector<16xi32> to vector<16xi32>
    tpu.vector_store %arg11[%swap3A_674], %swap3A_677 {strides = array<i32>} : memref<1616xi32, #tpu.memory_space<vmem>>, vector<16xi32>,
    %eq3A_678 = arith.cmpi eq, %get3A_669, %get3A_35 : vector<16xi32>
    %jit3A_679 = arith.constant 1 : i32
    %jit3A_680 = arith.constant 0 : i32
    %broadcast_in_dim3A_681 = vector.broadcast %jit3A_679 : i32 to vector<16xi32>
    %broadcast_in_dim3A_682 = vector.broadcast %jit3A_680 : i32 to vector<16xi32>
    %select_n3A_683 = arith.select %eq3A_678, %broadcast_in_dim3A_681, %broadcast_in_dim3A_682 : vector<16xi1>, vector<16xi32>
    %add3A_684 = arith.addi %add3A_664, %select_n3A_683 : vector<16xi32>
    %get3A_685 = arith.constant 33 : i32
    %get3A_686 = arith.index_cast %get3A_685 : i32 to index
    %get3A_687 = arith.constant 0 : index
    %get3A_688 = tpu.vector_load %arg9[%get3A_686, %get3A_687] {strides = array<i32>} : memref<101x16xi32, #tpu.memory_space<vmem>>, vector<1x16xi32>,
    %get3A_689 = vector.shape_cast %get3A_688 : vector<1x16xi32> to vector<16xi32>
    %gt3A_690 = arith.constant 0 : i32
    %gt3A_691 = vector.broadcast %gt3A_690 : i32 to vector<16xi32>
    %gt3A_692 = arith.cmpi sgt, %add3A_684, %gt3A_691 : vector<16xi32>
    %select_n3A_693 = arith.select %gt3A_692, %get3A_689, %get3A_669 : vector<16xi1>, vector<16xi32>
    %swap3A_694 = arith.constant 528 : index
    %swap3A_695 = tpu.vector_load %arg11[%swap3A_694] {strides = array<i32>} : memref<1616xi32, #tpu.memory_space<vmem>>, vector<16xi32>,
    %swap3A_696 = vector.shape_cast %swap3A_695 : vector<16xi32> to vector<16xi32>
    %swap3A_697 = vector.shape_cast %select_n3A_693 : vector<16xi32> to vector<16xi32>
    tpu.vector_store %arg11[%swap3A_694], %swap3A_697 {strides = array<i32>} : memref<1616xi32, #tpu.memory_space<vmem>>, vector<16xi32>,
    %eq3A_698 = arith.cmpi eq, %get3A_689, %get3A_35 : vector<16xi32>
    %jit3A_699 = arith.constant 1 : i32
    %jit3A_700 = arith.constant 0 : i32
    %broadcast_in_dim3A_701 = vector.broadcast %jit3A_699 : i32 to vector<16xi32>
    %broadcast_in_dim3A_702 = vector.broadcast %jit3A_700 : i32 to vector<16xi32>
    %select_n3A_703 = arith.select %eq3A_698, %broadcast_in_dim3A_701, %broadcast_in_dim3A_702 : vector<16xi1>, vector<16xi32>
    %add3A_704 = arith.addi %add3A_684, %select_n3A_703 : vector<16xi32>
    %get3A_705 = arith.constant 34 : i32
    %get3A_706 = arith.index_cast %get3A_705 : i32 to index
    %get3A_707 = arith.constant 0 : index
    %get3A_708 = tpu.vector_load %arg9[%get3A_706, %get3A_707] {strides = array<i32>} : memref<101x16xi32, #tpu.memory_space<vmem>>, vector<1x16xi32>,
    %get3A_709 = vector.shape_cast %get3A_708 : vector<1x16xi32> to vector<16xi32>
    %gt3A_710 = arith.constant 0 : i32
    %gt3A_711 = vector.broadcast %gt3A_710 : i32 to vector<16xi32>
    %gt3A_712 = arith.cmpi sgt, %add3A_704, %gt3A_711 : vector<16xi32>
    %select_n3A_713 = arith.select %gt3A_712, %get3A_709, %get3A_689 : vector<16xi1>, vector<16xi32>
    %swap3A_714 = arith.constant 544 : index
    %swap3A_715 = tpu.vector_load %arg11[%swap3A_714] {strides = array<i32>} : memref<1616xi32, #tpu.memory_space<vmem>>, vector<16xi32>,
    %swap3A_716 = vector.shape_cast %swap3A_715 : vector<16xi32> to vector<16xi32>
    %swap3A_717 = vector.shape_cast %select_n3A_713 : vector<16xi32> to vector<16xi32>
    tpu.vector_store %arg11[%swap3A_714], %swap3A_717 {strides = array<i32>} : memref<1616xi32, #tpu.memory_space<vmem>>, vector<16xi32>,
    %eq3A_718 = arith.cmpi eq, %get3A_709, %get3A_35 : vector<16xi32>
    %jit3A_719 = arith.constant 1 : i32
    %jit3A_720 = arith.constant 0 : i32
    %broadcast_in_dim3A_721 = vector.broadcast %jit3A_719 : i32 to vector<16xi32>
    %broadcast_in_dim3A_722 = vector.broadcast %jit3A_720 : i32 to vector<16xi32>
    %select_n3A_723 = arith.select %eq3A_718, %broadcast_in_dim3A_721, %broadcast_in_dim3A_722 : vector<16xi1>, vector<16xi32>
    %add3A_724 = arith.addi %add3A_704, %select_n3A_723 : vector<16xi32>
    %get3A_725 = arith.constant 35 : i32
    %get3A_726 = arith.index_cast %get3A_725 : i32 to index
    %get3A_727 = arith.constant 0 : index
    %get3A_728 = tpu.vector_load %arg9[%get3A_726, %get3A_727] {strides = array<i32>} : memref<101x16xi32, #tpu.memory_space<vmem>>, vector<1x16xi32>,
    %get3A_729 = vector.shape_cast %get3A_728 : vector<1x16xi32> to vector<16xi32>
    %gt3A_730 = arith.constant 0 : i32
    %gt3A_731 = vector.broadcast %gt3A_730 : i32 to vector<16xi32>
    %gt3A_732 = arith.cmpi sgt, %add3A_724, %gt3A_731 : vector<16xi32>
    %select_n3A_733 = arith.select %gt3A_732, %get3A_729, %get3A_709 : vector<16xi1>, vector<16xi32>
    %swap3A_734 = arith.constant 560 : index
    %swap3A_735 = tpu.vector_load %arg11[%swap3A_734] {strides = array<i32>} : memref<1616xi32, #tpu.memory_space<vmem>>, vector<16xi32>,
    %swap3A_736 = vector.shape_cast %swap3A_735 : vector<16xi32> to vector<16xi32>
    %swap3A_737 = vector.shape_cast %select_n3A_733 : vector<16xi32> to vector<16xi32>
    tpu.vector_store %arg11[%swap3A_734], %swap3A_737 {strides = array<i32>} : memref<1616xi32, #tpu.memory_space<vmem>>, vector<16xi32>,
    %eq3A_738 = arith.cmpi eq, %get3A_729, %get3A_35 : vector<16xi32>
    %jit3A_739 = arith.constant 1 : i32
    %jit3A_740 = arith.constant 0 : i32
    %broadcast_in_dim3A_741 = vector.broadcast %jit3A_739 : i32 to vector<16xi32>
    %broadcast_in_dim3A_742 = vector.broadcast %jit3A_740 : i32 to vector<16xi32>
    %select_n3A_743 = arith.select %eq3A_738, %broadcast_in_dim3A_741, %broadcast_in_dim3A_742 : vector<16xi1>, vector<16xi32>
    %add3A_744 = arith.addi %add3A_724, %select_n3A_743 : vector<16xi32>
    %get3A_745 = arith.constant 36 : i32
    %get3A_746 = arith.index_cast %get3A_745 : i32 to index
    %get3A_747 = arith.constant 0 : index
    %get3A_748 = tpu.vector_load %arg9[%get3A_746, %get3A_747] {strides = array<i32>} : memref<101x16xi32, #tpu.memory_space<vmem>>, vector<1x16xi32>,
    %get3A_749 = vector.shape_cast %get3A_748 : vector<1x16xi32> to vector<16xi32>
    %gt3A_750 = arith.constant 0 : i32
    %gt3A_751 = vector.broadcast %gt3A_750 : i32 to vector<16xi32>
    %gt3A_752 = arith.cmpi sgt, %add3A_744, %gt3A_751 : vector<16xi32>
    %select_n3A_753 = arith.select %gt3A_752, %get3A_749, %get3A_729 : vector<16xi1>, vector<16xi32>
    %swap3A_754 = arith.constant 576 : index
    %swap3A_755 = tpu.vector_load %arg11[%swap3A_754] {strides = array<i32>} : memref<1616xi32, #tpu.memory_space<vmem>>, vector<16xi32>,
    %swap3A_756 = vector.shape_cast %swap3A_755 : vector<16xi32> to vector<16xi32>
    %swap3A_757 = vector.shape_cast %select_n3A_753 : vector<16xi32> to vector<16xi32>
    tpu.vector_store %arg11[%swap3A_754], %swap3A_757 {strides = array<i32>} : memref<1616xi32, #tpu.memory_space<vmem>>, vector<16xi32>,
    %eq3A_758 = arith.cmpi eq, %get3A_749, %get3A_35 : vector<16xi32>
    %jit3A_759 = arith.constant 1 : i32
    %jit3A_760 = arith.constant 0 : i32
    %broadcast_in_dim3A_761 = vector.broadcast %jit3A_759 : i32 to vector<16xi32>
    %broadcast_in_dim3A_762 = vector.broadcast %jit3A_760 : i32 to vector<16xi32>
    %select_n3A_763 = arith.select %eq3A_758, %broadcast_in_dim3A_761, %broadcast_in_dim3A_762 : vector<16xi1>, vector<16xi32>
    %add3A_764 = arith.addi %add3A_744, %select_n3A_763 : vector<16xi32>
    %get3A_765 = arith.constant 37 : i32
    %get3A_766 = arith.index_cast %get3A_765 : i32 to index
    %get3A_767 = arith.constant 0 : index
    %get3A_768 = tpu.vector_load %arg9[%get3A_766, %get3A_767] {strides = array<i32>} : memref<101x16xi32, #tpu.memory_space<vmem>>, vector<1x16xi32>,
    %get3A_769 = vector.shape_cast %get3A_768 : vector<1x16xi32> to vector<16xi32>
    %gt3A_770 = arith.constant 0 : i32
    %gt3A_771 = vector.broadcast %gt3A_770 : i32 to vector<16xi32>
    %gt3A_772 = arith.cmpi sgt, %add3A_764, %gt3A_771 : vector<16xi32>
    %select_n3A_773 = arith.select %gt3A_772, %get3A_769, %get3A_749 : vector<16xi1>, vector<16xi32>
    %swap3A_774 = arith.constant 592 : index
    %swap3A_775 = tpu.vector_load %arg11[%swap3A_774] {strides = array<i32>} : memref<1616xi32, #tpu.memory_space<vmem>>, vector<16xi32>,
    %swap3A_776 = vector.shape_cast %swap3A_775 : vector<16xi32> to vector<16xi32>
    %swap3A_777 = vector.shape_cast %select_n3A_773 : vector<16xi32> to vector<16xi32>
    tpu.vector_store %arg11[%swap3A_774], %swap3A_777 {strides = array<i32>} : memref<1616xi32, #tpu.memory_space<vmem>>, vector<16xi32>,
    %eq3A_778 = arith.cmpi eq, %get3A_769, %get3A_35 : vector<16xi32>
    %jit3A_779 = arith.constant 1 : i32
    %jit3A_780 = arith.constant 0 : i32
    %broadcast_in_dim3A_781 = vector.broadcast %jit3A_779 : i32 to vector<16xi32>
    %broadcast_in_dim3A_782 = vector.broadcast %jit3A_780 : i32 to vector<16xi32>
    %select_n3A_783 = arith.select %eq3A_778, %broadcast_in_dim3A_781, %broadcast_in_dim3A_782 : vector<16xi1>, vector<16xi32>
    %add3A_784 = arith.addi %add3A_764, %select_n3A_783 : vector<16xi32>
    %get3A_785 = arith.constant 38 : i32
    %get3A_786 = arith.index_cast %get3A_785 : i32 to index
    %get3A_787 = arith.constant 0 : index
    %get3A_788 = tpu.vector_load %arg9[%get3A_786, %get3A_787] {strides = array<i32>} : memref<101x16xi32, #tpu.memory_space<vmem>>, vector<1x16xi32>,
    %get3A_789 = vector.shape_cast %get3A_788 : vector<1x16xi32> to vector<16xi32>
    %gt3A_790 = arith.constant 0 : i32
    %gt3A_791 = vector.broadcast %gt3A_790 : i32 to vector<16xi32>
    %gt3A_792 = arith.cmpi sgt, %add3A_784, %gt3A_791 : vector<16xi32>
    %select_n3A_793 = arith.select %gt3A_792, %get3A_789, %get3A_769 : vector<16xi1>, vector<16xi32>
    %swap3A_794 = arith.constant 608 : index
    %swap3A_795 = tpu.vector_load %arg11[%swap3A_794] {strides = array<i32>} : memref<1616xi32, #tpu.memory_space<vmem>>, vector<16xi32>,
    %swap3A_796 = vector.shape_cast %swap3A_795 : vector<16xi32> to vector<16xi32>
    %swap3A_797 = vector.shape_cast %select_n3A_793 : vector<16xi32> to vector<16xi32>
    tpu.vector_store %arg11[%swap3A_794], %swap3A_797 {strides = array<i32>} : memref<1616xi32, #tpu.memory_space<vmem>>, vector<16xi32>,
    %eq3A_798 = arith.cmpi eq, %get3A_789, %get3A_35 : vector<16xi32>
    %jit3A_799 = arith.constant 1 : i32
    %jit3A_800 = arith.constant 0 : i32
    %broadcast_in_dim3A_801 = vector.broadcast %jit3A_799 : i32 to vector<16xi32>
    %broadcast_in_dim3A_802 = vector.broadcast %jit3A_800 : i32 to vector<16xi32>
    %select_n3A_803 = arith.select %eq3A_798, %broadcast_in_dim3A_801, %broadcast_in_dim3A_802 : vector<16xi1>, vector<16xi32>
    %add3A_804 = arith.addi %add3A_784, %select_n3A_803 : vector<16xi32>
    %get3A_805 = arith.constant 39 : i32
    %get3A_806 = arith.index_cast %get3A_805 : i32 to index
    %get3A_807 = arith.constant 0 : index
    %get3A_808 = tpu.vector_load %arg9[%get3A_806, %get3A_807] {strides = array<i32>} : memref<101x16xi32, #tpu.memory_space<vmem>>, vector<1x16xi32>,
    %get3A_809 = vector.shape_cast %get3A_808 : vector<1x16xi32> to vector<16xi32>
    %gt3A_810 = arith.constant 0 : i32
    %gt3A_811 = vector.broadcast %gt3A_810 : i32 to vector<16xi32>
    %gt3A_812 = arith.cmpi sgt, %add3A_804, %gt3A_811 : vector<16xi32>
    %select_n3A_813 = arith.select %gt3A_812, %get3A_809, %get3A_789 : vector<16xi1>, vector<16xi32>
    %swap3A_814 = arith.constant 624 : index
    %swap3A_815 = tpu.vector_load %arg11[%swap3A_814] {strides = array<i32>} : memref<1616xi32, #tpu.memory_space<vmem>>, vector<16xi32>,
    %swap3A_816 = vector.shape_cast %swap3A_815 : vector<16xi32> to vector<16xi32>
    %swap3A_817 = vector.shape_cast %select_n3A_813 : vector<16xi32> to vector<16xi32>
    tpu.vector_store %arg11[%swap3A_814], %swap3A_817 {strides = array<i32>} : memref<1616xi32, #tpu.memory_space<vmem>>, vector<16xi32>,
    %eq3A_818 = arith.cmpi eq, %get3A_809, %get3A_35 : vector<16xi32>
    %jit3A_819 = arith.constant 1 : i32
    %jit3A_820 = arith.constant 0 : i32
    %broadcast_in_dim3A_821 = vector.broadcast %jit3A_819 : i32 to vector<16xi32>
    %broadcast_in_dim3A_822 = vector.broadcast %jit3A_820 : i32 to vector<16xi32>
    %select_n3A_823 = arith.select %eq3A_818, %broadcast_in_dim3A_821, %broadcast_in_dim3A_822 : vector<16xi1>, vector<16xi32>
    %add3A_824 = arith.addi %add3A_804, %select_n3A_823 : vector<16xi32>
    %get3A_825 = arith.constant 40 : i32
    %get3A_826 = arith.index_cast %get3A_825 : i32 to index
    %get3A_827 = arith.constant 0 : index
    %get3A_828 = tpu.vector_load %arg9[%get3A_826, %get3A_827] {strides = array<i32>} : memref<101x16xi32, #tpu.memory_space<vmem>>, vector<1x16xi32>,
    %get3A_829 = vector.shape_cast %get3A_828 : vector<1x16xi32> to vector<16xi32>
    %gt3A_830 = arith.constant 0 : i32
    %gt3A_831 = vector.broadcast %gt3A_830 : i32 to vector<16xi32>
    %gt3A_832 = arith.cmpi sgt, %add3A_824, %gt3A_831 : vector<16xi32>
    %select_n3A_833 = arith.select %gt3A_832, %get3A_829, %get3A_809 : vector<16xi1>, vector<16xi32>
    %swap3A_834 = arith.constant 640 : index
    %swap3A_835 = tpu.vector_load %arg11[%swap3A_834] {strides = array<i32>} : memref<1616xi32, #tpu.memory_space<vmem>>, vector<16xi32>,
    %swap3A_836 = vector.shape_cast %swap3A_835 : vector<16xi32> to vector<16xi32>
    %swap3A_837 = vector.shape_cast %select_n3A_833 : vector<16xi32> to vector<16xi32>
    tpu.vector_store %arg11[%swap3A_834], %swap3A_837 {strides = array<i32>} : memref<1616xi32, #tpu.memory_space<vmem>>, vector<16xi32>,
    %eq3A_838 = arith.cmpi eq, %get3A_829, %get3A_35 : vector<16xi32>
    %jit3A_839 = arith.constant 1 : i32
    %jit3A_840 = arith.constant 0 : i32
    %broadcast_in_dim3A_841 = vector.broadcast %jit3A_839 : i32 to vector<16xi32>
    %broadcast_in_dim3A_842 = vector.broadcast %jit3A_840 : i32 to vector<16xi32>
    %select_n3A_843 = arith.select %eq3A_838, %broadcast_in_dim3A_841, %broadcast_in_dim3A_842 : vector<16xi1>, vector<16xi32>
    %add3A_844 = arith.addi %add3A_824, %select_n3A_843 : vector<16xi32>
    %get3A_845 = arith.constant 41 : i32
    %get3A_846 = arith.index_cast %get3A_845 : i32 to index
    %get3A_847 = arith.constant 0 : index
    %get3A_848 = tpu.vector_load %arg9[%get3A_846, %get3A_847] {strides = array<i32>} : memref<101x16xi32, #tpu.memory_space<vmem>>, vector<1x16xi32>,
    %get3A_849 = vector.shape_cast %get3A_848 : vector<1x16xi32> to vector<16xi32>
    %gt3A_850 = arith.constant 0 : i32
    %gt3A_851 = vector.broadcast %gt3A_850 : i32 to vector<16xi32>
    %gt3A_852 = arith.cmpi sgt, %add3A_844, %gt3A_851 : vector<16xi32>
    %select_n3A_853 = arith.select %gt3A_852, %get3A_849, %get3A_829 : vector<16xi1>, vector<16xi32>
    %swap3A_854 = arith.constant 656 : index
    %swap3A_855 = tpu.vector_load %arg11[%swap3A_854] {strides = array<i32>} : memref<1616xi32, #tpu.memory_space<vmem>>, vector<16xi32>,
    %swap3A_856 = vector.shape_cast %swap3A_855 : vector<16xi32> to vector<16xi32>
    %swap3A_857 = vector.shape_cast %select_n3A_853 : vector<16xi32> to vector<16xi32>
    tpu.vector_store %arg11[%swap3A_854], %swap3A_857 {strides = array<i32>} : memref<1616xi32, #tpu.memory_space<vmem>>, vector<16xi32>,
    %eq3A_858 = arith.cmpi eq, %get3A_849, %get3A_35 : vector<16xi32>
    %jit3A_859 = arith.constant 1 : i32
    %jit3A_860 = arith.constant 0 : i32
    %broadcast_in_dim3A_861 = vector.broadcast %jit3A_859 : i32 to vector<16xi32>
    %broadcast_in_dim3A_862 = vector.broadcast %jit3A_860 : i32 to vector<16xi32>
    %select_n3A_863 = arith.select %eq3A_858, %broadcast_in_dim3A_861, %broadcast_in_dim3A_862 : vector<16xi1>, vector<16xi32>
    %add3A_864 = arith.addi %add3A_844, %select_n3A_863 : vector<16xi32>
    %get3A_865 = arith.constant 42 : i32
    %get3A_866 = arith.index_cast %get3A_865 : i32 to index
    %get3A_867 = arith.constant 0 : index
    %get3A_868 = tpu.vector_load %arg9[%get3A_866, %get3A_867] {strides = array<i32>} : memref<101x16xi32, #tpu.memory_space<vmem>>, vector<1x16xi32>,
    %get3A_869 = vector.shape_cast %get3A_868 : vector<1x16xi32> to vector<16xi32>
    %gt3A_870 = arith.constant 0 : i32
    %gt3A_871 = vector.broadcast %gt3A_870 : i32 to vector<16xi32>
    %gt3A_872 = arith.cmpi sgt, %add3A_864, %gt3A_871 : vector<16xi32>
    %select_n3A_873 = arith.select %gt3A_872, %get3A_869, %get3A_849 : vector<16xi1>, vector<16xi32>
    %swap3A_874 = arith.constant 672 : index
    %swap3A_875 = tpu.vector_load %arg11[%swap3A_874] {strides = array<i32>} : memref<1616xi32, #tpu.memory_space<vmem>>, vector<16xi32>,
    %swap3A_876 = vector.shape_cast %swap3A_875 : vector<16xi32> to vector<16xi32>
    %swap3A_877 = vector.shape_cast %select_n3A_873 : vector<16xi32> to vector<16xi32>
    tpu.vector_store %arg11[%swap3A_874], %swap3A_877 {strides = array<i32>} : memref<1616xi32, #tpu.memory_space<vmem>>, vector<16xi32>,
    %eq3A_878 = arith.cmpi eq, %get3A_869, %get3A_35 : vector<16xi32>
    %jit3A_879 = arith.constant 1 : i32
    %jit3A_880 = arith.constant 0 : i32
    %broadcast_in_dim3A_881 = vector.broadcast %jit3A_879 : i32 to vector<16xi32>
    %broadcast_in_dim3A_882 = vector.broadcast %jit3A_880 : i32 to vector<16xi32>
    %select_n3A_883 = arith.select %eq3A_878, %broadcast_in_dim3A_881, %broadcast_in_dim3A_882 : vector<16xi1>, vector<16xi32>
    %add3A_884 = arith.addi %add3A_864, %select_n3A_883 : vector<16xi32>
    %get3A_885 = arith.constant 43 : i32
    %get3A_886 = arith.index_cast %get3A_885 : i32 to index
    %get3A_887 = arith.constant 0 : index
    %get3A_888 = tpu.vector_load %arg9[%get3A_886, %get3A_887] {strides = array<i32>} : memref<101x16xi32, #tpu.memory_space<vmem>>, vector<1x16xi32>,
    %get3A_889 = vector.shape_cast %get3A_888 : vector<1x16xi32> to vector<16xi32>
    %gt3A_890 = arith.constant 0 : i32
    %gt3A_891 = vector.broadcast %gt3A_890 : i32 to vector<16xi32>
    %gt3A_892 = arith.cmpi sgt, %add3A_884, %gt3A_891 : vector<16xi32>
    %select_n3A_893 = arith.select %gt3A_892, %get3A_889, %get3A_869 : vector<16xi1>, vector<16xi32>
    %swap3A_894 = arith.constant 688 : index
    %swap3A_895 = tpu.vector_load %arg11[%swap3A_894] {strides = array<i32>} : memref<1616xi32, #tpu.memory_space<vmem>>, vector<16xi32>,
    %swap3A_896 = vector.shape_cast %swap3A_895 : vector<16xi32> to vector<16xi32>
    %swap3A_897 = vector.shape_cast %select_n3A_893 : vector<16xi32> to vector<16xi32>
    tpu.vector_store %arg11[%swap3A_894], %swap3A_897 {strides = array<i32>} : memref<1616xi32, #tpu.memory_space<vmem>>, vector<16xi32>,
    %eq3A_898 = arith.cmpi eq, %get3A_889, %get3A_35 : vector<16xi32>
    %jit3A_899 = arith.constant 1 : i32
    %jit3A_900 = arith.constant 0 : i32
    %broadcast_in_dim3A_901 = vector.broadcast %jit3A_899 : i32 to vector<16xi32>
    %broadcast_in_dim3A_902 = vector.broadcast %jit3A_900 : i32 to vector<16xi32>
    %select_n3A_903 = arith.select %eq3A_898, %broadcast_in_dim3A_901, %broadcast_in_dim3A_902 : vector<16xi1>, vector<16xi32>
    %add3A_904 = arith.addi %add3A_884, %select_n3A_903 : vector<16xi32>
    %get3A_905 = arith.constant 44 : i32
    %get3A_906 = arith.index_cast %get3A_905 : i32 to index
    %get3A_907 = arith.constant 0 : index
    %get3A_908 = tpu.vector_load %arg9[%get3A_906, %get3A_907] {strides = array<i32>} : memref<101x16xi32, #tpu.memory_space<vmem>>, vector<1x16xi32>,
    %get3A_909 = vector.shape_cast %get3A_908 : vector<1x16xi32> to vector<16xi32>
    %gt3A_910 = arith.constant 0 : i32
    %gt3A_911 = vector.broadcast %gt3A_910 : i32 to vector<16xi32>
    %gt3A_912 = arith.cmpi sgt, %add3A_904, %gt3A_911 : vector<16xi32>
    %select_n3A_913 = arith.select %gt3A_912, %get3A_909, %get3A_889 : vector<16xi1>, vector<16xi32>
    %swap3A_914 = arith.constant 704 : index
    %swap3A_915 = tpu.vector_load %arg11[%swap3A_914] {strides = array<i32>} : memref<1616xi32, #tpu.memory_space<vmem>>, vector<16xi32>,
    %swap3A_916 = vector.shape_cast %swap3A_915 : vector<16xi32> to vector<16xi32>
    %swap3A_917 = vector.shape_cast %select_n3A_913 : vector<16xi32> to vector<16xi32>
    tpu.vector_store %arg11[%swap3A_914], %swap3A_917 {strides = array<i32>} : memref<1616xi32, #tpu.memory_space<vmem>>, vector<16xi32>,
    %eq3A_918 = arith.cmpi eq, %get3A_909, %get3A_35 : vector<16xi32>
    %jit3A_919 = arith.constant 1 : i32
    %jit3A_920 = arith.constant 0 : i32
    %broadcast_in_dim3A_921 = vector.broadcast %jit3A_919 : i32 to vector<16xi32>
    %broadcast_in_dim3A_922 = vector.broadcast %jit3A_920 : i32 to vector<16xi32>
    %select_n3A_923 = arith.select %eq3A_918, %broadcast_in_dim3A_921, %broadcast_in_dim3A_922 : vector<16xi1>, vector<16xi32>
    %add3A_924 = arith.addi %add3A_904, %select_n3A_923 : vector<16xi32>
    %get3A_925 = arith.constant 45 : i32
    %get3A_926 = arith.index_cast %get3A_925 : i32 to index
    %get3A_927 = arith.constant 0 : index
    %get3A_928 = tpu.vector_load %arg9[%get3A_926, %get3A_927] {strides = array<i32>} : memref<101x16xi32, #tpu.memory_space<vmem>>, vector<1x16xi32>,
    %get3A_929 = vector.shape_cast %get3A_928 : vector<1x16xi32> to vector<16xi32>
    %gt3A_930 = arith.constant 0 : i32
    %gt3A_931 = vector.broadcast %gt3A_930 : i32 to vector<16xi32>
    %gt3A_932 = arith.cmpi sgt, %add3A_924, %gt3A_931 : vector<16xi32>
    %select_n3A_933 = arith.select %gt3A_932, %get3A_929, %get3A_909 : vector<16xi1>, vector<16xi32>
    %swap3A_934 = arith.constant 720 : index
    %swap3A_935 = tpu.vector_load %arg11[%swap3A_934] {strides = array<i32>} : memref<1616xi32, #tpu.memory_space<vmem>>, vector<16xi32>,
    %swap3A_936 = vector.shape_cast %swap3A_935 : vector<16xi32> to vector<16xi32>
    %swap3A_937 = vector.shape_cast %select_n3A_933 : vector<16xi32> to vector<16xi32>
    tpu.vector_store %arg11[%swap3A_934], %swap3A_937 {strides = array<i32>} : memref<1616xi32, #tpu.memory_space<vmem>>, vector<16xi32>,
    %eq3A_938 = arith.cmpi eq, %get3A_929, %get3A_35 : vector<16xi32>
    %jit3A_939 = arith.constant 1 : i32
    %jit3A_940 = arith.constant 0 : i32
    %broadcast_in_dim3A_941 = vector.broadcast %jit3A_939 : i32 to vector<16xi32>
    %broadcast_in_dim3A_942 = vector.broadcast %jit3A_940 : i32 to vector<16xi32>
    %select_n3A_943 = arith.select %eq3A_938, %broadcast_in_dim3A_941, %broadcast_in_dim3A_942 : vector<16xi1>, vector<16xi32>
    %add3A_944 = arith.addi %add3A_924, %select_n3A_943 : vector<16xi32>
    %get3A_945 = arith.constant 46 : i32
    %get3A_946 = arith.index_cast %get3A_945 : i32 to index
    %get3A_947 = arith.constant 0 : index
    %get3A_948 = tpu.vector_load %arg9[%get3A_946, %get3A_947] {strides = array<i32>} : memref<101x16xi32, #tpu.memory_space<vmem>>, vector<1x16xi32>,
    %get3A_949 = vector.shape_cast %get3A_948 : vector<1x16xi32> to vector<16xi32>
    %gt3A_950 = arith.constant 0 : i32
    %gt3A_951 = vector.broadcast %gt3A_950 : i32 to vector<16xi32>
    %gt3A_952 = arith.cmpi sgt, %add3A_944, %gt3A_951 : vector<16xi32>
    %select_n3A_953 = arith.select %gt3A_952, %get3A_949, %get3A_929 : vector<16xi1>, vector<16xi32>
    %swap3A_954 = arith.constant 736 : index
    %swap3A_955 = tpu.vector_load %arg11[%swap3A_954] {strides = array<i32>} : memref<1616xi32, #tpu.memory_space<vmem>>, vector<16xi32>,
    %swap3A_956 = vector.shape_cast %swap3A_955 : vector<16xi32> to vector<16xi32>
    %swap3A_957 = vector.shape_cast %select_n3A_953 : vector<16xi32> to vector<16xi32>
    tpu.vector_store %arg11[%swap3A_954], %swap3A_957 {strides = array<i32>} : memref<1616xi32, #tpu.memory_space<vmem>>, vector<16xi32>,
    %eq3A_958 = arith.cmpi eq, %get3A_949, %get3A_35 : vector<16xi32>
    %jit3A_959 = arith.constant 1 : i32
    %jit3A_960 = arith.constant 0 : i32
    %broadcast_in_dim3A_961 = vector.broadcast %jit3A_959 : i32 to vector<16xi32>
    %broadcast_in_dim3A_962 = vector.broadcast %jit3A_960 : i32 to vector<16xi32>
    %select_n3A_963 = arith.select %eq3A_958, %broadcast_in_dim3A_961, %broadcast_in_dim3A_962 : vector<16xi1>, vector<16xi32>
    %add3A_964 = arith.addi %add3A_944, %select_n3A_963 : vector<16xi32>
    %get3A_965 = arith.constant 47 : i32
    %get3A_966 = arith.index_cast %get3A_965 : i32 to index
    %get3A_967 = arith.constant 0 : index
    %get3A_968 = tpu.vector_load %arg9[%get3A_966, %get3A_967] {strides = array<i32>} : memref<101x16xi32, #tpu.memory_space<vmem>>, vector<1x16xi32>,
    %get3A_969 = vector.shape_cast %get3A_968 : vector<1x16xi32> to vector<16xi32>
    %gt3A_970 = arith.constant 0 : i32
    %gt3A_971 = vector.broadcast %gt3A_970 : i32 to vector<16xi32>
    %gt3A_972 = arith.cmpi sgt, %add3A_964, %gt3A_971 : vector<16xi32>
    %select_n3A_973 = arith.select %gt3A_972, %get3A_969, %get3A_949 : vector<16xi1>, vector<16xi32>
    %swap3A_974 = arith.constant 752 : index
    %swap3A_975 = tpu.vector_load %arg11[%swap3A_974] {strides = array<i32>} : memref<1616xi32, #tpu.memory_space<vmem>>, vector<16xi32>,
    %swap3A_976 = vector.shape_cast %swap3A_975 : vector<16xi32> to vector<16xi32>
    %swap3A_977 = vector.shape_cast %select_n3A_973 : vector<16xi32> to vector<16xi32>
    tpu.vector_store %arg11[%swap3A_974], %swap3A_977 {strides = array<i32>} : memref<1616xi32, #tpu.memory_space<vmem>>, vector<16xi32>,
    %eq3A_978 = arith.cmpi eq, %get3A_969, %get3A_35 : vector<16xi32>
    %jit3A_979 = arith.constant 1 : i32
    %jit3A_980 = arith.constant 0 : i32
    %broadcast_in_dim3A_981 = vector.broadcast %jit3A_979 : i32 to vector<16xi32>
    %broadcast_in_dim3A_982 = vector.broadcast %jit3A_980 : i32 to vector<16xi32>
    %select_n3A_983 = arith.select %eq3A_978, %broadcast_in_dim3A_981, %broadcast_in_dim3A_982 : vector<16xi1>, vector<16xi32>
    %add3A_984 = arith.addi %add3A_964, %select_n3A_983 : vector<16xi32>
    %get3A_985 = arith.constant 48 : i32
    %get3A_986 = arith.index_cast %get3A_985 : i32 to index
    %get3A_987 = arith.constant 0 : index
    %get3A_988 = tpu.vector_load %arg9[%get3A_986, %get3A_987] {strides = array<i32>} : memref<101x16xi32, #tpu.memory_space<vmem>>, vector<1x16xi32>,
    %get3A_989 = vector.shape_cast %get3A_988 : vector<1x16xi32> to vector<16xi32>
    %gt3A_990 = arith.constant 0 : i32
    %gt3A_991 = vector.broadcast %gt3A_990 : i32 to vector<16xi32>
    %gt3A_992 = arith.cmpi sgt, %add3A_984, %gt3A_991 : vector<16xi32>
    %select_n3A_993 = arith.select %gt3A_992, %get3A_989, %get3A_969 : vector<16xi1>, vector<16xi32>
    %swap3A_994 = arith.constant 768 : index
    %swap3A_995 = tpu.vector_load %arg11[%swap3A_994] {strides = array<i32>} : memref<1616xi32, #tpu.memory_space<vmem>>, vector<16xi32>,
    %swap3A_996 = vector.shape_cast %swap3A_995 : vector<16xi32> to vector<16xi32>
    %swap3A_997 = vector.shape_cast %select_n3A_993 : vector<16xi32> to vector<16xi32>
    tpu.vector_store %arg11[%swap3A_994], %swap3A_997 {strides = array<i32>} : memref<1616xi32, #tpu.memory_space<vmem>>, vector<16xi32>,
    %eq3A_998 = arith.cmpi eq, %get3A_989, %get3A_35 : vector<16xi32>
    %jit3A_999 = arith.constant 1 : i32
    %jit3A_1000 = arith.constant 0 : i32
    %broadcast_in_dim3A_1001 = vector.broadcast %jit3A_999 : i32 to vector<16xi32>
    %broadcast_in_dim3A_1002 = vector.broadcast %jit3A_1000 : i32 to vector<16xi32>
    %select_n3A_1003 = arith.select %eq3A_998, %broadcast_in_dim3A_1001, %broadcast_in_dim3A_1002 : vector<16xi1>, vector<16xi32>
    %add3A_1004 = arith.addi %add3A_984, %select_n3A_1003 : vector<16xi32>
    %get3A_1005 = arith.constant 49 : i32
    %get3A_1006 = arith.index_cast %get3A_1005 : i32 to index
    %get3A_1007 = arith.constant 0 : index
    %get3A_1008 = tpu.vector_load %arg9[%get3A_1006, %get3A_1007] {strides = array<i32>} : memref<101x16xi32, #tpu.memory_space<vmem>>, vector<1x16xi32>,
    %get3A_1009 = vector.shape_cast %get3A_1008 : vector<1x16xi32> to vector<16xi32>
    %gt3A_1010 = arith.constant 0 : i32
    %gt3A_1011 = vector.broadcast %gt3A_1010 : i32 to vector<16xi32>
    %gt3A_1012 = arith.cmpi sgt, %add3A_1004, %gt3A_1011 : vector<16xi32>
    %select_n3A_1013 = arith.select %gt3A_1012, %get3A_1009, %get3A_989 : vector<16xi1>, vector<16xi32>
    %swap3A_1014 = arith.constant 784 : index
    %swap3A_1015 = tpu.vector_load %arg11[%swap3A_1014] {strides = array<i32>} : memref<1616xi32, #tpu.memory_space<vmem>>, vector<16xi32>,
    %swap3A_1016 = vector.shape_cast %swap3A_1015 : vector<16xi32> to vector<16xi32>
    %swap3A_1017 = vector.shape_cast %select_n3A_1013 : vector<16xi32> to vector<16xi32>
    tpu.vector_store %arg11[%swap3A_1014], %swap3A_1017 {strides = array<i32>} : memref<1616xi32, #tpu.memory_space<vmem>>, vector<16xi32>,
    %eq3A_1018 = arith.cmpi eq, %get3A_1009, %get3A_35 : vector<16xi32>
    %jit3A_1019 = arith.constant 1 : i32
    %jit3A_1020 = arith.constant 0 : i32
    %broadcast_in_dim3A_1021 = vector.broadcast %jit3A_1019 : i32 to vector<16xi32>
    %broadcast_in_dim3A_1022 = vector.broadcast %jit3A_1020 : i32 to vector<16xi32>
    %select_n3A_1023 = arith.select %eq3A_1018, %broadcast_in_dim3A_1021, %broadcast_in_dim3A_1022 : vector<16xi1>, vector<16xi32>
    %add3A_1024 = arith.addi %add3A_1004, %select_n3A_1023 : vector<16xi32>
    %get3A_1025 = arith.constant 50 : i32
    %get3A_1026 = arith.index_cast %get3A_1025 : i32 to index
    %get3A_1027 = arith.constant 0 : index
    %get3A_1028 = tpu.vector_load %arg9[%get3A_1026, %get3A_1027] {strides = array<i32>} : memref<101x16xi32, #tpu.memory_space<vmem>>, vector<1x16xi32>,
    %get3A_1029 = vector.shape_cast %get3A_1028 : vector<1x16xi32> to vector<16xi32>
    %gt3A_1030 = arith.constant 0 : i32
    %gt3A_1031 = vector.broadcast %gt3A_1030 : i32 to vector<16xi32>
    %gt3A_1032 = arith.cmpi sgt, %add3A_1024, %gt3A_1031 : vector<16xi32>
    %select_n3A_1033 = arith.select %gt3A_1032, %get3A_1029, %get3A_1009 : vector<16xi1>, vector<16xi32>
    %swap3A_1034 = arith.constant 800 : index
    %swap3A_1035 = tpu.vector_load %arg11[%swap3A_1034] {strides = array<i32>} : memref<1616xi32, #tpu.memory_space<vmem>>, vector<16xi32>,
    %swap3A_1036 = vector.shape_cast %swap3A_1035 : vector<16xi32> to vector<16xi32>
    %swap3A_1037 = vector.shape_cast %select_n3A_1033 : vector<16xi32> to vector<16xi32>
    tpu.vector_store %arg11[%swap3A_1034], %swap3A_1037 {strides = array<i32>} : memref<1616xi32, #tpu.memory_space<vmem>>, vector<16xi32>,
    %eq3A_1038 = arith.cmpi eq, %get3A_1029, %get3A_35 : vector<16xi32>
    %jit3A_1039 = arith.constant 1 : i32
    %jit3A_1040 = arith.constant 0 : i32
    %broadcast_in_dim3A_1041 = vector.broadcast %jit3A_1039 : i32 to vector<16xi32>
    %broadcast_in_dim3A_1042 = vector.broadcast %jit3A_1040 : i32 to vector<16xi32>
    %select_n3A_1043 = arith.select %eq3A_1038, %broadcast_in_dim3A_1041, %broadcast_in_dim3A_1042 : vector<16xi1>, vector<16xi32>
    %add3A_1044 = arith.addi %add3A_1024, %select_n3A_1043 : vector<16xi32>
    %get3A_1045 = arith.constant 51 : i32
    %get3A_1046 = arith.index_cast %get3A_1045 : i32 to index
    %get3A_1047 = arith.constant 0 : index
    %get3A_1048 = tpu.vector_load %arg9[%get3A_1046, %get3A_1047] {strides = array<i32>} : memref<101x16xi32, #tpu.memory_space<vmem>>, vector<1x16xi32>,
    %get3A_1049 = vector.shape_cast %get3A_1048 : vector<1x16xi32> to vector<16xi32>
    %gt3A_1050 = arith.constant 0 : i32
    %gt3A_1051 = vector.broadcast %gt3A_1050 : i32 to vector<16xi32>
    %gt3A_1052 = arith.cmpi sgt, %add3A_1044, %gt3A_1051 : vector<16xi32>
    %select_n3A_1053 = arith.select %gt3A_1052, %get3A_1049, %get3A_1029 : vector<16xi1>, vector<16xi32>
    %swap3A_1054 = arith.constant 816 : index
    %swap3A_1055 = tpu.vector_load %arg11[%swap3A_1054] {strides = array<i32>} : memref<1616xi32, #tpu.memory_space<vmem>>, vector<16xi32>,
    %swap3A_1056 = vector.shape_cast %swap3A_1055 : vector<16xi32> to vector<16xi32>
    %swap3A_1057 = vector.shape_cast %select_n3A_1053 : vector<16xi32> to vector<16xi32>
    tpu.vector_store %arg11[%swap3A_1054], %swap3A_1057 {strides = array<i32>} : memref<1616xi32, #tpu.memory_space<vmem>>, vector<16xi32>,
    %eq3A_1058 = arith.cmpi eq, %get3A_1049, %get3A_35 : vector<16xi32>
    %jit3A_1059 = arith.constant 1 : i32
    %jit3A_1060 = arith.constant 0 : i32
    %broadcast_in_dim3A_1061 = vector.broadcast %jit3A_1059 : i32 to vector<16xi32>
    %broadcast_in_dim3A_1062 = vector.broadcast %jit3A_1060 : i32 to vector<16xi32>
    %select_n3A_1063 = arith.select %eq3A_1058, %broadcast_in_dim3A_1061, %broadcast_in_dim3A_1062 : vector<16xi1>, vector<16xi32>
    %add3A_1064 = arith.addi %add3A_1044, %select_n3A_1063 : vector<16xi32>
    %get3A_1065 = arith.constant 52 : i32
    %get3A_1066 = arith.index_cast %get3A_1065 : i32 to index
    %get3A_1067 = arith.constant 0 : index
    %get3A_1068 = tpu.vector_load %arg9[%get3A_1066, %get3A_1067] {strides = array<i32>} : memref<101x16xi32, #tpu.memory_space<vmem>>, vector<1x16xi32>,
    %get3A_1069 = vector.shape_cast %get3A_1068 : vector<1x16xi32> to vector<16xi32>
    %gt3A_1070 = arith.constant 0 : i32
    %gt3A_1071 = vector.broadcast %gt3A_1070 : i32 to vector<16xi32>
    %gt3A_1072 = arith.cmpi sgt, %add3A_1064, %gt3A_1071 : vector<16xi32>
    %select_n3A_1073 = arith.select %gt3A_1072, %get3A_1069, %get3A_1049 : vector<16xi1>, vector<16xi32>
    %swap3A_1074 = arith.constant 832 : index
    %swap3A_1075 = tpu.vector_load %arg11[%swap3A_1074] {strides = array<i32>} : memref<1616xi32, #tpu.memory_space<vmem>>, vector<16xi32>,
    %swap3A_1076 = vector.shape_cast %swap3A_1075 : vector<16xi32> to vector<16xi32>
    %swap3A_1077 = vector.shape_cast %select_n3A_1073 : vector<16xi32> to vector<16xi32>
    tpu.vector_store %arg11[%swap3A_1074], %swap3A_1077 {strides = array<i32>} : memref<1616xi32, #tpu.memory_space<vmem>>, vector<16xi32>,
    %eq3A_1078 = arith.cmpi eq, %get3A_1069, %get3A_35 : vector<16xi32>
    %jit3A_1079 = arith.constant 1 : i32
    %jit3A_1080 = arith.constant 0 : i32
    %broadcast_in_dim3A_1081 = vector.broadcast %jit3A_1079 : i32 to vector<16xi32>
    %broadcast_in_dim3A_1082 = vector.broadcast %jit3A_1080 : i32 to vector<16xi32>
    %select_n3A_1083 = arith.select %eq3A_1078, %broadcast_in_dim3A_1081, %broadcast_in_dim3A_1082 : vector<16xi1>, vector<16xi32>
    %add3A_1084 = arith.addi %add3A_1064, %select_n3A_1083 : vector<16xi32>
    %get3A_1085 = arith.constant 53 : i32
    %get3A_1086 = arith.index_cast %get3A_1085 : i32 to index
    %get3A_1087 = arith.constant 0 : index
    %get3A_1088 = tpu.vector_load %arg9[%get3A_1086, %get3A_1087] {strides = array<i32>} : memref<101x16xi32, #tpu.memory_space<vmem>>, vector<1x16xi32>,
    %get3A_1089 = vector.shape_cast %get3A_1088 : vector<1x16xi32> to vector<16xi32>
    %gt3A_1090 = arith.constant 0 : i32
    %gt3A_1091 = vector.broadcast %gt3A_1090 : i32 to vector<16xi32>
    %gt3A_1092 = arith.cmpi sgt, %add3A_1084, %gt3A_1091 : vector<16xi32>
    %select_n3A_1093 = arith.select %gt3A_1092, %get3A_1089, %get3A_1069 : vector<16xi1>, vector<16xi32>
    %swap3A_1094 = arith.constant 848 : index
    %swap3A_1095 = tpu.vector_load %arg11[%swap3A_1094] {strides = array<i32>} : memref<1616xi32, #tpu.memory_space<vmem>>, vector<16xi32>,
    %swap3A_1096 = vector.shape_cast %swap3A_1095 : vector<16xi32> to vector<16xi32>
    %swap3A_1097 = vector.shape_cast %select_n3A_1093 : vector<16xi32> to vector<16xi32>
    tpu.vector_store %arg11[%swap3A_1094], %swap3A_1097 {strides = array<i32>} : memref<1616xi32, #tpu.memory_space<vmem>>, vector<16xi32>,
    %eq3A_1098 = arith.cmpi eq, %get3A_1089, %get3A_35 : vector<16xi32>
    %jit3A_1099 = arith.constant 1 : i32
    %jit3A_1100 = arith.constant 0 : i32
    %broadcast_in_dim3A_1101 = vector.broadcast %jit3A_1099 : i32 to vector<16xi32>
    %broadcast_in_dim3A_1102 = vector.broadcast %jit3A_1100 : i32 to vector<16xi32>
    %select_n3A_1103 = arith.select %eq3A_1098, %broadcast_in_dim3A_1101, %broadcast_in_dim3A_1102 : vector<16xi1>, vector<16xi32>
    %add3A_1104 = arith.addi %add3A_1084, %select_n3A_1103 : vector<16xi32>
    %get3A_1105 = arith.constant 54 : i32
    %get3A_1106 = arith.index_cast %get3A_1105 : i32 to index
    %get3A_1107 = arith.constant 0 : index
    %get3A_1108 = tpu.vector_load %arg9[%get3A_1106, %get3A_1107] {strides = array<i32>} : memref<101x16xi32, #tpu.memory_space<vmem>>, vector<1x16xi32>,
    %get3A_1109 = vector.shape_cast %get3A_1108 : vector<1x16xi32> to vector<16xi32>
    %gt3A_1110 = arith.constant 0 : i32
    %gt3A_1111 = vector.broadcast %gt3A_1110 : i32 to vector<16xi32>
    %gt3A_1112 = arith.cmpi sgt, %add3A_1104, %gt3A_1111 : vector<16xi32>
    %select_n3A_1113 = arith.select %gt3A_1112, %get3A_1109, %get3A_1089 : vector<16xi1>, vector<16xi32>
    %swap3A_1114 = arith.constant 864 : index
    %swap3A_1115 = tpu.vector_load %arg11[%swap3A_1114] {strides = array<i32>} : memref<1616xi32, #tpu.memory_space<vmem>>, vector<16xi32>,
    %swap3A_1116 = vector.shape_cast %swap3A_1115 : vector<16xi32> to vector<16xi32>
    %swap3A_1117 = vector.shape_cast %select_n3A_1113 : vector<16xi32> to vector<16xi32>
    tpu.vector_store %arg11[%swap3A_1114], %swap3A_1117 {strides = array<i32>} : memref<1616xi32, #tpu.memory_space<vmem>>, vector<16xi32>,
    %eq3A_1118 = arith.cmpi eq, %get3A_1109, %get3A_35 : vector<16xi32>
    %jit3A_1119 = arith.constant 1 : i32
    %jit3A_1120 = arith.constant 0 : i32
    %broadcast_in_dim3A_1121 = vector.broadcast %jit3A_1119 : i32 to vector<16xi32>
    %broadcast_in_dim3A_1122 = vector.broadcast %jit3A_1120 : i32 to vector<16xi32>
    %select_n3A_1123 = arith.select %eq3A_1118, %broadcast_in_dim3A_1121, %broadcast_in_dim3A_1122 : vector<16xi1>, vector<16xi32>
    %add3A_1124 = arith.addi %add3A_1104, %select_n3A_1123 : vector<16xi32>
    %get3A_1125 = arith.constant 55 : i32
    %get3A_1126 = arith.index_cast %get3A_1125 : i32 to index
    %get3A_1127 = arith.constant 0 : index
    %get3A_1128 = tpu.vector_load %arg9[%get3A_1126, %get3A_1127] {strides = array<i32>} : memref<101x16xi32, #tpu.memory_space<vmem>>, vector<1x16xi32>,
    %get3A_1129 = vector.shape_cast %get3A_1128 : vector<1x16xi32> to vector<16xi32>
    %gt3A_1130 = arith.constant 0 : i32
    %gt3A_1131 = vector.broadcast %gt3A_1130 : i32 to vector<16xi32>
    %gt3A_1132 = arith.cmpi sgt, %add3A_1124, %gt3A_1131 : vector<16xi32>
    %select_n3A_1133 = arith.select %gt3A_1132, %get3A_1129, %get3A_1109 : vector<16xi1>, vector<16xi32>
    %swap3A_1134 = arith.constant 880 : index
    %swap3A_1135 = tpu.vector_load %arg11[%swap3A_1134] {strides = array<i32>} : memref<1616xi32, #tpu.memory_space<vmem>>, vector<16xi32>,
    %swap3A_1136 = vector.shape_cast %swap3A_1135 : vector<16xi32> to vector<16xi32>
    %swap3A_1137 = vector.shape_cast %select_n3A_1133 : vector<16xi32> to vector<16xi32>
    tpu.vector_store %arg11[%swap3A_1134], %swap3A_1137 {strides = array<i32>} : memref<1616xi32, #tpu.memory_space<vmem>>, vector<16xi32>,
    %eq3A_1138 = arith.cmpi eq, %get3A_1129, %get3A_35 : vector<16xi32>
    %jit3A_1139 = arith.constant 1 : i32
    %jit3A_1140 = arith.constant 0 : i32
    %broadcast_in_dim3A_1141 = vector.broadcast %jit3A_1139 : i32 to vector<16xi32>
    %broadcast_in_dim3A_1142 = vector.broadcast %jit3A_1140 : i32 to vector<16xi32>
    %select_n3A_1143 = arith.select %eq3A_1138, %broadcast_in_dim3A_1141, %broadcast_in_dim3A_1142 : vector<16xi1>, vector<16xi32>
    %add3A_1144 = arith.addi %add3A_1124, %select_n3A_1143 : vector<16xi32>
    %get3A_1145 = arith.constant 56 : i32
    %get3A_1146 = arith.index_cast %get3A_1145 : i32 to index
    %get3A_1147 = arith.constant 0 : index
    %get3A_1148 = tpu.vector_load %arg9[%get3A_1146, %get3A_1147] {strides = array<i32>} : memref<101x16xi32, #tpu.memory_space<vmem>>, vector<1x16xi32>,
    %get3A_1149 = vector.shape_cast %get3A_1148 : vector<1x16xi32> to vector<16xi32>
    %gt3A_1150 = arith.constant 0 : i32
    %gt3A_1151 = vector.broadcast %gt3A_1150 : i32 to vector<16xi32>
    %gt3A_1152 = arith.cmpi sgt, %add3A_1144, %gt3A_1151 : vector<16xi32>
    %select_n3A_1153 = arith.select %gt3A_1152, %get3A_1149, %get3A_1129 : vector<16xi1>, vector<16xi32>
    %swap3A_1154 = arith.constant 896 : index
    %swap3A_1155 = tpu.vector_load %arg11[%swap3A_1154] {strides = array<i32>} : memref<1616xi32, #tpu.memory_space<vmem>>, vector<16xi32>,
    %swap3A_1156 = vector.shape_cast %swap3A_1155 : vector<16xi32> to vector<16xi32>
    %swap3A_1157 = vector.shape_cast %select_n3A_1153 : vector<16xi32> to vector<16xi32>
    tpu.vector_store %arg11[%swap3A_1154], %swap3A_1157 {strides = array<i32>} : memref<1616xi32, #tpu.memory_space<vmem>>, vector<16xi32>,
    %eq3A_1158 = arith.cmpi eq, %get3A_1149, %get3A_35 : vector<16xi32>
    %jit3A_1159 = arith.constant 1 : i32
    %jit3A_1160 = arith.constant 0 : i32
    %broadcast_in_dim3A_1161 = vector.broadcast %jit3A_1159 : i32 to vector<16xi32>
    %broadcast_in_dim3A_1162 = vector.broadcast %jit3A_1160 : i32 to vector<16xi32>
    %select_n3A_1163 = arith.select %eq3A_1158, %broadcast_in_dim3A_1161, %broadcast_in_dim3A_1162 : vector<16xi1>, vector<16xi32>
    %add3A_1164 = arith.addi %add3A_1144, %select_n3A_1163 : vector<16xi32>
    %get3A_1165 = arith.constant 57 : i32
    %get3A_1166 = arith.index_cast %get3A_1165 : i32 to index
    %get3A_1167 = arith.constant 0 : index
    %get3A_1168 = tpu.vector_load %arg9[%get3A_1166, %get3A_1167] {strides = array<i32>} : memref<101x16xi32, #tpu.memory_space<vmem>>, vector<1x16xi32>,
    %get3A_1169 = vector.shape_cast %get3A_1168 : vector<1x16xi32> to vector<16xi32>
    %gt3A_1170 = arith.constant 0 : i32
    %gt3A_1171 = vector.broadcast %gt3A_1170 : i32 to vector<16xi32>
    %gt3A_1172 = arith.cmpi sgt, %add3A_1164, %gt3A_1171 : vector<16xi32>
    %select_n3A_1173 = arith.select %gt3A_1172, %get3A_1169, %get3A_1149 : vector<16xi1>, vector<16xi32>
    %swap3A_1174 = arith.constant 912 : index
    %swap3A_1175 = tpu.vector_load %arg11[%swap3A_1174] {strides = array<i32>} : memref<1616xi32, #tpu.memory_space<vmem>>, vector<16xi32>,
    %swap3A_1176 = vector.shape_cast %swap3A_1175 : vector<16xi32> to vector<16xi32>
    %swap3A_1177 = vector.shape_cast %select_n3A_1173 : vector<16xi32> to vector<16xi32>
    tpu.vector_store %arg11[%swap3A_1174], %swap3A_1177 {strides = array<i32>} : memref<1616xi32, #tpu.memory_space<vmem>>, vector<16xi32>,
    %eq3A_1178 = arith.cmpi eq, %get3A_1169, %get3A_35 : vector<16xi32>
    %jit3A_1179 = arith.constant 1 : i32
    %jit3A_1180 = arith.constant 0 : i32
    %broadcast_in_dim3A_1181 = vector.broadcast %jit3A_1179 : i32 to vector<16xi32>
    %broadcast_in_dim3A_1182 = vector.broadcast %jit3A_1180 : i32 to vector<16xi32>
    %select_n3A_1183 = arith.select %eq3A_1178, %broadcast_in_dim3A_1181, %broadcast_in_dim3A_1182 : vector<16xi1>, vector<16xi32>
    %add3A_1184 = arith.addi %add3A_1164, %select_n3A_1183 : vector<16xi32>
    %get3A_1185 = arith.constant 58 : i32
    %get3A_1186 = arith.index_cast %get3A_1185 : i32 to index
    %get3A_1187 = arith.constant 0 : index
    %get3A_1188 = tpu.vector_load %arg9[%get3A_1186, %get3A_1187] {strides = array<i32>} : memref<101x16xi32, #tpu.memory_space<vmem>>, vector<1x16xi32>,
    %get3A_1189 = vector.shape_cast %get3A_1188 : vector<1x16xi32> to vector<16xi32>
    %gt3A_1190 = arith.constant 0 : i32
    %gt3A_1191 = vector.broadcast %gt3A_1190 : i32 to vector<16xi32>
    %gt3A_1192 = arith.cmpi sgt, %add3A_1184, %gt3A_1191 : vector<16xi32>
    %select_n3A_1193 = arith.select %gt3A_1192, %get3A_1189, %get3A_1169 : vector<16xi1>, vector<16xi32>
    %swap3A_1194 = arith.constant 928 : index
    %swap3A_1195 = tpu.vector_load %arg11[%swap3A_1194] {strides = array<i32>} : memref<1616xi32, #tpu.memory_space<vmem>>, vector<16xi32>,
    %swap3A_1196 = vector.shape_cast %swap3A_1195 : vector<16xi32> to vector<16xi32>
    %swap3A_1197 = vector.shape_cast %select_n3A_1193 : vector<16xi32> to vector<16xi32>
    tpu.vector_store %arg11[%swap3A_1194], %swap3A_1197 {strides = array<i32>} : memref<1616xi32, #tpu.memory_space<vmem>>, vector<16xi32>,
    %eq3A_1198 = arith.cmpi eq, %get3A_1189, %get3A_35 : vector<16xi32>
    %jit3A_1199 = arith.constant 1 : i32
    %jit3A_1200 = arith.constant 0 : i32
    %broadcast_in_dim3A_1201 = vector.broadcast %jit3A_1199 : i32 to vector<16xi32>
    %broadcast_in_dim3A_1202 = vector.broadcast %jit3A_1200 : i32 to vector<16xi32>
    %select_n3A_1203 = arith.select %eq3A_1198, %broadcast_in_dim3A_1201, %broadcast_in_dim3A_1202 : vector<16xi1>, vector<16xi32>
    %add3A_1204 = arith.addi %add3A_1184, %select_n3A_1203 : vector<16xi32>
    %get3A_1205 = arith.constant 59 : i32
    %get3A_1206 = arith.index_cast %get3A_1205 : i32 to index
    %get3A_1207 = arith.constant 0 : index
    %get3A_1208 = tpu.vector_load %arg9[%get3A_1206, %get3A_1207] {strides = array<i32>} : memref<101x16xi32, #tpu.memory_space<vmem>>, vector<1x16xi32>,
    %get3A_1209 = vector.shape_cast %get3A_1208 : vector<1x16xi32> to vector<16xi32>
    %gt3A_1210 = arith.constant 0 : i32
    %gt3A_1211 = vector.broadcast %gt3A_1210 : i32 to vector<16xi32>
    %gt3A_1212 = arith.cmpi sgt, %add3A_1204, %gt3A_1211 : vector<16xi32>
    %select_n3A_1213 = arith.select %gt3A_1212, %get3A_1209, %get3A_1189 : vector<16xi1>, vector<16xi32>
    %swap3A_1214 = arith.constant 944 : index
    %swap3A_1215 = tpu.vector_load %arg11[%swap3A_1214] {strides = array<i32>} : memref<1616xi32, #tpu.memory_space<vmem>>, vector<16xi32>,
    %swap3A_1216 = vector.shape_cast %swap3A_1215 : vector<16xi32> to vector<16xi32>
    %swap3A_1217 = vector.shape_cast %select_n3A_1213 : vector<16xi32> to vector<16xi32>
    tpu.vector_store %arg11[%swap3A_1214], %swap3A_1217 {strides = array<i32>} : memref<1616xi32, #tpu.memory_space<vmem>>, vector<16xi32>,
    %eq3A_1218 = arith.cmpi eq, %get3A_1209, %get3A_35 : vector<16xi32>
    %jit3A_1219 = arith.constant 1 : i32
    %jit3A_1220 = arith.constant 0 : i32
    %broadcast_in_dim3A_1221 = vector.broadcast %jit3A_1219 : i32 to vector<16xi32>
    %broadcast_in_dim3A_1222 = vector.broadcast %jit3A_1220 : i32 to vector<16xi32>
    %select_n3A_1223 = arith.select %eq3A_1218, %broadcast_in_dim3A_1221, %broadcast_in_dim3A_1222 : vector<16xi1>, vector<16xi32>
    %add3A_1224 = arith.addi %add3A_1204, %select_n3A_1223 : vector<16xi32>
    %get3A_1225 = arith.constant 60 : i32
    %get3A_1226 = arith.index_cast %get3A_1225 : i32 to index
    %get3A_1227 = arith.constant 0 : index
    %get3A_1228 = tpu.vector_load %arg9[%get3A_1226, %get3A_1227] {strides = array<i32>} : memref<101x16xi32, #tpu.memory_space<vmem>>, vector<1x16xi32>,
    %get3A_1229 = vector.shape_cast %get3A_1228 : vector<1x16xi32> to vector<16xi32>
    %gt3A_1230 = arith.constant 0 : i32
    %gt3A_1231 = vector.broadcast %gt3A_1230 : i32 to vector<16xi32>
    %gt3A_1232 = arith.cmpi sgt, %add3A_1224, %gt3A_1231 : vector<16xi32>
    %select_n3A_1233 = arith.select %gt3A_1232, %get3A_1229, %get3A_1209 : vector<16xi1>, vector<16xi32>
    %swap3A_1234 = arith.constant 960 : index
    %swap3A_1235 = tpu.vector_load %arg11[%swap3A_1234] {strides = array<i32>} : memref<1616xi32, #tpu.memory_space<vmem>>, vector<16xi32>,
    %swap3A_1236 = vector.shape_cast %swap3A_1235 : vector<16xi32> to vector<16xi32>
    %swap3A_1237 = vector.shape_cast %select_n3A_1233 : vector<16xi32> to vector<16xi32>
    tpu.vector_store %arg11[%swap3A_1234], %swap3A_1237 {strides = array<i32>} : memref<1616xi32, #tpu.memory_space<vmem>>, vector<16xi32>,
    %eq3A_1238 = arith.cmpi eq, %get3A_1229, %get3A_35 : vector<16xi32>
    %jit3A_1239 = arith.constant 1 : i32
    %jit3A_1240 = arith.constant 0 : i32
    %broadcast_in_dim3A_1241 = vector.broadcast %jit3A_1239 : i32 to vector<16xi32>
    %broadcast_in_dim3A_1242 = vector.broadcast %jit3A_1240 : i32 to vector<16xi32>
    %select_n3A_1243 = arith.select %eq3A_1238, %broadcast_in_dim3A_1241, %broadcast_in_dim3A_1242 : vector<16xi1>, vector<16xi32>
    %add3A_1244 = arith.addi %add3A_1224, %select_n3A_1243 : vector<16xi32>
    %get3A_1245 = arith.constant 61 : i32
    %get3A_1246 = arith.index_cast %get3A_1245 : i32 to index
    %get3A_1247 = arith.constant 0 : index
    %get3A_1248 = tpu.vector_load %arg9[%get3A_1246, %get3A_1247] {strides = array<i32>} : memref<101x16xi32, #tpu.memory_space<vmem>>, vector<1x16xi32>,
    %get3A_1249 = vector.shape_cast %get3A_1248 : vector<1x16xi32> to vector<16xi32>
    %gt3A_1250 = arith.constant 0 : i32
    %gt3A_1251 = vector.broadcast %gt3A_1250 : i32 to vector<16xi32>
    %gt3A_1252 = arith.cmpi sgt, %add3A_1244, %gt3A_1251 : vector<16xi32>
    %select_n3A_1253 = arith.select %gt3A_1252, %get3A_1249, %get3A_1229 : vector<16xi1>, vector<16xi32>
    %swap3A_1254 = arith.constant 976 : index
    %swap3A_1255 = tpu.vector_load %arg11[%swap3A_1254] {strides = array<i32>} : memref<1616xi32, #tpu.memory_space<vmem>>, vector<16xi32>,
    %swap3A_1256 = vector.shape_cast %swap3A_1255 : vector<16xi32> to vector<16xi32>
    %swap3A_1257 = vector.shape_cast %select_n3A_1253 : vector<16xi32> to vector<16xi32>
    tpu.vector_store %arg11[%swap3A_1254], %swap3A_1257 {strides = array<i32>} : memref<1616xi32, #tpu.memory_space<vmem>>, vector<16xi32>,
    %eq3A_1258 = arith.cmpi eq, %get3A_1249, %get3A_35 : vector<16xi32>
    %jit3A_1259 = arith.constant 1 : i32
    %jit3A_1260 = arith.constant 0 : i32
    %broadcast_in_dim3A_1261 = vector.broadcast %jit3A_1259 : i32 to vector<16xi32>
    %broadcast_in_dim3A_1262 = vector.broadcast %jit3A_1260 : i32 to vector<16xi32>
    %select_n3A_1263 = arith.select %eq3A_1258, %broadcast_in_dim3A_1261, %broadcast_in_dim3A_1262 : vector<16xi1>, vector<16xi32>
    %add3A_1264 = arith.addi %add3A_1244, %select_n3A_1263 : vector<16xi32>
    %get3A_1265 = arith.constant 62 : i32
    %get3A_1266 = arith.index_cast %get3A_1265 : i32 to index
    %get3A_1267 = arith.constant 0 : index
    %get3A_1268 = tpu.vector_load %arg9[%get3A_1266, %get3A_1267] {strides = array<i32>} : memref<101x16xi32, #tpu.memory_space<vmem>>, vector<1x16xi32>,
    %get3A_1269 = vector.shape_cast %get3A_1268 : vector<1x16xi32> to vector<16xi32>
    %gt3A_1270 = arith.constant 0 : i32
    %gt3A_1271 = vector.broadcast %gt3A_1270 : i32 to vector<16xi32>
    %gt3A_1272 = arith.cmpi sgt, %add3A_1264, %gt3A_1271 : vector<16xi32>
    %select_n3A_1273 = arith.select %gt3A_1272, %get3A_1269, %get3A_1249 : vector<16xi1>, vector<16xi32>
    %swap3A_1274 = arith.constant 992 : index
    %swap3A_1275 = tpu.vector_load %arg11[%swap3A_1274] {strides = array<i32>} : memref<1616xi32, #tpu.memory_space<vmem>>, vector<16xi32>,
    %swap3A_1276 = vector.shape_cast %swap3A_1275 : vector<16xi32> to vector<16xi32>
    %swap3A_1277 = vector.shape_cast %select_n3A_1273 : vector<16xi32> to vector<16xi32>
    tpu.vector_store %arg11[%swap3A_1274], %swap3A_1277 {strides = array<i32>} : memref<1616xi32, #tpu.memory_space<vmem>>, vector<16xi32>,
    %eq3A_1278 = arith.cmpi eq, %get3A_1269, %get3A_35 : vector<16xi32>
    %jit3A_1279 = arith.constant 1 : i32
    %jit3A_1280 = arith.constant 0 : i32
    %broadcast_in_dim3A_1281 = vector.broadcast %jit3A_1279 : i32 to vector<16xi32>
    %broadcast_in_dim3A_1282 = vector.broadcast %jit3A_1280 : i32 to vector<16xi32>
    %select_n3A_1283 = arith.select %eq3A_1278, %broadcast_in_dim3A_1281, %broadcast_in_dim3A_1282 : vector<16xi1>, vector<16xi32>
    %add3A_1284 = arith.addi %add3A_1264, %select_n3A_1283 : vector<16xi32>
    %get3A_1285 = arith.constant 63 : i32
    %get3A_1286 = arith.index_cast %get3A_1285 : i32 to index
    %get3A_1287 = arith.constant 0 : index
    %get3A_1288 = tpu.vector_load %arg9[%get3A_1286, %get3A_1287] {strides = array<i32>} : memref<101x16xi32, #tpu.memory_space<vmem>>, vector<1x16xi32>,
    %get3A_1289 = vector.shape_cast %get3A_1288 : vector<1x16xi32> to vector<16xi32>
    %gt3A_1290 = arith.constant 0 : i32
    %gt3A_1291 = vector.broadcast %gt3A_1290 : i32 to vector<16xi32>
    %gt3A_1292 = arith.cmpi sgt, %add3A_1284, %gt3A_1291 : vector<16xi32>
    %select_n3A_1293 = arith.select %gt3A_1292, %get3A_1289, %get3A_1269 : vector<16xi1>, vector<16xi32>
    %swap3A_1294 = arith.constant 1008 : index
    %swap3A_1295 = tpu.vector_load %arg11[%swap3A_1294] {strides = array<i32>} : memref<1616xi32, #tpu.memory_space<vmem>>, vector<16xi32>,
    %swap3A_1296 = vector.shape_cast %swap3A_1295 : vector<16xi32> to vector<16xi32>
    %swap3A_1297 = vector.shape_cast %select_n3A_1293 : vector<16xi32> to vector<16xi32>
    tpu.vector_store %arg11[%swap3A_1294], %swap3A_1297 {strides = array<i32>} : memref<1616xi32, #tpu.memory_space<vmem>>, vector<16xi32>,
    %eq3A_1298 = arith.cmpi eq, %get3A_1289, %get3A_35 : vector<16xi32>
    %jit3A_1299 = arith.constant 1 : i32
    %jit3A_1300 = arith.constant 0 : i32
    %broadcast_in_dim3A_1301 = vector.broadcast %jit3A_1299 : i32 to vector<16xi32>
    %broadcast_in_dim3A_1302 = vector.broadcast %jit3A_1300 : i32 to vector<16xi32>
    %select_n3A_1303 = arith.select %eq3A_1298, %broadcast_in_dim3A_1301, %broadcast_in_dim3A_1302 : vector<16xi1>, vector<16xi32>
    %add3A_1304 = arith.addi %add3A_1284, %select_n3A_1303 : vector<16xi32>
    %get3A_1305 = arith.constant 64 : i32
    %get3A_1306 = arith.index_cast %get3A_1305 : i32 to index
    %get3A_1307 = arith.constant 0 : index
    %get3A_1308 = tpu.vector_load %arg9[%get3A_1306, %get3A_1307] {strides = array<i32>} : memref<101x16xi32, #tpu.memory_space<vmem>>, vector<1x16xi32>,
    %get3A_1309 = vector.shape_cast %get3A_1308 : vector<1x16xi32> to vector<16xi32>
    %gt3A_1310 = arith.constant 0 : i32
    %gt3A_1311 = vector.broadcast %gt3A_1310 : i32 to vector<16xi32>
    %gt3A_1312 = arith.cmpi sgt, %add3A_1304, %gt3A_1311 : vector<16xi32>
    %select_n3A_1313 = arith.select %gt3A_1312, %get3A_1309, %get3A_1289 : vector<16xi1>, vector<16xi32>
    %swap3A_1314 = arith.constant 1024 : index
    %swap3A_1315 = tpu.vector_load %arg11[%swap3A_1314] {strides = array<i32>} : memref<1616xi32, #tpu.memory_space<vmem>>, vector<16xi32>,
    %swap3A_1316 = vector.shape_cast %swap3A_1315 : vector<16xi32> to vector<16xi32>
    %swap3A_1317 = vector.shape_cast %select_n3A_1313 : vector<16xi32> to vector<16xi32>
    tpu.vector_store %arg11[%swap3A_1314], %swap3A_1317 {strides = array<i32>} : memref<1616xi32, #tpu.memory_space<vmem>>, vector<16xi32>,
    %eq3A_1318 = arith.cmpi eq, %get3A_1309, %get3A_35 : vector<16xi32>
    %jit3A_1319 = arith.constant 1 : i32
    %jit3A_1320 = arith.constant 0 : i32
    %broadcast_in_dim3A_1321 = vector.broadcast %jit3A_1319 : i32 to vector<16xi32>
    %broadcast_in_dim3A_1322 = vector.broadcast %jit3A_1320 : i32 to vector<16xi32>
    %select_n3A_1323 = arith.select %eq3A_1318, %broadcast_in_dim3A_1321, %broadcast_in_dim3A_1322 : vector<16xi1>, vector<16xi32>
    %add3A_1324 = arith.addi %add3A_1304, %select_n3A_1323 : vector<16xi32>
    %get3A_1325 = arith.constant 65 : i32
    %get3A_1326 = arith.index_cast %get3A_1325 : i32 to index
    %get3A_1327 = arith.constant 0 : index
    %get3A_1328 = tpu.vector_load %arg9[%get3A_1326, %get3A_1327] {strides = array<i32>} : memref<101x16xi32, #tpu.memory_space<vmem>>, vector<1x16xi32>,
    %get3A_1329 = vector.shape_cast %get3A_1328 : vector<1x16xi32> to vector<16xi32>
    %gt3A_1330 = arith.constant 0 : i32
    %gt3A_1331 = vector.broadcast %gt3A_1330 : i32 to vector<16xi32>
    %gt3A_1332 = arith.cmpi sgt, %add3A_1324, %gt3A_1331 : vector<16xi32>
    %select_n3A_1333 = arith.select %gt3A_1332, %get3A_1329, %get3A_1309 : vector<16xi1>, vector<16xi32>
    %swap3A_1334 = arith.constant 1040 : index
    %swap3A_1335 = tpu.vector_load %arg11[%swap3A_1334] {strides = array<i32>} : memref<1616xi32, #tpu.memory_space<vmem>>, vector<16xi32>,
    %swap3A_1336 = vector.shape_cast %swap3A_1335 : vector<16xi32> to vector<16xi32>
    %swap3A_1337 = vector.shape_cast %select_n3A_1333 : vector<16xi32> to vector<16xi32>
    tpu.vector_store %arg11[%swap3A_1334], %swap3A_1337 {strides = array<i32>} : memref<1616xi32, #tpu.memory_space<vmem>>, vector<16xi32>,
    %eq3A_1338 = arith.cmpi eq, %get3A_1329, %get3A_35 : vector<16xi32>
    %jit3A_1339 = arith.constant 1 : i32
    %jit3A_1340 = arith.constant 0 : i32
    %broadcast_in_dim3A_1341 = vector.broadcast %jit3A_1339 : i32 to vector<16xi32>
    %broadcast_in_dim3A_1342 = vector.broadcast %jit3A_1340 : i32 to vector<16xi32>
    %select_n3A_1343 = arith.select %eq3A_1338, %broadcast_in_dim3A_1341, %broadcast_in_dim3A_1342 : vector<16xi1>, vector<16xi32>
    %add3A_1344 = arith.addi %add3A_1324, %select_n3A_1343 : vector<16xi32>
    %get3A_1345 = arith.constant 66 : i32
    %get3A_1346 = arith.index_cast %get3A_1345 : i32 to index
    %get3A_1347 = arith.constant 0 : index
    %get3A_1348 = tpu.vector_load %arg9[%get3A_1346, %get3A_1347] {strides = array<i32>} : memref<101x16xi32, #tpu.memory_space<vmem>>, vector<1x16xi32>,
    %get3A_1349 = vector.shape_cast %get3A_1348 : vector<1x16xi32> to vector<16xi32>
    %gt3A_1350 = arith.constant 0 : i32
    %gt3A_1351 = vector.broadcast %gt3A_1350 : i32 to vector<16xi32>
    %gt3A_1352 = arith.cmpi sgt, %add3A_1344, %gt3A_1351 : vector<16xi32>
    %select_n3A_1353 = arith.select %gt3A_1352, %get3A_1349, %get3A_1329 : vector<16xi1>, vector<16xi32>
    %swap3A_1354 = arith.constant 1056 : index
    %swap3A_1355 = tpu.vector_load %arg11[%swap3A_1354] {strides = array<i32>} : memref<1616xi32, #tpu.memory_space<vmem>>, vector<16xi32>,
    %swap3A_1356 = vector.shape_cast %swap3A_1355 : vector<16xi32> to vector<16xi32>
    %swap3A_1357 = vector.shape_cast %select_n3A_1353 : vector<16xi32> to vector<16xi32>
    tpu.vector_store %arg11[%swap3A_1354], %swap3A_1357 {strides = array<i32>} : memref<1616xi32, #tpu.memory_space<vmem>>, vector<16xi32>,
    %eq3A_1358 = arith.cmpi eq, %get3A_1349, %get3A_35 : vector<16xi32>
    %jit3A_1359 = arith.constant 1 : i32
    %jit3A_1360 = arith.constant 0 : i32
    %broadcast_in_dim3A_1361 = vector.broadcast %jit3A_1359 : i32 to vector<16xi32>
    %broadcast_in_dim3A_1362 = vector.broadcast %jit3A_1360 : i32 to vector<16xi32>
    %select_n3A_1363 = arith.select %eq3A_1358, %broadcast_in_dim3A_1361, %broadcast_in_dim3A_1362 : vector<16xi1>, vector<16xi32>
    %add3A_1364 = arith.addi %add3A_1344, %select_n3A_1363 : vector<16xi32>
    %get3A_1365 = arith.constant 67 : i32
    %get3A_1366 = arith.index_cast %get3A_1365 : i32 to index
    %get3A_1367 = arith.constant 0 : index
    %get3A_1368 = tpu.vector_load %arg9[%get3A_1366, %get3A_1367] {strides = array<i32>} : memref<101x16xi32, #tpu.memory_space<vmem>>, vector<1x16xi32>,
    %get3A_1369 = vector.shape_cast %get3A_1368 : vector<1x16xi32> to vector<16xi32>
    %gt3A_1370 = arith.constant 0 : i32
    %gt3A_1371 = vector.broadcast %gt3A_1370 : i32 to vector<16xi32>
    %gt3A_1372 = arith.cmpi sgt, %add3A_1364, %gt3A_1371 : vector<16xi32>
    %select_n3A_1373 = arith.select %gt3A_1372, %get3A_1369, %get3A_1349 : vector<16xi1>, vector<16xi32>
    %swap3A_1374 = arith.constant 1072 : index
    %swap3A_1375 = tpu.vector_load %arg11[%swap3A_1374] {strides = array<i32>} : memref<1616xi32, #tpu.memory_space<vmem>>, vector<16xi32>,
    %swap3A_1376 = vector.shape_cast %swap3A_1375 : vector<16xi32> to vector<16xi32>
    %swap3A_1377 = vector.shape_cast %select_n3A_1373 : vector<16xi32> to vector<16xi32>
    tpu.vector_store %arg11[%swap3A_1374], %swap3A_1377 {strides = array<i32>} : memref<1616xi32, #tpu.memory_space<vmem>>, vector<16xi32>,
    %eq3A_1378 = arith.cmpi eq, %get3A_1369, %get3A_35 : vector<16xi32>
    %jit3A_1379 = arith.constant 1 : i32
    %jit3A_1380 = arith.constant 0 : i32
    %broadcast_in_dim3A_1381 = vector.broadcast %jit3A_1379 : i32 to vector<16xi32>
    %broadcast_in_dim3A_1382 = vector.broadcast %jit3A_1380 : i32 to vector<16xi32>
    %select_n3A_1383 = arith.select %eq3A_1378, %broadcast_in_dim3A_1381, %broadcast_in_dim3A_1382 : vector<16xi1>, vector<16xi32>
    %add3A_1384 = arith.addi %add3A_1364, %select_n3A_1383 : vector<16xi32>
    %get3A_1385 = arith.constant 68 : i32
    %get3A_1386 = arith.index_cast %get3A_1385 : i32 to index
    %get3A_1387 = arith.constant 0 : index
    %get3A_1388 = tpu.vector_load %arg9[%get3A_1386, %get3A_1387] {strides = array<i32>} : memref<101x16xi32, #tpu.memory_space<vmem>>, vector<1x16xi32>,
    %get3A_1389 = vector.shape_cast %get3A_1388 : vector<1x16xi32> to vector<16xi32>
    %gt3A_1390 = arith.constant 0 : i32
    %gt3A_1391 = vector.broadcast %gt3A_1390 : i32 to vector<16xi32>
    %gt3A_1392 = arith.cmpi sgt, %add3A_1384, %gt3A_1391 : vector<16xi32>
    %select_n3A_1393 = arith.select %gt3A_1392, %get3A_1389, %get3A_1369 : vector<16xi1>, vector<16xi32>
    %swap3A_1394 = arith.constant 1088 : index
    %swap3A_1395 = tpu.vector_load %arg11[%swap3A_1394] {strides = array<i32>} : memref<1616xi32, #tpu.memory_space<vmem>>, vector<16xi32>,
    %swap3A_1396 = vector.shape_cast %swap3A_1395 : vector<16xi32> to vector<16xi32>
    %swap3A_1397 = vector.shape_cast %select_n3A_1393 : vector<16xi32> to vector<16xi32>
    tpu.vector_store %arg11[%swap3A_1394], %swap3A_1397 {strides = array<i32>} : memref<1616xi32, #tpu.memory_space<vmem>>, vector<16xi32>,
    %eq3A_1398 = arith.cmpi eq, %get3A_1389, %get3A_35 : vector<16xi32>
    %jit3A_1399 = arith.constant 1 : i32
    %jit3A_1400 = arith.constant 0 : i32
    %broadcast_in_dim3A_1401 = vector.broadcast %jit3A_1399 : i32 to vector<16xi32>
    %broadcast_in_dim3A_1402 = vector.broadcast %jit3A_1400 : i32 to vector<16xi32>
    %select_n3A_1403 = arith.select %eq3A_1398, %broadcast_in_dim3A_1401, %broadcast_in_dim3A_1402 : vector<16xi1>, vector<16xi32>
    %add3A_1404 = arith.addi %add3A_1384, %select_n3A_1403 : vector<16xi32>
    %get3A_1405 = arith.constant 69 : i32
    %get3A_1406 = arith.index_cast %get3A_1405 : i32 to index
    %get3A_1407 = arith.constant 0 : index
    %get3A_1408 = tpu.vector_load %arg9[%get3A_1406, %get3A_1407] {strides = array<i32>} : memref<101x16xi32, #tpu.memory_space<vmem>>, vector<1x16xi32>,
    %get3A_1409 = vector.shape_cast %get3A_1408 : vector<1x16xi32> to vector<16xi32>
    %gt3A_1410 = arith.constant 0 : i32
    %gt3A_1411 = vector.broadcast %gt3A_1410 : i32 to vector<16xi32>
    %gt3A_1412 = arith.cmpi sgt, %add3A_1404, %gt3A_1411 : vector<16xi32>
    %select_n3A_1413 = arith.select %gt3A_1412, %get3A_1409, %get3A_1389 : vector<16xi1>, vector<16xi32>
    %swap3A_1414 = arith.constant 1104 : index
    %swap3A_1415 = tpu.vector_load %arg11[%swap3A_1414] {strides = array<i32>} : memref<1616xi32, #tpu.memory_space<vmem>>, vector<16xi32>,
    %swap3A_1416 = vector.shape_cast %swap3A_1415 : vector<16xi32> to vector<16xi32>
    %swap3A_1417 = vector.shape_cast %select_n3A_1413 : vector<16xi32> to vector<16xi32>
    tpu.vector_store %arg11[%swap3A_1414], %swap3A_1417 {strides = array<i32>} : memref<1616xi32, #tpu.memory_space<vmem>>, vector<16xi32>,
    %eq3A_1418 = arith.cmpi eq, %get3A_1409, %get3A_35 : vector<16xi32>
    %jit3A_1419 = arith.constant 1 : i32
    %jit3A_1420 = arith.constant 0 : i32
    %broadcast_in_dim3A_1421 = vector.broadcast %jit3A_1419 : i32 to vector<16xi32>
    %broadcast_in_dim3A_1422 = vector.broadcast %jit3A_1420 : i32 to vector<16xi32>
    %select_n3A_1423 = arith.select %eq3A_1418, %broadcast_in_dim3A_1421, %broadcast_in_dim3A_1422 : vector<16xi1>, vector<16xi32>
    %add3A_1424 = arith.addi %add3A_1404, %select_n3A_1423 : vector<16xi32>
    %get3A_1425 = arith.constant 70 : i32
    %get3A_1426 = arith.index_cast %get3A_1425 : i32 to index
    %get3A_1427 = arith.constant 0 : index
    %get3A_1428 = tpu.vector_load %arg9[%get3A_1426, %get3A_1427] {strides = array<i32>} : memref<101x16xi32, #tpu.memory_space<vmem>>, vector<1x16xi32>,
    %get3A_1429 = vector.shape_cast %get3A_1428 : vector<1x16xi32> to vector<16xi32>
    %gt3A_1430 = arith.constant 0 : i32
    %gt3A_1431 = vector.broadcast %gt3A_1430 : i32 to vector<16xi32>
    %gt3A_1432 = arith.cmpi sgt, %add3A_1424, %gt3A_1431 : vector<16xi32>
    %select_n3A_1433 = arith.select %gt3A_1432, %get3A_1429, %get3A_1409 : vector<16xi1>, vector<16xi32>
    %swap3A_1434 = arith.constant 1120 : index
    %swap3A_1435 = tpu.vector_load %arg11[%swap3A_1434] {strides = array<i32>} : memref<1616xi32, #tpu.memory_space<vmem>>, vector<16xi32>,
    %swap3A_1436 = vector.shape_cast %swap3A_1435 : vector<16xi32> to vector<16xi32>
    %swap3A_1437 = vector.shape_cast %select_n3A_1433 : vector<16xi32> to vector<16xi32>
    tpu.vector_store %arg11[%swap3A_1434], %swap3A_1437 {strides = array<i32>} : memref<1616xi32, #tpu.memory_space<vmem>>, vector<16xi32>,
    %eq3A_1438 = arith.cmpi eq, %get3A_1429, %get3A_35 : vector<16xi32>
    %jit3A_1439 = arith.constant 1 : i32
    %jit3A_1440 = arith.constant 0 : i32
    %broadcast_in_dim3A_1441 = vector.broadcast %jit3A_1439 : i32 to vector<16xi32>
    %broadcast_in_dim3A_1442 = vector.broadcast %jit3A_1440 : i32 to vector<16xi32>
    %select_n3A_1443 = arith.select %eq3A_1438, %broadcast_in_dim3A_1441, %broadcast_in_dim3A_1442 : vector<16xi1>, vector<16xi32>
    %add3A_1444 = arith.addi %add3A_1424, %select_n3A_1443 : vector<16xi32>
    %get3A_1445 = arith.constant 71 : i32
    %get3A_1446 = arith.index_cast %get3A_1445 : i32 to index
    %get3A_1447 = arith.constant 0 : index
    %get3A_1448 = tpu.vector_load %arg9[%get3A_1446, %get3A_1447] {strides = array<i32>} : memref<101x16xi32, #tpu.memory_space<vmem>>, vector<1x16xi32>,
    %get3A_1449 = vector.shape_cast %get3A_1448 : vector<1x16xi32> to vector<16xi32>
    %gt3A_1450 = arith.constant 0 : i32
    %gt3A_1451 = vector.broadcast %gt3A_1450 : i32 to vector<16xi32>
    %gt3A_1452 = arith.cmpi sgt, %add3A_1444, %gt3A_1451 : vector<16xi32>
    %select_n3A_1453 = arith.select %gt3A_1452, %get3A_1449, %get3A_1429 : vector<16xi1>, vector<16xi32>
    %swap3A_1454 = arith.constant 1136 : index
    %swap3A_1455 = tpu.vector_load %arg11[%swap3A_1454] {strides = array<i32>} : memref<1616xi32, #tpu.memory_space<vmem>>, vector<16xi32>,
    %swap3A_1456 = vector.shape_cast %swap3A_1455 : vector<16xi32> to vector<16xi32>
    %swap3A_1457 = vector.shape_cast %select_n3A_1453 : vector<16xi32> to vector<16xi32>
    tpu.vector_store %arg11[%swap3A_1454], %swap3A_1457 {strides = array<i32>} : memref<1616xi32, #tpu.memory_space<vmem>>, vector<16xi32>,
    %eq3A_1458 = arith.cmpi eq, %get3A_1449, %get3A_35 : vector<16xi32>
    %jit3A_1459 = arith.constant 1 : i32
    %jit3A_1460 = arith.constant 0 : i32
    %broadcast_in_dim3A_1461 = vector.broadcast %jit3A_1459 : i32 to vector<16xi32>
    %broadcast_in_dim3A_1462 = vector.broadcast %jit3A_1460 : i32 to vector<16xi32>
    %select_n3A_1463 = arith.select %eq3A_1458, %broadcast_in_dim3A_1461, %broadcast_in_dim3A_1462 : vector<16xi1>, vector<16xi32>
    %add3A_1464 = arith.addi %add3A_1444, %select_n3A_1463 : vector<16xi32>
    %get3A_1465 = arith.constant 72 : i32
    %get3A_1466 = arith.index_cast %get3A_1465 : i32 to index
    %get3A_1467 = arith.constant 0 : index
    %get3A_1468 = tpu.vector_load %arg9[%get3A_1466, %get3A_1467] {strides = array<i32>} : memref<101x16xi32, #tpu.memory_space<vmem>>, vector<1x16xi32>,
    %get3A_1469 = vector.shape_cast %get3A_1468 : vector<1x16xi32> to vector<16xi32>
    %gt3A_1470 = arith.constant 0 : i32
    %gt3A_1471 = vector.broadcast %gt3A_1470 : i32 to vector<16xi32>
    %gt3A_1472 = arith.cmpi sgt, %add3A_1464, %gt3A_1471 : vector<16xi32>
    %select_n3A_1473 = arith.select %gt3A_1472, %get3A_1469, %get3A_1449 : vector<16xi1>, vector<16xi32>
    %swap3A_1474 = arith.constant 1152 : index
    %swap3A_1475 = tpu.vector_load %arg11[%swap3A_1474] {strides = array<i32>} : memref<1616xi32, #tpu.memory_space<vmem>>, vector<16xi32>,
    %swap3A_1476 = vector.shape_cast %swap3A_1475 : vector<16xi32> to vector<16xi32>
    %swap3A_1477 = vector.shape_cast %select_n3A_1473 : vector<16xi32> to vector<16xi32>
    tpu.vector_store %arg11[%swap3A_1474], %swap3A_1477 {strides = array<i32>} : memref<1616xi32, #tpu.memory_space<vmem>>, vector<16xi32>,
    %eq3A_1478 = arith.cmpi eq, %get3A_1469, %get3A_35 : vector<16xi32>
    %jit3A_1479 = arith.constant 1 : i32
    %jit3A_1480 = arith.constant 0 : i32
    %broadcast_in_dim3A_1481 = vector.broadcast %jit3A_1479 : i32 to vector<16xi32>
    %broadcast_in_dim3A_1482 = vector.broadcast %jit3A_1480 : i32 to vector<16xi32>
    %select_n3A_1483 = arith.select %eq3A_1478, %broadcast_in_dim3A_1481, %broadcast_in_dim3A_1482 : vector<16xi1>, vector<16xi32>
    %add3A_1484 = arith.addi %add3A_1464, %select_n3A_1483 : vector<16xi32>
    %get3A_1485 = arith.constant 73 : i32
    %get3A_1486 = arith.index_cast %get3A_1485 : i32 to index
    %get3A_1487 = arith.constant 0 : index
    %get3A_1488 = tpu.vector_load %arg9[%get3A_1486, %get3A_1487] {strides = array<i32>} : memref<101x16xi32, #tpu.memory_space<vmem>>, vector<1x16xi32>,
    %get3A_1489 = vector.shape_cast %get3A_1488 : vector<1x16xi32> to vector<16xi32>
    %gt3A_1490 = arith.constant 0 : i32
    %gt3A_1491 = vector.broadcast %gt3A_1490 : i32 to vector<16xi32>
    %gt3A_1492 = arith.cmpi sgt, %add3A_1484, %gt3A_1491 : vector<16xi32>
    %select_n3A_1493 = arith.select %gt3A_1492, %get3A_1489, %get3A_1469 : vector<16xi1>, vector<16xi32>
    %swap3A_1494 = arith.constant 1168 : index
    %swap3A_1495 = tpu.vector_load %arg11[%swap3A_1494] {strides = array<i32>} : memref<1616xi32, #tpu.memory_space<vmem>>, vector<16xi32>,
    %swap3A_1496 = vector.shape_cast %swap3A_1495 : vector<16xi32> to vector<16xi32>
    %swap3A_1497 = vector.shape_cast %select_n3A_1493 : vector<16xi32> to vector<16xi32>
    tpu.vector_store %arg11[%swap3A_1494], %swap3A_1497 {strides = array<i32>} : memref<1616xi32, #tpu.memory_space<vmem>>, vector<16xi32>,
    %eq3A_1498 = arith.cmpi eq, %get3A_1489, %get3A_35 : vector<16xi32>
    %jit3A_1499 = arith.constant 1 : i32
    %jit3A_1500 = arith.constant 0 : i32
    %broadcast_in_dim3A_1501 = vector.broadcast %jit3A_1499 : i32 to vector<16xi32>
    %broadcast_in_dim3A_1502 = vector.broadcast %jit3A_1500 : i32 to vector<16xi32>
    %select_n3A_1503 = arith.select %eq3A_1498, %broadcast_in_dim3A_1501, %broadcast_in_dim3A_1502 : vector<16xi1>, vector<16xi32>
    %add3A_1504 = arith.addi %add3A_1484, %select_n3A_1503 : vector<16xi32>
    %get3A_1505 = arith.constant 74 : i32
    %get3A_1506 = arith.index_cast %get3A_1505 : i32 to index
    %get3A_1507 = arith.constant 0 : index
    %get3A_1508 = tpu.vector_load %arg9[%get3A_1506, %get3A_1507] {strides = array<i32>} : memref<101x16xi32, #tpu.memory_space<vmem>>, vector<1x16xi32>,
    %get3A_1509 = vector.shape_cast %get3A_1508 : vector<1x16xi32> to vector<16xi32>
    %gt3A_1510 = arith.constant 0 : i32
    %gt3A_1511 = vector.broadcast %gt3A_1510 : i32 to vector<16xi32>
    %gt3A_1512 = arith.cmpi sgt, %add3A_1504, %gt3A_1511 : vector<16xi32>
    %select_n3A_1513 = arith.select %gt3A_1512, %get3A_1509, %get3A_1489 : vector<16xi1>, vector<16xi32>
    %swap3A_1514 = arith.constant 1184 : index
    %swap3A_1515 = tpu.vector_load %arg11[%swap3A_1514] {strides = array<i32>} : memref<1616xi32, #tpu.memory_space<vmem>>, vector<16xi32>,
    %swap3A_1516 = vector.shape_cast %swap3A_1515 : vector<16xi32> to vector<16xi32>
    %swap3A_1517 = vector.shape_cast %select_n3A_1513 : vector<16xi32> to vector<16xi32>
    tpu.vector_store %arg11[%swap3A_1514], %swap3A_1517 {strides = array<i32>} : memref<1616xi32, #tpu.memory_space<vmem>>, vector<16xi32>,
    %eq3A_1518 = arith.cmpi eq, %get3A_1509, %get3A_35 : vector<16xi32>
    %jit3A_1519 = arith.constant 1 : i32
    %jit3A_1520 = arith.constant 0 : i32
    %broadcast_in_dim3A_1521 = vector.broadcast %jit3A_1519 : i32 to vector<16xi32>
    %broadcast_in_dim3A_1522 = vector.broadcast %jit3A_1520 : i32 to vector<16xi32>
    %select_n3A_1523 = arith.select %eq3A_1518, %broadcast_in_dim3A_1521, %broadcast_in_dim3A_1522 : vector<16xi1>, vector<16xi32>
    %add3A_1524 = arith.addi %add3A_1504, %select_n3A_1523 : vector<16xi32>
    %get3A_1525 = arith.constant 75 : i32
    %get3A_1526 = arith.index_cast %get3A_1525 : i32 to index
    %get3A_1527 = arith.constant 0 : index
    %get3A_1528 = tpu.vector_load %arg9[%get3A_1526, %get3A_1527] {strides = array<i32>} : memref<101x16xi32, #tpu.memory_space<vmem>>, vector<1x16xi32>,
    %get3A_1529 = vector.shape_cast %get3A_1528 : vector<1x16xi32> to vector<16xi32>
    %gt3A_1530 = arith.constant 0 : i32
    %gt3A_1531 = vector.broadcast %gt3A_1530 : i32 to vector<16xi32>
    %gt3A_1532 = arith.cmpi sgt, %add3A_1524, %gt3A_1531 : vector<16xi32>
    %select_n3A_1533 = arith.select %gt3A_1532, %get3A_1529, %get3A_1509 : vector<16xi1>, vector<16xi32>
    %swap3A_1534 = arith.constant 1200 : index
    %swap3A_1535 = tpu.vector_load %arg11[%swap3A_1534] {strides = array<i32>} : memref<1616xi32, #tpu.memory_space<vmem>>, vector<16xi32>,
    %swap3A_1536 = vector.shape_cast %swap3A_1535 : vector<16xi32> to vector<16xi32>
    %swap3A_1537 = vector.shape_cast %select_n3A_1533 : vector<16xi32> to vector<16xi32>
    tpu.vector_store %arg11[%swap3A_1534], %swap3A_1537 {strides = array<i32>} : memref<1616xi32, #tpu.memory_space<vmem>>, vector<16xi32>,
    %eq3A_1538 = arith.cmpi eq, %get3A_1529, %get3A_35 : vector<16xi32>
    %jit3A_1539 = arith.constant 1 : i32
    %jit3A_1540 = arith.constant 0 : i32
    %broadcast_in_dim3A_1541 = vector.broadcast %jit3A_1539 : i32 to vector<16xi32>
    %broadcast_in_dim3A_1542 = vector.broadcast %jit3A_1540 : i32 to vector<16xi32>
    %select_n3A_1543 = arith.select %eq3A_1538, %broadcast_in_dim3A_1541, %broadcast_in_dim3A_1542 : vector<16xi1>, vector<16xi32>
    %add3A_1544 = arith.addi %add3A_1524, %select_n3A_1543 : vector<16xi32>
    %get3A_1545 = arith.constant 76 : i32
    %get3A_1546 = arith.index_cast %get3A_1545 : i32 to index
    %get3A_1547 = arith.constant 0 : index
    %get3A_1548 = tpu.vector_load %arg9[%get3A_1546, %get3A_1547] {strides = array<i32>} : memref<101x16xi32, #tpu.memory_space<vmem>>, vector<1x16xi32>,
    %get3A_1549 = vector.shape_cast %get3A_1548 : vector<1x16xi32> to vector<16xi32>
    %gt3A_1550 = arith.constant 0 : i32
    %gt3A_1551 = vector.broadcast %gt3A_1550 : i32 to vector<16xi32>
    %gt3A_1552 = arith.cmpi sgt, %add3A_1544, %gt3A_1551 : vector<16xi32>
    %select_n3A_1553 = arith.select %gt3A_1552, %get3A_1549, %get3A_1529 : vector<16xi1>, vector<16xi32>
    %swap3A_1554 = arith.constant 1216 : index
    %swap3A_1555 = tpu.vector_load %arg11[%swap3A_1554] {strides = array<i32>} : memref<1616xi32, #tpu.memory_space<vmem>>, vector<16xi32>,
    %swap3A_1556 = vector.shape_cast %swap3A_1555 : vector<16xi32> to vector<16xi32>
    %swap3A_1557 = vector.shape_cast %select_n3A_1553 : vector<16xi32> to vector<16xi32>
    tpu.vector_store %arg11[%swap3A_1554], %swap3A_1557 {strides = array<i32>} : memref<1616xi32, #tpu.memory_space<vmem>>, vector<16xi32>,
    %eq3A_1558 = arith.cmpi eq, %get3A_1549, %get3A_35 : vector<16xi32>
    %jit3A_1559 = arith.constant 1 : i32
    %jit3A_1560 = arith.constant 0 : i32
    %broadcast_in_dim3A_1561 = vector.broadcast %jit3A_1559 : i32 to vector<16xi32>
    %broadcast_in_dim3A_1562 = vector.broadcast %jit3A_1560 : i32 to vector<16xi32>
    %select_n3A_1563 = arith.select %eq3A_1558, %broadcast_in_dim3A_1561, %broadcast_in_dim3A_1562 : vector<16xi1>, vector<16xi32>
    %add3A_1564 = arith.addi %add3A_1544, %select_n3A_1563 : vector<16xi32>
    %get3A_1565 = arith.constant 77 : i32
    %get3A_1566 = arith.index_cast %get3A_1565 : i32 to index
    %get3A_1567 = arith.constant 0 : index
    %get3A_1568 = tpu.vector_load %arg9[%get3A_1566, %get3A_1567] {strides = array<i32>} : memref<101x16xi32, #tpu.memory_space<vmem>>, vector<1x16xi32>,
    %get3A_1569 = vector.shape_cast %get3A_1568 : vector<1x16xi32> to vector<16xi32>
    %gt3A_1570 = arith.constant 0 : i32
    %gt3A_1571 = vector.broadcast %gt3A_1570 : i32 to vector<16xi32>
    %gt3A_1572 = arith.cmpi sgt, %add3A_1564, %gt3A_1571 : vector<16xi32>
    %select_n3A_1573 = arith.select %gt3A_1572, %get3A_1569, %get3A_1549 : vector<16xi1>, vector<16xi32>
    %swap3A_1574 = arith.constant 1232 : index
    %swap3A_1575 = tpu.vector_load %arg11[%swap3A_1574] {strides = array<i32>} : memref<1616xi32, #tpu.memory_space<vmem>>, vector<16xi32>,
    %swap3A_1576 = vector.shape_cast %swap3A_1575 : vector<16xi32> to vector<16xi32>
    %swap3A_1577 = vector.shape_cast %select_n3A_1573 : vector<16xi32> to vector<16xi32>
    tpu.vector_store %arg11[%swap3A_1574], %swap3A_1577 {strides = array<i32>} : memref<1616xi32, #tpu.memory_space<vmem>>, vector<16xi32>,
    %eq3A_1578 = arith.cmpi eq, %get3A_1569, %get3A_35 : vector<16xi32>
    %jit3A_1579 = arith.constant 1 : i32
    %jit3A_1580 = arith.constant 0 : i32
    %broadcast_in_dim3A_1581 = vector.broadcast %jit3A_1579 : i32 to vector<16xi32>
    %broadcast_in_dim3A_1582 = vector.broadcast %jit3A_1580 : i32 to vector<16xi32>
    %select_n3A_1583 = arith.select %eq3A_1578, %broadcast_in_dim3A_1581, %broadcast_in_dim3A_1582 : vector<16xi1>, vector<16xi32>
    %add3A_1584 = arith.addi %add3A_1564, %select_n3A_1583 : vector<16xi32>
    %get3A_1585 = arith.constant 78 : i32
    %get3A_1586 = arith.index_cast %get3A_1585 : i32 to index
    %get3A_1587 = arith.constant 0 : index
    %get3A_1588 = tpu.vector_load %arg9[%get3A_1586, %get3A_1587] {strides = array<i32>} : memref<101x16xi32, #tpu.memory_space<vmem>>, vector<1x16xi32>,
    %get3A_1589 = vector.shape_cast %get3A_1588 : vector<1x16xi32> to vector<16xi32>
    %gt3A_1590 = arith.constant 0 : i32
    %gt3A_1591 = vector.broadcast %gt3A_1590 : i32 to vector<16xi32>
    %gt3A_1592 = arith.cmpi sgt, %add3A_1584, %gt3A_1591 : vector<16xi32>
    %select_n3A_1593 = arith.select %gt3A_1592, %get3A_1589, %get3A_1569 : vector<16xi1>, vector<16xi32>
    %swap3A_1594 = arith.constant 1248 : index
    %swap3A_1595 = tpu.vector_load %arg11[%swap3A_1594] {strides = array<i32>} : memref<1616xi32, #tpu.memory_space<vmem>>, vector<16xi32>,
    %swap3A_1596 = vector.shape_cast %swap3A_1595 : vector<16xi32> to vector<16xi32>
    %swap3A_1597 = vector.shape_cast %select_n3A_1593 : vector<16xi32> to vector<16xi32>
    tpu.vector_store %arg11[%swap3A_1594], %swap3A_1597 {strides = array<i32>} : memref<1616xi32, #tpu.memory_space<vmem>>, vector<16xi32>,
    %eq3A_1598 = arith.cmpi eq, %get3A_1589, %get3A_35 : vector<16xi32>
    %jit3A_1599 = arith.constant 1 : i32
    %jit3A_1600 = arith.constant 0 : i32
    %broadcast_in_dim3A_1601 = vector.broadcast %jit3A_1599 : i32 to vector<16xi32>
    %broadcast_in_dim3A_1602 = vector.broadcast %jit3A_1600 : i32 to vector<16xi32>
    %select_n3A_1603 = arith.select %eq3A_1598, %broadcast_in_dim3A_1601, %broadcast_in_dim3A_1602 : vector<16xi1>, vector<16xi32>
    %add3A_1604 = arith.addi %add3A_1584, %select_n3A_1603 : vector<16xi32>
    %get3A_1605 = arith.constant 79 : i32
    %get3A_1606 = arith.index_cast %get3A_1605 : i32 to index
    %get3A_1607 = arith.constant 0 : index
    %get3A_1608 = tpu.vector_load %arg9[%get3A_1606, %get3A_1607] {strides = array<i32>} : memref<101x16xi32, #tpu.memory_space<vmem>>, vector<1x16xi32>,
    %get3A_1609 = vector.shape_cast %get3A_1608 : vector<1x16xi32> to vector<16xi32>
    %gt3A_1610 = arith.constant 0 : i32
    %gt3A_1611 = vector.broadcast %gt3A_1610 : i32 to vector<16xi32>
    %gt3A_1612 = arith.cmpi sgt, %add3A_1604, %gt3A_1611 : vector<16xi32>
    %select_n3A_1613 = arith.select %gt3A_1612, %get3A_1609, %get3A_1589 : vector<16xi1>, vector<16xi32>
    %swap3A_1614 = arith.constant 1264 : index
    %swap3A_1615 = tpu.vector_load %arg11[%swap3A_1614] {strides = array<i32>} : memref<1616xi32, #tpu.memory_space<vmem>>, vector<16xi32>,
    %swap3A_1616 = vector.shape_cast %swap3A_1615 : vector<16xi32> to vector<16xi32>
    %swap3A_1617 = vector.shape_cast %select_n3A_1613 : vector<16xi32> to vector<16xi32>
    tpu.vector_store %arg11[%swap3A_1614], %swap3A_1617 {strides = array<i32>} : memref<1616xi32, #tpu.memory_space<vmem>>, vector<16xi32>,
    %eq3A_1618 = arith.cmpi eq, %get3A_1609, %get3A_35 : vector<16xi32>
    %jit3A_1619 = arith.constant 1 : i32
    %jit3A_1620 = arith.constant 0 : i32
    %broadcast_in_dim3A_1621 = vector.broadcast %jit3A_1619 : i32 to vector<16xi32>
    %broadcast_in_dim3A_1622 = vector.broadcast %jit3A_1620 : i32 to vector<16xi32>
    %select_n3A_1623 = arith.select %eq3A_1618, %broadcast_in_dim3A_1621, %broadcast_in_dim3A_1622 : vector<16xi1>, vector<16xi32>
    %add3A_1624 = arith.addi %add3A_1604, %select_n3A_1623 : vector<16xi32>
    %get3A_1625 = arith.constant 80 : i32
    %get3A_1626 = arith.index_cast %get3A_1625 : i32 to index
    %get3A_1627 = arith.constant 0 : index
    %get3A_1628 = tpu.vector_load %arg9[%get3A_1626, %get3A_1627] {strides = array<i32>} : memref<101x16xi32, #tpu.memory_space<vmem>>, vector<1x16xi32>,
    %get3A_1629 = vector.shape_cast %get3A_1628 : vector<1x16xi32> to vector<16xi32>
    %gt3A_1630 = arith.constant 0 : i32
    %gt3A_1631 = vector.broadcast %gt3A_1630 : i32 to vector<16xi32>
    %gt3A_1632 = arith.cmpi sgt, %add3A_1624, %gt3A_1631 : vector<16xi32>
    %select_n3A_1633 = arith.select %gt3A_1632, %get3A_1629, %get3A_1609 : vector<16xi1>, vector<16xi32>
    %swap3A_1634 = arith.constant 1280 : index
    %swap3A_1635 = tpu.vector_load %arg11[%swap3A_1634] {strides = array<i32>} : memref<1616xi32, #tpu.memory_space<vmem>>, vector<16xi32>,
    %swap3A_1636 = vector.shape_cast %swap3A_1635 : vector<16xi32> to vector<16xi32>
    %swap3A_1637 = vector.shape_cast %select_n3A_1633 : vector<16xi32> to vector<16xi32>
    tpu.vector_store %arg11[%swap3A_1634], %swap3A_1637 {strides = array<i32>} : memref<1616xi32, #tpu.memory_space<vmem>>, vector<16xi32>,
    %eq3A_1638 = arith.cmpi eq, %get3A_1629, %get3A_35 : vector<16xi32>
    %jit3A_1639 = arith.constant 1 : i32
    %jit3A_1640 = arith.constant 0 : i32
    %broadcast_in_dim3A_1641 = vector.broadcast %jit3A_1639 : i32 to vector<16xi32>
    %broadcast_in_dim3A_1642 = vector.broadcast %jit3A_1640 : i32 to vector<16xi32>
    %select_n3A_1643 = arith.select %eq3A_1638, %broadcast_in_dim3A_1641, %broadcast_in_dim3A_1642 : vector<16xi1>, vector<16xi32>
    %add3A_1644 = arith.addi %add3A_1624, %select_n3A_1643 : vector<16xi32>
    %get3A_1645 = arith.constant 81 : i32
    %get3A_1646 = arith.index_cast %get3A_1645 : i32 to index
    %get3A_1647 = arith.constant 0 : index
    %get3A_1648 = tpu.vector_load %arg9[%get3A_1646, %get3A_1647] {strides = array<i32>} : memref<101x16xi32, #tpu.memory_space<vmem>>, vector<1x16xi32>,
    %get3A_1649 = vector.shape_cast %get3A_1648 : vector<1x16xi32> to vector<16xi32>
    %gt3A_1650 = arith.constant 0 : i32
    %gt3A_1651 = vector.broadcast %gt3A_1650 : i32 to vector<16xi32>
    %gt3A_1652 = arith.cmpi sgt, %add3A_1644, %gt3A_1651 : vector<16xi32>
    %select_n3A_1653 = arith.select %gt3A_1652, %get3A_1649, %get3A_1629 : vector<16xi1>, vector<16xi32>
    %swap3A_1654 = arith.constant 1296 : index
    %swap3A_1655 = tpu.vector_load %arg11[%swap3A_1654] {strides = array<i32>} : memref<1616xi32, #tpu.memory_space<vmem>>, vector<16xi32>,
    %swap3A_1656 = vector.shape_cast %swap3A_1655 : vector<16xi32> to vector<16xi32>
    %swap3A_1657 = vector.shape_cast %select_n3A_1653 : vector<16xi32> to vector<16xi32>
    tpu.vector_store %arg11[%swap3A_1654], %swap3A_1657 {strides = array<i32>} : memref<1616xi32, #tpu.memory_space<vmem>>, vector<16xi32>,
    %eq3A_1658 = arith.cmpi eq, %get3A_1649, %get3A_35 : vector<16xi32>
    %jit3A_1659 = arith.constant 1 : i32
    %jit3A_1660 = arith.constant 0 : i32
    %broadcast_in_dim3A_1661 = vector.broadcast %jit3A_1659 : i32 to vector<16xi32>
    %broadcast_in_dim3A_1662 = vector.broadcast %jit3A_1660 : i32 to vector<16xi32>
    %select_n3A_1663 = arith.select %eq3A_1658, %broadcast_in_dim3A_1661, %broadcast_in_dim3A_1662 : vector<16xi1>, vector<16xi32>
    %add3A_1664 = arith.addi %add3A_1644, %select_n3A_1663 : vector<16xi32>
    %get3A_1665 = arith.constant 82 : i32
    %get3A_1666 = arith.index_cast %get3A_1665 : i32 to index
    %get3A_1667 = arith.constant 0 : index
    %get3A_1668 = tpu.vector_load %arg9[%get3A_1666, %get3A_1667] {strides = array<i32>} : memref<101x16xi32, #tpu.memory_space<vmem>>, vector<1x16xi32>,
    %get3A_1669 = vector.shape_cast %get3A_1668 : vector<1x16xi32> to vector<16xi32>
    %gt3A_1670 = arith.constant 0 : i32
    %gt3A_1671 = vector.broadcast %gt3A_1670 : i32 to vector<16xi32>
    %gt3A_1672 = arith.cmpi sgt, %add3A_1664, %gt3A_1671 : vector<16xi32>
    %select_n3A_1673 = arith.select %gt3A_1672, %get3A_1669, %get3A_1649 : vector<16xi1>, vector<16xi32>
    %swap3A_1674 = arith.constant 1312 : index
    %swap3A_1675 = tpu.vector_load %arg11[%swap3A_1674] {strides = array<i32>} : memref<1616xi32, #tpu.memory_space<vmem>>, vector<16xi32>,
    %swap3A_1676 = vector.shape_cast %swap3A_1675 : vector<16xi32> to vector<16xi32>
    %swap3A_1677 = vector.shape_cast %select_n3A_1673 : vector<16xi32> to vector<16xi32>
    tpu.vector_store %arg11[%swap3A_1674], %swap3A_1677 {strides = array<i32>} : memref<1616xi32, #tpu.memory_space<vmem>>, vector<16xi32>,
    %eq3A_1678 = arith.cmpi eq, %get3A_1669, %get3A_35 : vector<16xi32>
    %jit3A_1679 = arith.constant 1 : i32
    %jit3A_1680 = arith.constant 0 : i32
    %broadcast_in_dim3A_1681 = vector.broadcast %jit3A_1679 : i32 to vector<16xi32>
    %broadcast_in_dim3A_1682 = vector.broadcast %jit3A_1680 : i32 to vector<16xi32>
    %select_n3A_1683 = arith.select %eq3A_1678, %broadcast_in_dim3A_1681, %broadcast_in_dim3A_1682 : vector<16xi1>, vector<16xi32>
    %add3A_1684 = arith.addi %add3A_1664, %select_n3A_1683 : vector<16xi32>
    %get3A_1685 = arith.constant 83 : i32
    %get3A_1686 = arith.index_cast %get3A_1685 : i32 to index
    %get3A_1687 = arith.constant 0 : index
    %get3A_1688 = tpu.vector_load %arg9[%get3A_1686, %get3A_1687] {strides = array<i32>} : memref<101x16xi32, #tpu.memory_space<vmem>>, vector<1x16xi32>,
    %get3A_1689 = vector.shape_cast %get3A_1688 : vector<1x16xi32> to vector<16xi32>
    %gt3A_1690 = arith.constant 0 : i32
    %gt3A_1691 = vector.broadcast %gt3A_1690 : i32 to vector<16xi32>
    %gt3A_1692 = arith.cmpi sgt, %add3A_1684, %gt3A_1691 : vector<16xi32>
    %select_n3A_1693 = arith.select %gt3A_1692, %get3A_1689, %get3A_1669 : vector<16xi1>, vector<16xi32>
    %swap3A_1694 = arith.constant 1328 : index
    %swap3A_1695 = tpu.vector_load %arg11[%swap3A_1694] {strides = array<i32>} : memref<1616xi32, #tpu.memory_space<vmem>>, vector<16xi32>,
    %swap3A_1696 = vector.shape_cast %swap3A_1695 : vector<16xi32> to vector<16xi32>
    %swap3A_1697 = vector.shape_cast %select_n3A_1693 : vector<16xi32> to vector<16xi32>
    tpu.vector_store %arg11[%swap3A_1694], %swap3A_1697 {strides = array<i32>} : memref<1616xi32, #tpu.memory_space<vmem>>, vector<16xi32>,
    %eq3A_1698 = arith.cmpi eq, %get3A_1689, %get3A_35 : vector<16xi32>
    %jit3A_1699 = arith.constant 1 : i32
    %jit3A_1700 = arith.constant 0 : i32
    %broadcast_in_dim3A_1701 = vector.broadcast %jit3A_1699 : i32 to vector<16xi32>
    %broadcast_in_dim3A_1702 = vector.broadcast %jit3A_1700 : i32 to vector<16xi32>
    %select_n3A_1703 = arith.select %eq3A_1698, %broadcast_in_dim3A_1701, %broadcast_in_dim3A_1702 : vector<16xi1>, vector<16xi32>
    %add3A_1704 = arith.addi %add3A_1684, %select_n3A_1703 : vector<16xi32>
    %get3A_1705 = arith.constant 84 : i32
    %get3A_1706 = arith.index_cast %get3A_1705 : i32 to index
    %get3A_1707 = arith.constant 0 : index
    %get3A_1708 = tpu.vector_load %arg9[%get3A_1706, %get3A_1707] {strides = array<i32>} : memref<101x16xi32, #tpu.memory_space<vmem>>, vector<1x16xi32>,
    %get3A_1709 = vector.shape_cast %get3A_1708 : vector<1x16xi32> to vector<16xi32>
    %gt3A_1710 = arith.constant 0 : i32
    %gt3A_1711 = vector.broadcast %gt3A_1710 : i32 to vector<16xi32>
    %gt3A_1712 = arith.cmpi sgt, %add3A_1704, %gt3A_1711 : vector<16xi32>
    %select_n3A_1713 = arith.select %gt3A_1712, %get3A_1709, %get3A_1689 : vector<16xi1>, vector<16xi32>
    %swap3A_1714 = arith.constant 1344 : index
    %swap3A_1715 = tpu.vector_load %arg11[%swap3A_1714] {strides = array<i32>} : memref<1616xi32, #tpu.memory_space<vmem>>, vector<16xi32>,
    %swap3A_1716 = vector.shape_cast %swap3A_1715 : vector<16xi32> to vector<16xi32>
    %swap3A_1717 = vector.shape_cast %select_n3A_1713 : vector<16xi32> to vector<16xi32>
    tpu.vector_store %arg11[%swap3A_1714], %swap3A_1717 {strides = array<i32>} : memref<1616xi32, #tpu.memory_space<vmem>>, vector<16xi32>,
    %eq3A_1718 = arith.cmpi eq, %get3A_1709, %get3A_35 : vector<16xi32>
    %jit3A_1719 = arith.constant 1 : i32
    %jit3A_1720 = arith.constant 0 : i32
    %broadcast_in_dim3A_1721 = vector.broadcast %jit3A_1719 : i32 to vector<16xi32>
    %broadcast_in_dim3A_1722 = vector.broadcast %jit3A_1720 : i32 to vector<16xi32>
    %select_n3A_1723 = arith.select %eq3A_1718, %broadcast_in_dim3A_1721, %broadcast_in_dim3A_1722 : vector<16xi1>, vector<16xi32>
    %add3A_1724 = arith.addi %add3A_1704, %select_n3A_1723 : vector<16xi32>
    %get3A_1725 = arith.constant 85 : i32
    %get3A_1726 = arith.index_cast %get3A_1725 : i32 to index
    %get3A_1727 = arith.constant 0 : index
    %get3A_1728 = tpu.vector_load %arg9[%get3A_1726, %get3A_1727] {strides = array<i32>} : memref<101x16xi32, #tpu.memory_space<vmem>>, vector<1x16xi32>,
    %get3A_1729 = vector.shape_cast %get3A_1728 : vector<1x16xi32> to vector<16xi32>
    %gt3A_1730 = arith.constant 0 : i32
    %gt3A_1731 = vector.broadcast %gt3A_1730 : i32 to vector<16xi32>
    %gt3A_1732 = arith.cmpi sgt, %add3A_1724, %gt3A_1731 : vector<16xi32>
    %select_n3A_1733 = arith.select %gt3A_1732, %get3A_1729, %get3A_1709 : vector<16xi1>, vector<16xi32>
    %swap3A_1734 = arith.constant 1360 : index
    %swap3A_1735 = tpu.vector_load %arg11[%swap3A_1734] {strides = array<i32>} : memref<1616xi32, #tpu.memory_space<vmem>>, vector<16xi32>,
    %swap3A_1736 = vector.shape_cast %swap3A_1735 : vector<16xi32> to vector<16xi32>
    %swap3A_1737 = vector.shape_cast %select_n3A_1733 : vector<16xi32> to vector<16xi32>
    tpu.vector_store %arg11[%swap3A_1734], %swap3A_1737 {strides = array<i32>} : memref<1616xi32, #tpu.memory_space<vmem>>, vector<16xi32>,
    %eq3A_1738 = arith.cmpi eq, %get3A_1729, %get3A_35 : vector<16xi32>
    %jit3A_1739 = arith.constant 1 : i32
    %jit3A_1740 = arith.constant 0 : i32
    %broadcast_in_dim3A_1741 = vector.broadcast %jit3A_1739 : i32 to vector<16xi32>
    %broadcast_in_dim3A_1742 = vector.broadcast %jit3A_1740 : i32 to vector<16xi32>
    %select_n3A_1743 = arith.select %eq3A_1738, %broadcast_in_dim3A_1741, %broadcast_in_dim3A_1742 : vector<16xi1>, vector<16xi32>
    %add3A_1744 = arith.addi %add3A_1724, %select_n3A_1743 : vector<16xi32>
    %get3A_1745 = arith.constant 86 : i32
    %get3A_1746 = arith.index_cast %get3A_1745 : i32 to index
    %get3A_1747 = arith.constant 0 : index
    %get3A_1748 = tpu.vector_load %arg9[%get3A_1746, %get3A_1747] {strides = array<i32>} : memref<101x16xi32, #tpu.memory_space<vmem>>, vector<1x16xi32>,
    %get3A_1749 = vector.shape_cast %get3A_1748 : vector<1x16xi32> to vector<16xi32>
    %gt3A_1750 = arith.constant 0 : i32
    %gt3A_1751 = vector.broadcast %gt3A_1750 : i32 to vector<16xi32>
    %gt3A_1752 = arith.cmpi sgt, %add3A_1744, %gt3A_1751 : vector<16xi32>
    %select_n3A_1753 = arith.select %gt3A_1752, %get3A_1749, %get3A_1729 : vector<16xi1>, vector<16xi32>
    %swap3A_1754 = arith.constant 1376 : index
    %swap3A_1755 = tpu.vector_load %arg11[%swap3A_1754] {strides = array<i32>} : memref<1616xi32, #tpu.memory_space<vmem>>, vector<16xi32>,
    %swap3A_1756 = vector.shape_cast %swap3A_1755 : vector<16xi32> to vector<16xi32>
    %swap3A_1757 = vector.shape_cast %select_n3A_1753 : vector<16xi32> to vector<16xi32>
    tpu.vector_store %arg11[%swap3A_1754], %swap3A_1757 {strides = array<i32>} : memref<1616xi32, #tpu.memory_space<vmem>>, vector<16xi32>,
    %eq3A_1758 = arith.cmpi eq, %get3A_1749, %get3A_35 : vector<16xi32>
    %jit3A_1759 = arith.constant 1 : i32
    %jit3A_1760 = arith.constant 0 : i32
    %broadcast_in_dim3A_1761 = vector.broadcast %jit3A_1759 : i32 to vector<16xi32>
    %broadcast_in_dim3A_1762 = vector.broadcast %jit3A_1760 : i32 to vector<16xi32>
    %select_n3A_1763 = arith.select %eq3A_1758, %broadcast_in_dim3A_1761, %broadcast_in_dim3A_1762 : vector<16xi1>, vector<16xi32>
    %add3A_1764 = arith.addi %add3A_1744, %select_n3A_1763 : vector<16xi32>
    %get3A_1765 = arith.constant 87 : i32
    %get3A_1766 = arith.index_cast %get3A_1765 : i32 to index
    %get3A_1767 = arith.constant 0 : index
    %get3A_1768 = tpu.vector_load %arg9[%get3A_1766, %get3A_1767] {strides = array<i32>} : memref<101x16xi32, #tpu.memory_space<vmem>>, vector<1x16xi32>,
    %get3A_1769 = vector.shape_cast %get3A_1768 : vector<1x16xi32> to vector<16xi32>
    %gt3A_1770 = arith.constant 0 : i32
    %gt3A_1771 = vector.broadcast %gt3A_1770 : i32 to vector<16xi32>
    %gt3A_1772 = arith.cmpi sgt, %add3A_1764, %gt3A_1771 : vector<16xi32>
    %select_n3A_1773 = arith.select %gt3A_1772, %get3A_1769, %get3A_1749 : vector<16xi1>, vector<16xi32>
    %swap3A_1774 = arith.constant 1392 : index
    %swap3A_1775 = tpu.vector_load %arg11[%swap3A_1774] {strides = array<i32>} : memref<1616xi32, #tpu.memory_space<vmem>>, vector<16xi32>,
    %swap3A_1776 = vector.shape_cast %swap3A_1775 : vector<16xi32> to vector<16xi32>
    %swap3A_1777 = vector.shape_cast %select_n3A_1773 : vector<16xi32> to vector<16xi32>
    tpu.vector_store %arg11[%swap3A_1774], %swap3A_1777 {strides = array<i32>} : memref<1616xi32, #tpu.memory_space<vmem>>, vector<16xi32>,
    %eq3A_1778 = arith.cmpi eq, %get3A_1769, %get3A_35 : vector<16xi32>
    %jit3A_1779 = arith.constant 1 : i32
    %jit3A_1780 = arith.constant 0 : i32
    %broadcast_in_dim3A_1781 = vector.broadcast %jit3A_1779 : i32 to vector<16xi32>
    %broadcast_in_dim3A_1782 = vector.broadcast %jit3A_1780 : i32 to vector<16xi32>
    %select_n3A_1783 = arith.select %eq3A_1778, %broadcast_in_dim3A_1781, %broadcast_in_dim3A_1782 : vector<16xi1>, vector<16xi32>
    %add3A_1784 = arith.addi %add3A_1764, %select_n3A_1783 : vector<16xi32>
    %get3A_1785 = arith.constant 88 : i32
    %get3A_1786 = arith.index_cast %get3A_1785 : i32 to index
    %get3A_1787 = arith.constant 0 : index
    %get3A_1788 = tpu.vector_load %arg9[%get3A_1786, %get3A_1787] {strides = array<i32>} : memref<101x16xi32, #tpu.memory_space<vmem>>, vector<1x16xi32>,
    %get3A_1789 = vector.shape_cast %get3A_1788 : vector<1x16xi32> to vector<16xi32>
    %gt3A_1790 = arith.constant 0 : i32
    %gt3A_1791 = vector.broadcast %gt3A_1790 : i32 to vector<16xi32>
    %gt3A_1792 = arith.cmpi sgt, %add3A_1784, %gt3A_1791 : vector<16xi32>
    %select_n3A_1793 = arith.select %gt3A_1792, %get3A_1789, %get3A_1769 : vector<16xi1>, vector<16xi32>
    %swap3A_1794 = arith.constant 1408 : index
    %swap3A_1795 = tpu.vector_load %arg11[%swap3A_1794] {strides = array<i32>} : memref<1616xi32, #tpu.memory_space<vmem>>, vector<16xi32>,
    %swap3A_1796 = vector.shape_cast %swap3A_1795 : vector<16xi32> to vector<16xi32>
    %swap3A_1797 = vector.shape_cast %select_n3A_1793 : vector<16xi32> to vector<16xi32>
    tpu.vector_store %arg11[%swap3A_1794], %swap3A_1797 {strides = array<i32>} : memref<1616xi32, #tpu.memory_space<vmem>>, vector<16xi32>,
    %eq3A_1798 = arith.cmpi eq, %get3A_1789, %get3A_35 : vector<16xi32>
    %jit3A_1799 = arith.constant 1 : i32
    %jit3A_1800 = arith.constant 0 : i32
    %broadcast_in_dim3A_1801 = vector.broadcast %jit3A_1799 : i32 to vector<16xi32>
    %broadcast_in_dim3A_1802 = vector.broadcast %jit3A_1800 : i32 to vector<16xi32>
    %select_n3A_1803 = arith.select %eq3A_1798, %broadcast_in_dim3A_1801, %broadcast_in_dim3A_1802 : vector<16xi1>, vector<16xi32>
    %add3A_1804 = arith.addi %add3A_1784, %select_n3A_1803 : vector<16xi32>
    %get3A_1805 = arith.constant 89 : i32
    %get3A_1806 = arith.index_cast %get3A_1805 : i32 to index
    %get3A_1807 = arith.constant 0 : index
    %get3A_1808 = tpu.vector_load %arg9[%get3A_1806, %get3A_1807] {strides = array<i32>} : memref<101x16xi32, #tpu.memory_space<vmem>>, vector<1x16xi32>,
    %get3A_1809 = vector.shape_cast %get3A_1808 : vector<1x16xi32> to vector<16xi32>
    %gt3A_1810 = arith.constant 0 : i32
    %gt3A_1811 = vector.broadcast %gt3A_1810 : i32 to vector<16xi32>
    %gt3A_1812 = arith.cmpi sgt, %add3A_1804, %gt3A_1811 : vector<16xi32>
    %select_n3A_1813 = arith.select %gt3A_1812, %get3A_1809, %get3A_1789 : vector<16xi1>, vector<16xi32>
    %swap3A_1814 = arith.constant 1424 : index
    %swap3A_1815 = tpu.vector_load %arg11[%swap3A_1814] {strides = array<i32>} : memref<1616xi32, #tpu.memory_space<vmem>>, vector<16xi32>,
    %swap3A_1816 = vector.shape_cast %swap3A_1815 : vector<16xi32> to vector<16xi32>
    %swap3A_1817 = vector.shape_cast %select_n3A_1813 : vector<16xi32> to vector<16xi32>
    tpu.vector_store %arg11[%swap3A_1814], %swap3A_1817 {strides = array<i32>} : memref<1616xi32, #tpu.memory_space<vmem>>, vector<16xi32>,
    %eq3A_1818 = arith.cmpi eq, %get3A_1809, %get3A_35 : vector<16xi32>
    %jit3A_1819 = arith.constant 1 : i32
    %jit3A_1820 = arith.constant 0 : i32
    %broadcast_in_dim3A_1821 = vector.broadcast %jit3A_1819 : i32 to vector<16xi32>
    %broadcast_in_dim3A_1822 = vector.broadcast %jit3A_1820 : i32 to vector<16xi32>
    %select_n3A_1823 = arith.select %eq3A_1818, %broadcast_in_dim3A_1821, %broadcast_in_dim3A_1822 : vector<16xi1>, vector<16xi32>
    %add3A_1824 = arith.addi %add3A_1804, %select_n3A_1823 : vector<16xi32>
    %get3A_1825 = arith.constant 90 : i32
    %get3A_1826 = arith.index_cast %get3A_1825 : i32 to index
    %get3A_1827 = arith.constant 0 : index
    %get3A_1828 = tpu.vector_load %arg9[%get3A_1826, %get3A_1827] {strides = array<i32>} : memref<101x16xi32, #tpu.memory_space<vmem>>, vector<1x16xi32>,
    %get3A_1829 = vector.shape_cast %get3A_1828 : vector<1x16xi32> to vector<16xi32>
    %gt3A_1830 = arith.constant 0 : i32
    %gt3A_1831 = vector.broadcast %gt3A_1830 : i32 to vector<16xi32>
    %gt3A_1832 = arith.cmpi sgt, %add3A_1824, %gt3A_1831 : vector<16xi32>
    %select_n3A_1833 = arith.select %gt3A_1832, %get3A_1829, %get3A_1809 : vector<16xi1>, vector<16xi32>
    %swap3A_1834 = arith.constant 1440 : index
    %swap3A_1835 = tpu.vector_load %arg11[%swap3A_1834] {strides = array<i32>} : memref<1616xi32, #tpu.memory_space<vmem>>, vector<16xi32>,
    %swap3A_1836 = vector.shape_cast %swap3A_1835 : vector<16xi32> to vector<16xi32>
    %swap3A_1837 = vector.shape_cast %select_n3A_1833 : vector<16xi32> to vector<16xi32>
    tpu.vector_store %arg11[%swap3A_1834], %swap3A_1837 {strides = array<i32>} : memref<1616xi32, #tpu.memory_space<vmem>>, vector<16xi32>,
    %eq3A_1838 = arith.cmpi eq, %get3A_1829, %get3A_35 : vector<16xi32>
    %jit3A_1839 = arith.constant 1 : i32
    %jit3A_1840 = arith.constant 0 : i32
    %broadcast_in_dim3A_1841 = vector.broadcast %jit3A_1839 : i32 to vector<16xi32>
    %broadcast_in_dim3A_1842 = vector.broadcast %jit3A_1840 : i32 to vector<16xi32>
    %select_n3A_1843 = arith.select %eq3A_1838, %broadcast_in_dim3A_1841, %broadcast_in_dim3A_1842 : vector<16xi1>, vector<16xi32>
    %add3A_1844 = arith.addi %add3A_1824, %select_n3A_1843 : vector<16xi32>
    %get3A_1845 = arith.constant 91 : i32
    %get3A_1846 = arith.index_cast %get3A_1845 : i32 to index
    %get3A_1847 = arith.constant 0 : index
    %get3A_1848 = tpu.vector_load %arg9[%get3A_1846, %get3A_1847] {strides = array<i32>} : memref<101x16xi32, #tpu.memory_space<vmem>>, vector<1x16xi32>,
    %get3A_1849 = vector.shape_cast %get3A_1848 : vector<1x16xi32> to vector<16xi32>
    %gt3A_1850 = arith.constant 0 : i32
    %gt3A_1851 = vector.broadcast %gt3A_1850 : i32 to vector<16xi32>
    %gt3A_1852 = arith.cmpi sgt, %add3A_1844, %gt3A_1851 : vector<16xi32>
    %select_n3A_1853 = arith.select %gt3A_1852, %get3A_1849, %get3A_1829 : vector<16xi1>, vector<16xi32>
    %swap3A_1854 = arith.constant 1456 : index
    %swap3A_1855 = tpu.vector_load %arg11[%swap3A_1854] {strides = array<i32>} : memref<1616xi32, #tpu.memory_space<vmem>>, vector<16xi32>,
    %swap3A_1856 = vector.shape_cast %swap3A_1855 : vector<16xi32> to vector<16xi32>
    %swap3A_1857 = vector.shape_cast %select_n3A_1853 : vector<16xi32> to vector<16xi32>
    tpu.vector_store %arg11[%swap3A_1854], %swap3A_1857 {strides = array<i32>} : memref<1616xi32, #tpu.memory_space<vmem>>, vector<16xi32>,
    %eq3A_1858 = arith.cmpi eq, %get3A_1849, %get3A_35 : vector<16xi32>
    %jit3A_1859 = arith.constant 1 : i32
    %jit3A_1860 = arith.constant 0 : i32
    %broadcast_in_dim3A_1861 = vector.broadcast %jit3A_1859 : i32 to vector<16xi32>
    %broadcast_in_dim3A_1862 = vector.broadcast %jit3A_1860 : i32 to vector<16xi32>
    %select_n3A_1863 = arith.select %eq3A_1858, %broadcast_in_dim3A_1861, %broadcast_in_dim3A_1862 : vector<16xi1>, vector<16xi32>
    %add3A_1864 = arith.addi %add3A_1844, %select_n3A_1863 : vector<16xi32>
    %get3A_1865 = arith.constant 92 : i32
    %get3A_1866 = arith.index_cast %get3A_1865 : i32 to index
    %get3A_1867 = arith.constant 0 : index
    %get3A_1868 = tpu.vector_load %arg9[%get3A_1866, %get3A_1867] {strides = array<i32>} : memref<101x16xi32, #tpu.memory_space<vmem>>, vector<1x16xi32>,
    %get3A_1869 = vector.shape_cast %get3A_1868 : vector<1x16xi32> to vector<16xi32>
    %gt3A_1870 = arith.constant 0 : i32
    %gt3A_1871 = vector.broadcast %gt3A_1870 : i32 to vector<16xi32>
    %gt3A_1872 = arith.cmpi sgt, %add3A_1864, %gt3A_1871 : vector<16xi32>
    %select_n3A_1873 = arith.select %gt3A_1872, %get3A_1869, %get3A_1849 : vector<16xi1>, vector<16xi32>
    %swap3A_1874 = arith.constant 1472 : index
    %swap3A_1875 = tpu.vector_load %arg11[%swap3A_1874] {strides = array<i32>} : memref<1616xi32, #tpu.memory_space<vmem>>, vector<16xi32>,
    %swap3A_1876 = vector.shape_cast %swap3A_1875 : vector<16xi32> to vector<16xi32>
    %swap3A_1877 = vector.shape_cast %select_n3A_1873 : vector<16xi32> to vector<16xi32>
    tpu.vector_store %arg11[%swap3A_1874], %swap3A_1877 {strides = array<i32>} : memref<1616xi32, #tpu.memory_space<vmem>>, vector<16xi32>,
    %eq3A_1878 = arith.cmpi eq, %get3A_1869, %get3A_35 : vector<16xi32>
    %jit3A_1879 = arith.constant 1 : i32
    %jit3A_1880 = arith.constant 0 : i32
    %broadcast_in_dim3A_1881 = vector.broadcast %jit3A_1879 : i32 to vector<16xi32>
    %broadcast_in_dim3A_1882 = vector.broadcast %jit3A_1880 : i32 to vector<16xi32>
    %select_n3A_1883 = arith.select %eq3A_1878, %broadcast_in_dim3A_1881, %broadcast_in_dim3A_1882 : vector<16xi1>, vector<16xi32>
    %add3A_1884 = arith.addi %add3A_1864, %select_n3A_1883 : vector<16xi32>
    %get3A_1885 = arith.constant 93 : i32
    %get3A_1886 = arith.index_cast %get3A_1885 : i32 to index
    %get3A_1887 = arith.constant 0 : index
    %get3A_1888 = tpu.vector_load %arg9[%get3A_1886, %get3A_1887] {strides = array<i32>} : memref<101x16xi32, #tpu.memory_space<vmem>>, vector<1x16xi32>,
    %get3A_1889 = vector.shape_cast %get3A_1888 : vector<1x16xi32> to vector<16xi32>
    %gt3A_1890 = arith.constant 0 : i32
    %gt3A_1891 = vector.broadcast %gt3A_1890 : i32 to vector<16xi32>
    %gt3A_1892 = arith.cmpi sgt, %add3A_1884, %gt3A_1891 : vector<16xi32>
    %select_n3A_1893 = arith.select %gt3A_1892, %get3A_1889, %get3A_1869 : vector<16xi1>, vector<16xi32>
    %swap3A_1894 = arith.constant 1488 : index
    %swap3A_1895 = tpu.vector_load %arg11[%swap3A_1894] {strides = array<i32>} : memref<1616xi32, #tpu.memory_space<vmem>>, vector<16xi32>,
    %swap3A_1896 = vector.shape_cast %swap3A_1895 : vector<16xi32> to vector<16xi32>
    %swap3A_1897 = vector.shape_cast %select_n3A_1893 : vector<16xi32> to vector<16xi32>
    tpu.vector_store %arg11[%swap3A_1894], %swap3A_1897 {strides = array<i32>} : memref<1616xi32, #tpu.memory_space<vmem>>, vector<16xi32>,
    %eq3A_1898 = arith.cmpi eq, %get3A_1889, %get3A_35 : vector<16xi32>
    %jit3A_1899 = arith.constant 1 : i32
    %jit3A_1900 = arith.constant 0 : i32
    %broadcast_in_dim3A_1901 = vector.broadcast %jit3A_1899 : i32 to vector<16xi32>
    %broadcast_in_dim3A_1902 = vector.broadcast %jit3A_1900 : i32 to vector<16xi32>
    %select_n3A_1903 = arith.select %eq3A_1898, %broadcast_in_dim3A_1901, %broadcast_in_dim3A_1902 : vector<16xi1>, vector<16xi32>
    %add3A_1904 = arith.addi %add3A_1884, %select_n3A_1903 : vector<16xi32>
    %get3A_1905 = arith.constant 94 : i32
    %get3A_1906 = arith.index_cast %get3A_1905 : i32 to index
    %get3A_1907 = arith.constant 0 : index
    %get3A_1908 = tpu.vector_load %arg9[%get3A_1906, %get3A_1907] {strides = array<i32>} : memref<101x16xi32, #tpu.memory_space<vmem>>, vector<1x16xi32>,
    %get3A_1909 = vector.shape_cast %get3A_1908 : vector<1x16xi32> to vector<16xi32>
    %gt3A_1910 = arith.constant 0 : i32
    %gt3A_1911 = vector.broadcast %gt3A_1910 : i32 to vector<16xi32>
    %gt3A_1912 = arith.cmpi sgt, %add3A_1904, %gt3A_1911 : vector<16xi32>
    %select_n3A_1913 = arith.select %gt3A_1912, %get3A_1909, %get3A_1889 : vector<16xi1>, vector<16xi32>
    %swap3A_1914 = arith.constant 1504 : index
    %swap3A_1915 = tpu.vector_load %arg11[%swap3A_1914] {strides = array<i32>} : memref<1616xi32, #tpu.memory_space<vmem>>, vector<16xi32>,
    %swap3A_1916 = vector.shape_cast %swap3A_1915 : vector<16xi32> to vector<16xi32>
    %swap3A_1917 = vector.shape_cast %select_n3A_1913 : vector<16xi32> to vector<16xi32>
    tpu.vector_store %arg11[%swap3A_1914], %swap3A_1917 {strides = array<i32>} : memref<1616xi32, #tpu.memory_space<vmem>>, vector<16xi32>,
    %eq3A_1918 = arith.cmpi eq, %get3A_1909, %get3A_35 : vector<16xi32>
    %jit3A_1919 = arith.constant 1 : i32
    %jit3A_1920 = arith.constant 0 : i32
    %broadcast_in_dim3A_1921 = vector.broadcast %jit3A_1919 : i32 to vector<16xi32>
    %broadcast_in_dim3A_1922 = vector.broadcast %jit3A_1920 : i32 to vector<16xi32>
    %select_n3A_1923 = arith.select %eq3A_1918, %broadcast_in_dim3A_1921, %broadcast_in_dim3A_1922 : vector<16xi1>, vector<16xi32>
    %add3A_1924 = arith.addi %add3A_1904, %select_n3A_1923 : vector<16xi32>
    %get3A_1925 = arith.constant 95 : i32
    %get3A_1926 = arith.index_cast %get3A_1925 : i32 to index
    %get3A_1927 = arith.constant 0 : index
    %get3A_1928 = tpu.vector_load %arg9[%get3A_1926, %get3A_1927] {strides = array<i32>} : memref<101x16xi32, #tpu.memory_space<vmem>>, vector<1x16xi32>,
    %get3A_1929 = vector.shape_cast %get3A_1928 : vector<1x16xi32> to vector<16xi32>
    %gt3A_1930 = arith.constant 0 : i32
    %gt3A_1931 = vector.broadcast %gt3A_1930 : i32 to vector<16xi32>
    %gt3A_1932 = arith.cmpi sgt, %add3A_1924, %gt3A_1931 : vector<16xi32>
    %select_n3A_1933 = arith.select %gt3A_1932, %get3A_1929, %get3A_1909 : vector<16xi1>, vector<16xi32>
    %swap3A_1934 = arith.constant 1520 : index
    %swap3A_1935 = tpu.vector_load %arg11[%swap3A_1934] {strides = array<i32>} : memref<1616xi32, #tpu.memory_space<vmem>>, vector<16xi32>,
    %swap3A_1936 = vector.shape_cast %swap3A_1935 : vector<16xi32> to vector<16xi32>
    %swap3A_1937 = vector.shape_cast %select_n3A_1933 : vector<16xi32> to vector<16xi32>
    tpu.vector_store %arg11[%swap3A_1934], %swap3A_1937 {strides = array<i32>} : memref<1616xi32, #tpu.memory_space<vmem>>, vector<16xi32>,
    %eq3A_1938 = arith.cmpi eq, %get3A_1929, %get3A_35 : vector<16xi32>
    %jit3A_1939 = arith.constant 1 : i32
    %jit3A_1940 = arith.constant 0 : i32
    %broadcast_in_dim3A_1941 = vector.broadcast %jit3A_1939 : i32 to vector<16xi32>
    %broadcast_in_dim3A_1942 = vector.broadcast %jit3A_1940 : i32 to vector<16xi32>
    %select_n3A_1943 = arith.select %eq3A_1938, %broadcast_in_dim3A_1941, %broadcast_in_dim3A_1942 : vector<16xi1>, vector<16xi32>
    %add3A_1944 = arith.addi %add3A_1924, %select_n3A_1943 : vector<16xi32>
    %get3A_1945 = arith.constant 96 : i32
    %get3A_1946 = arith.index_cast %get3A_1945 : i32 to index
    %get3A_1947 = arith.constant 0 : index
    %get3A_1948 = tpu.vector_load %arg9[%get3A_1946, %get3A_1947] {strides = array<i32>} : memref<101x16xi32, #tpu.memory_space<vmem>>, vector<1x16xi32>,
    %get3A_1949 = vector.shape_cast %get3A_1948 : vector<1x16xi32> to vector<16xi32>
    %gt3A_1950 = arith.constant 0 : i32
    %gt3A_1951 = vector.broadcast %gt3A_1950 : i32 to vector<16xi32>
    %gt3A_1952 = arith.cmpi sgt, %add3A_1944, %gt3A_1951 : vector<16xi32>
    %select_n3A_1953 = arith.select %gt3A_1952, %get3A_1949, %get3A_1929 : vector<16xi1>, vector<16xi32>
    %swap3A_1954 = arith.constant 1536 : index
    %swap3A_1955 = tpu.vector_load %arg11[%swap3A_1954] {strides = array<i32>} : memref<1616xi32, #tpu.memory_space<vmem>>, vector<16xi32>,
    %swap3A_1956 = vector.shape_cast %swap3A_1955 : vector<16xi32> to vector<16xi32>
    %swap3A_1957 = vector.shape_cast %select_n3A_1953 : vector<16xi32> to vector<16xi32>
    tpu.vector_store %arg11[%swap3A_1954], %swap3A_1957 {strides = array<i32>} : memref<1616xi32, #tpu.memory_space<vmem>>, vector<16xi32>,
    %eq3A_1958 = arith.cmpi eq, %get3A_1949, %get3A_35 : vector<16xi32>
    %jit3A_1959 = arith.constant 1 : i32
    %jit3A_1960 = arith.constant 0 : i32
    %broadcast_in_dim3A_1961 = vector.broadcast %jit3A_1959 : i32 to vector<16xi32>
    %broadcast_in_dim3A_1962 = vector.broadcast %jit3A_1960 : i32 to vector<16xi32>
    %select_n3A_1963 = arith.select %eq3A_1958, %broadcast_in_dim3A_1961, %broadcast_in_dim3A_1962 : vector<16xi1>, vector<16xi32>
    %add3A_1964 = arith.addi %add3A_1944, %select_n3A_1963 : vector<16xi32>
    %get3A_1965 = arith.constant 97 : i32
    %get3A_1966 = arith.index_cast %get3A_1965 : i32 to index
    %get3A_1967 = arith.constant 0 : index
    %get3A_1968 = tpu.vector_load %arg9[%get3A_1966, %get3A_1967] {strides = array<i32>} : memref<101x16xi32, #tpu.memory_space<vmem>>, vector<1x16xi32>,
    %get3A_1969 = vector.shape_cast %get3A_1968 : vector<1x16xi32> to vector<16xi32>
    %gt3A_1970 = arith.constant 0 : i32
    %gt3A_1971 = vector.broadcast %gt3A_1970 : i32 to vector<16xi32>
    %gt3A_1972 = arith.cmpi sgt, %add3A_1964, %gt3A_1971 : vector<16xi32>
    %select_n3A_1973 = arith.select %gt3A_1972, %get3A_1969, %get3A_1949 : vector<16xi1>, vector<16xi32>
    %swap3A_1974 = arith.constant 1552 : index
    %swap3A_1975 = tpu.vector_load %arg11[%swap3A_1974] {strides = array<i32>} : memref<1616xi32, #tpu.memory_space<vmem>>, vector<16xi32>,
    %swap3A_1976 = vector.shape_cast %swap3A_1975 : vector<16xi32> to vector<16xi32>
    %swap3A_1977 = vector.shape_cast %select_n3A_1973 : vector<16xi32> to vector<16xi32>
    tpu.vector_store %arg11[%swap3A_1974], %swap3A_1977 {strides = array<i32>} : memref<1616xi32, #tpu.memory_space<vmem>>, vector<16xi32>,
    %eq3A_1978 = arith.cmpi eq, %get3A_1969, %get3A_35 : vector<16xi32>
    %jit3A_1979 = arith.constant 1 : i32
    %jit3A_1980 = arith.constant 0 : i32
    %broadcast_in_dim3A_1981 = vector.broadcast %jit3A_1979 : i32 to vector<16xi32>
    %broadcast_in_dim3A_1982 = vector.broadcast %jit3A_1980 : i32 to vector<16xi32>
    %select_n3A_1983 = arith.select %eq3A_1978, %broadcast_in_dim3A_1981, %broadcast_in_dim3A_1982 : vector<16xi1>, vector<16xi32>
    %add3A_1984 = arith.addi %add3A_1964, %select_n3A_1983 : vector<16xi32>
    %get3A_1985 = arith.constant 98 : i32
    %get3A_1986 = arith.index_cast %get3A_1985 : i32 to index
    %get3A_1987 = arith.constant 0 : index
    %get3A_1988 = tpu.vector_load %arg9[%get3A_1986, %get3A_1987] {strides = array<i32>} : memref<101x16xi32, #tpu.memory_space<vmem>>, vector<1x16xi32>,
    %get3A_1989 = vector.shape_cast %get3A_1988 : vector<1x16xi32> to vector<16xi32>
    %gt3A_1990 = arith.constant 0 : i32
    %gt3A_1991 = vector.broadcast %gt3A_1990 : i32 to vector<16xi32>
    %gt3A_1992 = arith.cmpi sgt, %add3A_1984, %gt3A_1991 : vector<16xi32>
    %select_n3A_1993 = arith.select %gt3A_1992, %get3A_1989, %get3A_1969 : vector<16xi1>, vector<16xi32>
    %swap3A_1994 = arith.constant 1568 : index
    %swap3A_1995 = tpu.vector_load %arg11[%swap3A_1994] {strides = array<i32>} : memref<1616xi32, #tpu.memory_space<vmem>>, vector<16xi32>,
    %swap3A_1996 = vector.shape_cast %swap3A_1995 : vector<16xi32> to vector<16xi32>
    %swap3A_1997 = vector.shape_cast %select_n3A_1993 : vector<16xi32> to vector<16xi32>
    tpu.vector_store %arg11[%swap3A_1994], %swap3A_1997 {strides = array<i32>} : memref<1616xi32, #tpu.memory_space<vmem>>, vector<16xi32>,
    %eq3A_1998 = arith.cmpi eq, %get3A_1989, %get3A_35 : vector<16xi32>
    %jit3A_1999 = arith.constant 1 : i32
    %jit3A_2000 = arith.constant 0 : i32
    %broadcast_in_dim3A_2001 = vector.broadcast %jit3A_1999 : i32 to vector<16xi32>
    %broadcast_in_dim3A_2002 = vector.broadcast %jit3A_2000 : i32 to vector<16xi32>
    %select_n3A_2003 = arith.select %eq3A_1998, %broadcast_in_dim3A_2001, %broadcast_in_dim3A_2002 : vector<16xi1>, vector<16xi32>
    %add3A_2004 = arith.addi %add3A_1984, %select_n3A_2003 : vector<16xi32>
    %get3A_2005 = arith.constant 99 : i32
    %get3A_2006 = arith.index_cast %get3A_2005 : i32 to index
    %get3A_2007 = arith.constant 0 : index
    %get3A_2008 = tpu.vector_load %arg9[%get3A_2006, %get3A_2007] {strides = array<i32>} : memref<101x16xi32, #tpu.memory_space<vmem>>, vector<1x16xi32>,
    %get3A_2009 = vector.shape_cast %get3A_2008 : vector<1x16xi32> to vector<16xi32>
    %gt3A_2010 = arith.constant 0 : i32
    %gt3A_2011 = vector.broadcast %gt3A_2010 : i32 to vector<16xi32>
    %gt3A_2012 = arith.cmpi sgt, %add3A_2004, %gt3A_2011 : vector<16xi32>
    %select_n3A_2013 = arith.select %gt3A_2012, %get3A_2009, %get3A_1989 : vector<16xi1>, vector<16xi32>
    %swap3A_2014 = arith.constant 1584 : index
    %swap3A_2015 = tpu.vector_load %arg11[%swap3A_2014] {strides = array<i32>} : memref<1616xi32, #tpu.memory_space<vmem>>, vector<16xi32>,
    %swap3A_2016 = vector.shape_cast %swap3A_2015 : vector<16xi32> to vector<16xi32>
    %swap3A_2017 = vector.shape_cast %select_n3A_2013 : vector<16xi32> to vector<16xi32>
    tpu.vector_store %arg11[%swap3A_2014], %swap3A_2017 {strides = array<i32>} : memref<1616xi32, #tpu.memory_space<vmem>>, vector<16xi32>,
    %eq3A_2018 = arith.cmpi eq, %get3A_2009, %get3A_35 : vector<16xi32>
    %jit3A_2019 = arith.constant 1 : i32
    %jit3A_2020 = arith.constant 0 : i32
    %broadcast_in_dim3A_2021 = vector.broadcast %jit3A_2019 : i32 to vector<16xi32>
    %broadcast_in_dim3A_2022 = vector.broadcast %jit3A_2020 : i32 to vector<16xi32>
    %select_n3A_2023 = arith.select %eq3A_2018, %broadcast_in_dim3A_2021, %broadcast_in_dim3A_2022 : vector<16xi1>, vector<16xi32>
    %add3A_2024 = arith.addi %add3A_2004, %select_n3A_2023 : vector<16xi32>
    %get3A_2025 = arith.constant 100 : i32
    %get3A_2026 = arith.index_cast %get3A_2025 : i32 to index
    %get3A_2027 = arith.constant 0 : index
    %get3A_2028 = tpu.vector_load %arg9[%get3A_2026, %get3A_2027] {strides = array<i32>} : memref<101x16xi32, #tpu.memory_space<vmem>>, vector<1x16xi32>,
    %get3A_2029 = vector.shape_cast %get3A_2028 : vector<1x16xi32> to vector<16xi32>
    %gt3A_2030 = arith.constant 0 : i32
    %gt3A_2031 = vector.broadcast %gt3A_2030 : i32 to vector<16xi32>
    %gt3A_2032 = arith.cmpi sgt, %add3A_2024, %gt3A_2031 : vector<16xi32>
    %select_n3A_2033 = arith.select %gt3A_2032, %get3A_2029, %get3A_2009 : vector<16xi1>, vector<16xi32>
    %swap3A_2034 = arith.constant 1600 : index
    %swap3A_2035 = tpu.vector_load %arg11[%swap3A_2034] {strides = array<i32>} : memref<1616xi32, #tpu.memory_space<vmem>>, vector<16xi32>,
    %swap3A_2036 = vector.shape_cast %swap3A_2035 : vector<16xi32> to vector<16xi32>
    %swap3A_2037 = vector.shape_cast %select_n3A_2033 : vector<16xi32> to vector<16xi32>
    tpu.vector_store %arg11[%swap3A_2034], %swap3A_2037 {strides = array<i32>} : memref<1616xi32, #tpu.memory_space<vmem>>, vector<16xi32>,
    %eq3A_2038 = arith.cmpi eq, %get3A_2029, %get3A_35 : vector<16xi32>
    %jit3A_2039 = arith.constant 1 : i32
    %jit3A_2040 = arith.constant 0 : i32
    %broadcast_in_dim3A_2041 = vector.broadcast %jit3A_2039 : i32 to vector<16xi32>
    %broadcast_in_dim3A_2042 = vector.broadcast %jit3A_2040 : i32 to vector<16xi32>
    %select_n3A_2043 = arith.select %eq3A_2038, %broadcast_in_dim3A_2041, %broadcast_in_dim3A_2042 : vector<16xi1>, vector<16xi32>
    %add3A_2044 = arith.addi %add3A_2024, %select_n3A_2043 : vector<16xi32>
    %dma_start3A_2045 = arith.constant 0 : i32
    %dma_start3A_2046 = arith.constant 0 : i32
    %dma_start3A_2047 = tpu.memref_slice %arg6[%dma_start3A_2045, %dma_start3A_2046] : memref<100000x32xf32, #tpu.memory_space<hbm>> -> memref<100000x32xf32, #tpu.memory_space<hbm>>
    tpu.enqueue_indirect_dma source(%dma_start3A_2047 : memref<100000x32xf32, #tpu.memory_space<hbm>>) target(%arg12 : memref<1616x32xf32, #tpu.memory_space<vmem>>) offsets(%arg11 : memref<1616xi32, #tpu.memory_space<vmem>>) semaphore(%arg16 : memref<!tpu.dma_semaphore, #tpu.memory_space<semaphore_mem>>)
    %dma_wait3A_2048 = arith.constant 0 : i32
    %dma_wait3A_2049 = arith.constant 0 : i32
    %dma_wait3A_2050 = tpu.memref_slice %arg6[%dma_wait3A_2048, %dma_wait3A_2049] : memref<100000x32xf32, #tpu.memory_space<hbm>> -> memref<100000x32xf32, #tpu.memory_space<hbm>>
    tpu.wait_indirect_dma semaphore(%arg16 : memref<!tpu.dma_semaphore, #tpu.memory_space<semaphore_mem>>) src(%dma_wait3A_2050 : memref<100000x32xf32, #tpu.memory_space<hbm>>) dst(%arg14 : memref<800x32xf32, #tpu.memory_space<vmem>>)
    %dma_wait3A_2051 = arith.constant 0 : i32
    %dma_wait3A_2052 = arith.constant 0 : i32
    %dma_wait3A_2053 = tpu.memref_slice %arg6[%dma_wait3A_2051, %dma_wait3A_2052] : memref<100000x32xf32, #tpu.memory_space<hbm>> -> memref<100000x32xf32, #tpu.memory_space<hbm>>
    tpu.wait_indirect_dma semaphore(%arg16 : memref<!tpu.dma_semaphore, #tpu.memory_space<semaphore_mem>>) src(%dma_wait3A_2053 : memref<100000x32xf32, #tpu.memory_space<hbm>>) dst(%arg12 : memref<1616x32xf32, #tpu.memory_space<vmem>>)
    %mul3A_2054 = arith.constant 101 : i32
    %mul3A_2055 = arith.muli %mul3A_6, %mul3A_2054 : i32
    %mul3A_2056 = arith.constant 50 : i32
    %mul3A_2057 = arith.muli %mul3A_6, %mul3A_2056 : i32
    %dma_start3A_2058 = arith.constant 0 : i32
    %dma_start3A_2059 = tpu.memref_slice %arg7[%mul3A_2055, %dma_start3A_2058] : memref<103424x32xf32, #tpu.memory_space<hbm>> -> memref<1616x32xf32, #tpu.memory_space<hbm>>
    %dma_start3A_2060 = arith.constant 0 : i32
    %dma_start3A_2061 = arith.constant 0 : i32
    %dma_start3A_2062 = tpu.memref_slice %dma_start3A_2059[%dma_start3A_2060, %dma_start3A_2061] : memref<1616x32xf32, #tpu.memory_space<hbm>> -> memref<1616x32xf32, #tpu.memory_space<hbm>>
    tpu.enqueue_indirect_dma source(%arg12 : memref<1616x32xf32, #tpu.memory_space<vmem>>) target(%dma_start3A_2062 : memref<1616x32xf32, #tpu.memory_space<hbm>>) offsets(%arg15 : memref<1616xi32, #tpu.memory_space<vmem>>) semaphore(%arg16 : memref<!tpu.dma_semaphore, #tpu.memory_space<semaphore_mem>>)
    %dma_start3A_2063 = arith.constant 0 : i32
    %dma_start3A_2064 = tpu.memref_slice %arg8[%mul3A_2057, %dma_start3A_2063] : memref<51200x32xf32, #tpu.memory_space<hbm>> -> memref<800x32xf32, #tpu.memory_space<hbm>>
    %dma_start3A_2065 = arith.constant 0 : i32
    %dma_start3A_2066 = tpu.memref_slice %arg8[%mul3A_2057, %dma_start3A_2065] : memref<51200x32xf32, #tpu.memory_space<hbm>> -> memref<800x32xf32, #tpu.memory_space<hbm>>
    tpu.enqueue_dma source(%arg14 : memref<800x32xf32, #tpu.memory_space<vmem>>) target(%dma_start3A_2066 : memref<800x32xf32, #tpu.memory_space<hbm>>) target_semaphore(%arg16 : memref<!tpu.dma_semaphore, #tpu.memory_space<semaphore_mem>>)
    %mul3A_2067 = arith.constant 2 : i32
    %mul3A_2068 = arith.muli %add3A, %mul3A_2067 : i32
    %add3A_2069 = arith.constant 1 : i32
    %add3A_2070 = arith.addi %mul3A_2068, %add3A_2069 : i32
    %mul3A_2071 = arith.constant 16 : i32
    %mul3A_2072 = arith.muli %add3A_2070, %mul3A_2071 : i32
    %mul3A_2073 = arith.constant 50 : i32
    %mul3A_2074 = arith.muli %mul3A_2072, %mul3A_2073 : i32
    %dma_start3A_2075 = tpu.memref_slice %arg3[%mul3A_2072] : memref<1024xi32, #tpu.memory_space<hbm>> -> memref<16xi32, #tpu.memory_space<hbm>>
    %dma_start3A_2076 = tpu.memref_slice %arg3[%mul3A_2072] : memref<1024xi32, #tpu.memory_space<hbm>> -> memref<16xi32, #tpu.memory_space<hbm>>
    tpu.enqueue_dma source(%dma_start3A_2076 : memref<16xi32, #tpu.memory_space<hbm>>) target(%arg10 : memref<16xi32, #tpu.memory_space<vmem>>) target_semaphore(%arg16 : memref<!tpu.dma_semaphore, #tpu.memory_space<semaphore_mem>>)
    %dma_start3A_2077 = arith.constant 0 : i32
    %dma_start3A_2078 = arith.constant 0 : i32
    %dma_start3A_2079 = tpu.memref_slice %arg4[%add3A_2070, %dma_start3A_2077, %dma_start3A_2078] : memref<64x101x16xi32, #tpu.memory_space<hbm>> -> memref<1x101x16xi32, #tpu.memory_space<hbm>>
    %dma_start3A_2080 = tpu.memref_squeeze %dma_start3A_2079 : memref<1x101x16xi32, #tpu.memory_space<hbm>> -> memref<101x16xi32, #tpu.memory_space<hbm>>
    %dma_start3A_2081 = arith.constant 0 : i32
    %dma_start3A_2082 = arith.constant 0 : i32
    %dma_start3A_2083 = tpu.memref_slice %arg4[%add3A_2070, %dma_start3A_2081, %dma_start3A_2082] : memref<64x101x16xi32, #tpu.memory_space<hbm>> -> memref<1x101x16xi32, #tpu.memory_space<hbm>>
    %dma_start3A_2084 = tpu.memref_squeeze %dma_start3A_2083 : memref<1x101x16xi32, #tpu.memory_space<hbm>> -> memref<101x16xi32, #tpu.memory_space<hbm>>
    tpu.enqueue_dma source(%dma_start3A_2084 : memref<101x16xi32, #tpu.memory_space<hbm>>) target(%arg9 : memref<101x16xi32, #tpu.memory_space<vmem>>) target_semaphore(%arg16 : memref<!tpu.dma_semaphore, #tpu.memory_space<semaphore_mem>>)
    %dma_start3A_2085 = tpu.memref_slice %arg2[%mul3A_2074] : memref<51200xi32, #tpu.memory_space<hbm>> -> memref<800xi32, #tpu.memory_space<hbm>>
    %dma_start3A_2086 = tpu.memref_slice %arg2[%mul3A_2074] : memref<51200xi32, #tpu.memory_space<hbm>> -> memref<800xi32, #tpu.memory_space<hbm>>
    tpu.enqueue_dma source(%dma_start3A_2086 : memref<800xi32, #tpu.memory_space<hbm>>) target(%arg13 : memref<800xi32, #tpu.memory_space<vmem>>) target_semaphore(%arg16 : memref<!tpu.dma_semaphore, #tpu.memory_space<semaphore_mem>>)
    %dma_wait3A_2087 = tpu.memref_slice %arg3[%mul3A_2072] : memref<1024xi32, #tpu.memory_space<hbm>> -> memref<16xi32, #tpu.memory_space<hbm>>
    %dma_wait3A_2088 = tpu.memref_slice %arg3[%mul3A_2072] : memref<1024xi32, #tpu.memory_space<hbm>> -> memref<16xi32, #tpu.memory_space<hbm>>
    tpu.wait_dma2 semaphore(%arg16 : memref<!tpu.dma_semaphore, #tpu.memory_space<semaphore_mem>>) src(%dma_wait3A_2088 : memref<16xi32, #tpu.memory_space<hbm>>) dst(%arg10 : memref<16xi32, #tpu.memory_space<vmem>>)
    %dma_wait3A_2089 = arith.constant 0 : i32
    %dma_wait3A_2090 = arith.constant 0 : i32
    %dma_wait3A_2091 = tpu.memref_slice %arg4[%add3A_2070, %dma_wait3A_2089, %dma_wait3A_2090] : memref<64x101x16xi32, #tpu.memory_space<hbm>> -> memref<1x101x16xi32, #tpu.memory_space<hbm>>
    %dma_wait3A_2092 = tpu.memref_squeeze %dma_wait3A_2091 : memref<1x101x16xi32, #tpu.memory_space<hbm>> -> memref<101x16xi32, #tpu.memory_space<hbm>>
    %dma_wait3A_2093 = arith.constant 0 : i32
    %dma_wait3A_2094 = arith.constant 0 : i32
    %dma_wait3A_2095 = tpu.memref_slice %arg4[%add3A_2070, %dma_wait3A_2093, %dma_wait3A_2094] : memref<64x101x16xi32, #tpu.memory_space<hbm>> -> memref<1x101x16xi32, #tpu.memory_space<hbm>>
    %dma_wait3A_2096 = tpu.memref_squeeze %dma_wait3A_2095 : memref<1x101x16xi32, #tpu.memory_space<hbm>> -> memref<101x16xi32, #tpu.memory_space<hbm>>
    tpu.wait_dma2 semaphore(%arg16 : memref<!tpu.dma_semaphore, #tpu.memory_space<semaphore_mem>>) src(%dma_wait3A_2096 : memref<101x16xi32, #tpu.memory_space<hbm>>) dst(%arg9 : memref<101x16xi32, #tpu.memory_space<vmem>>)
    %dma_wait3A_2097 = tpu.memref_slice %arg2[%mul3A_2074] : memref<51200xi32, #tpu.memory_space<hbm>> -> memref<800xi32, #tpu.memory_space<hbm>>
    %dma_wait3A_2098 = tpu.memref_slice %arg2[%mul3A_2074] : memref<51200xi32, #tpu.memory_space<hbm>> -> memref<800xi32, #tpu.memory_space<hbm>>
    tpu.wait_dma2 semaphore(%arg16 : memref<!tpu.dma_semaphore, #tpu.memory_space<semaphore_mem>>) src(%dma_wait3A_2098 : memref<800xi32, #tpu.memory_space<hbm>>) dst(%arg13 : memref<800xi32, #tpu.memory_space<vmem>>)
    %dma_wait3A_2099 = arith.constant 0 : i32
    %dma_wait3A_2100 = tpu.memref_slice %arg7[%mul3A_2055, %dma_wait3A_2099] : memref<103424x32xf32, #tpu.memory_space<hbm>> -> memref<1616x32xf32, #tpu.memory_space<hbm>>
    %dma_wait3A_2101 = arith.constant 0 : i32
    %dma_wait3A_2102 = arith.constant 0 : i32
    %dma_wait3A_2103 = tpu.memref_slice %dma_wait3A_2100[%dma_wait3A_2101, %dma_wait3A_2102] : memref<1616x32xf32, #tpu.memory_space<hbm>> -> memref<1616x32xf32, #tpu.memory_space<hbm>>
    tpu.wait_indirect_dma semaphore(%arg16 : memref<!tpu.dma_semaphore, #tpu.memory_space<semaphore_mem>>) src(%arg12 : memref<1616x32xf32, #tpu.memory_space<vmem>>) dst(%dma_wait3A_2103 : memref<1616x32xf32, #tpu.memory_space<hbm>>)
    %dma_wait3A_2104 = arith.constant 0 : i32
    %dma_wait3A_2105 = tpu.memref_slice %arg8[%mul3A_2057, %dma_wait3A_2104] : memref<51200x32xf32, #tpu.memory_space<hbm>> -> memref<800x32xf32, #tpu.memory_space<hbm>>
    %dma_wait3A_2106 = arith.constant 0 : i32
    %dma_wait3A_2107 = tpu.memref_slice %arg8[%mul3A_2057, %dma_wait3A_2106] : memref<51200x32xf32, #tpu.memory_space<hbm>> -> memref<800x32xf32, #tpu.memory_space<hbm>>
    tpu.wait_dma2 semaphore(%arg16 : memref<!tpu.dma_semaphore, #tpu.memory_space<semaphore_mem>>) src(%arg14 : memref<800x32xf32, #tpu.memory_space<vmem>>) dst(%dma_wait3A_2107 : memref<800x32xf32, #tpu.memory_space<hbm>>)
    %dma_start3A_2108 = arith.constant 0 : i32
    %dma_start3A_2109 = arith.constant 0 : i32
    %dma_start3A_2110 = tpu.memref_slice %arg6[%dma_start3A_2108, %dma_start3A_2109] : memref<100000x32xf32, #tpu.memory_space<hbm>> -> memref<100000x32xf32, #tpu.memory_space<hbm>>
    tpu.enqueue_indirect_dma source(%dma_start3A_2110 : memref<100000x32xf32, #tpu.memory_space<hbm>>) target(%arg14 : memref<800x32xf32, #tpu.memory_space<vmem>>) offsets(%arg13 : memref<800xi32, #tpu.memory_space<vmem>>) semaphore(%arg16 : memref<!tpu.dma_semaphore, #tpu.memory_space<semaphore_mem>>)
    %get3A_2111 = arith.constant 0 : index
    %get3A_2112 = tpu.vector_load %arg10[%get3A_2111] {strides = array<i32>} : memref<16xi32, #tpu.memory_space<vmem>>, vector<16xi32>,
    %get3A_2113 = vector.shape_cast %get3A_2112 : vector<16xi32> to vector<16xi32>
    %swap3A_2114 = arith.constant 0 : index
    %swap3A_2115 = tpu.vector_load %arg11[%swap3A_2114] {strides = array<i32>} : memref<1616xi32, #tpu.memory_space<vmem>>, vector<16xi32>,
    %swap3A_2116 = vector.shape_cast %swap3A_2115 : vector<16xi32> to vector<16xi32>
    %swap3A_2117 = vector.shape_cast %get3A_2113 : vector<16xi32> to vector<16xi32>
    tpu.vector_store %arg11[%swap3A_2114], %swap3A_2117 {strides = array<i32>} : memref<1616xi32, #tpu.memory_space<vmem>>, vector<16xi32>,
    %get3A_2118 = arith.constant 0 : i32
    %get3A_2119 = arith.index_cast %get3A_2118 : i32 to index
    %get3A_2120 = arith.constant 0 : index
    %get3A_2121 = tpu.vector_load %arg9[%get3A_2119, %get3A_2120] {strides = array<i32>} : memref<101x16xi32, #tpu.memory_space<vmem>>, vector<1x16xi32>,
    %get3A_2122 = vector.shape_cast %get3A_2121 : vector<1x16xi32> to vector<16xi32>
    %eq3A_2123 = arith.cmpi eq, %get3A_2122, %get3A_2113 : vector<16xi32>
    %jit3A_2124 = arith.constant 1 : i32
    %jit3A_2125 = arith.constant 0 : i32
    %broadcast_in_dim3A_2126 = vector.broadcast %jit3A_2124 : i32 to vector<16xi32>
    %broadcast_in_dim3A_2127 = vector.broadcast %jit3A_2125 : i32 to vector<16xi32>
    %select_n3A_2128 = arith.select %eq3A_2123, %broadcast_in_dim3A_2126, %broadcast_in_dim3A_2127 : vector<16xi1>, vector<16xi32>
    %get3A_2129 = arith.constant 1 : i32
    %get3A_2130 = arith.index_cast %get3A_2129 : i32 to index
    %get3A_2131 = arith.constant 0 : index
    %get3A_2132 = tpu.vector_load %arg9[%get3A_2130, %get3A_2131] {strides = array<i32>} : memref<101x16xi32, #tpu.memory_space<vmem>>, vector<1x16xi32>,
    %get3A_2133 = vector.shape_cast %get3A_2132 : vector<1x16xi32> to vector<16xi32>
    %gt3A_2134 = arith.constant 0 : i32
    %gt3A_2135 = vector.broadcast %gt3A_2134 : i32 to vector<16xi32>
    %gt3A_2136 = arith.cmpi sgt, %select_n3A_2128, %gt3A_2135 : vector<16xi32>
    %select_n3A_2137 = arith.select %gt3A_2136, %get3A_2133, %get3A_2122 : vector<16xi1>, vector<16xi32>
    %swap3A_2138 = arith.constant 16 : index
    %swap3A_2139 = tpu.vector_load %arg11[%swap3A_2138] {strides = array<i32>} : memref<1616xi32, #tpu.memory_space<vmem>>, vector<16xi32>,
    %swap3A_2140 = vector.shape_cast %swap3A_2139 : vector<16xi32> to vector<16xi32>
    %swap3A_2141 = vector.shape_cast %select_n3A_2137 : vector<16xi32> to vector<16xi32>
    tpu.vector_store %arg11[%swap3A_2138], %swap3A_2141 {strides = array<i32>} : memref<1616xi32, #tpu.memory_space<vmem>>, vector<16xi32>,
    %eq3A_2142 = arith.cmpi eq, %get3A_2133, %get3A_2113 : vector<16xi32>
    %jit3A_2143 = arith.constant 1 : i32
    %jit3A_2144 = arith.constant 0 : i32
    %broadcast_in_dim3A_2145 = vector.broadcast %jit3A_2143 : i32 to vector<16xi32>
    %broadcast_in_dim3A_2146 = vector.broadcast %jit3A_2144 : i32 to vector<16xi32>
    %select_n3A_2147 = arith.select %eq3A_2142, %broadcast_in_dim3A_2145, %broadcast_in_dim3A_2146 : vector<16xi1>, vector<16xi32>
    %add3A_2148 = arith.addi %select_n3A_2128, %select_n3A_2147 : vector<16xi32>
    %get3A_2149 = arith.constant 2 : i32
    %get3A_2150 = arith.index_cast %get3A_2149 : i32 to index
    %get3A_2151 = arith.constant 0 : index
    %get3A_2152 = tpu.vector_load %arg9[%get3A_2150, %get3A_2151] {strides = array<i32>} : memref<101x16xi32, #tpu.memory_space<vmem>>, vector<1x16xi32>,
    %get3A_2153 = vector.shape_cast %get3A_2152 : vector<1x16xi32> to vector<16xi32>
    %gt3A_2154 = arith.constant 0 : i32
    %gt3A_2155 = vector.broadcast %gt3A_2154 : i32 to vector<16xi32>
    %gt3A_2156 = arith.cmpi sgt, %add3A_2148, %gt3A_2155 : vector<16xi32>
    %select_n3A_2157 = arith.select %gt3A_2156, %get3A_2153, %get3A_2133 : vector<16xi1>, vector<16xi32>
    %swap3A_2158 = arith.constant 32 : index
    %swap3A_2159 = tpu.vector_load %arg11[%swap3A_2158] {strides = array<i32>} : memref<1616xi32, #tpu.memory_space<vmem>>, vector<16xi32>,
    %swap3A_2160 = vector.shape_cast %swap3A_2159 : vector<16xi32> to vector<16xi32>
    %swap3A_2161 = vector.shape_cast %select_n3A_2157 : vector<16xi32> to vector<16xi32>
    tpu.vector_store %arg11[%swap3A_2158], %swap3A_2161 {strides = array<i32>} : memref<1616xi32, #tpu.memory_space<vmem>>, vector<16xi32>,
    %eq3A_2162 = arith.cmpi eq, %get3A_2153, %get3A_2113 : vector<16xi32>
    %jit3A_2163 = arith.constant 1 : i32
    %jit3A_2164 = arith.constant 0 : i32
    %broadcast_in_dim3A_2165 = vector.broadcast %jit3A_2163 : i32 to vector<16xi32>
    %broadcast_in_dim3A_2166 = vector.broadcast %jit3A_2164 : i32 to vector<16xi32>
    %select_n3A_2167 = arith.select %eq3A_2162, %broadcast_in_dim3A_2165, %broadcast_in_dim3A_2166 : vector<16xi1>, vector<16xi32>
    %add3A_2168 = arith.addi %add3A_2148, %select_n3A_2167 : vector<16xi32>
    %get3A_2169 = arith.constant 3 : i32
    %get3A_2170 = arith.index_cast %get3A_2169 : i32 to index
    %get3A_2171 = arith.constant 0 : index
    %get3A_2172 = tpu.vector_load %arg9[%get3A_2170, %get3A_2171] {strides = array<i32>} : memref<101x16xi32, #tpu.memory_space<vmem>>, vector<1x16xi32>,
    %get3A_2173 = vector.shape_cast %get3A_2172 : vector<1x16xi32> to vector<16xi32>
    %gt3A_2174 = arith.constant 0 : i32
    %gt3A_2175 = vector.broadcast %gt3A_2174 : i32 to vector<16xi32>
    %gt3A_2176 = arith.cmpi sgt, %add3A_2168, %gt3A_2175 : vector<16xi32>
    %select_n3A_2177 = arith.select %gt3A_2176, %get3A_2173, %get3A_2153 : vector<16xi1>, vector<16xi32>
    %swap3A_2178 = arith.constant 48 : index
    %swap3A_2179 = tpu.vector_load %arg11[%swap3A_2178] {strides = array<i32>} : memref<1616xi32, #tpu.memory_space<vmem>>, vector<16xi32>,
    %swap3A_2180 = vector.shape_cast %swap3A_2179 : vector<16xi32> to vector<16xi32>
    %swap3A_2181 = vector.shape_cast %select_n3A_2177 : vector<16xi32> to vector<16xi32>
    tpu.vector_store %arg11[%swap3A_2178], %swap3A_2181 {strides = array<i32>} : memref<1616xi32, #tpu.memory_space<vmem>>, vector<16xi32>,
    %eq3A_2182 = arith.cmpi eq, %get3A_2173, %get3A_2113 : vector<16xi32>
    %jit3A_2183 = arith.constant 1 : i32
    %jit3A_2184 = arith.constant 0 : i32
    %broadcast_in_dim3A_2185 = vector.broadcast %jit3A_2183 : i32 to vector<16xi32>
    %broadcast_in_dim3A_2186 = vector.broadcast %jit3A_2184 : i32 to vector<16xi32>
    %select_n3A_2187 = arith.select %eq3A_2182, %broadcast_in_dim3A_2185, %broadcast_in_dim3A_2186 : vector<16xi1>, vector<16xi32>
    %add3A_2188 = arith.addi %add3A_2168, %select_n3A_2187 : vector<16xi32>
    %get3A_2189 = arith.constant 4 : i32
    %get3A_2190 = arith.index_cast %get3A_2189 : i32 to index
    %get3A_2191 = arith.constant 0 : index
    %get3A_2192 = tpu.vector_load %arg9[%get3A_2190, %get3A_2191] {strides = array<i32>} : memref<101x16xi32, #tpu.memory_space<vmem>>, vector<1x16xi32>,
    %get3A_2193 = vector.shape_cast %get3A_2192 : vector<1x16xi32> to vector<16xi32>
    %gt3A_2194 = arith.constant 0 : i32
    %gt3A_2195 = vector.broadcast %gt3A_2194 : i32 to vector<16xi32>
    %gt3A_2196 = arith.cmpi sgt, %add3A_2188, %gt3A_2195 : vector<16xi32>
    %select_n3A_2197 = arith.select %gt3A_2196, %get3A_2193, %get3A_2173 : vector<16xi1>, vector<16xi32>
    %swap3A_2198 = arith.constant 64 : index
    %swap3A_2199 = tpu.vector_load %arg11[%swap3A_2198] {strides = array<i32>} : memref<1616xi32, #tpu.memory_space<vmem>>, vector<16xi32>,
    %swap3A_2200 = vector.shape_cast %swap3A_2199 : vector<16xi32> to vector<16xi32>
    %swap3A_2201 = vector.shape_cast %select_n3A_2197 : vector<16xi32> to vector<16xi32>
    tpu.vector_store %arg11[%swap3A_2198], %swap3A_2201 {strides = array<i32>} : memref<1616xi32, #tpu.memory_space<vmem>>, vector<16xi32>,
    %eq3A_2202 = arith.cmpi eq, %get3A_2193, %get3A_2113 : vector<16xi32>
    %jit3A_2203 = arith.constant 1 : i32
    %jit3A_2204 = arith.constant 0 : i32
    %broadcast_in_dim3A_2205 = vector.broadcast %jit3A_2203 : i32 to vector<16xi32>
    %broadcast_in_dim3A_2206 = vector.broadcast %jit3A_2204 : i32 to vector<16xi32>
    %select_n3A_2207 = arith.select %eq3A_2202, %broadcast_in_dim3A_2205, %broadcast_in_dim3A_2206 : vector<16xi1>, vector<16xi32>
    %add3A_2208 = arith.addi %add3A_2188, %select_n3A_2207 : vector<16xi32>
    %get3A_2209 = arith.constant 5 : i32
    %get3A_2210 = arith.index_cast %get3A_2209 : i32 to index
    %get3A_2211 = arith.constant 0 : index
    %get3A_2212 = tpu.vector_load %arg9[%get3A_2210, %get3A_2211] {strides = array<i32>} : memref<101x16xi32, #tpu.memory_space<vmem>>, vector<1x16xi32>,
    %get3A_2213 = vector.shape_cast %get3A_2212 : vector<1x16xi32> to vector<16xi32>
    %gt3A_2214 = arith.constant 0 : i32
    %gt3A_2215 = vector.broadcast %gt3A_2214 : i32 to vector<16xi32>
    %gt3A_2216 = arith.cmpi sgt, %add3A_2208, %gt3A_2215 : vector<16xi32>
    %select_n3A_2217 = arith.select %gt3A_2216, %get3A_2213, %get3A_2193 : vector<16xi1>, vector<16xi32>
    %swap3A_2218 = arith.constant 80 : index
    %swap3A_2219 = tpu.vector_load %arg11[%swap3A_2218] {strides = array<i32>} : memref<1616xi32, #tpu.memory_space<vmem>>, vector<16xi32>,
    %swap3A_2220 = vector.shape_cast %swap3A_2219 : vector<16xi32> to vector<16xi32>
    %swap3A_2221 = vector.shape_cast %select_n3A_2217 : vector<16xi32> to vector<16xi32>
    tpu.vector_store %arg11[%swap3A_2218], %swap3A_2221 {strides = array<i32>} : memref<1616xi32, #tpu.memory_space<vmem>>, vector<16xi32>,
    %eq3A_2222 = arith.cmpi eq, %get3A_2213, %get3A_2113 : vector<16xi32>
    %jit3A_2223 = arith.constant 1 : i32
    %jit3A_2224 = arith.constant 0 : i32
    %broadcast_in_dim3A_2225 = vector.broadcast %jit3A_2223 : i32 to vector<16xi32>
    %broadcast_in_dim3A_2226 = vector.broadcast %jit3A_2224 : i32 to vector<16xi32>
    %select_n3A_2227 = arith.select %eq3A_2222, %broadcast_in_dim3A_2225, %broadcast_in_dim3A_2226 : vector<16xi1>, vector<16xi32>
    %add3A_2228 = arith.addi %add3A_2208, %select_n3A_2227 : vector<16xi32>
    %get3A_2229 = arith.constant 6 : i32
    %get3A_2230 = arith.index_cast %get3A_2229 : i32 to index
    %get3A_2231 = arith.constant 0 : index
    %get3A_2232 = tpu.vector_load %arg9[%get3A_2230, %get3A_2231] {strides = array<i32>} : memref<101x16xi32, #tpu.memory_space<vmem>>, vector<1x16xi32>,
    %get3A_2233 = vector.shape_cast %get3A_2232 : vector<1x16xi32> to vector<16xi32>
    %gt3A_2234 = arith.constant 0 : i32
    %gt3A_2235 = vector.broadcast %gt3A_2234 : i32 to vector<16xi32>
    %gt3A_2236 = arith.cmpi sgt, %add3A_2228, %gt3A_2235 : vector<16xi32>
    %select_n3A_2237 = arith.select %gt3A_2236, %get3A_2233, %get3A_2213 : vector<16xi1>, vector<16xi32>
    %swap3A_2238 = arith.constant 96 : index
    %swap3A_2239 = tpu.vector_load %arg11[%swap3A_2238] {strides = array<i32>} : memref<1616xi32, #tpu.memory_space<vmem>>, vector<16xi32>,
    %swap3A_2240 = vector.shape_cast %swap3A_2239 : vector<16xi32> to vector<16xi32>
    %swap3A_2241 = vector.shape_cast %select_n3A_2237 : vector<16xi32> to vector<16xi32>
    tpu.vector_store %arg11[%swap3A_2238], %swap3A_2241 {strides = array<i32>} : memref<1616xi32, #tpu.memory_space<vmem>>, vector<16xi32>,
    %eq3A_2242 = arith.cmpi eq, %get3A_2233, %get3A_2113 : vector<16xi32>
    %jit3A_2243 = arith.constant 1 : i32
    %jit3A_2244 = arith.constant 0 : i32
    %broadcast_in_dim3A_2245 = vector.broadcast %jit3A_2243 : i32 to vector<16xi32>
    %broadcast_in_dim3A_2246 = vector.broadcast %jit3A_2244 : i32 to vector<16xi32>
    %select_n3A_2247 = arith.select %eq3A_2242, %broadcast_in_dim3A_2245, %broadcast_in_dim3A_2246 : vector<16xi1>, vector<16xi32>
    %add3A_2248 = arith.addi %add3A_2228, %select_n3A_2247 : vector<16xi32>
    %get3A_2249 = arith.constant 7 : i32
    %get3A_2250 = arith.index_cast %get3A_2249 : i32 to index
    %get3A_2251 = arith.constant 0 : index
    %get3A_2252 = tpu.vector_load %arg9[%get3A_2250, %get3A_2251] {strides = array<i32>} : memref<101x16xi32, #tpu.memory_space<vmem>>, vector<1x16xi32>,
    %get3A_2253 = vector.shape_cast %get3A_2252 : vector<1x16xi32> to vector<16xi32>
    %gt3A_2254 = arith.constant 0 : i32
    %gt3A_2255 = vector.broadcast %gt3A_2254 : i32 to vector<16xi32>
    %gt3A_2256 = arith.cmpi sgt, %add3A_2248, %gt3A_2255 : vector<16xi32>
    %select_n3A_2257 = arith.select %gt3A_2256, %get3A_2253, %get3A_2233 : vector<16xi1>, vector<16xi32>
    %swap3A_2258 = arith.constant 112 : index
    %swap3A_2259 = tpu.vector_load %arg11[%swap3A_2258] {strides = array<i32>} : memref<1616xi32, #tpu.memory_space<vmem>>, vector<16xi32>,
    %swap3A_2260 = vector.shape_cast %swap3A_2259 : vector<16xi32> to vector<16xi32>
    %swap3A_2261 = vector.shape_cast %select_n3A_2257 : vector<16xi32> to vector<16xi32>
    tpu.vector_store %arg11[%swap3A_2258], %swap3A_2261 {strides = array<i32>} : memref<1616xi32, #tpu.memory_space<vmem>>, vector<16xi32>,
    %eq3A_2262 = arith.cmpi eq, %get3A_2253, %get3A_2113 : vector<16xi32>
    %jit3A_2263 = arith.constant 1 : i32
    %jit3A_2264 = arith.constant 0 : i32
    %broadcast_in_dim3A_2265 = vector.broadcast %jit3A_2263 : i32 to vector<16xi32>
    %broadcast_in_dim3A_2266 = vector.broadcast %jit3A_2264 : i32 to vector<16xi32>
    %select_n3A_2267 = arith.select %eq3A_2262, %broadcast_in_dim3A_2265, %broadcast_in_dim3A_2266 : vector<16xi1>, vector<16xi32>
    %add3A_2268 = arith.addi %add3A_2248, %select_n3A_2267 : vector<16xi32>
    %get3A_2269 = arith.constant 8 : i32
    %get3A_2270 = arith.index_cast %get3A_2269 : i32 to index
    %get3A_2271 = arith.constant 0 : index
    %get3A_2272 = tpu.vector_load %arg9[%get3A_2270, %get3A_2271] {strides = array<i32>} : memref<101x16xi32, #tpu.memory_space<vmem>>, vector<1x16xi32>,
    %get3A_2273 = vector.shape_cast %get3A_2272 : vector<1x16xi32> to vector<16xi32>
    %gt3A_2274 = arith.constant 0 : i32
    %gt3A_2275 = vector.broadcast %gt3A_2274 : i32 to vector<16xi32>
    %gt3A_2276 = arith.cmpi sgt, %add3A_2268, %gt3A_2275 : vector<16xi32>
    %select_n3A_2277 = arith.select %gt3A_2276, %get3A_2273, %get3A_2253 : vector<16xi1>, vector<16xi32>
    %swap3A_2278 = arith.constant 128 : index
    %swap3A_2279 = tpu.vector_load %arg11[%swap3A_2278] {strides = array<i32>} : memref<1616xi32, #tpu.memory_space<vmem>>, vector<16xi32>,
    %swap3A_2280 = vector.shape_cast %swap3A_2279 : vector<16xi32> to vector<16xi32>
    %swap3A_2281 = vector.shape_cast %select_n3A_2277 : vector<16xi32> to vector<16xi32>
    tpu.vector_store %arg11[%swap3A_2278], %swap3A_2281 {strides = array<i32>} : memref<1616xi32, #tpu.memory_space<vmem>>, vector<16xi32>,
    %eq3A_2282 = arith.cmpi eq, %get3A_2273, %get3A_2113 : vector<16xi32>
    %jit3A_2283 = arith.constant 1 : i32
    %jit3A_2284 = arith.constant 0 : i32
    %broadcast_in_dim3A_2285 = vector.broadcast %jit3A_2283 : i32 to vector<16xi32>
    %broadcast_in_dim3A_2286 = vector.broadcast %jit3A_2284 : i32 to vector<16xi32>
    %select_n3A_2287 = arith.select %eq3A_2282, %broadcast_in_dim3A_2285, %broadcast_in_dim3A_2286 : vector<16xi1>, vector<16xi32>
    %add3A_2288 = arith.addi %add3A_2268, %select_n3A_2287 : vector<16xi32>
    %get3A_2289 = arith.constant 9 : i32
    %get3A_2290 = arith.index_cast %get3A_2289 : i32 to index
    %get3A_2291 = arith.constant 0 : index
    %get3A_2292 = tpu.vector_load %arg9[%get3A_2290, %get3A_2291] {strides = array<i32>} : memref<101x16xi32, #tpu.memory_space<vmem>>, vector<1x16xi32>,
    %get3A_2293 = vector.shape_cast %get3A_2292 : vector<1x16xi32> to vector<16xi32>
    %gt3A_2294 = arith.constant 0 : i32
    %gt3A_2295 = vector.broadcast %gt3A_2294 : i32 to vector<16xi32>
    %gt3A_2296 = arith.cmpi sgt, %add3A_2288, %gt3A_2295 : vector<16xi32>
    %select_n3A_2297 = arith.select %gt3A_2296, %get3A_2293, %get3A_2273 : vector<16xi1>, vector<16xi32>
    %swap3A_2298 = arith.constant 144 : index
    %swap3A_2299 = tpu.vector_load %arg11[%swap3A_2298] {strides = array<i32>} : memref<1616xi32, #tpu.memory_space<vmem>>, vector<16xi32>,
    %swap3A_2300 = vector.shape_cast %swap3A_2299 : vector<16xi32> to vector<16xi32>
    %swap3A_2301 = vector.shape_cast %select_n3A_2297 : vector<16xi32> to vector<16xi32>
    tpu.vector_store %arg11[%swap3A_2298], %swap3A_2301 {strides = array<i32>} : memref<1616xi32, #tpu.memory_space<vmem>>, vector<16xi32>,
    %eq3A_2302 = arith.cmpi eq, %get3A_2293, %get3A_2113 : vector<16xi32>
    %jit3A_2303 = arith.constant 1 : i32
    %jit3A_2304 = arith.constant 0 : i32
    %broadcast_in_dim3A_2305 = vector.broadcast %jit3A_2303 : i32 to vector<16xi32>
    %broadcast_in_dim3A_2306 = vector.broadcast %jit3A_2304 : i32 to vector<16xi32>
    %select_n3A_2307 = arith.select %eq3A_2302, %broadcast_in_dim3A_2305, %broadcast_in_dim3A_2306 : vector<16xi1>, vector<16xi32>
    %add3A_2308 = arith.addi %add3A_2288, %select_n3A_2307 : vector<16xi32>
    %get3A_2309 = arith.constant 10 : i32
    %get3A_2310 = arith.index_cast %get3A_2309 : i32 to index
    %get3A_2311 = arith.constant 0 : index
    %get3A_2312 = tpu.vector_load %arg9[%get3A_2310, %get3A_2311] {strides = array<i32>} : memref<101x16xi32, #tpu.memory_space<vmem>>, vector<1x16xi32>,
    %get3A_2313 = vector.shape_cast %get3A_2312 : vector<1x16xi32> to vector<16xi32>
    %gt3A_2314 = arith.constant 0 : i32
    %gt3A_2315 = vector.broadcast %gt3A_2314 : i32 to vector<16xi32>
    %gt3A_2316 = arith.cmpi sgt, %add3A_2308, %gt3A_2315 : vector<16xi32>
    %select_n3A_2317 = arith.select %gt3A_2316, %get3A_2313, %get3A_2293 : vector<16xi1>, vector<16xi32>
    %swap3A_2318 = arith.constant 160 : index
    %swap3A_2319 = tpu.vector_load %arg11[%swap3A_2318] {strides = array<i32>} : memref<1616xi32, #tpu.memory_space<vmem>>, vector<16xi32>,
    %swap3A_2320 = vector.shape_cast %swap3A_2319 : vector<16xi32> to vector<16xi32>
    %swap3A_2321 = vector.shape_cast %select_n3A_2317 : vector<16xi32> to vector<16xi32>
    tpu.vector_store %arg11[%swap3A_2318], %swap3A_2321 {strides = array<i32>} : memref<1616xi32, #tpu.memory_space<vmem>>, vector<16xi32>,
    %eq3A_2322 = arith.cmpi eq, %get3A_2313, %get3A_2113 : vector<16xi32>
    %jit3A_2323 = arith.constant 1 : i32
    %jit3A_2324 = arith.constant 0 : i32
    %broadcast_in_dim3A_2325 = vector.broadcast %jit3A_2323 : i32 to vector<16xi32>
    %broadcast_in_dim3A_2326 = vector.broadcast %jit3A_2324 : i32 to vector<16xi32>
    %select_n3A_2327 = arith.select %eq3A_2322, %broadcast_in_dim3A_2325, %broadcast_in_dim3A_2326 : vector<16xi1>, vector<16xi32>
    %add3A_2328 = arith.addi %add3A_2308, %select_n3A_2327 : vector<16xi32>
    %get3A_2329 = arith.constant 11 : i32
    %get3A_2330 = arith.index_cast %get3A_2329 : i32 to index
    %get3A_2331 = arith.constant 0 : index
    %get3A_2332 = tpu.vector_load %arg9[%get3A_2330, %get3A_2331] {strides = array<i32>} : memref<101x16xi32, #tpu.memory_space<vmem>>, vector<1x16xi32>,
    %get3A_2333 = vector.shape_cast %get3A_2332 : vector<1x16xi32> to vector<16xi32>
    %gt3A_2334 = arith.constant 0 : i32
    %gt3A_2335 = vector.broadcast %gt3A_2334 : i32 to vector<16xi32>
    %gt3A_2336 = arith.cmpi sgt, %add3A_2328, %gt3A_2335 : vector<16xi32>
    %select_n3A_2337 = arith.select %gt3A_2336, %get3A_2333, %get3A_2313 : vector<16xi1>, vector<16xi32>
    %swap3A_2338 = arith.constant 176 : index
    %swap3A_2339 = tpu.vector_load %arg11[%swap3A_2338] {strides = array<i32>} : memref<1616xi32, #tpu.memory_space<vmem>>, vector<16xi32>,
    %swap3A_2340 = vector.shape_cast %swap3A_2339 : vector<16xi32> to vector<16xi32>
    %swap3A_2341 = vector.shape_cast %select_n3A_2337 : vector<16xi32> to vector<16xi32>
    tpu.vector_store %arg11[%swap3A_2338], %swap3A_2341 {strides = array<i32>} : memref<1616xi32, #tpu.memory_space<vmem>>, vector<16xi32>,
    %eq3A_2342 = arith.cmpi eq, %get3A_2333, %get3A_2113 : vector<16xi32>
    %jit3A_2343 = arith.constant 1 : i32
    %jit3A_2344 = arith.constant 0 : i32
    %broadcast_in_dim3A_2345 = vector.broadcast %jit3A_2343 : i32 to vector<16xi32>
    %broadcast_in_dim3A_2346 = vector.broadcast %jit3A_2344 : i32 to vector<16xi32>
    %select_n3A_2347 = arith.select %eq3A_2342, %broadcast_in_dim3A_2345, %broadcast_in_dim3A_2346 : vector<16xi1>, vector<16xi32>
    %add3A_2348 = arith.addi %add3A_2328, %select_n3A_2347 : vector<16xi32>
    %get3A_2349 = arith.constant 12 : i32
    %get3A_2350 = arith.index_cast %get3A_2349 : i32 to index
    %get3A_2351 = arith.constant 0 : index
    %get3A_2352 = tpu.vector_load %arg9[%get3A_2350, %get3A_2351] {strides = array<i32>} : memref<101x16xi32, #tpu.memory_space<vmem>>, vector<1x16xi32>,
    %get3A_2353 = vector.shape_cast %get3A_2352 : vector<1x16xi32> to vector<16xi32>
    %gt3A_2354 = arith.constant 0 : i32
    %gt3A_2355 = vector.broadcast %gt3A_2354 : i32 to vector<16xi32>
    %gt3A_2356 = arith.cmpi sgt, %add3A_2348, %gt3A_2355 : vector<16xi32>
    %select_n3A_2357 = arith.select %gt3A_2356, %get3A_2353, %get3A_2333 : vector<16xi1>, vector<16xi32>
    %swap3A_2358 = arith.constant 192 : index
    %swap3A_2359 = tpu.vector_load %arg11[%swap3A_2358] {strides = array<i32>} : memref<1616xi32, #tpu.memory_space<vmem>>, vector<16xi32>,
    %swap3A_2360 = vector.shape_cast %swap3A_2359 : vector<16xi32> to vector<16xi32>
    %swap3A_2361 = vector.shape_cast %select_n3A_2357 : vector<16xi32> to vector<16xi32>
    tpu.vector_store %arg11[%swap3A_2358], %swap3A_2361 {strides = array<i32>} : memref<1616xi32, #tpu.memory_space<vmem>>, vector<16xi32>,
    %eq3A_2362 = arith.cmpi eq, %get3A_2353, %get3A_2113 : vector<16xi32>
    %jit3A_2363 = arith.constant 1 : i32
    %jit3A_2364 = arith.constant 0 : i32
    %broadcast_in_dim3A_2365 = vector.broadcast %jit3A_2363 : i32 to vector<16xi32>
    %broadcast_in_dim3A_2366 = vector.broadcast %jit3A_2364 : i32 to vector<16xi32>
    %select_n3A_2367 = arith.select %eq3A_2362, %broadcast_in_dim3A_2365, %broadcast_in_dim3A_2366 : vector<16xi1>, vector<16xi32>
    %add3A_2368 = arith.addi %add3A_2348, %select_n3A_2367 : vector<16xi32>
    %get3A_2369 = arith.constant 13 : i32
    %get3A_2370 = arith.index_cast %get3A_2369 : i32 to index
    %get3A_2371 = arith.constant 0 : index
    %get3A_2372 = tpu.vector_load %arg9[%get3A_2370, %get3A_2371] {strides = array<i32>} : memref<101x16xi32, #tpu.memory_space<vmem>>, vector<1x16xi32>,
    %get3A_2373 = vector.shape_cast %get3A_2372 : vector<1x16xi32> to vector<16xi32>
    %gt3A_2374 = arith.constant 0 : i32
    %gt3A_2375 = vector.broadcast %gt3A_2374 : i32 to vector<16xi32>
    %gt3A_2376 = arith.cmpi sgt, %add3A_2368, %gt3A_2375 : vector<16xi32>
    %select_n3A_2377 = arith.select %gt3A_2376, %get3A_2373, %get3A_2353 : vector<16xi1>, vector<16xi32>
    %swap3A_2378 = arith.constant 208 : index
    %swap3A_2379 = tpu.vector_load %arg11[%swap3A_2378] {strides = array<i32>} : memref<1616xi32, #tpu.memory_space<vmem>>, vector<16xi32>,
    %swap3A_2380 = vector.shape_cast %swap3A_2379 : vector<16xi32> to vector<16xi32>
    %swap3A_2381 = vector.shape_cast %select_n3A_2377 : vector<16xi32> to vector<16xi32>
    tpu.vector_store %arg11[%swap3A_2378], %swap3A_2381 {strides = array<i32>} : memref<1616xi32, #tpu.memory_space<vmem>>, vector<16xi32>,
    %eq3A_2382 = arith.cmpi eq, %get3A_2373, %get3A_2113 : vector<16xi32>
    %jit3A_2383 = arith.constant 1 : i32
    %jit3A_2384 = arith.constant 0 : i32
    %broadcast_in_dim3A_2385 = vector.broadcast %jit3A_2383 : i32 to vector<16xi32>
    %broadcast_in_dim3A_2386 = vector.broadcast %jit3A_2384 : i32 to vector<16xi32>
    %select_n3A_2387 = arith.select %eq3A_2382, %broadcast_in_dim3A_2385, %broadcast_in_dim3A_2386 : vector<16xi1>, vector<16xi32>
    %add3A_2388 = arith.addi %add3A_2368, %select_n3A_2387 : vector<16xi32>
    %get3A_2389 = arith.constant 14 : i32
    %get3A_2390 = arith.index_cast %get3A_2389 : i32 to index
    %get3A_2391 = arith.constant 0 : index
    %get3A_2392 = tpu.vector_load %arg9[%get3A_2390, %get3A_2391] {strides = array<i32>} : memref<101x16xi32, #tpu.memory_space<vmem>>, vector<1x16xi32>,
    %get3A_2393 = vector.shape_cast %get3A_2392 : vector<1x16xi32> to vector<16xi32>
    %gt3A_2394 = arith.constant 0 : i32
    %gt3A_2395 = vector.broadcast %gt3A_2394 : i32 to vector<16xi32>
    %gt3A_2396 = arith.cmpi sgt, %add3A_2388, %gt3A_2395 : vector<16xi32>
    %select_n3A_2397 = arith.select %gt3A_2396, %get3A_2393, %get3A_2373 : vector<16xi1>, vector<16xi32>
    %swap3A_2398 = arith.constant 224 : index
    %swap3A_2399 = tpu.vector_load %arg11[%swap3A_2398] {strides = array<i32>} : memref<1616xi32, #tpu.memory_space<vmem>>, vector<16xi32>,
    %swap3A_2400 = vector.shape_cast %swap3A_2399 : vector<16xi32> to vector<16xi32>
    %swap3A_2401 = vector.shape_cast %select_n3A_2397 : vector<16xi32> to vector<16xi32>
    tpu.vector_store %arg11[%swap3A_2398], %swap3A_2401 {strides = array<i32>} : memref<1616xi32, #tpu.memory_space<vmem>>, vector<16xi32>,
    %eq3A_2402 = arith.cmpi eq, %get3A_2393, %get3A_2113 : vector<16xi32>
    %jit3A_2403 = arith.constant 1 : i32
    %jit3A_2404 = arith.constant 0 : i32
    %broadcast_in_dim3A_2405 = vector.broadcast %jit3A_2403 : i32 to vector<16xi32>
    %broadcast_in_dim3A_2406 = vector.broadcast %jit3A_2404 : i32 to vector<16xi32>
    %select_n3A_2407 = arith.select %eq3A_2402, %broadcast_in_dim3A_2405, %broadcast_in_dim3A_2406 : vector<16xi1>, vector<16xi32>
    %add3A_2408 = arith.addi %add3A_2388, %select_n3A_2407 : vector<16xi32>
    %get3A_2409 = arith.constant 15 : i32
    %get3A_2410 = arith.index_cast %get3A_2409 : i32 to index
    %get3A_2411 = arith.constant 0 : index
    %get3A_2412 = tpu.vector_load %arg9[%get3A_2410, %get3A_2411] {strides = array<i32>} : memref<101x16xi32, #tpu.memory_space<vmem>>, vector<1x16xi32>,
    %get3A_2413 = vector.shape_cast %get3A_2412 : vector<1x16xi32> to vector<16xi32>
    %gt3A_2414 = arith.constant 0 : i32
    %gt3A_2415 = vector.broadcast %gt3A_2414 : i32 to vector<16xi32>
    %gt3A_2416 = arith.cmpi sgt, %add3A_2408, %gt3A_2415 : vector<16xi32>
    %select_n3A_2417 = arith.select %gt3A_2416, %get3A_2413, %get3A_2393 : vector<16xi1>, vector<16xi32>
    %swap3A_2418 = arith.constant 240 : index
    %swap3A_2419 = tpu.vector_load %arg11[%swap3A_2418] {strides = array<i32>} : memref<1616xi32, #tpu.memory_space<vmem>>, vector<16xi32>,
    %swap3A_2420 = vector.shape_cast %swap3A_2419 : vector<16xi32> to vector<16xi32>
    %swap3A_2421 = vector.shape_cast %select_n3A_2417 : vector<16xi32> to vector<16xi32>
    tpu.vector_store %arg11[%swap3A_2418], %swap3A_2421 {strides = array<i32>} : memref<1616xi32, #tpu.memory_space<vmem>>, vector<16xi32>,
    %eq3A_2422 = arith.cmpi eq, %get3A_2413, %get3A_2113 : vector<16xi32>
    %jit3A_2423 = arith.constant 1 : i32
    %jit3A_2424 = arith.constant 0 : i32
    %broadcast_in_dim3A_2425 = vector.broadcast %jit3A_2423 : i32 to vector<16xi32>
    %broadcast_in_dim3A_2426 = vector.broadcast %jit3A_2424 : i32 to vector<16xi32>
    %select_n3A_2427 = arith.select %eq3A_2422, %broadcast_in_dim3A_2425, %broadcast_in_dim3A_2426 : vector<16xi1>, vector<16xi32>
    %add3A_2428 = arith.addi %add3A_2408, %select_n3A_2427 : vector<16xi32>
    %get3A_2429 = arith.constant 16 : i32
    %get3A_2430 = arith.index_cast %get3A_2429 : i32 to index
    %get3A_2431 = arith.constant 0 : index
    %get3A_2432 = tpu.vector_load %arg9[%get3A_2430, %get3A_2431] {strides = array<i32>} : memref<101x16xi32, #tpu.memory_space<vmem>>, vector<1x16xi32>,
    %get3A_2433 = vector.shape_cast %get3A_2432 : vector<1x16xi32> to vector<16xi32>
    %gt3A_2434 = arith.constant 0 : i32
    %gt3A_2435 = vector.broadcast %gt3A_2434 : i32 to vector<16xi32>
    %gt3A_2436 = arith.cmpi sgt, %add3A_2428, %gt3A_2435 : vector<16xi32>
    %select_n3A_2437 = arith.select %gt3A_2436, %get3A_2433, %get3A_2413 : vector<16xi1>, vector<16xi32>
    %swap3A_2438 = arith.constant 256 : index
    %swap3A_2439 = tpu.vector_load %arg11[%swap3A_2438] {strides = array<i32>} : memref<1616xi32, #tpu.memory_space<vmem>>, vector<16xi32>,
    %swap3A_2440 = vector.shape_cast %swap3A_2439 : vector<16xi32> to vector<16xi32>
    %swap3A_2441 = vector.shape_cast %select_n3A_2437 : vector<16xi32> to vector<16xi32>
    tpu.vector_store %arg11[%swap3A_2438], %swap3A_2441 {strides = array<i32>} : memref<1616xi32, #tpu.memory_space<vmem>>, vector<16xi32>,
    %eq3A_2442 = arith.cmpi eq, %get3A_2433, %get3A_2113 : vector<16xi32>
    %jit3A_2443 = arith.constant 1 : i32
    %jit3A_2444 = arith.constant 0 : i32
    %broadcast_in_dim3A_2445 = vector.broadcast %jit3A_2443 : i32 to vector<16xi32>
    %broadcast_in_dim3A_2446 = vector.broadcast %jit3A_2444 : i32 to vector<16xi32>
    %select_n3A_2447 = arith.select %eq3A_2442, %broadcast_in_dim3A_2445, %broadcast_in_dim3A_2446 : vector<16xi1>, vector<16xi32>
    %add3A_2448 = arith.addi %add3A_2428, %select_n3A_2447 : vector<16xi32>
    %get3A_2449 = arith.constant 17 : i32
    %get3A_2450 = arith.index_cast %get3A_2449 : i32 to index
    %get3A_2451 = arith.constant 0 : index
    %get3A_2452 = tpu.vector_load %arg9[%get3A_2450, %get3A_2451] {strides = array<i32>} : memref<101x16xi32, #tpu.memory_space<vmem>>, vector<1x16xi32>,
    %get3A_2453 = vector.shape_cast %get3A_2452 : vector<1x16xi32> to vector<16xi32>
    %gt3A_2454 = arith.constant 0 : i32
    %gt3A_2455 = vector.broadcast %gt3A_2454 : i32 to vector<16xi32>
    %gt3A_2456 = arith.cmpi sgt, %add3A_2448, %gt3A_2455 : vector<16xi32>
    %select_n3A_2457 = arith.select %gt3A_2456, %get3A_2453, %get3A_2433 : vector<16xi1>, vector<16xi32>
    %swap3A_2458 = arith.constant 272 : index
    %swap3A_2459 = tpu.vector_load %arg11[%swap3A_2458] {strides = array<i32>} : memref<1616xi32, #tpu.memory_space<vmem>>, vector<16xi32>,
    %swap3A_2460 = vector.shape_cast %swap3A_2459 : vector<16xi32> to vector<16xi32>
    %swap3A_2461 = vector.shape_cast %select_n3A_2457 : vector<16xi32> to vector<16xi32>
    tpu.vector_store %arg11[%swap3A_2458], %swap3A_2461 {strides = array<i32>} : memref<1616xi32, #tpu.memory_space<vmem>>, vector<16xi32>,
    %eq3A_2462 = arith.cmpi eq, %get3A_2453, %get3A_2113 : vector<16xi32>
    %jit3A_2463 = arith.constant 1 : i32
    %jit3A_2464 = arith.constant 0 : i32
    %broadcast_in_dim3A_2465 = vector.broadcast %jit3A_2463 : i32 to vector<16xi32>
    %broadcast_in_dim3A_2466 = vector.broadcast %jit3A_2464 : i32 to vector<16xi32>
    %select_n3A_2467 = arith.select %eq3A_2462, %broadcast_in_dim3A_2465, %broadcast_in_dim3A_2466 : vector<16xi1>, vector<16xi32>
    %add3A_2468 = arith.addi %add3A_2448, %select_n3A_2467 : vector<16xi32>
    %get3A_2469 = arith.constant 18 : i32
    %get3A_2470 = arith.index_cast %get3A_2469 : i32 to index
    %get3A_2471 = arith.constant 0 : index
    %get3A_2472 = tpu.vector_load %arg9[%get3A_2470, %get3A_2471] {strides = array<i32>} : memref<101x16xi32, #tpu.memory_space<vmem>>, vector<1x16xi32>,
    %get3A_2473 = vector.shape_cast %get3A_2472 : vector<1x16xi32> to vector<16xi32>
    %gt3A_2474 = arith.constant 0 : i32
    %gt3A_2475 = vector.broadcast %gt3A_2474 : i32 to vector<16xi32>
    %gt3A_2476 = arith.cmpi sgt, %add3A_2468, %gt3A_2475 : vector<16xi32>
    %select_n3A_2477 = arith.select %gt3A_2476, %get3A_2473, %get3A_2453 : vector<16xi1>, vector<16xi32>
    %swap3A_2478 = arith.constant 288 : index
    %swap3A_2479 = tpu.vector_load %arg11[%swap3A_2478] {strides = array<i32>} : memref<1616xi32, #tpu.memory_space<vmem>>, vector<16xi32>,
    %swap3A_2480 = vector.shape_cast %swap3A_2479 : vector<16xi32> to vector<16xi32>
    %swap3A_2481 = vector.shape_cast %select_n3A_2477 : vector<16xi32> to vector<16xi32>
    tpu.vector_store %arg11[%swap3A_2478], %swap3A_2481 {strides = array<i32>} : memref<1616xi32, #tpu.memory_space<vmem>>, vector<16xi32>,
    %eq3A_2482 = arith.cmpi eq, %get3A_2473, %get3A_2113 : vector<16xi32>
    %jit3A_2483 = arith.constant 1 : i32
    %jit3A_2484 = arith.constant 0 : i32
    %broadcast_in_dim3A_2485 = vector.broadcast %jit3A_2483 : i32 to vector<16xi32>
    %broadcast_in_dim3A_2486 = vector.broadcast %jit3A_2484 : i32 to vector<16xi32>
    %select_n3A_2487 = arith.select %eq3A_2482, %broadcast_in_dim3A_2485, %broadcast_in_dim3A_2486 : vector<16xi1>, vector<16xi32>
    %add3A_2488 = arith.addi %add3A_2468, %select_n3A_2487 : vector<16xi32>
    %get3A_2489 = arith.constant 19 : i32
    %get3A_2490 = arith.index_cast %get3A_2489 : i32 to index
    %get3A_2491 = arith.constant 0 : index
    %get3A_2492 = tpu.vector_load %arg9[%get3A_2490, %get3A_2491] {strides = array<i32>} : memref<101x16xi32, #tpu.memory_space<vmem>>, vector<1x16xi32>,
    %get3A_2493 = vector.shape_cast %get3A_2492 : vector<1x16xi32> to vector<16xi32>
    %gt3A_2494 = arith.constant 0 : i32
    %gt3A_2495 = vector.broadcast %gt3A_2494 : i32 to vector<16xi32>
    %gt3A_2496 = arith.cmpi sgt, %add3A_2488, %gt3A_2495 : vector<16xi32>
    %select_n3A_2497 = arith.select %gt3A_2496, %get3A_2493, %get3A_2473 : vector<16xi1>, vector<16xi32>
    %swap3A_2498 = arith.constant 304 : index
    %swap3A_2499 = tpu.vector_load %arg11[%swap3A_2498] {strides = array<i32>} : memref<1616xi32, #tpu.memory_space<vmem>>, vector<16xi32>,
    %swap3A_2500 = vector.shape_cast %swap3A_2499 : vector<16xi32> to vector<16xi32>
    %swap3A_2501 = vector.shape_cast %select_n3A_2497 : vector<16xi32> to vector<16xi32>
    tpu.vector_store %arg11[%swap3A_2498], %swap3A_2501 {strides = array<i32>} : memref<1616xi32, #tpu.memory_space<vmem>>, vector<16xi32>,
    %eq3A_2502 = arith.cmpi eq, %get3A_2493, %get3A_2113 : vector<16xi32>
    %jit3A_2503 = arith.constant 1 : i32
    %jit3A_2504 = arith.constant 0 : i32
    %broadcast_in_dim3A_2505 = vector.broadcast %jit3A_2503 : i32 to vector<16xi32>
    %broadcast_in_dim3A_2506 = vector.broadcast %jit3A_2504 : i32 to vector<16xi32>
    %select_n3A_2507 = arith.select %eq3A_2502, %broadcast_in_dim3A_2505, %broadcast_in_dim3A_2506 : vector<16xi1>, vector<16xi32>
    %add3A_2508 = arith.addi %add3A_2488, %select_n3A_2507 : vector<16xi32>
    %get3A_2509 = arith.constant 20 : i32
    %get3A_2510 = arith.index_cast %get3A_2509 : i32 to index
    %get3A_2511 = arith.constant 0 : index
    %get3A_2512 = tpu.vector_load %arg9[%get3A_2510, %get3A_2511] {strides = array<i32>} : memref<101x16xi32, #tpu.memory_space<vmem>>, vector<1x16xi32>,
    %get3A_2513 = vector.shape_cast %get3A_2512 : vector<1x16xi32> to vector<16xi32>
    %gt3A_2514 = arith.constant 0 : i32
    %gt3A_2515 = vector.broadcast %gt3A_2514 : i32 to vector<16xi32>
    %gt3A_2516 = arith.cmpi sgt, %add3A_2508, %gt3A_2515 : vector<16xi32>
    %select_n3A_2517 = arith.select %gt3A_2516, %get3A_2513, %get3A_2493 : vector<16xi1>, vector<16xi32>
    %swap3A_2518 = arith.constant 320 : index
    %swap3A_2519 = tpu.vector_load %arg11[%swap3A_2518] {strides = array<i32>} : memref<1616xi32, #tpu.memory_space<vmem>>, vector<16xi32>,
    %swap3A_2520 = vector.shape_cast %swap3A_2519 : vector<16xi32> to vector<16xi32>
    %swap3A_2521 = vector.shape_cast %select_n3A_2517 : vector<16xi32> to vector<16xi32>
    tpu.vector_store %arg11[%swap3A_2518], %swap3A_2521 {strides = array<i32>} : memref<1616xi32, #tpu.memory_space<vmem>>, vector<16xi32>,
    %eq3A_2522 = arith.cmpi eq, %get3A_2513, %get3A_2113 : vector<16xi32>
    %jit3A_2523 = arith.constant 1 : i32
    %jit3A_2524 = arith.constant 0 : i32
    %broadcast_in_dim3A_2525 = vector.broadcast %jit3A_2523 : i32 to vector<16xi32>
    %broadcast_in_dim3A_2526 = vector.broadcast %jit3A_2524 : i32 to vector<16xi32>
    %select_n3A_2527 = arith.select %eq3A_2522, %broadcast_in_dim3A_2525, %broadcast_in_dim3A_2526 : vector<16xi1>, vector<16xi32>
    %add3A_2528 = arith.addi %add3A_2508, %select_n3A_2527 : vector<16xi32>
    %get3A_2529 = arith.constant 21 : i32
    %get3A_2530 = arith.index_cast %get3A_2529 : i32 to index
    %get3A_2531 = arith.constant 0 : index
    %get3A_2532 = tpu.vector_load %arg9[%get3A_2530, %get3A_2531] {strides = array<i32>} : memref<101x16xi32, #tpu.memory_space<vmem>>, vector<1x16xi32>,
    %get3A_2533 = vector.shape_cast %get3A_2532 : vector<1x16xi32> to vector<16xi32>
    %gt3A_2534 = arith.constant 0 : i32
    %gt3A_2535 = vector.broadcast %gt3A_2534 : i32 to vector<16xi32>
    %gt3A_2536 = arith.cmpi sgt, %add3A_2528, %gt3A_2535 : vector<16xi32>
    %select_n3A_2537 = arith.select %gt3A_2536, %get3A_2533, %get3A_2513 : vector<16xi1>, vector<16xi32>
    %swap3A_2538 = arith.constant 336 : index
    %swap3A_2539 = tpu.vector_load %arg11[%swap3A_2538] {strides = array<i32>} : memref<1616xi32, #tpu.memory_space<vmem>>, vector<16xi32>,
    %swap3A_2540 = vector.shape_cast %swap3A_2539 : vector<16xi32> to vector<16xi32>
    %swap3A_2541 = vector.shape_cast %select_n3A_2537 : vector<16xi32> to vector<16xi32>
    tpu.vector_store %arg11[%swap3A_2538], %swap3A_2541 {strides = array<i32>} : memref<1616xi32, #tpu.memory_space<vmem>>, vector<16xi32>,
    %eq3A_2542 = arith.cmpi eq, %get3A_2533, %get3A_2113 : vector<16xi32>
    %jit3A_2543 = arith.constant 1 : i32
    %jit3A_2544 = arith.constant 0 : i32
    %broadcast_in_dim3A_2545 = vector.broadcast %jit3A_2543 : i32 to vector<16xi32>
    %broadcast_in_dim3A_2546 = vector.broadcast %jit3A_2544 : i32 to vector<16xi32>
    %select_n3A_2547 = arith.select %eq3A_2542, %broadcast_in_dim3A_2545, %broadcast_in_dim3A_2546 : vector<16xi1>, vector<16xi32>
    %add3A_2548 = arith.addi %add3A_2528, %select_n3A_2547 : vector<16xi32>
    %get3A_2549 = arith.constant 22 : i32
    %get3A_2550 = arith.index_cast %get3A_2549 : i32 to index
    %get3A_2551 = arith.constant 0 : index
    %get3A_2552 = tpu.vector_load %arg9[%get3A_2550, %get3A_2551] {strides = array<i32>} : memref<101x16xi32, #tpu.memory_space<vmem>>, vector<1x16xi32>,
    %get3A_2553 = vector.shape_cast %get3A_2552 : vector<1x16xi32> to vector<16xi32>
    %gt3A_2554 = arith.constant 0 : i32
    %gt3A_2555 = vector.broadcast %gt3A_2554 : i32 to vector<16xi32>
    %gt3A_2556 = arith.cmpi sgt, %add3A_2548, %gt3A_2555 : vector<16xi32>
    %select_n3A_2557 = arith.select %gt3A_2556, %get3A_2553, %get3A_2533 : vector<16xi1>, vector<16xi32>
    %swap3A_2558 = arith.constant 352 : index
    %swap3A_2559 = tpu.vector_load %arg11[%swap3A_2558] {strides = array<i32>} : memref<1616xi32, #tpu.memory_space<vmem>>, vector<16xi32>,
    %swap3A_2560 = vector.shape_cast %swap3A_2559 : vector<16xi32> to vector<16xi32>
    %swap3A_2561 = vector.shape_cast %select_n3A_2557 : vector<16xi32> to vector<16xi32>
    tpu.vector_store %arg11[%swap3A_2558], %swap3A_2561 {strides = array<i32>} : memref<1616xi32, #tpu.memory_space<vmem>>, vector<16xi32>,
    %eq3A_2562 = arith.cmpi eq, %get3A_2553, %get3A_2113 : vector<16xi32>
    %jit3A_2563 = arith.constant 1 : i32
    %jit3A_2564 = arith.constant 0 : i32
    %broadcast_in_dim3A_2565 = vector.broadcast %jit3A_2563 : i32 to vector<16xi32>
    %broadcast_in_dim3A_2566 = vector.broadcast %jit3A_2564 : i32 to vector<16xi32>
    %select_n3A_2567 = arith.select %eq3A_2562, %broadcast_in_dim3A_2565, %broadcast_in_dim3A_2566 : vector<16xi1>, vector<16xi32>
    %add3A_2568 = arith.addi %add3A_2548, %select_n3A_2567 : vector<16xi32>
    %get3A_2569 = arith.constant 23 : i32
    %get3A_2570 = arith.index_cast %get3A_2569 : i32 to index
    %get3A_2571 = arith.constant 0 : index
    %get3A_2572 = tpu.vector_load %arg9[%get3A_2570, %get3A_2571] {strides = array<i32>} : memref<101x16xi32, #tpu.memory_space<vmem>>, vector<1x16xi32>,
    %get3A_2573 = vector.shape_cast %get3A_2572 : vector<1x16xi32> to vector<16xi32>
    %gt3A_2574 = arith.constant 0 : i32
    %gt3A_2575 = vector.broadcast %gt3A_2574 : i32 to vector<16xi32>
    %gt3A_2576 = arith.cmpi sgt, %add3A_2568, %gt3A_2575 : vector<16xi32>
    %select_n3A_2577 = arith.select %gt3A_2576, %get3A_2573, %get3A_2553 : vector<16xi1>, vector<16xi32>
    %swap3A_2578 = arith.constant 368 : index
    %swap3A_2579 = tpu.vector_load %arg11[%swap3A_2578] {strides = array<i32>} : memref<1616xi32, #tpu.memory_space<vmem>>, vector<16xi32>,
    %swap3A_2580 = vector.shape_cast %swap3A_2579 : vector<16xi32> to vector<16xi32>
    %swap3A_2581 = vector.shape_cast %select_n3A_2577 : vector<16xi32> to vector<16xi32>
    tpu.vector_store %arg11[%swap3A_2578], %swap3A_2581 {strides = array<i32>} : memref<1616xi32, #tpu.memory_space<vmem>>, vector<16xi32>,
    %eq3A_2582 = arith.cmpi eq, %get3A_2573, %get3A_2113 : vector<16xi32>
    %jit3A_2583 = arith.constant 1 : i32
    %jit3A_2584 = arith.constant 0 : i32
    %broadcast_in_dim3A_2585 = vector.broadcast %jit3A_2583 : i32 to vector<16xi32>
    %broadcast_in_dim3A_2586 = vector.broadcast %jit3A_2584 : i32 to vector<16xi32>
    %select_n3A_2587 = arith.select %eq3A_2582, %broadcast_in_dim3A_2585, %broadcast_in_dim3A_2586 : vector<16xi1>, vector<16xi32>
    %add3A_2588 = arith.addi %add3A_2568, %select_n3A_2587 : vector<16xi32>
    %get3A_2589 = arith.constant 24 : i32
    %get3A_2590 = arith.index_cast %get3A_2589 : i32 to index
    %get3A_2591 = arith.constant 0 : index
    %get3A_2592 = tpu.vector_load %arg9[%get3A_2590, %get3A_2591] {strides = array<i32>} : memref<101x16xi32, #tpu.memory_space<vmem>>, vector<1x16xi32>,
    %get3A_2593 = vector.shape_cast %get3A_2592 : vector<1x16xi32> to vector<16xi32>
    %gt3A_2594 = arith.constant 0 : i32
    %gt3A_2595 = vector.broadcast %gt3A_2594 : i32 to vector<16xi32>
    %gt3A_2596 = arith.cmpi sgt, %add3A_2588, %gt3A_2595 : vector<16xi32>
    %select_n3A_2597 = arith.select %gt3A_2596, %get3A_2593, %get3A_2573 : vector<16xi1>, vector<16xi32>
    %swap3A_2598 = arith.constant 384 : index
    %swap3A_2599 = tpu.vector_load %arg11[%swap3A_2598] {strides = array<i32>} : memref<1616xi32, #tpu.memory_space<vmem>>, vector<16xi32>,
    %swap3A_2600 = vector.shape_cast %swap3A_2599 : vector<16xi32> to vector<16xi32>
    %swap3A_2601 = vector.shape_cast %select_n3A_2597 : vector<16xi32> to vector<16xi32>
    tpu.vector_store %arg11[%swap3A_2598], %swap3A_2601 {strides = array<i32>} : memref<1616xi32, #tpu.memory_space<vmem>>, vector<16xi32>,
    %eq3A_2602 = arith.cmpi eq, %get3A_2593, %get3A_2113 : vector<16xi32>
    %jit3A_2603 = arith.constant 1 : i32
    %jit3A_2604 = arith.constant 0 : i32
    %broadcast_in_dim3A_2605 = vector.broadcast %jit3A_2603 : i32 to vector<16xi32>
    %broadcast_in_dim3A_2606 = vector.broadcast %jit3A_2604 : i32 to vector<16xi32>
    %select_n3A_2607 = arith.select %eq3A_2602, %broadcast_in_dim3A_2605, %broadcast_in_dim3A_2606 : vector<16xi1>, vector<16xi32>
    %add3A_2608 = arith.addi %add3A_2588, %select_n3A_2607 : vector<16xi32>
    %get3A_2609 = arith.constant 25 : i32
    %get3A_2610 = arith.index_cast %get3A_2609 : i32 to index
    %get3A_2611 = arith.constant 0 : index
    %get3A_2612 = tpu.vector_load %arg9[%get3A_2610, %get3A_2611] {strides = array<i32>} : memref<101x16xi32, #tpu.memory_space<vmem>>, vector<1x16xi32>,
    %get3A_2613 = vector.shape_cast %get3A_2612 : vector<1x16xi32> to vector<16xi32>
    %gt3A_2614 = arith.constant 0 : i32
    %gt3A_2615 = vector.broadcast %gt3A_2614 : i32 to vector<16xi32>
    %gt3A_2616 = arith.cmpi sgt, %add3A_2608, %gt3A_2615 : vector<16xi32>
    %select_n3A_2617 = arith.select %gt3A_2616, %get3A_2613, %get3A_2593 : vector<16xi1>, vector<16xi32>
    %swap3A_2618 = arith.constant 400 : index
    %swap3A_2619 = tpu.vector_load %arg11[%swap3A_2618] {strides = array<i32>} : memref<1616xi32, #tpu.memory_space<vmem>>, vector<16xi32>,
    %swap3A_2620 = vector.shape_cast %swap3A_2619 : vector<16xi32> to vector<16xi32>
    %swap3A_2621 = vector.shape_cast %select_n3A_2617 : vector<16xi32> to vector<16xi32>
    tpu.vector_store %arg11[%swap3A_2618], %swap3A_2621 {strides = array<i32>} : memref<1616xi32, #tpu.memory_space<vmem>>, vector<16xi32>,
    %eq3A_2622 = arith.cmpi eq, %get3A_2613, %get3A_2113 : vector<16xi32>
    %jit3A_2623 = arith.constant 1 : i32
    %jit3A_2624 = arith.constant 0 : i32
    %broadcast_in_dim3A_2625 = vector.broadcast %jit3A_2623 : i32 to vector<16xi32>
    %broadcast_in_dim3A_2626 = vector.broadcast %jit3A_2624 : i32 to vector<16xi32>
    %select_n3A_2627 = arith.select %eq3A_2622, %broadcast_in_dim3A_2625, %broadcast_in_dim3A_2626 : vector<16xi1>, vector<16xi32>
    %add3A_2628 = arith.addi %add3A_2608, %select_n3A_2627 : vector<16xi32>
    %get3A_2629 = arith.constant 26 : i32
    %get3A_2630 = arith.index_cast %get3A_2629 : i32 to index
    %get3A_2631 = arith.constant 0 : index
    %get3A_2632 = tpu.vector_load %arg9[%get3A_2630, %get3A_2631] {strides = array<i32>} : memref<101x16xi32, #tpu.memory_space<vmem>>, vector<1x16xi32>,
    %get3A_2633 = vector.shape_cast %get3A_2632 : vector<1x16xi32> to vector<16xi32>
    %gt3A_2634 = arith.constant 0 : i32
    %gt3A_2635 = vector.broadcast %gt3A_2634 : i32 to vector<16xi32>
    %gt3A_2636 = arith.cmpi sgt, %add3A_2628, %gt3A_2635 : vector<16xi32>
    %select_n3A_2637 = arith.select %gt3A_2636, %get3A_2633, %get3A_2613 : vector<16xi1>, vector<16xi32>
    %swap3A_2638 = arith.constant 416 : index
    %swap3A_2639 = tpu.vector_load %arg11[%swap3A_2638] {strides = array<i32>} : memref<1616xi32, #tpu.memory_space<vmem>>, vector<16xi32>,
    %swap3A_2640 = vector.shape_cast %swap3A_2639 : vector<16xi32> to vector<16xi32>
    %swap3A_2641 = vector.shape_cast %select_n3A_2637 : vector<16xi32> to vector<16xi32>
    tpu.vector_store %arg11[%swap3A_2638], %swap3A_2641 {strides = array<i32>} : memref<1616xi32, #tpu.memory_space<vmem>>, vector<16xi32>,
    %eq3A_2642 = arith.cmpi eq, %get3A_2633, %get3A_2113 : vector<16xi32>
    %jit3A_2643 = arith.constant 1 : i32
    %jit3A_2644 = arith.constant 0 : i32
    %broadcast_in_dim3A_2645 = vector.broadcast %jit3A_2643 : i32 to vector<16xi32>
    %broadcast_in_dim3A_2646 = vector.broadcast %jit3A_2644 : i32 to vector<16xi32>
    %select_n3A_2647 = arith.select %eq3A_2642, %broadcast_in_dim3A_2645, %broadcast_in_dim3A_2646 : vector<16xi1>, vector<16xi32>
    %add3A_2648 = arith.addi %add3A_2628, %select_n3A_2647 : vector<16xi32>
    %get3A_2649 = arith.constant 27 : i32
    %get3A_2650 = arith.index_cast %get3A_2649 : i32 to index
    %get3A_2651 = arith.constant 0 : index
    %get3A_2652 = tpu.vector_load %arg9[%get3A_2650, %get3A_2651] {strides = array<i32>} : memref<101x16xi32, #tpu.memory_space<vmem>>, vector<1x16xi32>,
    %get3A_2653 = vector.shape_cast %get3A_2652 : vector<1x16xi32> to vector<16xi32>
    %gt3A_2654 = arith.constant 0 : i32
    %gt3A_2655 = vector.broadcast %gt3A_2654 : i32 to vector<16xi32>
    %gt3A_2656 = arith.cmpi sgt, %add3A_2648, %gt3A_2655 : vector<16xi32>
    %select_n3A_2657 = arith.select %gt3A_2656, %get3A_2653, %get3A_2633 : vector<16xi1>, vector<16xi32>
    %swap3A_2658 = arith.constant 432 : index
    %swap3A_2659 = tpu.vector_load %arg11[%swap3A_2658] {strides = array<i32>} : memref<1616xi32, #tpu.memory_space<vmem>>, vector<16xi32>,
    %swap3A_2660 = vector.shape_cast %swap3A_2659 : vector<16xi32> to vector<16xi32>
    %swap3A_2661 = vector.shape_cast %select_n3A_2657 : vector<16xi32> to vector<16xi32>
    tpu.vector_store %arg11[%swap3A_2658], %swap3A_2661 {strides = array<i32>} : memref<1616xi32, #tpu.memory_space<vmem>>, vector<16xi32>,
    %eq3A_2662 = arith.cmpi eq, %get3A_2653, %get3A_2113 : vector<16xi32>
    %jit3A_2663 = arith.constant 1 : i32
    %jit3A_2664 = arith.constant 0 : i32
    %broadcast_in_dim3A_2665 = vector.broadcast %jit3A_2663 : i32 to vector<16xi32>
    %broadcast_in_dim3A_2666 = vector.broadcast %jit3A_2664 : i32 to vector<16xi32>
    %select_n3A_2667 = arith.select %eq3A_2662, %broadcast_in_dim3A_2665, %broadcast_in_dim3A_2666 : vector<16xi1>, vector<16xi32>
    %add3A_2668 = arith.addi %add3A_2648, %select_n3A_2667 : vector<16xi32>
    %get3A_2669 = arith.constant 28 : i32
    %get3A_2670 = arith.index_cast %get3A_2669 : i32 to index
    %get3A_2671 = arith.constant 0 : index
    %get3A_2672 = tpu.vector_load %arg9[%get3A_2670, %get3A_2671] {strides = array<i32>} : memref<101x16xi32, #tpu.memory_space<vmem>>, vector<1x16xi32>,
    %get3A_2673 = vector.shape_cast %get3A_2672 : vector<1x16xi32> to vector<16xi32>
    %gt3A_2674 = arith.constant 0 : i32
    %gt3A_2675 = vector.broadcast %gt3A_2674 : i32 to vector<16xi32>
    %gt3A_2676 = arith.cmpi sgt, %add3A_2668, %gt3A_2675 : vector<16xi32>
    %select_n3A_2677 = arith.select %gt3A_2676, %get3A_2673, %get3A_2653 : vector<16xi1>, vector<16xi32>
    %swap3A_2678 = arith.constant 448 : index
    %swap3A_2679 = tpu.vector_load %arg11[%swap3A_2678] {strides = array<i32>} : memref<1616xi32, #tpu.memory_space<vmem>>, vector<16xi32>,
    %swap3A_2680 = vector.shape_cast %swap3A_2679 : vector<16xi32> to vector<16xi32>
    %swap3A_2681 = vector.shape_cast %select_n3A_2677 : vector<16xi32> to vector<16xi32>
    tpu.vector_store %arg11[%swap3A_2678], %swap3A_2681 {strides = array<i32>} : memref<1616xi32, #tpu.memory_space<vmem>>, vector<16xi32>,
    %eq3A_2682 = arith.cmpi eq, %get3A_2673, %get3A_2113 : vector<16xi32>
    %jit3A_2683 = arith.constant 1 : i32
    %jit3A_2684 = arith.constant 0 : i32
    %broadcast_in_dim3A_2685 = vector.broadcast %jit3A_2683 : i32 to vector<16xi32>
    %broadcast_in_dim3A_2686 = vector.broadcast %jit3A_2684 : i32 to vector<16xi32>
    %select_n3A_2687 = arith.select %eq3A_2682, %broadcast_in_dim3A_2685, %broadcast_in_dim3A_2686 : vector<16xi1>, vector<16xi32>
    %add3A_2688 = arith.addi %add3A_2668, %select_n3A_2687 : vector<16xi32>
    %get3A_2689 = arith.constant 29 : i32
    %get3A_2690 = arith.index_cast %get3A_2689 : i32 to index
    %get3A_2691 = arith.constant 0 : index
    %get3A_2692 = tpu.vector_load %arg9[%get3A_2690, %get3A_2691] {strides = array<i32>} : memref<101x16xi32, #tpu.memory_space<vmem>>, vector<1x16xi32>,
    %get3A_2693 = vector.shape_cast %get3A_2692 : vector<1x16xi32> to vector<16xi32>
    %gt3A_2694 = arith.constant 0 : i32
    %gt3A_2695 = vector.broadcast %gt3A_2694 : i32 to vector<16xi32>
    %gt3A_2696 = arith.cmpi sgt, %add3A_2688, %gt3A_2695 : vector<16xi32>
    %select_n3A_2697 = arith.select %gt3A_2696, %get3A_2693, %get3A_2673 : vector<16xi1>, vector<16xi32>
    %swap3A_2698 = arith.constant 464 : index
    %swap3A_2699 = tpu.vector_load %arg11[%swap3A_2698] {strides = array<i32>} : memref<1616xi32, #tpu.memory_space<vmem>>, vector<16xi32>,
    %swap3A_2700 = vector.shape_cast %swap3A_2699 : vector<16xi32> to vector<16xi32>
    %swap3A_2701 = vector.shape_cast %select_n3A_2697 : vector<16xi32> to vector<16xi32>
    tpu.vector_store %arg11[%swap3A_2698], %swap3A_2701 {strides = array<i32>} : memref<1616xi32, #tpu.memory_space<vmem>>, vector<16xi32>,
    %eq3A_2702 = arith.cmpi eq, %get3A_2693, %get3A_2113 : vector<16xi32>
    %jit3A_2703 = arith.constant 1 : i32
    %jit3A_2704 = arith.constant 0 : i32
    %broadcast_in_dim3A_2705 = vector.broadcast %jit3A_2703 : i32 to vector<16xi32>
    %broadcast_in_dim3A_2706 = vector.broadcast %jit3A_2704 : i32 to vector<16xi32>
    %select_n3A_2707 = arith.select %eq3A_2702, %broadcast_in_dim3A_2705, %broadcast_in_dim3A_2706 : vector<16xi1>, vector<16xi32>
    %add3A_2708 = arith.addi %add3A_2688, %select_n3A_2707 : vector<16xi32>
    %get3A_2709 = arith.constant 30 : i32
    %get3A_2710 = arith.index_cast %get3A_2709 : i32 to index
    %get3A_2711 = arith.constant 0 : index
    %get3A_2712 = tpu.vector_load %arg9[%get3A_2710, %get3A_2711] {strides = array<i32>} : memref<101x16xi32, #tpu.memory_space<vmem>>, vector<1x16xi32>,
    %get3A_2713 = vector.shape_cast %get3A_2712 : vector<1x16xi32> to vector<16xi32>
    %gt3A_2714 = arith.constant 0 : i32
    %gt3A_2715 = vector.broadcast %gt3A_2714 : i32 to vector<16xi32>
    %gt3A_2716 = arith.cmpi sgt, %add3A_2708, %gt3A_2715 : vector<16xi32>
    %select_n3A_2717 = arith.select %gt3A_2716, %get3A_2713, %get3A_2693 : vector<16xi1>, vector<16xi32>
    %swap3A_2718 = arith.constant 480 : index
    %swap3A_2719 = tpu.vector_load %arg11[%swap3A_2718] {strides = array<i32>} : memref<1616xi32, #tpu.memory_space<vmem>>, vector<16xi32>,
    %swap3A_2720 = vector.shape_cast %swap3A_2719 : vector<16xi32> to vector<16xi32>
    %swap3A_2721 = vector.shape_cast %select_n3A_2717 : vector<16xi32> to vector<16xi32>
    tpu.vector_store %arg11[%swap3A_2718], %swap3A_2721 {strides = array<i32>} : memref<1616xi32, #tpu.memory_space<vmem>>, vector<16xi32>,
    %eq3A_2722 = arith.cmpi eq, %get3A_2713, %get3A_2113 : vector<16xi32>
    %jit3A_2723 = arith.constant 1 : i32
    %jit3A_2724 = arith.constant 0 : i32
    %broadcast_in_dim3A_2725 = vector.broadcast %jit3A_2723 : i32 to vector<16xi32>
    %broadcast_in_dim3A_2726 = vector.broadcast %jit3A_2724 : i32 to vector<16xi32>
    %select_n3A_2727 = arith.select %eq3A_2722, %broadcast_in_dim3A_2725, %broadcast_in_dim3A_2726 : vector<16xi1>, vector<16xi32>
    %add3A_2728 = arith.addi %add3A_2708, %select_n3A_2727 : vector<16xi32>
    %get3A_2729 = arith.constant 31 : i32
    %get3A_2730 = arith.index_cast %get3A_2729 : i32 to index
    %get3A_2731 = arith.constant 0 : index
    %get3A_2732 = tpu.vector_load %arg9[%get3A_2730, %get3A_2731] {strides = array<i32>} : memref<101x16xi32, #tpu.memory_space<vmem>>, vector<1x16xi32>,
    %get3A_2733 = vector.shape_cast %get3A_2732 : vector<1x16xi32> to vector<16xi32>
    %gt3A_2734 = arith.constant 0 : i32
    %gt3A_2735 = vector.broadcast %gt3A_2734 : i32 to vector<16xi32>
    %gt3A_2736 = arith.cmpi sgt, %add3A_2728, %gt3A_2735 : vector<16xi32>
    %select_n3A_2737 = arith.select %gt3A_2736, %get3A_2733, %get3A_2713 : vector<16xi1>, vector<16xi32>
    %swap3A_2738 = arith.constant 496 : index
    %swap3A_2739 = tpu.vector_load %arg11[%swap3A_2738] {strides = array<i32>} : memref<1616xi32, #tpu.memory_space<vmem>>, vector<16xi32>,
    %swap3A_2740 = vector.shape_cast %swap3A_2739 : vector<16xi32> to vector<16xi32>
    %swap3A_2741 = vector.shape_cast %select_n3A_2737 : vector<16xi32> to vector<16xi32>
    tpu.vector_store %arg11[%swap3A_2738], %swap3A_2741 {strides = array<i32>} : memref<1616xi32, #tpu.memory_space<vmem>>, vector<16xi32>,
    %eq3A_2742 = arith.cmpi eq, %get3A_2733, %get3A_2113 : vector<16xi32>
    %jit3A_2743 = arith.constant 1 : i32
    %jit3A_2744 = arith.constant 0 : i32
    %broadcast_in_dim3A_2745 = vector.broadcast %jit3A_2743 : i32 to vector<16xi32>
    %broadcast_in_dim3A_2746 = vector.broadcast %jit3A_2744 : i32 to vector<16xi32>
    %select_n3A_2747 = arith.select %eq3A_2742, %broadcast_in_dim3A_2745, %broadcast_in_dim3A_2746 : vector<16xi1>, vector<16xi32>
    %add3A_2748 = arith.addi %add3A_2728, %select_n3A_2747 : vector<16xi32>
    %get3A_2749 = arith.constant 32 : i32
    %get3A_2750 = arith.index_cast %get3A_2749 : i32 to index
    %get3A_2751 = arith.constant 0 : index
    %get3A_2752 = tpu.vector_load %arg9[%get3A_2750, %get3A_2751] {strides = array<i32>} : memref<101x16xi32, #tpu.memory_space<vmem>>, vector<1x16xi32>,
    %get3A_2753 = vector.shape_cast %get3A_2752 : vector<1x16xi32> to vector<16xi32>
    %gt3A_2754 = arith.constant 0 : i32
    %gt3A_2755 = vector.broadcast %gt3A_2754 : i32 to vector<16xi32>
    %gt3A_2756 = arith.cmpi sgt, %add3A_2748, %gt3A_2755 : vector<16xi32>
    %select_n3A_2757 = arith.select %gt3A_2756, %get3A_2753, %get3A_2733 : vector<16xi1>, vector<16xi32>
    %swap3A_2758 = arith.constant 512 : index
    %swap3A_2759 = tpu.vector_load %arg11[%swap3A_2758] {strides = array<i32>} : memref<1616xi32, #tpu.memory_space<vmem>>, vector<16xi32>,
    %swap3A_2760 = vector.shape_cast %swap3A_2759 : vector<16xi32> to vector<16xi32>
    %swap3A_2761 = vector.shape_cast %select_n3A_2757 : vector<16xi32> to vector<16xi32>
    tpu.vector_store %arg11[%swap3A_2758], %swap3A_2761 {strides = array<i32>} : memref<1616xi32, #tpu.memory_space<vmem>>, vector<16xi32>,
    %eq3A_2762 = arith.cmpi eq, %get3A_2753, %get3A_2113 : vector<16xi32>
    %jit3A_2763 = arith.constant 1 : i32
    %jit3A_2764 = arith.constant 0 : i32
    %broadcast_in_dim3A_2765 = vector.broadcast %jit3A_2763 : i32 to vector<16xi32>
    %broadcast_in_dim3A_2766 = vector.broadcast %jit3A_2764 : i32 to vector<16xi32>
    %select_n3A_2767 = arith.select %eq3A_2762, %broadcast_in_dim3A_2765, %broadcast_in_dim3A_2766 : vector<16xi1>, vector<16xi32>
    %add3A_2768 = arith.addi %add3A_2748, %select_n3A_2767 : vector<16xi32>
    %get3A_2769 = arith.constant 33 : i32
    %get3A_2770 = arith.index_cast %get3A_2769 : i32 to index
    %get3A_2771 = arith.constant 0 : index
    %get3A_2772 = tpu.vector_load %arg9[%get3A_2770, %get3A_2771] {strides = array<i32>} : memref<101x16xi32, #tpu.memory_space<vmem>>, vector<1x16xi32>,
    %get3A_2773 = vector.shape_cast %get3A_2772 : vector<1x16xi32> to vector<16xi32>
    %gt3A_2774 = arith.constant 0 : i32
    %gt3A_2775 = vector.broadcast %gt3A_2774 : i32 to vector<16xi32>
    %gt3A_2776 = arith.cmpi sgt, %add3A_2768, %gt3A_2775 : vector<16xi32>
    %select_n3A_2777 = arith.select %gt3A_2776, %get3A_2773, %get3A_2753 : vector<16xi1>, vector<16xi32>
    %swap3A_2778 = arith.constant 528 : index
    %swap3A_2779 = tpu.vector_load %arg11[%swap3A_2778] {strides = array<i32>} : memref<1616xi32, #tpu.memory_space<vmem>>, vector<16xi32>,
    %swap3A_2780 = vector.shape_cast %swap3A_2779 : vector<16xi32> to vector<16xi32>
    %swap3A_2781 = vector.shape_cast %select_n3A_2777 : vector<16xi32> to vector<16xi32>
    tpu.vector_store %arg11[%swap3A_2778], %swap3A_2781 {strides = array<i32>} : memref<1616xi32, #tpu.memory_space<vmem>>, vector<16xi32>,
    %eq3A_2782 = arith.cmpi eq, %get3A_2773, %get3A_2113 : vector<16xi32>
    %jit3A_2783 = arith.constant 1 : i32
    %jit3A_2784 = arith.constant 0 : i32
    %broadcast_in_dim3A_2785 = vector.broadcast %jit3A_2783 : i32 to vector<16xi32>
    %broadcast_in_dim3A_2786 = vector.broadcast %jit3A_2784 : i32 to vector<16xi32>
    %select_n3A_2787 = arith.select %eq3A_2782, %broadcast_in_dim3A_2785, %broadcast_in_dim3A_2786 : vector<16xi1>, vector<16xi32>
    %add3A_2788 = arith.addi %add3A_2768, %select_n3A_2787 : vector<16xi32>
    %get3A_2789 = arith.constant 34 : i32
    %get3A_2790 = arith.index_cast %get3A_2789 : i32 to index
    %get3A_2791 = arith.constant 0 : index
    %get3A_2792 = tpu.vector_load %arg9[%get3A_2790, %get3A_2791] {strides = array<i32>} : memref<101x16xi32, #tpu.memory_space<vmem>>, vector<1x16xi32>,
    %get3A_2793 = vector.shape_cast %get3A_2792 : vector<1x16xi32> to vector<16xi32>
    %gt3A_2794 = arith.constant 0 : i32
    %gt3A_2795 = vector.broadcast %gt3A_2794 : i32 to vector<16xi32>
    %gt3A_2796 = arith.cmpi sgt, %add3A_2788, %gt3A_2795 : vector<16xi32>
    %select_n3A_2797 = arith.select %gt3A_2796, %get3A_2793, %get3A_2773 : vector<16xi1>, vector<16xi32>
    %swap3A_2798 = arith.constant 544 : index
    %swap3A_2799 = tpu.vector_load %arg11[%swap3A_2798] {strides = array<i32>} : memref<1616xi32, #tpu.memory_space<vmem>>, vector<16xi32>,
    %swap3A_2800 = vector.shape_cast %swap3A_2799 : vector<16xi32> to vector<16xi32>
    %swap3A_2801 = vector.shape_cast %select_n3A_2797 : vector<16xi32> to vector<16xi32>
    tpu.vector_store %arg11[%swap3A_2798], %swap3A_2801 {strides = array<i32>} : memref<1616xi32, #tpu.memory_space<vmem>>, vector<16xi32>,
    %eq3A_2802 = arith.cmpi eq, %get3A_2793, %get3A_2113 : vector<16xi32>
    %jit3A_2803 = arith.constant 1 : i32
    %jit3A_2804 = arith.constant 0 : i32
    %broadcast_in_dim3A_2805 = vector.broadcast %jit3A_2803 : i32 to vector<16xi32>
    %broadcast_in_dim3A_2806 = vector.broadcast %jit3A_2804 : i32 to vector<16xi32>
    %select_n3A_2807 = arith.select %eq3A_2802, %broadcast_in_dim3A_2805, %broadcast_in_dim3A_2806 : vector<16xi1>, vector<16xi32>
    %add3A_2808 = arith.addi %add3A_2788, %select_n3A_2807 : vector<16xi32>
    %get3A_2809 = arith.constant 35 : i32
    %get3A_2810 = arith.index_cast %get3A_2809 : i32 to index
    %get3A_2811 = arith.constant 0 : index
    %get3A_2812 = tpu.vector_load %arg9[%get3A_2810, %get3A_2811] {strides = array<i32>} : memref<101x16xi32, #tpu.memory_space<vmem>>, vector<1x16xi32>,
    %get3A_2813 = vector.shape_cast %get3A_2812 : vector<1x16xi32> to vector<16xi32>
    %gt3A_2814 = arith.constant 0 : i32
    %gt3A_2815 = vector.broadcast %gt3A_2814 : i32 to vector<16xi32>
    %gt3A_2816 = arith.cmpi sgt, %add3A_2808, %gt3A_2815 : vector<16xi32>
    %select_n3A_2817 = arith.select %gt3A_2816, %get3A_2813, %get3A_2793 : vector<16xi1>, vector<16xi32>
    %swap3A_2818 = arith.constant 560 : index
    %swap3A_2819 = tpu.vector_load %arg11[%swap3A_2818] {strides = array<i32>} : memref<1616xi32, #tpu.memory_space<vmem>>, vector<16xi32>,
    %swap3A_2820 = vector.shape_cast %swap3A_2819 : vector<16xi32> to vector<16xi32>
    %swap3A_2821 = vector.shape_cast %select_n3A_2817 : vector<16xi32> to vector<16xi32>
    tpu.vector_store %arg11[%swap3A_2818], %swap3A_2821 {strides = array<i32>} : memref<1616xi32, #tpu.memory_space<vmem>>, vector<16xi32>,
    %eq3A_2822 = arith.cmpi eq, %get3A_2813, %get3A_2113 : vector<16xi32>
    %jit3A_2823 = arith.constant 1 : i32
    %jit3A_2824 = arith.constant 0 : i32
    %broadcast_in_dim3A_2825 = vector.broadcast %jit3A_2823 : i32 to vector<16xi32>
    %broadcast_in_dim3A_2826 = vector.broadcast %jit3A_2824 : i32 to vector<16xi32>
    %select_n3A_2827 = arith.select %eq3A_2822, %broadcast_in_dim3A_2825, %broadcast_in_dim3A_2826 : vector<16xi1>, vector<16xi32>
    %add3A_2828 = arith.addi %add3A_2808, %select_n3A_2827 : vector<16xi32>
    %get3A_2829 = arith.constant 36 : i32
    %get3A_2830 = arith.index_cast %get3A_2829 : i32 to index
    %get3A_2831 = arith.constant 0 : index
    %get3A_2832 = tpu.vector_load %arg9[%get3A_2830, %get3A_2831] {strides = array<i32>} : memref<101x16xi32, #tpu.memory_space<vmem>>, vector<1x16xi32>,
    %get3A_2833 = vector.shape_cast %get3A_2832 : vector<1x16xi32> to vector<16xi32>
    %gt3A_2834 = arith.constant 0 : i32
    %gt3A_2835 = vector.broadcast %gt3A_2834 : i32 to vector<16xi32>
    %gt3A_2836 = arith.cmpi sgt, %add3A_2828, %gt3A_2835 : vector<16xi32>
    %select_n3A_2837 = arith.select %gt3A_2836, %get3A_2833, %get3A_2813 : vector<16xi1>, vector<16xi32>
    %swap3A_2838 = arith.constant 576 : index
    %swap3A_2839 = tpu.vector_load %arg11[%swap3A_2838] {strides = array<i32>} : memref<1616xi32, #tpu.memory_space<vmem>>, vector<16xi32>,
    %swap3A_2840 = vector.shape_cast %swap3A_2839 : vector<16xi32> to vector<16xi32>
    %swap3A_2841 = vector.shape_cast %select_n3A_2837 : vector<16xi32> to vector<16xi32>
    tpu.vector_store %arg11[%swap3A_2838], %swap3A_2841 {strides = array<i32>} : memref<1616xi32, #tpu.memory_space<vmem>>, vector<16xi32>,
    %eq3A_2842 = arith.cmpi eq, %get3A_2833, %get3A_2113 : vector<16xi32>
    %jit3A_2843 = arith.constant 1 : i32
    %jit3A_2844 = arith.constant 0 : i32
    %broadcast_in_dim3A_2845 = vector.broadcast %jit3A_2843 : i32 to vector<16xi32>
    %broadcast_in_dim3A_2846 = vector.broadcast %jit3A_2844 : i32 to vector<16xi32>
    %select_n3A_2847 = arith.select %eq3A_2842, %broadcast_in_dim3A_2845, %broadcast_in_dim3A_2846 : vector<16xi1>, vector<16xi32>
    %add3A_2848 = arith.addi %add3A_2828, %select_n3A_2847 : vector<16xi32>
    %get3A_2849 = arith.constant 37 : i32
    %get3A_2850 = arith.index_cast %get3A_2849 : i32 to index
    %get3A_2851 = arith.constant 0 : index
    %get3A_2852 = tpu.vector_load %arg9[%get3A_2850, %get3A_2851] {strides = array<i32>} : memref<101x16xi32, #tpu.memory_space<vmem>>, vector<1x16xi32>,
    %get3A_2853 = vector.shape_cast %get3A_2852 : vector<1x16xi32> to vector<16xi32>
    %gt3A_2854 = arith.constant 0 : i32
    %gt3A_2855 = vector.broadcast %gt3A_2854 : i32 to vector<16xi32>
    %gt3A_2856 = arith.cmpi sgt, %add3A_2848, %gt3A_2855 : vector<16xi32>
    %select_n3A_2857 = arith.select %gt3A_2856, %get3A_2853, %get3A_2833 : vector<16xi1>, vector<16xi32>
    %swap3A_2858 = arith.constant 592 : index
    %swap3A_2859 = tpu.vector_load %arg11[%swap3A_2858] {strides = array<i32>} : memref<1616xi32, #tpu.memory_space<vmem>>, vector<16xi32>,
    %swap3A_2860 = vector.shape_cast %swap3A_2859 : vector<16xi32> to vector<16xi32>
    %swap3A_2861 = vector.shape_cast %select_n3A_2857 : vector<16xi32> to vector<16xi32>
    tpu.vector_store %arg11[%swap3A_2858], %swap3A_2861 {strides = array<i32>} : memref<1616xi32, #tpu.memory_space<vmem>>, vector<16xi32>,
    %eq3A_2862 = arith.cmpi eq, %get3A_2853, %get3A_2113 : vector<16xi32>
    %jit3A_2863 = arith.constant 1 : i32
    %jit3A_2864 = arith.constant 0 : i32
    %broadcast_in_dim3A_2865 = vector.broadcast %jit3A_2863 : i32 to vector<16xi32>
    %broadcast_in_dim3A_2866 = vector.broadcast %jit3A_2864 : i32 to vector<16xi32>
    %select_n3A_2867 = arith.select %eq3A_2862, %broadcast_in_dim3A_2865, %broadcast_in_dim3A_2866 : vector<16xi1>, vector<16xi32>
    %add3A_2868 = arith.addi %add3A_2848, %select_n3A_2867 : vector<16xi32>
    %get3A_2869 = arith.constant 38 : i32
    %get3A_2870 = arith.index_cast %get3A_2869 : i32 to index
    %get3A_2871 = arith.constant 0 : index
    %get3A_2872 = tpu.vector_load %arg9[%get3A_2870, %get3A_2871] {strides = array<i32>} : memref<101x16xi32, #tpu.memory_space<vmem>>, vector<1x16xi32>,
    %get3A_2873 = vector.shape_cast %get3A_2872 : vector<1x16xi32> to vector<16xi32>
    %gt3A_2874 = arith.constant 0 : i32
    %gt3A_2875 = vector.broadcast %gt3A_2874 : i32 to vector<16xi32>
    %gt3A_2876 = arith.cmpi sgt, %add3A_2868, %gt3A_2875 : vector<16xi32>
    %select_n3A_2877 = arith.select %gt3A_2876, %get3A_2873, %get3A_2853 : vector<16xi1>, vector<16xi32>
    %swap3A_2878 = arith.constant 608 : index
    %swap3A_2879 = tpu.vector_load %arg11[%swap3A_2878] {strides = array<i32>} : memref<1616xi32, #tpu.memory_space<vmem>>, vector<16xi32>,
    %swap3A_2880 = vector.shape_cast %swap3A_2879 : vector<16xi32> to vector<16xi32>
    %swap3A_2881 = vector.shape_cast %select_n3A_2877 : vector<16xi32> to vector<16xi32>
    tpu.vector_store %arg11[%swap3A_2878], %swap3A_2881 {strides = array<i32>} : memref<1616xi32, #tpu.memory_space<vmem>>, vector<16xi32>,
    %eq3A_2882 = arith.cmpi eq, %get3A_2873, %get3A_2113 : vector<16xi32>
    %jit3A_2883 = arith.constant 1 : i32
    %jit3A_2884 = arith.constant 0 : i32
    %broadcast_in_dim3A_2885 = vector.broadcast %jit3A_2883 : i32 to vector<16xi32>
    %broadcast_in_dim3A_2886 = vector.broadcast %jit3A_2884 : i32 to vector<16xi32>
    %select_n3A_2887 = arith.select %eq3A_2882, %broadcast_in_dim3A_2885, %broadcast_in_dim3A_2886 : vector<16xi1>, vector<16xi32>
    %add3A_2888 = arith.addi %add3A_2868, %select_n3A_2887 : vector<16xi32>
    %get3A_2889 = arith.constant 39 : i32
    %get3A_2890 = arith.index_cast %get3A_2889 : i32 to index
    %get3A_2891 = arith.constant 0 : index
    %get3A_2892 = tpu.vector_load %arg9[%get3A_2890, %get3A_2891] {strides = array<i32>} : memref<101x16xi32, #tpu.memory_space<vmem>>, vector<1x16xi32>,
    %get3A_2893 = vector.shape_cast %get3A_2892 : vector<1x16xi32> to vector<16xi32>
    %gt3A_2894 = arith.constant 0 : i32
    %gt3A_2895 = vector.broadcast %gt3A_2894 : i32 to vector<16xi32>
    %gt3A_2896 = arith.cmpi sgt, %add3A_2888, %gt3A_2895 : vector<16xi32>
    %select_n3A_2897 = arith.select %gt3A_2896, %get3A_2893, %get3A_2873 : vector<16xi1>, vector<16xi32>
    %swap3A_2898 = arith.constant 624 : index
    %swap3A_2899 = tpu.vector_load %arg11[%swap3A_2898] {strides = array<i32>} : memref<1616xi32, #tpu.memory_space<vmem>>, vector<16xi32>,
    %swap3A_2900 = vector.shape_cast %swap3A_2899 : vector<16xi32> to vector<16xi32>
    %swap3A_2901 = vector.shape_cast %select_n3A_2897 : vector<16xi32> to vector<16xi32>
    tpu.vector_store %arg11[%swap3A_2898], %swap3A_2901 {strides = array<i32>} : memref<1616xi32, #tpu.memory_space<vmem>>, vector<16xi32>,
    %eq3A_2902 = arith.cmpi eq, %get3A_2893, %get3A_2113 : vector<16xi32>
    %jit3A_2903 = arith.constant 1 : i32
    %jit3A_2904 = arith.constant 0 : i32
    %broadcast_in_dim3A_2905 = vector.broadcast %jit3A_2903 : i32 to vector<16xi32>
    %broadcast_in_dim3A_2906 = vector.broadcast %jit3A_2904 : i32 to vector<16xi32>
    %select_n3A_2907 = arith.select %eq3A_2902, %broadcast_in_dim3A_2905, %broadcast_in_dim3A_2906 : vector<16xi1>, vector<16xi32>
    %add3A_2908 = arith.addi %add3A_2888, %select_n3A_2907 : vector<16xi32>
    %get3A_2909 = arith.constant 40 : i32
    %get3A_2910 = arith.index_cast %get3A_2909 : i32 to index
    %get3A_2911 = arith.constant 0 : index
    %get3A_2912 = tpu.vector_load %arg9[%get3A_2910, %get3A_2911] {strides = array<i32>} : memref<101x16xi32, #tpu.memory_space<vmem>>, vector<1x16xi32>,
    %get3A_2913 = vector.shape_cast %get3A_2912 : vector<1x16xi32> to vector<16xi32>
    %gt3A_2914 = arith.constant 0 : i32
    %gt3A_2915 = vector.broadcast %gt3A_2914 : i32 to vector<16xi32>
    %gt3A_2916 = arith.cmpi sgt, %add3A_2908, %gt3A_2915 : vector<16xi32>
    %select_n3A_2917 = arith.select %gt3A_2916, %get3A_2913, %get3A_2893 : vector<16xi1>, vector<16xi32>
    %swap3A_2918 = arith.constant 640 : index
    %swap3A_2919 = tpu.vector_load %arg11[%swap3A_2918] {strides = array<i32>} : memref<1616xi32, #tpu.memory_space<vmem>>, vector<16xi32>,
    %swap3A_2920 = vector.shape_cast %swap3A_2919 : vector<16xi32> to vector<16xi32>
    %swap3A_2921 = vector.shape_cast %select_n3A_2917 : vector<16xi32> to vector<16xi32>
    tpu.vector_store %arg11[%swap3A_2918], %swap3A_2921 {strides = array<i32>} : memref<1616xi32, #tpu.memory_space<vmem>>, vector<16xi32>,
    %eq3A_2922 = arith.cmpi eq, %get3A_2913, %get3A_2113 : vector<16xi32>
    %jit3A_2923 = arith.constant 1 : i32
    %jit3A_2924 = arith.constant 0 : i32
    %broadcast_in_dim3A_2925 = vector.broadcast %jit3A_2923 : i32 to vector<16xi32>
    %broadcast_in_dim3A_2926 = vector.broadcast %jit3A_2924 : i32 to vector<16xi32>
    %select_n3A_2927 = arith.select %eq3A_2922, %broadcast_in_dim3A_2925, %broadcast_in_dim3A_2926 : vector<16xi1>, vector<16xi32>
    %add3A_2928 = arith.addi %add3A_2908, %select_n3A_2927 : vector<16xi32>
    %get3A_2929 = arith.constant 41 : i32
    %get3A_2930 = arith.index_cast %get3A_2929 : i32 to index
    %get3A_2931 = arith.constant 0 : index
    %get3A_2932 = tpu.vector_load %arg9[%get3A_2930, %get3A_2931] {strides = array<i32>} : memref<101x16xi32, #tpu.memory_space<vmem>>, vector<1x16xi32>,
    %get3A_2933 = vector.shape_cast %get3A_2932 : vector<1x16xi32> to vector<16xi32>
    %gt3A_2934 = arith.constant 0 : i32
    %gt3A_2935 = vector.broadcast %gt3A_2934 : i32 to vector<16xi32>
    %gt3A_2936 = arith.cmpi sgt, %add3A_2928, %gt3A_2935 : vector<16xi32>
    %select_n3A_2937 = arith.select %gt3A_2936, %get3A_2933, %get3A_2913 : vector<16xi1>, vector<16xi32>
    %swap3A_2938 = arith.constant 656 : index
    %swap3A_2939 = tpu.vector_load %arg11[%swap3A_2938] {strides = array<i32>} : memref<1616xi32, #tpu.memory_space<vmem>>, vector<16xi32>,
    %swap3A_2940 = vector.shape_cast %swap3A_2939 : vector<16xi32> to vector<16xi32>
    %swap3A_2941 = vector.shape_cast %select_n3A_2937 : vector<16xi32> to vector<16xi32>
    tpu.vector_store %arg11[%swap3A_2938], %swap3A_2941 {strides = array<i32>} : memref<1616xi32, #tpu.memory_space<vmem>>, vector<16xi32>,
    %eq3A_2942 = arith.cmpi eq, %get3A_2933, %get3A_2113 : vector<16xi32>
    %jit3A_2943 = arith.constant 1 : i32
    %jit3A_2944 = arith.constant 0 : i32
    %broadcast_in_dim3A_2945 = vector.broadcast %jit3A_2943 : i32 to vector<16xi32>
    %broadcast_in_dim3A_2946 = vector.broadcast %jit3A_2944 : i32 to vector<16xi32>
    %select_n3A_2947 = arith.select %eq3A_2942, %broadcast_in_dim3A_2945, %broadcast_in_dim3A_2946 : vector<16xi1>, vector<16xi32>
    %add3A_2948 = arith.addi %add3A_2928, %select_n3A_2947 : vector<16xi32>
    %get3A_2949 = arith.constant 42 : i32
    %get3A_2950 = arith.index_cast %get3A_2949 : i32 to index
    %get3A_2951 = arith.constant 0 : index
    %get3A_2952 = tpu.vector_load %arg9[%get3A_2950, %get3A_2951] {strides = array<i32>} : memref<101x16xi32, #tpu.memory_space<vmem>>, vector<1x16xi32>,
    %get3A_2953 = vector.shape_cast %get3A_2952 : vector<1x16xi32> to vector<16xi32>
    %gt3A_2954 = arith.constant 0 : i32
    %gt3A_2955 = vector.broadcast %gt3A_2954 : i32 to vector<16xi32>
    %gt3A_2956 = arith.cmpi sgt, %add3A_2948, %gt3A_2955 : vector<16xi32>
    %select_n3A_2957 = arith.select %gt3A_2956, %get3A_2953, %get3A_2933 : vector<16xi1>, vector<16xi32>
    %swap3A_2958 = arith.constant 672 : index
    %swap3A_2959 = tpu.vector_load %arg11[%swap3A_2958] {strides = array<i32>} : memref<1616xi32, #tpu.memory_space<vmem>>, vector<16xi32>,
    %swap3A_2960 = vector.shape_cast %swap3A_2959 : vector<16xi32> to vector<16xi32>
    %swap3A_2961 = vector.shape_cast %select_n3A_2957 : vector<16xi32> to vector<16xi32>
    tpu.vector_store %arg11[%swap3A_2958], %swap3A_2961 {strides = array<i32>} : memref<1616xi32, #tpu.memory_space<vmem>>, vector<16xi32>,
    %eq3A_2962 = arith.cmpi eq, %get3A_2953, %get3A_2113 : vector<16xi32>
    %jit3A_2963 = arith.constant 1 : i32
    %jit3A_2964 = arith.constant 0 : i32
    %broadcast_in_dim3A_2965 = vector.broadcast %jit3A_2963 : i32 to vector<16xi32>
    %broadcast_in_dim3A_2966 = vector.broadcast %jit3A_2964 : i32 to vector<16xi32>
    %select_n3A_2967 = arith.select %eq3A_2962, %broadcast_in_dim3A_2965, %broadcast_in_dim3A_2966 : vector<16xi1>, vector<16xi32>
    %add3A_2968 = arith.addi %add3A_2948, %select_n3A_2967 : vector<16xi32>
    %get3A_2969 = arith.constant 43 : i32
    %get3A_2970 = arith.index_cast %get3A_2969 : i32 to index
    %get3A_2971 = arith.constant 0 : index
    %get3A_2972 = tpu.vector_load %arg9[%get3A_2970, %get3A_2971] {strides = array<i32>} : memref<101x16xi32, #tpu.memory_space<vmem>>, vector<1x16xi32>,
    %get3A_2973 = vector.shape_cast %get3A_2972 : vector<1x16xi32> to vector<16xi32>
    %gt3A_2974 = arith.constant 0 : i32
    %gt3A_2975 = vector.broadcast %gt3A_2974 : i32 to vector<16xi32>
    %gt3A_2976 = arith.cmpi sgt, %add3A_2968, %gt3A_2975 : vector<16xi32>
    %select_n3A_2977 = arith.select %gt3A_2976, %get3A_2973, %get3A_2953 : vector<16xi1>, vector<16xi32>
    %swap3A_2978 = arith.constant 688 : index
    %swap3A_2979 = tpu.vector_load %arg11[%swap3A_2978] {strides = array<i32>} : memref<1616xi32, #tpu.memory_space<vmem>>, vector<16xi32>,
    %swap3A_2980 = vector.shape_cast %swap3A_2979 : vector<16xi32> to vector<16xi32>
    %swap3A_2981 = vector.shape_cast %select_n3A_2977 : vector<16xi32> to vector<16xi32>
    tpu.vector_store %arg11[%swap3A_2978], %swap3A_2981 {strides = array<i32>} : memref<1616xi32, #tpu.memory_space<vmem>>, vector<16xi32>,
    %eq3A_2982 = arith.cmpi eq, %get3A_2973, %get3A_2113 : vector<16xi32>
    %jit3A_2983 = arith.constant 1 : i32
    %jit3A_2984 = arith.constant 0 : i32
    %broadcast_in_dim3A_2985 = vector.broadcast %jit3A_2983 : i32 to vector<16xi32>
    %broadcast_in_dim3A_2986 = vector.broadcast %jit3A_2984 : i32 to vector<16xi32>
    %select_n3A_2987 = arith.select %eq3A_2982, %broadcast_in_dim3A_2985, %broadcast_in_dim3A_2986 : vector<16xi1>, vector<16xi32>
    %add3A_2988 = arith.addi %add3A_2968, %select_n3A_2987 : vector<16xi32>
    %get3A_2989 = arith.constant 44 : i32
    %get3A_2990 = arith.index_cast %get3A_2989 : i32 to index
    %get3A_2991 = arith.constant 0 : index
    %get3A_2992 = tpu.vector_load %arg9[%get3A_2990, %get3A_2991] {strides = array<i32>} : memref<101x16xi32, #tpu.memory_space<vmem>>, vector<1x16xi32>,
    %get3A_2993 = vector.shape_cast %get3A_2992 : vector<1x16xi32> to vector<16xi32>
    %gt3A_2994 = arith.constant 0 : i32
    %gt3A_2995 = vector.broadcast %gt3A_2994 : i32 to vector<16xi32>
    %gt3A_2996 = arith.cmpi sgt, %add3A_2988, %gt3A_2995 : vector<16xi32>
    %select_n3A_2997 = arith.select %gt3A_2996, %get3A_2993, %get3A_2973 : vector<16xi1>, vector<16xi32>
    %swap3A_2998 = arith.constant 704 : index
    %swap3A_2999 = tpu.vector_load %arg11[%swap3A_2998] {strides = array<i32>} : memref<1616xi32, #tpu.memory_space<vmem>>, vector<16xi32>,
    %swap3A_3000 = vector.shape_cast %swap3A_2999 : vector<16xi32> to vector<16xi32>
    %swap3A_3001 = vector.shape_cast %select_n3A_2997 : vector<16xi32> to vector<16xi32>
    tpu.vector_store %arg11[%swap3A_2998], %swap3A_3001 {strides = array<i32>} : memref<1616xi32, #tpu.memory_space<vmem>>, vector<16xi32>,
    %eq3A_3002 = arith.cmpi eq, %get3A_2993, %get3A_2113 : vector<16xi32>
    %jit3A_3003 = arith.constant 1 : i32
    %jit3A_3004 = arith.constant 0 : i32
    %broadcast_in_dim3A_3005 = vector.broadcast %jit3A_3003 : i32 to vector<16xi32>
    %broadcast_in_dim3A_3006 = vector.broadcast %jit3A_3004 : i32 to vector<16xi32>
    %select_n3A_3007 = arith.select %eq3A_3002, %broadcast_in_dim3A_3005, %broadcast_in_dim3A_3006 : vector<16xi1>, vector<16xi32>
    %add3A_3008 = arith.addi %add3A_2988, %select_n3A_3007 : vector<16xi32>
    %get3A_3009 = arith.constant 45 : i32
    %get3A_3010 = arith.index_cast %get3A_3009 : i32 to index
    %get3A_3011 = arith.constant 0 : index
    %get3A_3012 = tpu.vector_load %arg9[%get3A_3010, %get3A_3011] {strides = array<i32>} : memref<101x16xi32, #tpu.memory_space<vmem>>, vector<1x16xi32>,
    %get3A_3013 = vector.shape_cast %get3A_3012 : vector<1x16xi32> to vector<16xi32>
    %gt3A_3014 = arith.constant 0 : i32
    %gt3A_3015 = vector.broadcast %gt3A_3014 : i32 to vector<16xi32>
    %gt3A_3016 = arith.cmpi sgt, %add3A_3008, %gt3A_3015 : vector<16xi32>
    %select_n3A_3017 = arith.select %gt3A_3016, %get3A_3013, %get3A_2993 : vector<16xi1>, vector<16xi32>
    %swap3A_3018 = arith.constant 720 : index
    %swap3A_3019 = tpu.vector_load %arg11[%swap3A_3018] {strides = array<i32>} : memref<1616xi32, #tpu.memory_space<vmem>>, vector<16xi32>,
    %swap3A_3020 = vector.shape_cast %swap3A_3019 : vector<16xi32> to vector<16xi32>
    %swap3A_3021 = vector.shape_cast %select_n3A_3017 : vector<16xi32> to vector<16xi32>
    tpu.vector_store %arg11[%swap3A_3018], %swap3A_3021 {strides = array<i32>} : memref<1616xi32, #tpu.memory_space<vmem>>, vector<16xi32>,
    %eq3A_3022 = arith.cmpi eq, %get3A_3013, %get3A_2113 : vector<16xi32>
    %jit3A_3023 = arith.constant 1 : i32
    %jit3A_3024 = arith.constant 0 : i32
    %broadcast_in_dim3A_3025 = vector.broadcast %jit3A_3023 : i32 to vector<16xi32>
    %broadcast_in_dim3A_3026 = vector.broadcast %jit3A_3024 : i32 to vector<16xi32>
    %select_n3A_3027 = arith.select %eq3A_3022, %broadcast_in_dim3A_3025, %broadcast_in_dim3A_3026 : vector<16xi1>, vector<16xi32>
    %add3A_3028 = arith.addi %add3A_3008, %select_n3A_3027 : vector<16xi32>
    %get3A_3029 = arith.constant 46 : i32
    %get3A_3030 = arith.index_cast %get3A_3029 : i32 to index
    %get3A_3031 = arith.constant 0 : index
    %get3A_3032 = tpu.vector_load %arg9[%get3A_3030, %get3A_3031] {strides = array<i32>} : memref<101x16xi32, #tpu.memory_space<vmem>>, vector<1x16xi32>,
    %get3A_3033 = vector.shape_cast %get3A_3032 : vector<1x16xi32> to vector<16xi32>
    %gt3A_3034 = arith.constant 0 : i32
    %gt3A_3035 = vector.broadcast %gt3A_3034 : i32 to vector<16xi32>
    %gt3A_3036 = arith.cmpi sgt, %add3A_3028, %gt3A_3035 : vector<16xi32>
    %select_n3A_3037 = arith.select %gt3A_3036, %get3A_3033, %get3A_3013 : vector<16xi1>, vector<16xi32>
    %swap3A_3038 = arith.constant 736 : index
    %swap3A_3039 = tpu.vector_load %arg11[%swap3A_3038] {strides = array<i32>} : memref<1616xi32, #tpu.memory_space<vmem>>, vector<16xi32>,
    %swap3A_3040 = vector.shape_cast %swap3A_3039 : vector<16xi32> to vector<16xi32>
    %swap3A_3041 = vector.shape_cast %select_n3A_3037 : vector<16xi32> to vector<16xi32>
    tpu.vector_store %arg11[%swap3A_3038], %swap3A_3041 {strides = array<i32>} : memref<1616xi32, #tpu.memory_space<vmem>>, vector<16xi32>,
    %eq3A_3042 = arith.cmpi eq, %get3A_3033, %get3A_2113 : vector<16xi32>
    %jit3A_3043 = arith.constant 1 : i32
    %jit3A_3044 = arith.constant 0 : i32
    %broadcast_in_dim3A_3045 = vector.broadcast %jit3A_3043 : i32 to vector<16xi32>
    %broadcast_in_dim3A_3046 = vector.broadcast %jit3A_3044 : i32 to vector<16xi32>
    %select_n3A_3047 = arith.select %eq3A_3042, %broadcast_in_dim3A_3045, %broadcast_in_dim3A_3046 : vector<16xi1>, vector<16xi32>
    %add3A_3048 = arith.addi %add3A_3028, %select_n3A_3047 : vector<16xi32>
    %get3A_3049 = arith.constant 47 : i32
    %get3A_3050 = arith.index_cast %get3A_3049 : i32 to index
    %get3A_3051 = arith.constant 0 : index
    %get3A_3052 = tpu.vector_load %arg9[%get3A_3050, %get3A_3051] {strides = array<i32>} : memref<101x16xi32, #tpu.memory_space<vmem>>, vector<1x16xi32>,
    %get3A_3053 = vector.shape_cast %get3A_3052 : vector<1x16xi32> to vector<16xi32>
    %gt3A_3054 = arith.constant 0 : i32
    %gt3A_3055 = vector.broadcast %gt3A_3054 : i32 to vector<16xi32>
    %gt3A_3056 = arith.cmpi sgt, %add3A_3048, %gt3A_3055 : vector<16xi32>
    %select_n3A_3057 = arith.select %gt3A_3056, %get3A_3053, %get3A_3033 : vector<16xi1>, vector<16xi32>
    %swap3A_3058 = arith.constant 752 : index
    %swap3A_3059 = tpu.vector_load %arg11[%swap3A_3058] {strides = array<i32>} : memref<1616xi32, #tpu.memory_space<vmem>>, vector<16xi32>,
    %swap3A_3060 = vector.shape_cast %swap3A_3059 : vector<16xi32> to vector<16xi32>
    %swap3A_3061 = vector.shape_cast %select_n3A_3057 : vector<16xi32> to vector<16xi32>
    tpu.vector_store %arg11[%swap3A_3058], %swap3A_3061 {strides = array<i32>} : memref<1616xi32, #tpu.memory_space<vmem>>, vector<16xi32>,
    %eq3A_3062 = arith.cmpi eq, %get3A_3053, %get3A_2113 : vector<16xi32>
    %jit3A_3063 = arith.constant 1 : i32
    %jit3A_3064 = arith.constant 0 : i32
    %broadcast_in_dim3A_3065 = vector.broadcast %jit3A_3063 : i32 to vector<16xi32>
    %broadcast_in_dim3A_3066 = vector.broadcast %jit3A_3064 : i32 to vector<16xi32>
    %select_n3A_3067 = arith.select %eq3A_3062, %broadcast_in_dim3A_3065, %broadcast_in_dim3A_3066 : vector<16xi1>, vector<16xi32>
    %add3A_3068 = arith.addi %add3A_3048, %select_n3A_3067 : vector<16xi32>
    %get3A_3069 = arith.constant 48 : i32
    %get3A_3070 = arith.index_cast %get3A_3069 : i32 to index
    %get3A_3071 = arith.constant 0 : index
    %get3A_3072 = tpu.vector_load %arg9[%get3A_3070, %get3A_3071] {strides = array<i32>} : memref<101x16xi32, #tpu.memory_space<vmem>>, vector<1x16xi32>,
    %get3A_3073 = vector.shape_cast %get3A_3072 : vector<1x16xi32> to vector<16xi32>
    %gt3A_3074 = arith.constant 0 : i32
    %gt3A_3075 = vector.broadcast %gt3A_3074 : i32 to vector<16xi32>
    %gt3A_3076 = arith.cmpi sgt, %add3A_3068, %gt3A_3075 : vector<16xi32>
    %select_n3A_3077 = arith.select %gt3A_3076, %get3A_3073, %get3A_3053 : vector<16xi1>, vector<16xi32>
    %swap3A_3078 = arith.constant 768 : index
    %swap3A_3079 = tpu.vector_load %arg11[%swap3A_3078] {strides = array<i32>} : memref<1616xi32, #tpu.memory_space<vmem>>, vector<16xi32>,
    %swap3A_3080 = vector.shape_cast %swap3A_3079 : vector<16xi32> to vector<16xi32>
    %swap3A_3081 = vector.shape_cast %select_n3A_3077 : vector<16xi32> to vector<16xi32>
    tpu.vector_store %arg11[%swap3A_3078], %swap3A_3081 {strides = array<i32>} : memref<1616xi32, #tpu.memory_space<vmem>>, vector<16xi32>,
    %eq3A_3082 = arith.cmpi eq, %get3A_3073, %get3A_2113 : vector<16xi32>
    %jit3A_3083 = arith.constant 1 : i32
    %jit3A_3084 = arith.constant 0 : i32
    %broadcast_in_dim3A_3085 = vector.broadcast %jit3A_3083 : i32 to vector<16xi32>
    %broadcast_in_dim3A_3086 = vector.broadcast %jit3A_3084 : i32 to vector<16xi32>
    %select_n3A_3087 = arith.select %eq3A_3082, %broadcast_in_dim3A_3085, %broadcast_in_dim3A_3086 : vector<16xi1>, vector<16xi32>
    %add3A_3088 = arith.addi %add3A_3068, %select_n3A_3087 : vector<16xi32>
    %get3A_3089 = arith.constant 49 : i32
    %get3A_3090 = arith.index_cast %get3A_3089 : i32 to index
    %get3A_3091 = arith.constant 0 : index
    %get3A_3092 = tpu.vector_load %arg9[%get3A_3090, %get3A_3091] {strides = array<i32>} : memref<101x16xi32, #tpu.memory_space<vmem>>, vector<1x16xi32>,
    %get3A_3093 = vector.shape_cast %get3A_3092 : vector<1x16xi32> to vector<16xi32>
    %gt3A_3094 = arith.constant 0 : i32
    %gt3A_3095 = vector.broadcast %gt3A_3094 : i32 to vector<16xi32>
    %gt3A_3096 = arith.cmpi sgt, %add3A_3088, %gt3A_3095 : vector<16xi32>
    %select_n3A_3097 = arith.select %gt3A_3096, %get3A_3093, %get3A_3073 : vector<16xi1>, vector<16xi32>
    %swap3A_3098 = arith.constant 784 : index
    %swap3A_3099 = tpu.vector_load %arg11[%swap3A_3098] {strides = array<i32>} : memref<1616xi32, #tpu.memory_space<vmem>>, vector<16xi32>,
    %swap3A_3100 = vector.shape_cast %swap3A_3099 : vector<16xi32> to vector<16xi32>
    %swap3A_3101 = vector.shape_cast %select_n3A_3097 : vector<16xi32> to vector<16xi32>
    tpu.vector_store %arg11[%swap3A_3098], %swap3A_3101 {strides = array<i32>} : memref<1616xi32, #tpu.memory_space<vmem>>, vector<16xi32>,
    %eq3A_3102 = arith.cmpi eq, %get3A_3093, %get3A_2113 : vector<16xi32>
    %jit3A_3103 = arith.constant 1 : i32
    %jit3A_3104 = arith.constant 0 : i32
    %broadcast_in_dim3A_3105 = vector.broadcast %jit3A_3103 : i32 to vector<16xi32>
    %broadcast_in_dim3A_3106 = vector.broadcast %jit3A_3104 : i32 to vector<16xi32>
    %select_n3A_3107 = arith.select %eq3A_3102, %broadcast_in_dim3A_3105, %broadcast_in_dim3A_3106 : vector<16xi1>, vector<16xi32>
    %add3A_3108 = arith.addi %add3A_3088, %select_n3A_3107 : vector<16xi32>
    %get3A_3109 = arith.constant 50 : i32
    %get3A_3110 = arith.index_cast %get3A_3109 : i32 to index
    %get3A_3111 = arith.constant 0 : index
    %get3A_3112 = tpu.vector_load %arg9[%get3A_3110, %get3A_3111] {strides = array<i32>} : memref<101x16xi32, #tpu.memory_space<vmem>>, vector<1x16xi32>,
    %get3A_3113 = vector.shape_cast %get3A_3112 : vector<1x16xi32> to vector<16xi32>
    %gt3A_3114 = arith.constant 0 : i32
    %gt3A_3115 = vector.broadcast %gt3A_3114 : i32 to vector<16xi32>
    %gt3A_3116 = arith.cmpi sgt, %add3A_3108, %gt3A_3115 : vector<16xi32>
    %select_n3A_3117 = arith.select %gt3A_3116, %get3A_3113, %get3A_3093 : vector<16xi1>, vector<16xi32>
    %swap3A_3118 = arith.constant 800 : index
    %swap3A_3119 = tpu.vector_load %arg11[%swap3A_3118] {strides = array<i32>} : memref<1616xi32, #tpu.memory_space<vmem>>, vector<16xi32>,
    %swap3A_3120 = vector.shape_cast %swap3A_3119 : vector<16xi32> to vector<16xi32>
    %swap3A_3121 = vector.shape_cast %select_n3A_3117 : vector<16xi32> to vector<16xi32>
    tpu.vector_store %arg11[%swap3A_3118], %swap3A_3121 {strides = array<i32>} : memref<1616xi32, #tpu.memory_space<vmem>>, vector<16xi32>,
    %eq3A_3122 = arith.cmpi eq, %get3A_3113, %get3A_2113 : vector<16xi32>
    %jit3A_3123 = arith.constant 1 : i32
    %jit3A_3124 = arith.constant 0 : i32
    %broadcast_in_dim3A_3125 = vector.broadcast %jit3A_3123 : i32 to vector<16xi32>
    %broadcast_in_dim3A_3126 = vector.broadcast %jit3A_3124 : i32 to vector<16xi32>
    %select_n3A_3127 = arith.select %eq3A_3122, %broadcast_in_dim3A_3125, %broadcast_in_dim3A_3126 : vector<16xi1>, vector<16xi32>
    %add3A_3128 = arith.addi %add3A_3108, %select_n3A_3127 : vector<16xi32>
    %get3A_3129 = arith.constant 51 : i32
    %get3A_3130 = arith.index_cast %get3A_3129 : i32 to index
    %get3A_3131 = arith.constant 0 : index
    %get3A_3132 = tpu.vector_load %arg9[%get3A_3130, %get3A_3131] {strides = array<i32>} : memref<101x16xi32, #tpu.memory_space<vmem>>, vector<1x16xi32>,
    %get3A_3133 = vector.shape_cast %get3A_3132 : vector<1x16xi32> to vector<16xi32>
    %gt3A_3134 = arith.constant 0 : i32
    %gt3A_3135 = vector.broadcast %gt3A_3134 : i32 to vector<16xi32>
    %gt3A_3136 = arith.cmpi sgt, %add3A_3128, %gt3A_3135 : vector<16xi32>
    %select_n3A_3137 = arith.select %gt3A_3136, %get3A_3133, %get3A_3113 : vector<16xi1>, vector<16xi32>
    %swap3A_3138 = arith.constant 816 : index
    %swap3A_3139 = tpu.vector_load %arg11[%swap3A_3138] {strides = array<i32>} : memref<1616xi32, #tpu.memory_space<vmem>>, vector<16xi32>,
    %swap3A_3140 = vector.shape_cast %swap3A_3139 : vector<16xi32> to vector<16xi32>
    %swap3A_3141 = vector.shape_cast %select_n3A_3137 : vector<16xi32> to vector<16xi32>
    tpu.vector_store %arg11[%swap3A_3138], %swap3A_3141 {strides = array<i32>} : memref<1616xi32, #tpu.memory_space<vmem>>, vector<16xi32>,
    %eq3A_3142 = arith.cmpi eq, %get3A_3133, %get3A_2113 : vector<16xi32>
    %jit3A_3143 = arith.constant 1 : i32
    %jit3A_3144 = arith.constant 0 : i32
    %broadcast_in_dim3A_3145 = vector.broadcast %jit3A_3143 : i32 to vector<16xi32>
    %broadcast_in_dim3A_3146 = vector.broadcast %jit3A_3144 : i32 to vector<16xi32>
    %select_n3A_3147 = arith.select %eq3A_3142, %broadcast_in_dim3A_3145, %broadcast_in_dim3A_3146 : vector<16xi1>, vector<16xi32>
    %add3A_3148 = arith.addi %add3A_3128, %select_n3A_3147 : vector<16xi32>
    %get3A_3149 = arith.constant 52 : i32
    %get3A_3150 = arith.index_cast %get3A_3149 : i32 to index
    %get3A_3151 = arith.constant 0 : index
    %get3A_3152 = tpu.vector_load %arg9[%get3A_3150, %get3A_3151] {strides = array<i32>} : memref<101x16xi32, #tpu.memory_space<vmem>>, vector<1x16xi32>,
    %get3A_3153 = vector.shape_cast %get3A_3152 : vector<1x16xi32> to vector<16xi32>
    %gt3A_3154 = arith.constant 0 : i32
    %gt3A_3155 = vector.broadcast %gt3A_3154 : i32 to vector<16xi32>
    %gt3A_3156 = arith.cmpi sgt, %add3A_3148, %gt3A_3155 : vector<16xi32>
    %select_n3A_3157 = arith.select %gt3A_3156, %get3A_3153, %get3A_3133 : vector<16xi1>, vector<16xi32>
    %swap3A_3158 = arith.constant 832 : index
    %swap3A_3159 = tpu.vector_load %arg11[%swap3A_3158] {strides = array<i32>} : memref<1616xi32, #tpu.memory_space<vmem>>, vector<16xi32>,
    %swap3A_3160 = vector.shape_cast %swap3A_3159 : vector<16xi32> to vector<16xi32>
    %swap3A_3161 = vector.shape_cast %select_n3A_3157 : vector<16xi32> to vector<16xi32>
    tpu.vector_store %arg11[%swap3A_3158], %swap3A_3161 {strides = array<i32>} : memref<1616xi32, #tpu.memory_space<vmem>>, vector<16xi32>,
    %eq3A_3162 = arith.cmpi eq, %get3A_3153, %get3A_2113 : vector<16xi32>
    %jit3A_3163 = arith.constant 1 : i32
    %jit3A_3164 = arith.constant 0 : i32
    %broadcast_in_dim3A_3165 = vector.broadcast %jit3A_3163 : i32 to vector<16xi32>
    %broadcast_in_dim3A_3166 = vector.broadcast %jit3A_3164 : i32 to vector<16xi32>
    %select_n3A_3167 = arith.select %eq3A_3162, %broadcast_in_dim3A_3165, %broadcast_in_dim3A_3166 : vector<16xi1>, vector<16xi32>
    %add3A_3168 = arith.addi %add3A_3148, %select_n3A_3167 : vector<16xi32>
    %get3A_3169 = arith.constant 53 : i32
    %get3A_3170 = arith.index_cast %get3A_3169 : i32 to index
    %get3A_3171 = arith.constant 0 : index
    %get3A_3172 = tpu.vector_load %arg9[%get3A_3170, %get3A_3171] {strides = array<i32>} : memref<101x16xi32, #tpu.memory_space<vmem>>, vector<1x16xi32>,
    %get3A_3173 = vector.shape_cast %get3A_3172 : vector<1x16xi32> to vector<16xi32>
    %gt3A_3174 = arith.constant 0 : i32
    %gt3A_3175 = vector.broadcast %gt3A_3174 : i32 to vector<16xi32>
    %gt3A_3176 = arith.cmpi sgt, %add3A_3168, %gt3A_3175 : vector<16xi32>
    %select_n3A_3177 = arith.select %gt3A_3176, %get3A_3173, %get3A_3153 : vector<16xi1>, vector<16xi32>
    %swap3A_3178 = arith.constant 848 : index
    %swap3A_3179 = tpu.vector_load %arg11[%swap3A_3178] {strides = array<i32>} : memref<1616xi32, #tpu.memory_space<vmem>>, vector<16xi32>,
    %swap3A_3180 = vector.shape_cast %swap3A_3179 : vector<16xi32> to vector<16xi32>
    %swap3A_3181 = vector.shape_cast %select_n3A_3177 : vector<16xi32> to vector<16xi32>
    tpu.vector_store %arg11[%swap3A_3178], %swap3A_3181 {strides = array<i32>} : memref<1616xi32, #tpu.memory_space<vmem>>, vector<16xi32>,
    %eq3A_3182 = arith.cmpi eq, %get3A_3173, %get3A_2113 : vector<16xi32>
    %jit3A_3183 = arith.constant 1 : i32
    %jit3A_3184 = arith.constant 0 : i32
    %broadcast_in_dim3A_3185 = vector.broadcast %jit3A_3183 : i32 to vector<16xi32>
    %broadcast_in_dim3A_3186 = vector.broadcast %jit3A_3184 : i32 to vector<16xi32>
    %select_n3A_3187 = arith.select %eq3A_3182, %broadcast_in_dim3A_3185, %broadcast_in_dim3A_3186 : vector<16xi1>, vector<16xi32>
    %add3A_3188 = arith.addi %add3A_3168, %select_n3A_3187 : vector<16xi32>
    %get3A_3189 = arith.constant 54 : i32
    %get3A_3190 = arith.index_cast %get3A_3189 : i32 to index
    %get3A_3191 = arith.constant 0 : index
    %get3A_3192 = tpu.vector_load %arg9[%get3A_3190, %get3A_3191] {strides = array<i32>} : memref<101x16xi32, #tpu.memory_space<vmem>>, vector<1x16xi32>,
    %get3A_3193 = vector.shape_cast %get3A_3192 : vector<1x16xi32> to vector<16xi32>
    %gt3A_3194 = arith.constant 0 : i32
    %gt3A_3195 = vector.broadcast %gt3A_3194 : i32 to vector<16xi32>
    %gt3A_3196 = arith.cmpi sgt, %add3A_3188, %gt3A_3195 : vector<16xi32>
    %select_n3A_3197 = arith.select %gt3A_3196, %get3A_3193, %get3A_3173 : vector<16xi1>, vector<16xi32>
    %swap3A_3198 = arith.constant 864 : index
    %swap3A_3199 = tpu.vector_load %arg11[%swap3A_3198] {strides = array<i32>} : memref<1616xi32, #tpu.memory_space<vmem>>, vector<16xi32>,
    %swap3A_3200 = vector.shape_cast %swap3A_3199 : vector<16xi32> to vector<16xi32>
    %swap3A_3201 = vector.shape_cast %select_n3A_3197 : vector<16xi32> to vector<16xi32>
    tpu.vector_store %arg11[%swap3A_3198], %swap3A_3201 {strides = array<i32>} : memref<1616xi32, #tpu.memory_space<vmem>>, vector<16xi32>,
    %eq3A_3202 = arith.cmpi eq, %get3A_3193, %get3A_2113 : vector<16xi32>
    %jit3A_3203 = arith.constant 1 : i32
    %jit3A_3204 = arith.constant 0 : i32
    %broadcast_in_dim3A_3205 = vector.broadcast %jit3A_3203 : i32 to vector<16xi32>
    %broadcast_in_dim3A_3206 = vector.broadcast %jit3A_3204 : i32 to vector<16xi32>
    %select_n3A_3207 = arith.select %eq3A_3202, %broadcast_in_dim3A_3205, %broadcast_in_dim3A_3206 : vector<16xi1>, vector<16xi32>
    %add3A_3208 = arith.addi %add3A_3188, %select_n3A_3207 : vector<16xi32>
    %get3A_3209 = arith.constant 55 : i32
    %get3A_3210 = arith.index_cast %get3A_3209 : i32 to index
    %get3A_3211 = arith.constant 0 : index
    %get3A_3212 = tpu.vector_load %arg9[%get3A_3210, %get3A_3211] {strides = array<i32>} : memref<101x16xi32, #tpu.memory_space<vmem>>, vector<1x16xi32>,
    %get3A_3213 = vector.shape_cast %get3A_3212 : vector<1x16xi32> to vector<16xi32>
    %gt3A_3214 = arith.constant 0 : i32
    %gt3A_3215 = vector.broadcast %gt3A_3214 : i32 to vector<16xi32>
    %gt3A_3216 = arith.cmpi sgt, %add3A_3208, %gt3A_3215 : vector<16xi32>
    %select_n3A_3217 = arith.select %gt3A_3216, %get3A_3213, %get3A_3193 : vector<16xi1>, vector<16xi32>
    %swap3A_3218 = arith.constant 880 : index
    %swap3A_3219 = tpu.vector_load %arg11[%swap3A_3218] {strides = array<i32>} : memref<1616xi32, #tpu.memory_space<vmem>>, vector<16xi32>,
    %swap3A_3220 = vector.shape_cast %swap3A_3219 : vector<16xi32> to vector<16xi32>
    %swap3A_3221 = vector.shape_cast %select_n3A_3217 : vector<16xi32> to vector<16xi32>
    tpu.vector_store %arg11[%swap3A_3218], %swap3A_3221 {strides = array<i32>} : memref<1616xi32, #tpu.memory_space<vmem>>, vector<16xi32>,
    %eq3A_3222 = arith.cmpi eq, %get3A_3213, %get3A_2113 : vector<16xi32>
    %jit3A_3223 = arith.constant 1 : i32
    %jit3A_3224 = arith.constant 0 : i32
    %broadcast_in_dim3A_3225 = vector.broadcast %jit3A_3223 : i32 to vector<16xi32>
    %broadcast_in_dim3A_3226 = vector.broadcast %jit3A_3224 : i32 to vector<16xi32>
    %select_n3A_3227 = arith.select %eq3A_3222, %broadcast_in_dim3A_3225, %broadcast_in_dim3A_3226 : vector<16xi1>, vector<16xi32>
    %add3A_3228 = arith.addi %add3A_3208, %select_n3A_3227 : vector<16xi32>
    %get3A_3229 = arith.constant 56 : i32
    %get3A_3230 = arith.index_cast %get3A_3229 : i32 to index
    %get3A_3231 = arith.constant 0 : index
    %get3A_3232 = tpu.vector_load %arg9[%get3A_3230, %get3A_3231] {strides = array<i32>} : memref<101x16xi32, #tpu.memory_space<vmem>>, vector<1x16xi32>,
    %get3A_3233 = vector.shape_cast %get3A_3232 : vector<1x16xi32> to vector<16xi32>
    %gt3A_3234 = arith.constant 0 : i32
    %gt3A_3235 = vector.broadcast %gt3A_3234 : i32 to vector<16xi32>
    %gt3A_3236 = arith.cmpi sgt, %add3A_3228, %gt3A_3235 : vector<16xi32>
    %select_n3A_3237 = arith.select %gt3A_3236, %get3A_3233, %get3A_3213 : vector<16xi1>, vector<16xi32>
    %swap3A_3238 = arith.constant 896 : index
    %swap3A_3239 = tpu.vector_load %arg11[%swap3A_3238] {strides = array<i32>} : memref<1616xi32, #tpu.memory_space<vmem>>, vector<16xi32>,
    %swap3A_3240 = vector.shape_cast %swap3A_3239 : vector<16xi32> to vector<16xi32>
    %swap3A_3241 = vector.shape_cast %select_n3A_3237 : vector<16xi32> to vector<16xi32>
    tpu.vector_store %arg11[%swap3A_3238], %swap3A_3241 {strides = array<i32>} : memref<1616xi32, #tpu.memory_space<vmem>>, vector<16xi32>,
    %eq3A_3242 = arith.cmpi eq, %get3A_3233, %get3A_2113 : vector<16xi32>
    %jit3A_3243 = arith.constant 1 : i32
    %jit3A_3244 = arith.constant 0 : i32
    %broadcast_in_dim3A_3245 = vector.broadcast %jit3A_3243 : i32 to vector<16xi32>
    %broadcast_in_dim3A_3246 = vector.broadcast %jit3A_3244 : i32 to vector<16xi32>
    %select_n3A_3247 = arith.select %eq3A_3242, %broadcast_in_dim3A_3245, %broadcast_in_dim3A_3246 : vector<16xi1>, vector<16xi32>
    %add3A_3248 = arith.addi %add3A_3228, %select_n3A_3247 : vector<16xi32>
    %get3A_3249 = arith.constant 57 : i32
    %get3A_3250 = arith.index_cast %get3A_3249 : i32 to index
    %get3A_3251 = arith.constant 0 : index
    %get3A_3252 = tpu.vector_load %arg9[%get3A_3250, %get3A_3251] {strides = array<i32>} : memref<101x16xi32, #tpu.memory_space<vmem>>, vector<1x16xi32>,
    %get3A_3253 = vector.shape_cast %get3A_3252 : vector<1x16xi32> to vector<16xi32>
    %gt3A_3254 = arith.constant 0 : i32
    %gt3A_3255 = vector.broadcast %gt3A_3254 : i32 to vector<16xi32>
    %gt3A_3256 = arith.cmpi sgt, %add3A_3248, %gt3A_3255 : vector<16xi32>
    %select_n3A_3257 = arith.select %gt3A_3256, %get3A_3253, %get3A_3233 : vector<16xi1>, vector<16xi32>
    %swap3A_3258 = arith.constant 912 : index
    %swap3A_3259 = tpu.vector_load %arg11[%swap3A_3258] {strides = array<i32>} : memref<1616xi32, #tpu.memory_space<vmem>>, vector<16xi32>,
    %swap3A_3260 = vector.shape_cast %swap3A_3259 : vector<16xi32> to vector<16xi32>
    %swap3A_3261 = vector.shape_cast %select_n3A_3257 : vector<16xi32> to vector<16xi32>
    tpu.vector_store %arg11[%swap3A_3258], %swap3A_3261 {strides = array<i32>} : memref<1616xi32, #tpu.memory_space<vmem>>, vector<16xi32>,
    %eq3A_3262 = arith.cmpi eq, %get3A_3253, %get3A_2113 : vector<16xi32>
    %jit3A_3263 = arith.constant 1 : i32
    %jit3A_3264 = arith.constant 0 : i32
    %broadcast_in_dim3A_3265 = vector.broadcast %jit3A_3263 : i32 to vector<16xi32>
    %broadcast_in_dim3A_3266 = vector.broadcast %jit3A_3264 : i32 to vector<16xi32>
    %select_n3A_3267 = arith.select %eq3A_3262, %broadcast_in_dim3A_3265, %broadcast_in_dim3A_3266 : vector<16xi1>, vector<16xi32>
    %add3A_3268 = arith.addi %add3A_3248, %select_n3A_3267 : vector<16xi32>
    %get3A_3269 = arith.constant 58 : i32
    %get3A_3270 = arith.index_cast %get3A_3269 : i32 to index
    %get3A_3271 = arith.constant 0 : index
    %get3A_3272 = tpu.vector_load %arg9[%get3A_3270, %get3A_3271] {strides = array<i32>} : memref<101x16xi32, #tpu.memory_space<vmem>>, vector<1x16xi32>,
    %get3A_3273 = vector.shape_cast %get3A_3272 : vector<1x16xi32> to vector<16xi32>
    %gt3A_3274 = arith.constant 0 : i32
    %gt3A_3275 = vector.broadcast %gt3A_3274 : i32 to vector<16xi32>
    %gt3A_3276 = arith.cmpi sgt, %add3A_3268, %gt3A_3275 : vector<16xi32>
    %select_n3A_3277 = arith.select %gt3A_3276, %get3A_3273, %get3A_3253 : vector<16xi1>, vector<16xi32>
    %swap3A_3278 = arith.constant 928 : index
    %swap3A_3279 = tpu.vector_load %arg11[%swap3A_3278] {strides = array<i32>} : memref<1616xi32, #tpu.memory_space<vmem>>, vector<16xi32>,
    %swap3A_3280 = vector.shape_cast %swap3A_3279 : vector<16xi32> to vector<16xi32>
    %swap3A_3281 = vector.shape_cast %select_n3A_3277 : vector<16xi32> to vector<16xi32>
    tpu.vector_store %arg11[%swap3A_3278], %swap3A_3281 {strides = array<i32>} : memref<1616xi32, #tpu.memory_space<vmem>>, vector<16xi32>,
    %eq3A_3282 = arith.cmpi eq, %get3A_3273, %get3A_2113 : vector<16xi32>
    %jit3A_3283 = arith.constant 1 : i32
    %jit3A_3284 = arith.constant 0 : i32
    %broadcast_in_dim3A_3285 = vector.broadcast %jit3A_3283 : i32 to vector<16xi32>
    %broadcast_in_dim3A_3286 = vector.broadcast %jit3A_3284 : i32 to vector<16xi32>
    %select_n3A_3287 = arith.select %eq3A_3282, %broadcast_in_dim3A_3285, %broadcast_in_dim3A_3286 : vector<16xi1>, vector<16xi32>
    %add3A_3288 = arith.addi %add3A_3268, %select_n3A_3287 : vector<16xi32>
    %get3A_3289 = arith.constant 59 : i32
    %get3A_3290 = arith.index_cast %get3A_3289 : i32 to index
    %get3A_3291 = arith.constant 0 : index
    %get3A_3292 = tpu.vector_load %arg9[%get3A_3290, %get3A_3291] {strides = array<i32>} : memref<101x16xi32, #tpu.memory_space<vmem>>, vector<1x16xi32>,
    %get3A_3293 = vector.shape_cast %get3A_3292 : vector<1x16xi32> to vector<16xi32>
    %gt3A_3294 = arith.constant 0 : i32
    %gt3A_3295 = vector.broadcast %gt3A_3294 : i32 to vector<16xi32>
    %gt3A_3296 = arith.cmpi sgt, %add3A_3288, %gt3A_3295 : vector<16xi32>
    %select_n3A_3297 = arith.select %gt3A_3296, %get3A_3293, %get3A_3273 : vector<16xi1>, vector<16xi32>
    %swap3A_3298 = arith.constant 944 : index
    %swap3A_3299 = tpu.vector_load %arg11[%swap3A_3298] {strides = array<i32>} : memref<1616xi32, #tpu.memory_space<vmem>>, vector<16xi32>,
    %swap3A_3300 = vector.shape_cast %swap3A_3299 : vector<16xi32> to vector<16xi32>
    %swap3A_3301 = vector.shape_cast %select_n3A_3297 : vector<16xi32> to vector<16xi32>
    tpu.vector_store %arg11[%swap3A_3298], %swap3A_3301 {strides = array<i32>} : memref<1616xi32, #tpu.memory_space<vmem>>, vector<16xi32>,
    %eq3A_3302 = arith.cmpi eq, %get3A_3293, %get3A_2113 : vector<16xi32>
    %jit3A_3303 = arith.constant 1 : i32
    %jit3A_3304 = arith.constant 0 : i32
    %broadcast_in_dim3A_3305 = vector.broadcast %jit3A_3303 : i32 to vector<16xi32>
    %broadcast_in_dim3A_3306 = vector.broadcast %jit3A_3304 : i32 to vector<16xi32>
    %select_n3A_3307 = arith.select %eq3A_3302, %broadcast_in_dim3A_3305, %broadcast_in_dim3A_3306 : vector<16xi1>, vector<16xi32>
    %add3A_3308 = arith.addi %add3A_3288, %select_n3A_3307 : vector<16xi32>
    %get3A_3309 = arith.constant 60 : i32
    %get3A_3310 = arith.index_cast %get3A_3309 : i32 to index
    %get3A_3311 = arith.constant 0 : index
    %get3A_3312 = tpu.vector_load %arg9[%get3A_3310, %get3A_3311] {strides = array<i32>} : memref<101x16xi32, #tpu.memory_space<vmem>>, vector<1x16xi32>,
    %get3A_3313 = vector.shape_cast %get3A_3312 : vector<1x16xi32> to vector<16xi32>
    %gt3A_3314 = arith.constant 0 : i32
    %gt3A_3315 = vector.broadcast %gt3A_3314 : i32 to vector<16xi32>
    %gt3A_3316 = arith.cmpi sgt, %add3A_3308, %gt3A_3315 : vector<16xi32>
    %select_n3A_3317 = arith.select %gt3A_3316, %get3A_3313, %get3A_3293 : vector<16xi1>, vector<16xi32>
    %swap3A_3318 = arith.constant 960 : index
    %swap3A_3319 = tpu.vector_load %arg11[%swap3A_3318] {strides = array<i32>} : memref<1616xi32, #tpu.memory_space<vmem>>, vector<16xi32>,
    %swap3A_3320 = vector.shape_cast %swap3A_3319 : vector<16xi32> to vector<16xi32>
    %swap3A_3321 = vector.shape_cast %select_n3A_3317 : vector<16xi32> to vector<16xi32>
    tpu.vector_store %arg11[%swap3A_3318], %swap3A_3321 {strides = array<i32>} : memref<1616xi32, #tpu.memory_space<vmem>>, vector<16xi32>,
    %eq3A_3322 = arith.cmpi eq, %get3A_3313, %get3A_2113 : vector<16xi32>
    %jit3A_3323 = arith.constant 1 : i32
    %jit3A_3324 = arith.constant 0 : i32
    %broadcast_in_dim3A_3325 = vector.broadcast %jit3A_3323 : i32 to vector<16xi32>
    %broadcast_in_dim3A_3326 = vector.broadcast %jit3A_3324 : i32 to vector<16xi32>
    %select_n3A_3327 = arith.select %eq3A_3322, %broadcast_in_dim3A_3325, %broadcast_in_dim3A_3326 : vector<16xi1>, vector<16xi32>
    %add3A_3328 = arith.addi %add3A_3308, %select_n3A_3327 : vector<16xi32>
    %get3A_3329 = arith.constant 61 : i32
    %get3A_3330 = arith.index_cast %get3A_3329 : i32 to index
    %get3A_3331 = arith.constant 0 : index
    %get3A_3332 = tpu.vector_load %arg9[%get3A_3330, %get3A_3331] {strides = array<i32>} : memref<101x16xi32, #tpu.memory_space<vmem>>, vector<1x16xi32>,
    %get3A_3333 = vector.shape_cast %get3A_3332 : vector<1x16xi32> to vector<16xi32>
    %gt3A_3334 = arith.constant 0 : i32
    %gt3A_3335 = vector.broadcast %gt3A_3334 : i32 to vector<16xi32>
    %gt3A_3336 = arith.cmpi sgt, %add3A_3328, %gt3A_3335 : vector<16xi32>
    %select_n3A_3337 = arith.select %gt3A_3336, %get3A_3333, %get3A_3313 : vector<16xi1>, vector<16xi32>
    %swap3A_3338 = arith.constant 976 : index
    %swap3A_3339 = tpu.vector_load %arg11[%swap3A_3338] {strides = array<i32>} : memref<1616xi32, #tpu.memory_space<vmem>>, vector<16xi32>,
    %swap3A_3340 = vector.shape_cast %swap3A_3339 : vector<16xi32> to vector<16xi32>
    %swap3A_3341 = vector.shape_cast %select_n3A_3337 : vector<16xi32> to vector<16xi32>
    tpu.vector_store %arg11[%swap3A_3338], %swap3A_3341 {strides = array<i32>} : memref<1616xi32, #tpu.memory_space<vmem>>, vector<16xi32>,
    %eq3A_3342 = arith.cmpi eq, %get3A_3333, %get3A_2113 : vector<16xi32>
    %jit3A_3343 = arith.constant 1 : i32
    %jit3A_3344 = arith.constant 0 : i32
    %broadcast_in_dim3A_3345 = vector.broadcast %jit3A_3343 : i32 to vector<16xi32>
    %broadcast_in_dim3A_3346 = vector.broadcast %jit3A_3344 : i32 to vector<16xi32>
    %select_n3A_3347 = arith.select %eq3A_3342, %broadcast_in_dim3A_3345, %broadcast_in_dim3A_3346 : vector<16xi1>, vector<16xi32>
    %add3A_3348 = arith.addi %add3A_3328, %select_n3A_3347 : vector<16xi32>
    %get3A_3349 = arith.constant 62 : i32
    %get3A_3350 = arith.index_cast %get3A_3349 : i32 to index
    %get3A_3351 = arith.constant 0 : index
    %get3A_3352 = tpu.vector_load %arg9[%get3A_3350, %get3A_3351] {strides = array<i32>} : memref<101x16xi32, #tpu.memory_space<vmem>>, vector<1x16xi32>,
    %get3A_3353 = vector.shape_cast %get3A_3352 : vector<1x16xi32> to vector<16xi32>
    %gt3A_3354 = arith.constant 0 : i32
    %gt3A_3355 = vector.broadcast %gt3A_3354 : i32 to vector<16xi32>
    %gt3A_3356 = arith.cmpi sgt, %add3A_3348, %gt3A_3355 : vector<16xi32>
    %select_n3A_3357 = arith.select %gt3A_3356, %get3A_3353, %get3A_3333 : vector<16xi1>, vector<16xi32>
    %swap3A_3358 = arith.constant 992 : index
    %swap3A_3359 = tpu.vector_load %arg11[%swap3A_3358] {strides = array<i32>} : memref<1616xi32, #tpu.memory_space<vmem>>, vector<16xi32>,
    %swap3A_3360 = vector.shape_cast %swap3A_3359 : vector<16xi32> to vector<16xi32>
    %swap3A_3361 = vector.shape_cast %select_n3A_3357 : vector<16xi32> to vector<16xi32>
    tpu.vector_store %arg11[%swap3A_3358], %swap3A_3361 {strides = array<i32>} : memref<1616xi32, #tpu.memory_space<vmem>>, vector<16xi32>,
    %eq3A_3362 = arith.cmpi eq, %get3A_3353, %get3A_2113 : vector<16xi32>
    %jit3A_3363 = arith.constant 1 : i32
    %jit3A_3364 = arith.constant 0 : i32
    %broadcast_in_dim3A_3365 = vector.broadcast %jit3A_3363 : i32 to vector<16xi32>
    %broadcast_in_dim3A_3366 = vector.broadcast %jit3A_3364 : i32 to vector<16xi32>
    %select_n3A_3367 = arith.select %eq3A_3362, %broadcast_in_dim3A_3365, %broadcast_in_dim3A_3366 : vector<16xi1>, vector<16xi32>
    %add3A_3368 = arith.addi %add3A_3348, %select_n3A_3367 : vector<16xi32>
    %get3A_3369 = arith.constant 63 : i32
    %get3A_3370 = arith.index_cast %get3A_3369 : i32 to index
    %get3A_3371 = arith.constant 0 : index
    %get3A_3372 = tpu.vector_load %arg9[%get3A_3370, %get3A_3371] {strides = array<i32>} : memref<101x16xi32, #tpu.memory_space<vmem>>, vector<1x16xi32>,
    %get3A_3373 = vector.shape_cast %get3A_3372 : vector<1x16xi32> to vector<16xi32>
    %gt3A_3374 = arith.constant 0 : i32
    %gt3A_3375 = vector.broadcast %gt3A_3374 : i32 to vector<16xi32>
    %gt3A_3376 = arith.cmpi sgt, %add3A_3368, %gt3A_3375 : vector<16xi32>
    %select_n3A_3377 = arith.select %gt3A_3376, %get3A_3373, %get3A_3353 : vector<16xi1>, vector<16xi32>
    %swap3A_3378 = arith.constant 1008 : index
    %swap3A_3379 = tpu.vector_load %arg11[%swap3A_3378] {strides = array<i32>} : memref<1616xi32, #tpu.memory_space<vmem>>, vector<16xi32>,
    %swap3A_3380 = vector.shape_cast %swap3A_3379 : vector<16xi32> to vector<16xi32>
    %swap3A_3381 = vector.shape_cast %select_n3A_3377 : vector<16xi32> to vector<16xi32>
    tpu.vector_store %arg11[%swap3A_3378], %swap3A_3381 {strides = array<i32>} : memref<1616xi32, #tpu.memory_space<vmem>>, vector<16xi32>,
    %eq3A_3382 = arith.cmpi eq, %get3A_3373, %get3A_2113 : vector<16xi32>
    %jit3A_3383 = arith.constant 1 : i32
    %jit3A_3384 = arith.constant 0 : i32
    %broadcast_in_dim3A_3385 = vector.broadcast %jit3A_3383 : i32 to vector<16xi32>
    %broadcast_in_dim3A_3386 = vector.broadcast %jit3A_3384 : i32 to vector<16xi32>
    %select_n3A_3387 = arith.select %eq3A_3382, %broadcast_in_dim3A_3385, %broadcast_in_dim3A_3386 : vector<16xi1>, vector<16xi32>
    %add3A_3388 = arith.addi %add3A_3368, %select_n3A_3387 : vector<16xi32>
    %get3A_3389 = arith.constant 64 : i32
    %get3A_3390 = arith.index_cast %get3A_3389 : i32 to index
    %get3A_3391 = arith.constant 0 : index
    %get3A_3392 = tpu.vector_load %arg9[%get3A_3390, %get3A_3391] {strides = array<i32>} : memref<101x16xi32, #tpu.memory_space<vmem>>, vector<1x16xi32>,
    %get3A_3393 = vector.shape_cast %get3A_3392 : vector<1x16xi32> to vector<16xi32>
    %gt3A_3394 = arith.constant 0 : i32
    %gt3A_3395 = vector.broadcast %gt3A_3394 : i32 to vector<16xi32>
    %gt3A_3396 = arith.cmpi sgt, %add3A_3388, %gt3A_3395 : vector<16xi32>
    %select_n3A_3397 = arith.select %gt3A_3396, %get3A_3393, %get3A_3373 : vector<16xi1>, vector<16xi32>
    %swap3A_3398 = arith.constant 1024 : index
    %swap3A_3399 = tpu.vector_load %arg11[%swap3A_3398] {strides = array<i32>} : memref<1616xi32, #tpu.memory_space<vmem>>, vector<16xi32>,
    %swap3A_3400 = vector.shape_cast %swap3A_3399 : vector<16xi32> to vector<16xi32>
    %swap3A_3401 = vector.shape_cast %select_n3A_3397 : vector<16xi32> to vector<16xi32>
    tpu.vector_store %arg11[%swap3A_3398], %swap3A_3401 {strides = array<i32>} : memref<1616xi32, #tpu.memory_space<vmem>>, vector<16xi32>,
    %eq3A_3402 = arith.cmpi eq, %get3A_3393, %get3A_2113 : vector<16xi32>
    %jit3A_3403 = arith.constant 1 : i32
    %jit3A_3404 = arith.constant 0 : i32
    %broadcast_in_dim3A_3405 = vector.broadcast %jit3A_3403 : i32 to vector<16xi32>
    %broadcast_in_dim3A_3406 = vector.broadcast %jit3A_3404 : i32 to vector<16xi32>
    %select_n3A_3407 = arith.select %eq3A_3402, %broadcast_in_dim3A_3405, %broadcast_in_dim3A_3406 : vector<16xi1>, vector<16xi32>
    %add3A_3408 = arith.addi %add3A_3388, %select_n3A_3407 : vector<16xi32>
    %get3A_3409 = arith.constant 65 : i32
    %get3A_3410 = arith.index_cast %get3A_3409 : i32 to index
    %get3A_3411 = arith.constant 0 : index
    %get3A_3412 = tpu.vector_load %arg9[%get3A_3410, %get3A_3411] {strides = array<i32>} : memref<101x16xi32, #tpu.memory_space<vmem>>, vector<1x16xi32>,
    %get3A_3413 = vector.shape_cast %get3A_3412 : vector<1x16xi32> to vector<16xi32>
    %gt3A_3414 = arith.constant 0 : i32
    %gt3A_3415 = vector.broadcast %gt3A_3414 : i32 to vector<16xi32>
    %gt3A_3416 = arith.cmpi sgt, %add3A_3408, %gt3A_3415 : vector<16xi32>
    %select_n3A_3417 = arith.select %gt3A_3416, %get3A_3413, %get3A_3393 : vector<16xi1>, vector<16xi32>
    %swap3A_3418 = arith.constant 1040 : index
    %swap3A_3419 = tpu.vector_load %arg11[%swap3A_3418] {strides = array<i32>} : memref<1616xi32, #tpu.memory_space<vmem>>, vector<16xi32>,
    %swap3A_3420 = vector.shape_cast %swap3A_3419 : vector<16xi32> to vector<16xi32>
    %swap3A_3421 = vector.shape_cast %select_n3A_3417 : vector<16xi32> to vector<16xi32>
    tpu.vector_store %arg11[%swap3A_3418], %swap3A_3421 {strides = array<i32>} : memref<1616xi32, #tpu.memory_space<vmem>>, vector<16xi32>,
    %eq3A_3422 = arith.cmpi eq, %get3A_3413, %get3A_2113 : vector<16xi32>
    %jit3A_3423 = arith.constant 1 : i32
    %jit3A_3424 = arith.constant 0 : i32
    %broadcast_in_dim3A_3425 = vector.broadcast %jit3A_3423 : i32 to vector<16xi32>
    %broadcast_in_dim3A_3426 = vector.broadcast %jit3A_3424 : i32 to vector<16xi32>
    %select_n3A_3427 = arith.select %eq3A_3422, %broadcast_in_dim3A_3425, %broadcast_in_dim3A_3426 : vector<16xi1>, vector<16xi32>
    %add3A_3428 = arith.addi %add3A_3408, %select_n3A_3427 : vector<16xi32>
    %get3A_3429 = arith.constant 66 : i32
    %get3A_3430 = arith.index_cast %get3A_3429 : i32 to index
    %get3A_3431 = arith.constant 0 : index
    %get3A_3432 = tpu.vector_load %arg9[%get3A_3430, %get3A_3431] {strides = array<i32>} : memref<101x16xi32, #tpu.memory_space<vmem>>, vector<1x16xi32>,
    %get3A_3433 = vector.shape_cast %get3A_3432 : vector<1x16xi32> to vector<16xi32>
    %gt3A_3434 = arith.constant 0 : i32
    %gt3A_3435 = vector.broadcast %gt3A_3434 : i32 to vector<16xi32>
    %gt3A_3436 = arith.cmpi sgt, %add3A_3428, %gt3A_3435 : vector<16xi32>
    %select_n3A_3437 = arith.select %gt3A_3436, %get3A_3433, %get3A_3413 : vector<16xi1>, vector<16xi32>
    %swap3A_3438 = arith.constant 1056 : index
    %swap3A_3439 = tpu.vector_load %arg11[%swap3A_3438] {strides = array<i32>} : memref<1616xi32, #tpu.memory_space<vmem>>, vector<16xi32>,
    %swap3A_3440 = vector.shape_cast %swap3A_3439 : vector<16xi32> to vector<16xi32>
    %swap3A_3441 = vector.shape_cast %select_n3A_3437 : vector<16xi32> to vector<16xi32>
    tpu.vector_store %arg11[%swap3A_3438], %swap3A_3441 {strides = array<i32>} : memref<1616xi32, #tpu.memory_space<vmem>>, vector<16xi32>,
    %eq3A_3442 = arith.cmpi eq, %get3A_3433, %get3A_2113 : vector<16xi32>
    %jit3A_3443 = arith.constant 1 : i32
    %jit3A_3444 = arith.constant 0 : i32
    %broadcast_in_dim3A_3445 = vector.broadcast %jit3A_3443 : i32 to vector<16xi32>
    %broadcast_in_dim3A_3446 = vector.broadcast %jit3A_3444 : i32 to vector<16xi32>
    %select_n3A_3447 = arith.select %eq3A_3442, %broadcast_in_dim3A_3445, %broadcast_in_dim3A_3446 : vector<16xi1>, vector<16xi32>
    %add3A_3448 = arith.addi %add3A_3428, %select_n3A_3447 : vector<16xi32>
    %get3A_3449 = arith.constant 67 : i32
    %get3A_3450 = arith.index_cast %get3A_3449 : i32 to index
    %get3A_3451 = arith.constant 0 : index
    %get3A_3452 = tpu.vector_load %arg9[%get3A_3450, %get3A_3451] {strides = array<i32>} : memref<101x16xi32, #tpu.memory_space<vmem>>, vector<1x16xi32>,
    %get3A_3453 = vector.shape_cast %get3A_3452 : vector<1x16xi32> to vector<16xi32>
    %gt3A_3454 = arith.constant 0 : i32
    %gt3A_3455 = vector.broadcast %gt3A_3454 : i32 to vector<16xi32>
    %gt3A_3456 = arith.cmpi sgt, %add3A_3448, %gt3A_3455 : vector<16xi32>
    %select_n3A_3457 = arith.select %gt3A_3456, %get3A_3453, %get3A_3433 : vector<16xi1>, vector<16xi32>
    %swap3A_3458 = arith.constant 1072 : index
    %swap3A_3459 = tpu.vector_load %arg11[%swap3A_3458] {strides = array<i32>} : memref<1616xi32, #tpu.memory_space<vmem>>, vector<16xi32>,
    %swap3A_3460 = vector.shape_cast %swap3A_3459 : vector<16xi32> to vector<16xi32>
    %swap3A_3461 = vector.shape_cast %select_n3A_3457 : vector<16xi32> to vector<16xi32>
    tpu.vector_store %arg11[%swap3A_3458], %swap3A_3461 {strides = array<i32>} : memref<1616xi32, #tpu.memory_space<vmem>>, vector<16xi32>,
    %eq3A_3462 = arith.cmpi eq, %get3A_3453, %get3A_2113 : vector<16xi32>
    %jit3A_3463 = arith.constant 1 : i32
    %jit3A_3464 = arith.constant 0 : i32
    %broadcast_in_dim3A_3465 = vector.broadcast %jit3A_3463 : i32 to vector<16xi32>
    %broadcast_in_dim3A_3466 = vector.broadcast %jit3A_3464 : i32 to vector<16xi32>
    %select_n3A_3467 = arith.select %eq3A_3462, %broadcast_in_dim3A_3465, %broadcast_in_dim3A_3466 : vector<16xi1>, vector<16xi32>
    %add3A_3468 = arith.addi %add3A_3448, %select_n3A_3467 : vector<16xi32>
    %get3A_3469 = arith.constant 68 : i32
    %get3A_3470 = arith.index_cast %get3A_3469 : i32 to index
    %get3A_3471 = arith.constant 0 : index
    %get3A_3472 = tpu.vector_load %arg9[%get3A_3470, %get3A_3471] {strides = array<i32>} : memref<101x16xi32, #tpu.memory_space<vmem>>, vector<1x16xi32>,
    %get3A_3473 = vector.shape_cast %get3A_3472 : vector<1x16xi32> to vector<16xi32>
    %gt3A_3474 = arith.constant 0 : i32
    %gt3A_3475 = vector.broadcast %gt3A_3474 : i32 to vector<16xi32>
    %gt3A_3476 = arith.cmpi sgt, %add3A_3468, %gt3A_3475 : vector<16xi32>
    %select_n3A_3477 = arith.select %gt3A_3476, %get3A_3473, %get3A_3453 : vector<16xi1>, vector<16xi32>
    %swap3A_3478 = arith.constant 1088 : index
    %swap3A_3479 = tpu.vector_load %arg11[%swap3A_3478] {strides = array<i32>} : memref<1616xi32, #tpu.memory_space<vmem>>, vector<16xi32>,
    %swap3A_3480 = vector.shape_cast %swap3A_3479 : vector<16xi32> to vector<16xi32>
    %swap3A_3481 = vector.shape_cast %select_n3A_3477 : vector<16xi32> to vector<16xi32>
    tpu.vector_store %arg11[%swap3A_3478], %swap3A_3481 {strides = array<i32>} : memref<1616xi32, #tpu.memory_space<vmem>>, vector<16xi32>,
    %eq3A_3482 = arith.cmpi eq, %get3A_3473, %get3A_2113 : vector<16xi32>
    %jit3A_3483 = arith.constant 1 : i32
    %jit3A_3484 = arith.constant 0 : i32
    %broadcast_in_dim3A_3485 = vector.broadcast %jit3A_3483 : i32 to vector<16xi32>
    %broadcast_in_dim3A_3486 = vector.broadcast %jit3A_3484 : i32 to vector<16xi32>
    %select_n3A_3487 = arith.select %eq3A_3482, %broadcast_in_dim3A_3485, %broadcast_in_dim3A_3486 : vector<16xi1>, vector<16xi32>
    %add3A_3488 = arith.addi %add3A_3468, %select_n3A_3487 : vector<16xi32>
    %get3A_3489 = arith.constant 69 : i32
    %get3A_3490 = arith.index_cast %get3A_3489 : i32 to index
    %get3A_3491 = arith.constant 0 : index
    %get3A_3492 = tpu.vector_load %arg9[%get3A_3490, %get3A_3491] {strides = array<i32>} : memref<101x16xi32, #tpu.memory_space<vmem>>, vector<1x16xi32>,
    %get3A_3493 = vector.shape_cast %get3A_3492 : vector<1x16xi32> to vector<16xi32>
    %gt3A_3494 = arith.constant 0 : i32
    %gt3A_3495 = vector.broadcast %gt3A_3494 : i32 to vector<16xi32>
    %gt3A_3496 = arith.cmpi sgt, %add3A_3488, %gt3A_3495 : vector<16xi32>
    %select_n3A_3497 = arith.select %gt3A_3496, %get3A_3493, %get3A_3473 : vector<16xi1>, vector<16xi32>
    %swap3A_3498 = arith.constant 1104 : index
    %swap3A_3499 = tpu.vector_load %arg11[%swap3A_3498] {strides = array<i32>} : memref<1616xi32, #tpu.memory_space<vmem>>, vector<16xi32>,
    %swap3A_3500 = vector.shape_cast %swap3A_3499 : vector<16xi32> to vector<16xi32>
    %swap3A_3501 = vector.shape_cast %select_n3A_3497 : vector<16xi32> to vector<16xi32>
    tpu.vector_store %arg11[%swap3A_3498], %swap3A_3501 {strides = array<i32>} : memref<1616xi32, #tpu.memory_space<vmem>>, vector<16xi32>,
    %eq3A_3502 = arith.cmpi eq, %get3A_3493, %get3A_2113 : vector<16xi32>
    %jit3A_3503 = arith.constant 1 : i32
    %jit3A_3504 = arith.constant 0 : i32
    %broadcast_in_dim3A_3505 = vector.broadcast %jit3A_3503 : i32 to vector<16xi32>
    %broadcast_in_dim3A_3506 = vector.broadcast %jit3A_3504 : i32 to vector<16xi32>
    %select_n3A_3507 = arith.select %eq3A_3502, %broadcast_in_dim3A_3505, %broadcast_in_dim3A_3506 : vector<16xi1>, vector<16xi32>
    %add3A_3508 = arith.addi %add3A_3488, %select_n3A_3507 : vector<16xi32>
    %get3A_3509 = arith.constant 70 : i32
    %get3A_3510 = arith.index_cast %get3A_3509 : i32 to index
    %get3A_3511 = arith.constant 0 : index
    %get3A_3512 = tpu.vector_load %arg9[%get3A_3510, %get3A_3511] {strides = array<i32>} : memref<101x16xi32, #tpu.memory_space<vmem>>, vector<1x16xi32>,
    %get3A_3513 = vector.shape_cast %get3A_3512 : vector<1x16xi32> to vector<16xi32>
    %gt3A_3514 = arith.constant 0 : i32
    %gt3A_3515 = vector.broadcast %gt3A_3514 : i32 to vector<16xi32>
    %gt3A_3516 = arith.cmpi sgt, %add3A_3508, %gt3A_3515 : vector<16xi32>
    %select_n3A_3517 = arith.select %gt3A_3516, %get3A_3513, %get3A_3493 : vector<16xi1>, vector<16xi32>
    %swap3A_3518 = arith.constant 1120 : index
    %swap3A_3519 = tpu.vector_load %arg11[%swap3A_3518] {strides = array<i32>} : memref<1616xi32, #tpu.memory_space<vmem>>, vector<16xi32>,
    %swap3A_3520 = vector.shape_cast %swap3A_3519 : vector<16xi32> to vector<16xi32>
    %swap3A_3521 = vector.shape_cast %select_n3A_3517 : vector<16xi32> to vector<16xi32>
    tpu.vector_store %arg11[%swap3A_3518], %swap3A_3521 {strides = array<i32>} : memref<1616xi32, #tpu.memory_space<vmem>>, vector<16xi32>,
    %eq3A_3522 = arith.cmpi eq, %get3A_3513, %get3A_2113 : vector<16xi32>
    %jit3A_3523 = arith.constant 1 : i32
    %jit3A_3524 = arith.constant 0 : i32
    %broadcast_in_dim3A_3525 = vector.broadcast %jit3A_3523 : i32 to vector<16xi32>
    %broadcast_in_dim3A_3526 = vector.broadcast %jit3A_3524 : i32 to vector<16xi32>
    %select_n3A_3527 = arith.select %eq3A_3522, %broadcast_in_dim3A_3525, %broadcast_in_dim3A_3526 : vector<16xi1>, vector<16xi32>
    %add3A_3528 = arith.addi %add3A_3508, %select_n3A_3527 : vector<16xi32>
    %get3A_3529 = arith.constant 71 : i32
    %get3A_3530 = arith.index_cast %get3A_3529 : i32 to index
    %get3A_3531 = arith.constant 0 : index
    %get3A_3532 = tpu.vector_load %arg9[%get3A_3530, %get3A_3531] {strides = array<i32>} : memref<101x16xi32, #tpu.memory_space<vmem>>, vector<1x16xi32>,
    %get3A_3533 = vector.shape_cast %get3A_3532 : vector<1x16xi32> to vector<16xi32>
    %gt3A_3534 = arith.constant 0 : i32
    %gt3A_3535 = vector.broadcast %gt3A_3534 : i32 to vector<16xi32>
    %gt3A_3536 = arith.cmpi sgt, %add3A_3528, %gt3A_3535 : vector<16xi32>
    %select_n3A_3537 = arith.select %gt3A_3536, %get3A_3533, %get3A_3513 : vector<16xi1>, vector<16xi32>
    %swap3A_3538 = arith.constant 1136 : index
    %swap3A_3539 = tpu.vector_load %arg11[%swap3A_3538] {strides = array<i32>} : memref<1616xi32, #tpu.memory_space<vmem>>, vector<16xi32>,
    %swap3A_3540 = vector.shape_cast %swap3A_3539 : vector<16xi32> to vector<16xi32>
    %swap3A_3541 = vector.shape_cast %select_n3A_3537 : vector<16xi32> to vector<16xi32>
    tpu.vector_store %arg11[%swap3A_3538], %swap3A_3541 {strides = array<i32>} : memref<1616xi32, #tpu.memory_space<vmem>>, vector<16xi32>,
    %eq3A_3542 = arith.cmpi eq, %get3A_3533, %get3A_2113 : vector<16xi32>
    %jit3A_3543 = arith.constant 1 : i32
    %jit3A_3544 = arith.constant 0 : i32
    %broadcast_in_dim3A_3545 = vector.broadcast %jit3A_3543 : i32 to vector<16xi32>
    %broadcast_in_dim3A_3546 = vector.broadcast %jit3A_3544 : i32 to vector<16xi32>
    %select_n3A_3547 = arith.select %eq3A_3542, %broadcast_in_dim3A_3545, %broadcast_in_dim3A_3546 : vector<16xi1>, vector<16xi32>
    %add3A_3548 = arith.addi %add3A_3528, %select_n3A_3547 : vector<16xi32>
    %get3A_3549 = arith.constant 72 : i32
    %get3A_3550 = arith.index_cast %get3A_3549 : i32 to index
    %get3A_3551 = arith.constant 0 : index
    %get3A_3552 = tpu.vector_load %arg9[%get3A_3550, %get3A_3551] {strides = array<i32>} : memref<101x16xi32, #tpu.memory_space<vmem>>, vector<1x16xi32>,
    %get3A_3553 = vector.shape_cast %get3A_3552 : vector<1x16xi32> to vector<16xi32>
    %gt3A_3554 = arith.constant 0 : i32
    %gt3A_3555 = vector.broadcast %gt3A_3554 : i32 to vector<16xi32>
    %gt3A_3556 = arith.cmpi sgt, %add3A_3548, %gt3A_3555 : vector<16xi32>
    %select_n3A_3557 = arith.select %gt3A_3556, %get3A_3553, %get3A_3533 : vector<16xi1>, vector<16xi32>
    %swap3A_3558 = arith.constant 1152 : index
    %swap3A_3559 = tpu.vector_load %arg11[%swap3A_3558] {strides = array<i32>} : memref<1616xi32, #tpu.memory_space<vmem>>, vector<16xi32>,
    %swap3A_3560 = vector.shape_cast %swap3A_3559 : vector<16xi32> to vector<16xi32>
    %swap3A_3561 = vector.shape_cast %select_n3A_3557 : vector<16xi32> to vector<16xi32>
    tpu.vector_store %arg11[%swap3A_3558], %swap3A_3561 {strides = array<i32>} : memref<1616xi32, #tpu.memory_space<vmem>>, vector<16xi32>,
    %eq3A_3562 = arith.cmpi eq, %get3A_3553, %get3A_2113 : vector<16xi32>
    %jit3A_3563 = arith.constant 1 : i32
    %jit3A_3564 = arith.constant 0 : i32
    %broadcast_in_dim3A_3565 = vector.broadcast %jit3A_3563 : i32 to vector<16xi32>
    %broadcast_in_dim3A_3566 = vector.broadcast %jit3A_3564 : i32 to vector<16xi32>
    %select_n3A_3567 = arith.select %eq3A_3562, %broadcast_in_dim3A_3565, %broadcast_in_dim3A_3566 : vector<16xi1>, vector<16xi32>
    %add3A_3568 = arith.addi %add3A_3548, %select_n3A_3567 : vector<16xi32>
    %get3A_3569 = arith.constant 73 : i32
    %get3A_3570 = arith.index_cast %get3A_3569 : i32 to index
    %get3A_3571 = arith.constant 0 : index
    %get3A_3572 = tpu.vector_load %arg9[%get3A_3570, %get3A_3571] {strides = array<i32>} : memref<101x16xi32, #tpu.memory_space<vmem>>, vector<1x16xi32>,
    %get3A_3573 = vector.shape_cast %get3A_3572 : vector<1x16xi32> to vector<16xi32>
    %gt3A_3574 = arith.constant 0 : i32
    %gt3A_3575 = vector.broadcast %gt3A_3574 : i32 to vector<16xi32>
    %gt3A_3576 = arith.cmpi sgt, %add3A_3568, %gt3A_3575 : vector<16xi32>
    %select_n3A_3577 = arith.select %gt3A_3576, %get3A_3573, %get3A_3553 : vector<16xi1>, vector<16xi32>
    %swap3A_3578 = arith.constant 1168 : index
    %swap3A_3579 = tpu.vector_load %arg11[%swap3A_3578] {strides = array<i32>} : memref<1616xi32, #tpu.memory_space<vmem>>, vector<16xi32>,
    %swap3A_3580 = vector.shape_cast %swap3A_3579 : vector<16xi32> to vector<16xi32>
    %swap3A_3581 = vector.shape_cast %select_n3A_3577 : vector<16xi32> to vector<16xi32>
    tpu.vector_store %arg11[%swap3A_3578], %swap3A_3581 {strides = array<i32>} : memref<1616xi32, #tpu.memory_space<vmem>>, vector<16xi32>,
    %eq3A_3582 = arith.cmpi eq, %get3A_3573, %get3A_2113 : vector<16xi32>
    %jit3A_3583 = arith.constant 1 : i32
    %jit3A_3584 = arith.constant 0 : i32
    %broadcast_in_dim3A_3585 = vector.broadcast %jit3A_3583 : i32 to vector<16xi32>
    %broadcast_in_dim3A_3586 = vector.broadcast %jit3A_3584 : i32 to vector<16xi32>
    %select_n3A_3587 = arith.select %eq3A_3582, %broadcast_in_dim3A_3585, %broadcast_in_dim3A_3586 : vector<16xi1>, vector<16xi32>
    %add3A_3588 = arith.addi %add3A_3568, %select_n3A_3587 : vector<16xi32>
    %get3A_3589 = arith.constant 74 : i32
    %get3A_3590 = arith.index_cast %get3A_3589 : i32 to index
    %get3A_3591 = arith.constant 0 : index
    %get3A_3592 = tpu.vector_load %arg9[%get3A_3590, %get3A_3591] {strides = array<i32>} : memref<101x16xi32, #tpu.memory_space<vmem>>, vector<1x16xi32>,
    %get3A_3593 = vector.shape_cast %get3A_3592 : vector<1x16xi32> to vector<16xi32>
    %gt3A_3594 = arith.constant 0 : i32
    %gt3A_3595 = vector.broadcast %gt3A_3594 : i32 to vector<16xi32>
    %gt3A_3596 = arith.cmpi sgt, %add3A_3588, %gt3A_3595 : vector<16xi32>
    %select_n3A_3597 = arith.select %gt3A_3596, %get3A_3593, %get3A_3573 : vector<16xi1>, vector<16xi32>
    %swap3A_3598 = arith.constant 1184 : index
    %swap3A_3599 = tpu.vector_load %arg11[%swap3A_3598] {strides = array<i32>} : memref<1616xi32, #tpu.memory_space<vmem>>, vector<16xi32>,
    %swap3A_3600 = vector.shape_cast %swap3A_3599 : vector<16xi32> to vector<16xi32>
    %swap3A_3601 = vector.shape_cast %select_n3A_3597 : vector<16xi32> to vector<16xi32>
    tpu.vector_store %arg11[%swap3A_3598], %swap3A_3601 {strides = array<i32>} : memref<1616xi32, #tpu.memory_space<vmem>>, vector<16xi32>,
    %eq3A_3602 = arith.cmpi eq, %get3A_3593, %get3A_2113 : vector<16xi32>
    %jit3A_3603 = arith.constant 1 : i32
    %jit3A_3604 = arith.constant 0 : i32
    %broadcast_in_dim3A_3605 = vector.broadcast %jit3A_3603 : i32 to vector<16xi32>
    %broadcast_in_dim3A_3606 = vector.broadcast %jit3A_3604 : i32 to vector<16xi32>
    %select_n3A_3607 = arith.select %eq3A_3602, %broadcast_in_dim3A_3605, %broadcast_in_dim3A_3606 : vector<16xi1>, vector<16xi32>
    %add3A_3608 = arith.addi %add3A_3588, %select_n3A_3607 : vector<16xi32>
    %get3A_3609 = arith.constant 75 : i32
    %get3A_3610 = arith.index_cast %get3A_3609 : i32 to index
    %get3A_3611 = arith.constant 0 : index
    %get3A_3612 = tpu.vector_load %arg9[%get3A_3610, %get3A_3611] {strides = array<i32>} : memref<101x16xi32, #tpu.memory_space<vmem>>, vector<1x16xi32>,
    %get3A_3613 = vector.shape_cast %get3A_3612 : vector<1x16xi32> to vector<16xi32>
    %gt3A_3614 = arith.constant 0 : i32
    %gt3A_3615 = vector.broadcast %gt3A_3614 : i32 to vector<16xi32>
    %gt3A_3616 = arith.cmpi sgt, %add3A_3608, %gt3A_3615 : vector<16xi32>
    %select_n3A_3617 = arith.select %gt3A_3616, %get3A_3613, %get3A_3593 : vector<16xi1>, vector<16xi32>
    %swap3A_3618 = arith.constant 1200 : index
    %swap3A_3619 = tpu.vector_load %arg11[%swap3A_3618] {strides = array<i32>} : memref<1616xi32, #tpu.memory_space<vmem>>, vector<16xi32>,
    %swap3A_3620 = vector.shape_cast %swap3A_3619 : vector<16xi32> to vector<16xi32>
    %swap3A_3621 = vector.shape_cast %select_n3A_3617 : vector<16xi32> to vector<16xi32>
    tpu.vector_store %arg11[%swap3A_3618], %swap3A_3621 {strides = array<i32>} : memref<1616xi32, #tpu.memory_space<vmem>>, vector<16xi32>,
    %eq3A_3622 = arith.cmpi eq, %get3A_3613, %get3A_2113 : vector<16xi32>
    %jit3A_3623 = arith.constant 1 : i32
    %jit3A_3624 = arith.constant 0 : i32
    %broadcast_in_dim3A_3625 = vector.broadcast %jit3A_3623 : i32 to vector<16xi32>
    %broadcast_in_dim3A_3626 = vector.broadcast %jit3A_3624 : i32 to vector<16xi32>
    %select_n3A_3627 = arith.select %eq3A_3622, %broadcast_in_dim3A_3625, %broadcast_in_dim3A_3626 : vector<16xi1>, vector<16xi32>
    %add3A_3628 = arith.addi %add3A_3608, %select_n3A_3627 : vector<16xi32>
    %get3A_3629 = arith.constant 76 : i32
    %get3A_3630 = arith.index_cast %get3A_3629 : i32 to index
    %get3A_3631 = arith.constant 0 : index
    %get3A_3632 = tpu.vector_load %arg9[%get3A_3630, %get3A_3631] {strides = array<i32>} : memref<101x16xi32, #tpu.memory_space<vmem>>, vector<1x16xi32>,
    %get3A_3633 = vector.shape_cast %get3A_3632 : vector<1x16xi32> to vector<16xi32>
    %gt3A_3634 = arith.constant 0 : i32
    %gt3A_3635 = vector.broadcast %gt3A_3634 : i32 to vector<16xi32>
    %gt3A_3636 = arith.cmpi sgt, %add3A_3628, %gt3A_3635 : vector<16xi32>
    %select_n3A_3637 = arith.select %gt3A_3636, %get3A_3633, %get3A_3613 : vector<16xi1>, vector<16xi32>
    %swap3A_3638 = arith.constant 1216 : index
    %swap3A_3639 = tpu.vector_load %arg11[%swap3A_3638] {strides = array<i32>} : memref<1616xi32, #tpu.memory_space<vmem>>, vector<16xi32>,
    %swap3A_3640 = vector.shape_cast %swap3A_3639 : vector<16xi32> to vector<16xi32>
    %swap3A_3641 = vector.shape_cast %select_n3A_3637 : vector<16xi32> to vector<16xi32>
    tpu.vector_store %arg11[%swap3A_3638], %swap3A_3641 {strides = array<i32>} : memref<1616xi32, #tpu.memory_space<vmem>>, vector<16xi32>,
    %eq3A_3642 = arith.cmpi eq, %get3A_3633, %get3A_2113 : vector<16xi32>
    %jit3A_3643 = arith.constant 1 : i32
    %jit3A_3644 = arith.constant 0 : i32
    %broadcast_in_dim3A_3645 = vector.broadcast %jit3A_3643 : i32 to vector<16xi32>
    %broadcast_in_dim3A_3646 = vector.broadcast %jit3A_3644 : i32 to vector<16xi32>
    %select_n3A_3647 = arith.select %eq3A_3642, %broadcast_in_dim3A_3645, %broadcast_in_dim3A_3646 : vector<16xi1>, vector<16xi32>
    %add3A_3648 = arith.addi %add3A_3628, %select_n3A_3647 : vector<16xi32>
    %get3A_3649 = arith.constant 77 : i32
    %get3A_3650 = arith.index_cast %get3A_3649 : i32 to index
    %get3A_3651 = arith.constant 0 : index
    %get3A_3652 = tpu.vector_load %arg9[%get3A_3650, %get3A_3651] {strides = array<i32>} : memref<101x16xi32, #tpu.memory_space<vmem>>, vector<1x16xi32>,
    %get3A_3653 = vector.shape_cast %get3A_3652 : vector<1x16xi32> to vector<16xi32>
    %gt3A_3654 = arith.constant 0 : i32
    %gt3A_3655 = vector.broadcast %gt3A_3654 : i32 to vector<16xi32>
    %gt3A_3656 = arith.cmpi sgt, %add3A_3648, %gt3A_3655 : vector<16xi32>
    %select_n3A_3657 = arith.select %gt3A_3656, %get3A_3653, %get3A_3633 : vector<16xi1>, vector<16xi32>
    %swap3A_3658 = arith.constant 1232 : index
    %swap3A_3659 = tpu.vector_load %arg11[%swap3A_3658] {strides = array<i32>} : memref<1616xi32, #tpu.memory_space<vmem>>, vector<16xi32>,
    %swap3A_3660 = vector.shape_cast %swap3A_3659 : vector<16xi32> to vector<16xi32>
    %swap3A_3661 = vector.shape_cast %select_n3A_3657 : vector<16xi32> to vector<16xi32>
    tpu.vector_store %arg11[%swap3A_3658], %swap3A_3661 {strides = array<i32>} : memref<1616xi32, #tpu.memory_space<vmem>>, vector<16xi32>,
    %eq3A_3662 = arith.cmpi eq, %get3A_3653, %get3A_2113 : vector<16xi32>
    %jit3A_3663 = arith.constant 1 : i32
    %jit3A_3664 = arith.constant 0 : i32
    %broadcast_in_dim3A_3665 = vector.broadcast %jit3A_3663 : i32 to vector<16xi32>
    %broadcast_in_dim3A_3666 = vector.broadcast %jit3A_3664 : i32 to vector<16xi32>
    %select_n3A_3667 = arith.select %eq3A_3662, %broadcast_in_dim3A_3665, %broadcast_in_dim3A_3666 : vector<16xi1>, vector<16xi32>
    %add3A_3668 = arith.addi %add3A_3648, %select_n3A_3667 : vector<16xi32>
    %get3A_3669 = arith.constant 78 : i32
    %get3A_3670 = arith.index_cast %get3A_3669 : i32 to index
    %get3A_3671 = arith.constant 0 : index
    %get3A_3672 = tpu.vector_load %arg9[%get3A_3670, %get3A_3671] {strides = array<i32>} : memref<101x16xi32, #tpu.memory_space<vmem>>, vector<1x16xi32>,
    %get3A_3673 = vector.shape_cast %get3A_3672 : vector<1x16xi32> to vector<16xi32>
    %gt3A_3674 = arith.constant 0 : i32
    %gt3A_3675 = vector.broadcast %gt3A_3674 : i32 to vector<16xi32>
    %gt3A_3676 = arith.cmpi sgt, %add3A_3668, %gt3A_3675 : vector<16xi32>
    %select_n3A_3677 = arith.select %gt3A_3676, %get3A_3673, %get3A_3653 : vector<16xi1>, vector<16xi32>
    %swap3A_3678 = arith.constant 1248 : index
    %swap3A_3679 = tpu.vector_load %arg11[%swap3A_3678] {strides = array<i32>} : memref<1616xi32, #tpu.memory_space<vmem>>, vector<16xi32>,
    %swap3A_3680 = vector.shape_cast %swap3A_3679 : vector<16xi32> to vector<16xi32>
    %swap3A_3681 = vector.shape_cast %select_n3A_3677 : vector<16xi32> to vector<16xi32>
    tpu.vector_store %arg11[%swap3A_3678], %swap3A_3681 {strides = array<i32>} : memref<1616xi32, #tpu.memory_space<vmem>>, vector<16xi32>,
    %eq3A_3682 = arith.cmpi eq, %get3A_3673, %get3A_2113 : vector<16xi32>
    %jit3A_3683 = arith.constant 1 : i32
    %jit3A_3684 = arith.constant 0 : i32
    %broadcast_in_dim3A_3685 = vector.broadcast %jit3A_3683 : i32 to vector<16xi32>
    %broadcast_in_dim3A_3686 = vector.broadcast %jit3A_3684 : i32 to vector<16xi32>
    %select_n3A_3687 = arith.select %eq3A_3682, %broadcast_in_dim3A_3685, %broadcast_in_dim3A_3686 : vector<16xi1>, vector<16xi32>
    %add3A_3688 = arith.addi %add3A_3668, %select_n3A_3687 : vector<16xi32>
    %get3A_3689 = arith.constant 79 : i32
    %get3A_3690 = arith.index_cast %get3A_3689 : i32 to index
    %get3A_3691 = arith.constant 0 : index
    %get3A_3692 = tpu.vector_load %arg9[%get3A_3690, %get3A_3691] {strides = array<i32>} : memref<101x16xi32, #tpu.memory_space<vmem>>, vector<1x16xi32>,
    %get3A_3693 = vector.shape_cast %get3A_3692 : vector<1x16xi32> to vector<16xi32>
    %gt3A_3694 = arith.constant 0 : i32
    %gt3A_3695 = vector.broadcast %gt3A_3694 : i32 to vector<16xi32>
    %gt3A_3696 = arith.cmpi sgt, %add3A_3688, %gt3A_3695 : vector<16xi32>
    %select_n3A_3697 = arith.select %gt3A_3696, %get3A_3693, %get3A_3673 : vector<16xi1>, vector<16xi32>
    %swap3A_3698 = arith.constant 1264 : index
    %swap3A_3699 = tpu.vector_load %arg11[%swap3A_3698] {strides = array<i32>} : memref<1616xi32, #tpu.memory_space<vmem>>, vector<16xi32>,
    %swap3A_3700 = vector.shape_cast %swap3A_3699 : vector<16xi32> to vector<16xi32>
    %swap3A_3701 = vector.shape_cast %select_n3A_3697 : vector<16xi32> to vector<16xi32>
    tpu.vector_store %arg11[%swap3A_3698], %swap3A_3701 {strides = array<i32>} : memref<1616xi32, #tpu.memory_space<vmem>>, vector<16xi32>,
    %eq3A_3702 = arith.cmpi eq, %get3A_3693, %get3A_2113 : vector<16xi32>
    %jit3A_3703 = arith.constant 1 : i32
    %jit3A_3704 = arith.constant 0 : i32
    %broadcast_in_dim3A_3705 = vector.broadcast %jit3A_3703 : i32 to vector<16xi32>
    %broadcast_in_dim3A_3706 = vector.broadcast %jit3A_3704 : i32 to vector<16xi32>
    %select_n3A_3707 = arith.select %eq3A_3702, %broadcast_in_dim3A_3705, %broadcast_in_dim3A_3706 : vector<16xi1>, vector<16xi32>
    %add3A_3708 = arith.addi %add3A_3688, %select_n3A_3707 : vector<16xi32>
    %get3A_3709 = arith.constant 80 : i32
    %get3A_3710 = arith.index_cast %get3A_3709 : i32 to index
    %get3A_3711 = arith.constant 0 : index
    %get3A_3712 = tpu.vector_load %arg9[%get3A_3710, %get3A_3711] {strides = array<i32>} : memref<101x16xi32, #tpu.memory_space<vmem>>, vector<1x16xi32>,
    %get3A_3713 = vector.shape_cast %get3A_3712 : vector<1x16xi32> to vector<16xi32>
    %gt3A_3714 = arith.constant 0 : i32
    %gt3A_3715 = vector.broadcast %gt3A_3714 : i32 to vector<16xi32>
    %gt3A_3716 = arith.cmpi sgt, %add3A_3708, %gt3A_3715 : vector<16xi32>
    %select_n3A_3717 = arith.select %gt3A_3716, %get3A_3713, %get3A_3693 : vector<16xi1>, vector<16xi32>
    %swap3A_3718 = arith.constant 1280 : index
    %swap3A_3719 = tpu.vector_load %arg11[%swap3A_3718] {strides = array<i32>} : memref<1616xi32, #tpu.memory_space<vmem>>, vector<16xi32>,
    %swap3A_3720 = vector.shape_cast %swap3A_3719 : vector<16xi32> to vector<16xi32>
    %swap3A_3721 = vector.shape_cast %select_n3A_3717 : vector<16xi32> to vector<16xi32>
    tpu.vector_store %arg11[%swap3A_3718], %swap3A_3721 {strides = array<i32>} : memref<1616xi32, #tpu.memory_space<vmem>>, vector<16xi32>,
    %eq3A_3722 = arith.cmpi eq, %get3A_3713, %get3A_2113 : vector<16xi32>
    %jit3A_3723 = arith.constant 1 : i32
    %jit3A_3724 = arith.constant 0 : i32
    %broadcast_in_dim3A_3725 = vector.broadcast %jit3A_3723 : i32 to vector<16xi32>
    %broadcast_in_dim3A_3726 = vector.broadcast %jit3A_3724 : i32 to vector<16xi32>
    %select_n3A_3727 = arith.select %eq3A_3722, %broadcast_in_dim3A_3725, %broadcast_in_dim3A_3726 : vector<16xi1>, vector<16xi32>
    %add3A_3728 = arith.addi %add3A_3708, %select_n3A_3727 : vector<16xi32>
    %get3A_3729 = arith.constant 81 : i32
    %get3A_3730 = arith.index_cast %get3A_3729 : i32 to index
    %get3A_3731 = arith.constant 0 : index
    %get3A_3732 = tpu.vector_load %arg9[%get3A_3730, %get3A_3731] {strides = array<i32>} : memref<101x16xi32, #tpu.memory_space<vmem>>, vector<1x16xi32>,
    %get3A_3733 = vector.shape_cast %get3A_3732 : vector<1x16xi32> to vector<16xi32>
    %gt3A_3734 = arith.constant 0 : i32
    %gt3A_3735 = vector.broadcast %gt3A_3734 : i32 to vector<16xi32>
    %gt3A_3736 = arith.cmpi sgt, %add3A_3728, %gt3A_3735 : vector<16xi32>
    %select_n3A_3737 = arith.select %gt3A_3736, %get3A_3733, %get3A_3713 : vector<16xi1>, vector<16xi32>
    %swap3A_3738 = arith.constant 1296 : index
    %swap3A_3739 = tpu.vector_load %arg11[%swap3A_3738] {strides = array<i32>} : memref<1616xi32, #tpu.memory_space<vmem>>, vector<16xi32>,
    %swap3A_3740 = vector.shape_cast %swap3A_3739 : vector<16xi32> to vector<16xi32>
    %swap3A_3741 = vector.shape_cast %select_n3A_3737 : vector<16xi32> to vector<16xi32>
    tpu.vector_store %arg11[%swap3A_3738], %swap3A_3741 {strides = array<i32>} : memref<1616xi32, #tpu.memory_space<vmem>>, vector<16xi32>,
    %eq3A_3742 = arith.cmpi eq, %get3A_3733, %get3A_2113 : vector<16xi32>
    %jit3A_3743 = arith.constant 1 : i32
    %jit3A_3744 = arith.constant 0 : i32
    %broadcast_in_dim3A_3745 = vector.broadcast %jit3A_3743 : i32 to vector<16xi32>
    %broadcast_in_dim3A_3746 = vector.broadcast %jit3A_3744 : i32 to vector<16xi32>
    %select_n3A_3747 = arith.select %eq3A_3742, %broadcast_in_dim3A_3745, %broadcast_in_dim3A_3746 : vector<16xi1>, vector<16xi32>
    %add3A_3748 = arith.addi %add3A_3728, %select_n3A_3747 : vector<16xi32>
    %get3A_3749 = arith.constant 82 : i32
    %get3A_3750 = arith.index_cast %get3A_3749 : i32 to index
    %get3A_3751 = arith.constant 0 : index
    %get3A_3752 = tpu.vector_load %arg9[%get3A_3750, %get3A_3751] {strides = array<i32>} : memref<101x16xi32, #tpu.memory_space<vmem>>, vector<1x16xi32>,
    %get3A_3753 = vector.shape_cast %get3A_3752 : vector<1x16xi32> to vector<16xi32>
    %gt3A_3754 = arith.constant 0 : i32
    %gt3A_3755 = vector.broadcast %gt3A_3754 : i32 to vector<16xi32>
    %gt3A_3756 = arith.cmpi sgt, %add3A_3748, %gt3A_3755 : vector<16xi32>
    %select_n3A_3757 = arith.select %gt3A_3756, %get3A_3753, %get3A_3733 : vector<16xi1>, vector<16xi32>
    %swap3A_3758 = arith.constant 1312 : index
    %swap3A_3759 = tpu.vector_load %arg11[%swap3A_3758] {strides = array<i32>} : memref<1616xi32, #tpu.memory_space<vmem>>, vector<16xi32>,
    %swap3A_3760 = vector.shape_cast %swap3A_3759 : vector<16xi32> to vector<16xi32>
    %swap3A_3761 = vector.shape_cast %select_n3A_3757 : vector<16xi32> to vector<16xi32>
    tpu.vector_store %arg11[%swap3A_3758], %swap3A_3761 {strides = array<i32>} : memref<1616xi32, #tpu.memory_space<vmem>>, vector<16xi32>,
    %eq3A_3762 = arith.cmpi eq, %get3A_3753, %get3A_2113 : vector<16xi32>
    %jit3A_3763 = arith.constant 1 : i32
    %jit3A_3764 = arith.constant 0 : i32
    %broadcast_in_dim3A_3765 = vector.broadcast %jit3A_3763 : i32 to vector<16xi32>
    %broadcast_in_dim3A_3766 = vector.broadcast %jit3A_3764 : i32 to vector<16xi32>
    %select_n3A_3767 = arith.select %eq3A_3762, %broadcast_in_dim3A_3765, %broadcast_in_dim3A_3766 : vector<16xi1>, vector<16xi32>
    %add3A_3768 = arith.addi %add3A_3748, %select_n3A_3767 : vector<16xi32>
    %get3A_3769 = arith.constant 83 : i32
    %get3A_3770 = arith.index_cast %get3A_3769 : i32 to index
    %get3A_3771 = arith.constant 0 : index
    %get3A_3772 = tpu.vector_load %arg9[%get3A_3770, %get3A_3771] {strides = array<i32>} : memref<101x16xi32, #tpu.memory_space<vmem>>, vector<1x16xi32>,
    %get3A_3773 = vector.shape_cast %get3A_3772 : vector<1x16xi32> to vector<16xi32>
    %gt3A_3774 = arith.constant 0 : i32
    %gt3A_3775 = vector.broadcast %gt3A_3774 : i32 to vector<16xi32>
    %gt3A_3776 = arith.cmpi sgt, %add3A_3768, %gt3A_3775 : vector<16xi32>
    %select_n3A_3777 = arith.select %gt3A_3776, %get3A_3773, %get3A_3753 : vector<16xi1>, vector<16xi32>
    %swap3A_3778 = arith.constant 1328 : index
    %swap3A_3779 = tpu.vector_load %arg11[%swap3A_3778] {strides = array<i32>} : memref<1616xi32, #tpu.memory_space<vmem>>, vector<16xi32>,
    %swap3A_3780 = vector.shape_cast %swap3A_3779 : vector<16xi32> to vector<16xi32>
    %swap3A_3781 = vector.shape_cast %select_n3A_3777 : vector<16xi32> to vector<16xi32>
    tpu.vector_store %arg11[%swap3A_3778], %swap3A_3781 {strides = array<i32>} : memref<1616xi32, #tpu.memory_space<vmem>>, vector<16xi32>,
    %eq3A_3782 = arith.cmpi eq, %get3A_3773, %get3A_2113 : vector<16xi32>
    %jit3A_3783 = arith.constant 1 : i32
    %jit3A_3784 = arith.constant 0 : i32
    %broadcast_in_dim3A_3785 = vector.broadcast %jit3A_3783 : i32 to vector<16xi32>
    %broadcast_in_dim3A_3786 = vector.broadcast %jit3A_3784 : i32 to vector<16xi32>
    %select_n3A_3787 = arith.select %eq3A_3782, %broadcast_in_dim3A_3785, %broadcast_in_dim3A_3786 : vector<16xi1>, vector<16xi32>
    %add3A_3788 = arith.addi %add3A_3768, %select_n3A_3787 : vector<16xi32>
    %get3A_3789 = arith.constant 84 : i32
    %get3A_3790 = arith.index_cast %get3A_3789 : i32 to index
    %get3A_3791 = arith.constant 0 : index
    %get3A_3792 = tpu.vector_load %arg9[%get3A_3790, %get3A_3791] {strides = array<i32>} : memref<101x16xi32, #tpu.memory_space<vmem>>, vector<1x16xi32>,
    %get3A_3793 = vector.shape_cast %get3A_3792 : vector<1x16xi32> to vector<16xi32>
    %gt3A_3794 = arith.constant 0 : i32
    %gt3A_3795 = vector.broadcast %gt3A_3794 : i32 to vector<16xi32>
    %gt3A_3796 = arith.cmpi sgt, %add3A_3788, %gt3A_3795 : vector<16xi32>
    %select_n3A_3797 = arith.select %gt3A_3796, %get3A_3793, %get3A_3773 : vector<16xi1>, vector<16xi32>
    %swap3A_3798 = arith.constant 1344 : index
    %swap3A_3799 = tpu.vector_load %arg11[%swap3A_3798] {strides = array<i32>} : memref<1616xi32, #tpu.memory_space<vmem>>, vector<16xi32>,
    %swap3A_3800 = vector.shape_cast %swap3A_3799 : vector<16xi32> to vector<16xi32>
    %swap3A_3801 = vector.shape_cast %select_n3A_3797 : vector<16xi32> to vector<16xi32>
    tpu.vector_store %arg11[%swap3A_3798], %swap3A_3801 {strides = array<i32>} : memref<1616xi32, #tpu.memory_space<vmem>>, vector<16xi32>,
    %eq3A_3802 = arith.cmpi eq, %get3A_3793, %get3A_2113 : vector<16xi32>
    %jit3A_3803 = arith.constant 1 : i32
    %jit3A_3804 = arith.constant 0 : i32
    %broadcast_in_dim3A_3805 = vector.broadcast %jit3A_3803 : i32 to vector<16xi32>
    %broadcast_in_dim3A_3806 = vector.broadcast %jit3A_3804 : i32 to vector<16xi32>
    %select_n3A_3807 = arith.select %eq3A_3802, %broadcast_in_dim3A_3805, %broadcast_in_dim3A_3806 : vector<16xi1>, vector<16xi32>
    %add3A_3808 = arith.addi %add3A_3788, %select_n3A_3807 : vector<16xi32>
    %get3A_3809 = arith.constant 85 : i32
    %get3A_3810 = arith.index_cast %get3A_3809 : i32 to index
    %get3A_3811 = arith.constant 0 : index
    %get3A_3812 = tpu.vector_load %arg9[%get3A_3810, %get3A_3811] {strides = array<i32>} : memref<101x16xi32, #tpu.memory_space<vmem>>, vector<1x16xi32>,
    %get3A_3813 = vector.shape_cast %get3A_3812 : vector<1x16xi32> to vector<16xi32>
    %gt3A_3814 = arith.constant 0 : i32
    %gt3A_3815 = vector.broadcast %gt3A_3814 : i32 to vector<16xi32>
    %gt3A_3816 = arith.cmpi sgt, %add3A_3808, %gt3A_3815 : vector<16xi32>
    %select_n3A_3817 = arith.select %gt3A_3816, %get3A_3813, %get3A_3793 : vector<16xi1>, vector<16xi32>
    %swap3A_3818 = arith.constant 1360 : index
    %swap3A_3819 = tpu.vector_load %arg11[%swap3A_3818] {strides = array<i32>} : memref<1616xi32, #tpu.memory_space<vmem>>, vector<16xi32>,
    %swap3A_3820 = vector.shape_cast %swap3A_3819 : vector<16xi32> to vector<16xi32>
    %swap3A_3821 = vector.shape_cast %select_n3A_3817 : vector<16xi32> to vector<16xi32>
    tpu.vector_store %arg11[%swap3A_3818], %swap3A_3821 {strides = array<i32>} : memref<1616xi32, #tpu.memory_space<vmem>>, vector<16xi32>,
    %eq3A_3822 = arith.cmpi eq, %get3A_3813, %get3A_2113 : vector<16xi32>
    %jit3A_3823 = arith.constant 1 : i32
    %jit3A_3824 = arith.constant 0 : i32
    %broadcast_in_dim3A_3825 = vector.broadcast %jit3A_3823 : i32 to vector<16xi32>
    %broadcast_in_dim3A_3826 = vector.broadcast %jit3A_3824 : i32 to vector<16xi32>
    %select_n3A_3827 = arith.select %eq3A_3822, %broadcast_in_dim3A_3825, %broadcast_in_dim3A_3826 : vector<16xi1>, vector<16xi32>
    %add3A_3828 = arith.addi %add3A_3808, %select_n3A_3827 : vector<16xi32>
    %get3A_3829 = arith.constant 86 : i32
    %get3A_3830 = arith.index_cast %get3A_3829 : i32 to index
    %get3A_3831 = arith.constant 0 : index
    %get3A_3832 = tpu.vector_load %arg9[%get3A_3830, %get3A_3831] {strides = array<i32>} : memref<101x16xi32, #tpu.memory_space<vmem>>, vector<1x16xi32>,
    %get3A_3833 = vector.shape_cast %get3A_3832 : vector<1x16xi32> to vector<16xi32>
    %gt3A_3834 = arith.constant 0 : i32
    %gt3A_3835 = vector.broadcast %gt3A_3834 : i32 to vector<16xi32>
    %gt3A_3836 = arith.cmpi sgt, %add3A_3828, %gt3A_3835 : vector<16xi32>
    %select_n3A_3837 = arith.select %gt3A_3836, %get3A_3833, %get3A_3813 : vector<16xi1>, vector<16xi32>
    %swap3A_3838 = arith.constant 1376 : index
    %swap3A_3839 = tpu.vector_load %arg11[%swap3A_3838] {strides = array<i32>} : memref<1616xi32, #tpu.memory_space<vmem>>, vector<16xi32>,
    %swap3A_3840 = vector.shape_cast %swap3A_3839 : vector<16xi32> to vector<16xi32>
    %swap3A_3841 = vector.shape_cast %select_n3A_3837 : vector<16xi32> to vector<16xi32>
    tpu.vector_store %arg11[%swap3A_3838], %swap3A_3841 {strides = array<i32>} : memref<1616xi32, #tpu.memory_space<vmem>>, vector<16xi32>,
    %eq3A_3842 = arith.cmpi eq, %get3A_3833, %get3A_2113 : vector<16xi32>
    %jit3A_3843 = arith.constant 1 : i32
    %jit3A_3844 = arith.constant 0 : i32
    %broadcast_in_dim3A_3845 = vector.broadcast %jit3A_3843 : i32 to vector<16xi32>
    %broadcast_in_dim3A_3846 = vector.broadcast %jit3A_3844 : i32 to vector<16xi32>
    %select_n3A_3847 = arith.select %eq3A_3842, %broadcast_in_dim3A_3845, %broadcast_in_dim3A_3846 : vector<16xi1>, vector<16xi32>
    %add3A_3848 = arith.addi %add3A_3828, %select_n3A_3847 : vector<16xi32>
    %get3A_3849 = arith.constant 87 : i32
    %get3A_3850 = arith.index_cast %get3A_3849 : i32 to index
    %get3A_3851 = arith.constant 0 : index
    %get3A_3852 = tpu.vector_load %arg9[%get3A_3850, %get3A_3851] {strides = array<i32>} : memref<101x16xi32, #tpu.memory_space<vmem>>, vector<1x16xi32>,
    %get3A_3853 = vector.shape_cast %get3A_3852 : vector<1x16xi32> to vector<16xi32>
    %gt3A_3854 = arith.constant 0 : i32
    %gt3A_3855 = vector.broadcast %gt3A_3854 : i32 to vector<16xi32>
    %gt3A_3856 = arith.cmpi sgt, %add3A_3848, %gt3A_3855 : vector<16xi32>
    %select_n3A_3857 = arith.select %gt3A_3856, %get3A_3853, %get3A_3833 : vector<16xi1>, vector<16xi32>
    %swap3A_3858 = arith.constant 1392 : index
    %swap3A_3859 = tpu.vector_load %arg11[%swap3A_3858] {strides = array<i32>} : memref<1616xi32, #tpu.memory_space<vmem>>, vector<16xi32>,
    %swap3A_3860 = vector.shape_cast %swap3A_3859 : vector<16xi32> to vector<16xi32>
    %swap3A_3861 = vector.shape_cast %select_n3A_3857 : vector<16xi32> to vector<16xi32>
    tpu.vector_store %arg11[%swap3A_3858], %swap3A_3861 {strides = array<i32>} : memref<1616xi32, #tpu.memory_space<vmem>>, vector<16xi32>,
    %eq3A_3862 = arith.cmpi eq, %get3A_3853, %get3A_2113 : vector<16xi32>
    %jit3A_3863 = arith.constant 1 : i32
    %jit3A_3864 = arith.constant 0 : i32
    %broadcast_in_dim3A_3865 = vector.broadcast %jit3A_3863 : i32 to vector<16xi32>
    %broadcast_in_dim3A_3866 = vector.broadcast %jit3A_3864 : i32 to vector<16xi32>
    %select_n3A_3867 = arith.select %eq3A_3862, %broadcast_in_dim3A_3865, %broadcast_in_dim3A_3866 : vector<16xi1>, vector<16xi32>
    %add3A_3868 = arith.addi %add3A_3848, %select_n3A_3867 : vector<16xi32>
    %get3A_3869 = arith.constant 88 : i32
    %get3A_3870 = arith.index_cast %get3A_3869 : i32 to index
    %get3A_3871 = arith.constant 0 : index
    %get3A_3872 = tpu.vector_load %arg9[%get3A_3870, %get3A_3871] {strides = array<i32>} : memref<101x16xi32, #tpu.memory_space<vmem>>, vector<1x16xi32>,
    %get3A_3873 = vector.shape_cast %get3A_3872 : vector<1x16xi32> to vector<16xi32>
    %gt3A_3874 = arith.constant 0 : i32
    %gt3A_3875 = vector.broadcast %gt3A_3874 : i32 to vector<16xi32>
    %gt3A_3876 = arith.cmpi sgt, %add3A_3868, %gt3A_3875 : vector<16xi32>
    %select_n3A_3877 = arith.select %gt3A_3876, %get3A_3873, %get3A_3853 : vector<16xi1>, vector<16xi32>
    %swap3A_3878 = arith.constant 1408 : index
    %swap3A_3879 = tpu.vector_load %arg11[%swap3A_3878] {strides = array<i32>} : memref<1616xi32, #tpu.memory_space<vmem>>, vector<16xi32>,
    %swap3A_3880 = vector.shape_cast %swap3A_3879 : vector<16xi32> to vector<16xi32>
    %swap3A_3881 = vector.shape_cast %select_n3A_3877 : vector<16xi32> to vector<16xi32>
    tpu.vector_store %arg11[%swap3A_3878], %swap3A_3881 {strides = array<i32>} : memref<1616xi32, #tpu.memory_space<vmem>>, vector<16xi32>,
    %eq3A_3882 = arith.cmpi eq, %get3A_3873, %get3A_2113 : vector<16xi32>
    %jit3A_3883 = arith.constant 1 : i32
    %jit3A_3884 = arith.constant 0 : i32
    %broadcast_in_dim3A_3885 = vector.broadcast %jit3A_3883 : i32 to vector<16xi32>
    %broadcast_in_dim3A_3886 = vector.broadcast %jit3A_3884 : i32 to vector<16xi32>
    %select_n3A_3887 = arith.select %eq3A_3882, %broadcast_in_dim3A_3885, %broadcast_in_dim3A_3886 : vector<16xi1>, vector<16xi32>
    %add3A_3888 = arith.addi %add3A_3868, %select_n3A_3887 : vector<16xi32>
    %get3A_3889 = arith.constant 89 : i32
    %get3A_3890 = arith.index_cast %get3A_3889 : i32 to index
    %get3A_3891 = arith.constant 0 : index
    %get3A_3892 = tpu.vector_load %arg9[%get3A_3890, %get3A_3891] {strides = array<i32>} : memref<101x16xi32, #tpu.memory_space<vmem>>, vector<1x16xi32>,
    %get3A_3893 = vector.shape_cast %get3A_3892 : vector<1x16xi32> to vector<16xi32>
    %gt3A_3894 = arith.constant 0 : i32
    %gt3A_3895 = vector.broadcast %gt3A_3894 : i32 to vector<16xi32>
    %gt3A_3896 = arith.cmpi sgt, %add3A_3888, %gt3A_3895 : vector<16xi32>
    %select_n3A_3897 = arith.select %gt3A_3896, %get3A_3893, %get3A_3873 : vector<16xi1>, vector<16xi32>
    %swap3A_3898 = arith.constant 1424 : index
    %swap3A_3899 = tpu.vector_load %arg11[%swap3A_3898] {strides = array<i32>} : memref<1616xi32, #tpu.memory_space<vmem>>, vector<16xi32>,
    %swap3A_3900 = vector.shape_cast %swap3A_3899 : vector<16xi32> to vector<16xi32>
    %swap3A_3901 = vector.shape_cast %select_n3A_3897 : vector<16xi32> to vector<16xi32>
    tpu.vector_store %arg11[%swap3A_3898], %swap3A_3901 {strides = array<i32>} : memref<1616xi32, #tpu.memory_space<vmem>>, vector<16xi32>,
    %eq3A_3902 = arith.cmpi eq, %get3A_3893, %get3A_2113 : vector<16xi32>
    %jit3A_3903 = arith.constant 1 : i32
    %jit3A_3904 = arith.constant 0 : i32
    %broadcast_in_dim3A_3905 = vector.broadcast %jit3A_3903 : i32 to vector<16xi32>
    %broadcast_in_dim3A_3906 = vector.broadcast %jit3A_3904 : i32 to vector<16xi32>
    %select_n3A_3907 = arith.select %eq3A_3902, %broadcast_in_dim3A_3905, %broadcast_in_dim3A_3906 : vector<16xi1>, vector<16xi32>
    %add3A_3908 = arith.addi %add3A_3888, %select_n3A_3907 : vector<16xi32>
    %get3A_3909 = arith.constant 90 : i32
    %get3A_3910 = arith.index_cast %get3A_3909 : i32 to index
    %get3A_3911 = arith.constant 0 : index
    %get3A_3912 = tpu.vector_load %arg9[%get3A_3910, %get3A_3911] {strides = array<i32>} : memref<101x16xi32, #tpu.memory_space<vmem>>, vector<1x16xi32>,
    %get3A_3913 = vector.shape_cast %get3A_3912 : vector<1x16xi32> to vector<16xi32>
    %gt3A_3914 = arith.constant 0 : i32
    %gt3A_3915 = vector.broadcast %gt3A_3914 : i32 to vector<16xi32>
    %gt3A_3916 = arith.cmpi sgt, %add3A_3908, %gt3A_3915 : vector<16xi32>
    %select_n3A_3917 = arith.select %gt3A_3916, %get3A_3913, %get3A_3893 : vector<16xi1>, vector<16xi32>
    %swap3A_3918 = arith.constant 1440 : index
    %swap3A_3919 = tpu.vector_load %arg11[%swap3A_3918] {strides = array<i32>} : memref<1616xi32, #tpu.memory_space<vmem>>, vector<16xi32>,
    %swap3A_3920 = vector.shape_cast %swap3A_3919 : vector<16xi32> to vector<16xi32>
    %swap3A_3921 = vector.shape_cast %select_n3A_3917 : vector<16xi32> to vector<16xi32>
    tpu.vector_store %arg11[%swap3A_3918], %swap3A_3921 {strides = array<i32>} : memref<1616xi32, #tpu.memory_space<vmem>>, vector<16xi32>,
    %eq3A_3922 = arith.cmpi eq, %get3A_3913, %get3A_2113 : vector<16xi32>
    %jit3A_3923 = arith.constant 1 : i32
    %jit3A_3924 = arith.constant 0 : i32
    %broadcast_in_dim3A_3925 = vector.broadcast %jit3A_3923 : i32 to vector<16xi32>
    %broadcast_in_dim3A_3926 = vector.broadcast %jit3A_3924 : i32 to vector<16xi32>
    %select_n3A_3927 = arith.select %eq3A_3922, %broadcast_in_dim3A_3925, %broadcast_in_dim3A_3926 : vector<16xi1>, vector<16xi32>
    %add3A_3928 = arith.addi %add3A_3908, %select_n3A_3927 : vector<16xi32>
    %get3A_3929 = arith.constant 91 : i32
    %get3A_3930 = arith.index_cast %get3A_3929 : i32 to index
    %get3A_3931 = arith.constant 0 : index
    %get3A_3932 = tpu.vector_load %arg9[%get3A_3930, %get3A_3931] {strides = array<i32>} : memref<101x16xi32, #tpu.memory_space<vmem>>, vector<1x16xi32>,
    %get3A_3933 = vector.shape_cast %get3A_3932 : vector<1x16xi32> to vector<16xi32>
    %gt3A_3934 = arith.constant 0 : i32
    %gt3A_3935 = vector.broadcast %gt3A_3934 : i32 to vector<16xi32>
    %gt3A_3936 = arith.cmpi sgt, %add3A_3928, %gt3A_3935 : vector<16xi32>
    %select_n3A_3937 = arith.select %gt3A_3936, %get3A_3933, %get3A_3913 : vector<16xi1>, vector<16xi32>
    %swap3A_3938 = arith.constant 1456 : index
    %swap3A_3939 = tpu.vector_load %arg11[%swap3A_3938] {strides = array<i32>} : memref<1616xi32, #tpu.memory_space<vmem>>, vector<16xi32>,
    %swap3A_3940 = vector.shape_cast %swap3A_3939 : vector<16xi32> to vector<16xi32>
    %swap3A_3941 = vector.shape_cast %select_n3A_3937 : vector<16xi32> to vector<16xi32>
    tpu.vector_store %arg11[%swap3A_3938], %swap3A_3941 {strides = array<i32>} : memref<1616xi32, #tpu.memory_space<vmem>>, vector<16xi32>,
    %eq3A_3942 = arith.cmpi eq, %get3A_3933, %get3A_2113 : vector<16xi32>
    %jit3A_3943 = arith.constant 1 : i32
    %jit3A_3944 = arith.constant 0 : i32
    %broadcast_in_dim3A_3945 = vector.broadcast %jit3A_3943 : i32 to vector<16xi32>
    %broadcast_in_dim3A_3946 = vector.broadcast %jit3A_3944 : i32 to vector<16xi32>
    %select_n3A_3947 = arith.select %eq3A_3942, %broadcast_in_dim3A_3945, %broadcast_in_dim3A_3946 : vector<16xi1>, vector<16xi32>
    %add3A_3948 = arith.addi %add3A_3928, %select_n3A_3947 : vector<16xi32>
    %get3A_3949 = arith.constant 92 : i32
    %get3A_3950 = arith.index_cast %get3A_3949 : i32 to index
    %get3A_3951 = arith.constant 0 : index
    %get3A_3952 = tpu.vector_load %arg9[%get3A_3950, %get3A_3951] {strides = array<i32>} : memref<101x16xi32, #tpu.memory_space<vmem>>, vector<1x16xi32>,
    %get3A_3953 = vector.shape_cast %get3A_3952 : vector<1x16xi32> to vector<16xi32>
    %gt3A_3954 = arith.constant 0 : i32
    %gt3A_3955 = vector.broadcast %gt3A_3954 : i32 to vector<16xi32>
    %gt3A_3956 = arith.cmpi sgt, %add3A_3948, %gt3A_3955 : vector<16xi32>
    %select_n3A_3957 = arith.select %gt3A_3956, %get3A_3953, %get3A_3933 : vector<16xi1>, vector<16xi32>
    %swap3A_3958 = arith.constant 1472 : index
    %swap3A_3959 = tpu.vector_load %arg11[%swap3A_3958] {strides = array<i32>} : memref<1616xi32, #tpu.memory_space<vmem>>, vector<16xi32>,
    %swap3A_3960 = vector.shape_cast %swap3A_3959 : vector<16xi32> to vector<16xi32>
    %swap3A_3961 = vector.shape_cast %select_n3A_3957 : vector<16xi32> to vector<16xi32>
    tpu.vector_store %arg11[%swap3A_3958], %swap3A_3961 {strides = array<i32>} : memref<1616xi32, #tpu.memory_space<vmem>>, vector<16xi32>,
    %eq3A_3962 = arith.cmpi eq, %get3A_3953, %get3A_2113 : vector<16xi32>
    %jit3A_3963 = arith.constant 1 : i32
    %jit3A_3964 = arith.constant 0 : i32
    %broadcast_in_dim3A_3965 = vector.broadcast %jit3A_3963 : i32 to vector<16xi32>
    %broadcast_in_dim3A_3966 = vector.broadcast %jit3A_3964 : i32 to vector<16xi32>
    %select_n3A_3967 = arith.select %eq3A_3962, %broadcast_in_dim3A_3965, %broadcast_in_dim3A_3966 : vector<16xi1>, vector<16xi32>
    %add3A_3968 = arith.addi %add3A_3948, %select_n3A_3967 : vector<16xi32>
    %get3A_3969 = arith.constant 93 : i32
    %get3A_3970 = arith.index_cast %get3A_3969 : i32 to index
    %get3A_3971 = arith.constant 0 : index
    %get3A_3972 = tpu.vector_load %arg9[%get3A_3970, %get3A_3971] {strides = array<i32>} : memref<101x16xi32, #tpu.memory_space<vmem>>, vector<1x16xi32>,
    %get3A_3973 = vector.shape_cast %get3A_3972 : vector<1x16xi32> to vector<16xi32>
    %gt3A_3974 = arith.constant 0 : i32
    %gt3A_3975 = vector.broadcast %gt3A_3974 : i32 to vector<16xi32>
    %gt3A_3976 = arith.cmpi sgt, %add3A_3968, %gt3A_3975 : vector<16xi32>
    %select_n3A_3977 = arith.select %gt3A_3976, %get3A_3973, %get3A_3953 : vector<16xi1>, vector<16xi32>
    %swap3A_3978 = arith.constant 1488 : index
    %swap3A_3979 = tpu.vector_load %arg11[%swap3A_3978] {strides = array<i32>} : memref<1616xi32, #tpu.memory_space<vmem>>, vector<16xi32>,
    %swap3A_3980 = vector.shape_cast %swap3A_3979 : vector<16xi32> to vector<16xi32>
    %swap3A_3981 = vector.shape_cast %select_n3A_3977 : vector<16xi32> to vector<16xi32>
    tpu.vector_store %arg11[%swap3A_3978], %swap3A_3981 {strides = array<i32>} : memref<1616xi32, #tpu.memory_space<vmem>>, vector<16xi32>,
    %eq3A_3982 = arith.cmpi eq, %get3A_3973, %get3A_2113 : vector<16xi32>
    %jit3A_3983 = arith.constant 1 : i32
    %jit3A_3984 = arith.constant 0 : i32
    %broadcast_in_dim3A_3985 = vector.broadcast %jit3A_3983 : i32 to vector<16xi32>
    %broadcast_in_dim3A_3986 = vector.broadcast %jit3A_3984 : i32 to vector<16xi32>
    %select_n3A_3987 = arith.select %eq3A_3982, %broadcast_in_dim3A_3985, %broadcast_in_dim3A_3986 : vector<16xi1>, vector<16xi32>
    %add3A_3988 = arith.addi %add3A_3968, %select_n3A_3987 : vector<16xi32>
    %get3A_3989 = arith.constant 94 : i32
    %get3A_3990 = arith.index_cast %get3A_3989 : i32 to index
    %get3A_3991 = arith.constant 0 : index
    %get3A_3992 = tpu.vector_load %arg9[%get3A_3990, %get3A_3991] {strides = array<i32>} : memref<101x16xi32, #tpu.memory_space<vmem>>, vector<1x16xi32>,
    %get3A_3993 = vector.shape_cast %get3A_3992 : vector<1x16xi32> to vector<16xi32>
    %gt3A_3994 = arith.constant 0 : i32
    %gt3A_3995 = vector.broadcast %gt3A_3994 : i32 to vector<16xi32>
    %gt3A_3996 = arith.cmpi sgt, %add3A_3988, %gt3A_3995 : vector<16xi32>
    %select_n3A_3997 = arith.select %gt3A_3996, %get3A_3993, %get3A_3973 : vector<16xi1>, vector<16xi32>
    %swap3A_3998 = arith.constant 1504 : index
    %swap3A_3999 = tpu.vector_load %arg11[%swap3A_3998] {strides = array<i32>} : memref<1616xi32, #tpu.memory_space<vmem>>, vector<16xi32>,
    %swap3A_4000 = vector.shape_cast %swap3A_3999 : vector<16xi32> to vector<16xi32>
    %swap3A_4001 = vector.shape_cast %select_n3A_3997 : vector<16xi32> to vector<16xi32>
    tpu.vector_store %arg11[%swap3A_3998], %swap3A_4001 {strides = array<i32>} : memref<1616xi32, #tpu.memory_space<vmem>>, vector<16xi32>,
    %eq3A_4002 = arith.cmpi eq, %get3A_3993, %get3A_2113 : vector<16xi32>
    %jit3A_4003 = arith.constant 1 : i32
    %jit3A_4004 = arith.constant 0 : i32
    %broadcast_in_dim3A_4005 = vector.broadcast %jit3A_4003 : i32 to vector<16xi32>
    %broadcast_in_dim3A_4006 = vector.broadcast %jit3A_4004 : i32 to vector<16xi32>
    %select_n3A_4007 = arith.select %eq3A_4002, %broadcast_in_dim3A_4005, %broadcast_in_dim3A_4006 : vector<16xi1>, vector<16xi32>
    %add3A_4008 = arith.addi %add3A_3988, %select_n3A_4007 : vector<16xi32>
    %get3A_4009 = arith.constant 95 : i32
    %get3A_4010 = arith.index_cast %get3A_4009 : i32 to index
    %get3A_4011 = arith.constant 0 : index
    %get3A_4012 = tpu.vector_load %arg9[%get3A_4010, %get3A_4011] {strides = array<i32>} : memref<101x16xi32, #tpu.memory_space<vmem>>, vector<1x16xi32>,
    %get3A_4013 = vector.shape_cast %get3A_4012 : vector<1x16xi32> to vector<16xi32>
    %gt3A_4014 = arith.constant 0 : i32
    %gt3A_4015 = vector.broadcast %gt3A_4014 : i32 to vector<16xi32>
    %gt3A_4016 = arith.cmpi sgt, %add3A_4008, %gt3A_4015 : vector<16xi32>
    %select_n3A_4017 = arith.select %gt3A_4016, %get3A_4013, %get3A_3993 : vector<16xi1>, vector<16xi32>
    %swap3A_4018 = arith.constant 1520 : index
    %swap3A_4019 = tpu.vector_load %arg11[%swap3A_4018] {strides = array<i32>} : memref<1616xi32, #tpu.memory_space<vmem>>, vector<16xi32>,
    %swap3A_4020 = vector.shape_cast %swap3A_4019 : vector<16xi32> to vector<16xi32>
    %swap3A_4021 = vector.shape_cast %select_n3A_4017 : vector<16xi32> to vector<16xi32>
    tpu.vector_store %arg11[%swap3A_4018], %swap3A_4021 {strides = array<i32>} : memref<1616xi32, #tpu.memory_space<vmem>>, vector<16xi32>,
    %eq3A_4022 = arith.cmpi eq, %get3A_4013, %get3A_2113 : vector<16xi32>
    %jit3A_4023 = arith.constant 1 : i32
    %jit3A_4024 = arith.constant 0 : i32
    %broadcast_in_dim3A_4025 = vector.broadcast %jit3A_4023 : i32 to vector<16xi32>
    %broadcast_in_dim3A_4026 = vector.broadcast %jit3A_4024 : i32 to vector<16xi32>
    %select_n3A_4027 = arith.select %eq3A_4022, %broadcast_in_dim3A_4025, %broadcast_in_dim3A_4026 : vector<16xi1>, vector<16xi32>
    %add3A_4028 = arith.addi %add3A_4008, %select_n3A_4027 : vector<16xi32>
    %get3A_4029 = arith.constant 96 : i32
    %get3A_4030 = arith.index_cast %get3A_4029 : i32 to index
    %get3A_4031 = arith.constant 0 : index
    %get3A_4032 = tpu.vector_load %arg9[%get3A_4030, %get3A_4031] {strides = array<i32>} : memref<101x16xi32, #tpu.memory_space<vmem>>, vector<1x16xi32>,
    %get3A_4033 = vector.shape_cast %get3A_4032 : vector<1x16xi32> to vector<16xi32>
    %gt3A_4034 = arith.constant 0 : i32
    %gt3A_4035 = vector.broadcast %gt3A_4034 : i32 to vector<16xi32>
    %gt3A_4036 = arith.cmpi sgt, %add3A_4028, %gt3A_4035 : vector<16xi32>
    %select_n3A_4037 = arith.select %gt3A_4036, %get3A_4033, %get3A_4013 : vector<16xi1>, vector<16xi32>
    %swap3A_4038 = arith.constant 1536 : index
    %swap3A_4039 = tpu.vector_load %arg11[%swap3A_4038] {strides = array<i32>} : memref<1616xi32, #tpu.memory_space<vmem>>, vector<16xi32>,
    %swap3A_4040 = vector.shape_cast %swap3A_4039 : vector<16xi32> to vector<16xi32>
    %swap3A_4041 = vector.shape_cast %select_n3A_4037 : vector<16xi32> to vector<16xi32>
    tpu.vector_store %arg11[%swap3A_4038], %swap3A_4041 {strides = array<i32>} : memref<1616xi32, #tpu.memory_space<vmem>>, vector<16xi32>,
    %eq3A_4042 = arith.cmpi eq, %get3A_4033, %get3A_2113 : vector<16xi32>
    %jit3A_4043 = arith.constant 1 : i32
    %jit3A_4044 = arith.constant 0 : i32
    %broadcast_in_dim3A_4045 = vector.broadcast %jit3A_4043 : i32 to vector<16xi32>
    %broadcast_in_dim3A_4046 = vector.broadcast %jit3A_4044 : i32 to vector<16xi32>
    %select_n3A_4047 = arith.select %eq3A_4042, %broadcast_in_dim3A_4045, %broadcast_in_dim3A_4046 : vector<16xi1>, vector<16xi32>
    %add3A_4048 = arith.addi %add3A_4028, %select_n3A_4047 : vector<16xi32>
    %get3A_4049 = arith.constant 97 : i32
    %get3A_4050 = arith.index_cast %get3A_4049 : i32 to index
    %get3A_4051 = arith.constant 0 : index
    %get3A_4052 = tpu.vector_load %arg9[%get3A_4050, %get3A_4051] {strides = array<i32>} : memref<101x16xi32, #tpu.memory_space<vmem>>, vector<1x16xi32>,
    %get3A_4053 = vector.shape_cast %get3A_4052 : vector<1x16xi32> to vector<16xi32>
    %gt3A_4054 = arith.constant 0 : i32
    %gt3A_4055 = vector.broadcast %gt3A_4054 : i32 to vector<16xi32>
    %gt3A_4056 = arith.cmpi sgt, %add3A_4048, %gt3A_4055 : vector<16xi32>
    %select_n3A_4057 = arith.select %gt3A_4056, %get3A_4053, %get3A_4033 : vector<16xi1>, vector<16xi32>
    %swap3A_4058 = arith.constant 1552 : index
    %swap3A_4059 = tpu.vector_load %arg11[%swap3A_4058] {strides = array<i32>} : memref<1616xi32, #tpu.memory_space<vmem>>, vector<16xi32>,
    %swap3A_4060 = vector.shape_cast %swap3A_4059 : vector<16xi32> to vector<16xi32>
    %swap3A_4061 = vector.shape_cast %select_n3A_4057 : vector<16xi32> to vector<16xi32>
    tpu.vector_store %arg11[%swap3A_4058], %swap3A_4061 {strides = array<i32>} : memref<1616xi32, #tpu.memory_space<vmem>>, vector<16xi32>,
    %eq3A_4062 = arith.cmpi eq, %get3A_4053, %get3A_2113 : vector<16xi32>
    %jit3A_4063 = arith.constant 1 : i32
    %jit3A_4064 = arith.constant 0 : i32
    %broadcast_in_dim3A_4065 = vector.broadcast %jit3A_4063 : i32 to vector<16xi32>
    %broadcast_in_dim3A_4066 = vector.broadcast %jit3A_4064 : i32 to vector<16xi32>
    %select_n3A_4067 = arith.select %eq3A_4062, %broadcast_in_dim3A_4065, %broadcast_in_dim3A_4066 : vector<16xi1>, vector<16xi32>
    %add3A_4068 = arith.addi %add3A_4048, %select_n3A_4067 : vector<16xi32>
    %get3A_4069 = arith.constant 98 : i32
    %get3A_4070 = arith.index_cast %get3A_4069 : i32 to index
    %get3A_4071 = arith.constant 0 : index
    %get3A_4072 = tpu.vector_load %arg9[%get3A_4070, %get3A_4071] {strides = array<i32>} : memref<101x16xi32, #tpu.memory_space<vmem>>, vector<1x16xi32>,
    %get3A_4073 = vector.shape_cast %get3A_4072 : vector<1x16xi32> to vector<16xi32>
    %gt3A_4074 = arith.constant 0 : i32
    %gt3A_4075 = vector.broadcast %gt3A_4074 : i32 to vector<16xi32>
    %gt3A_4076 = arith.cmpi sgt, %add3A_4068, %gt3A_4075 : vector<16xi32>
    %select_n3A_4077 = arith.select %gt3A_4076, %get3A_4073, %get3A_4053 : vector<16xi1>, vector<16xi32>
    %swap3A_4078 = arith.constant 1568 : index
    %swap3A_4079 = tpu.vector_load %arg11[%swap3A_4078] {strides = array<i32>} : memref<1616xi32, #tpu.memory_space<vmem>>, vector<16xi32>,
    %swap3A_4080 = vector.shape_cast %swap3A_4079 : vector<16xi32> to vector<16xi32>
    %swap3A_4081 = vector.shape_cast %select_n3A_4077 : vector<16xi32> to vector<16xi32>
    tpu.vector_store %arg11[%swap3A_4078], %swap3A_4081 {strides = array<i32>} : memref<1616xi32, #tpu.memory_space<vmem>>, vector<16xi32>,
    %eq3A_4082 = arith.cmpi eq, %get3A_4073, %get3A_2113 : vector<16xi32>
    %jit3A_4083 = arith.constant 1 : i32
    %jit3A_4084 = arith.constant 0 : i32
    %broadcast_in_dim3A_4085 = vector.broadcast %jit3A_4083 : i32 to vector<16xi32>
    %broadcast_in_dim3A_4086 = vector.broadcast %jit3A_4084 : i32 to vector<16xi32>
    %select_n3A_4087 = arith.select %eq3A_4082, %broadcast_in_dim3A_4085, %broadcast_in_dim3A_4086 : vector<16xi1>, vector<16xi32>
    %add3A_4088 = arith.addi %add3A_4068, %select_n3A_4087 : vector<16xi32>
    %get3A_4089 = arith.constant 99 : i32
    %get3A_4090 = arith.index_cast %get3A_4089 : i32 to index
    %get3A_4091 = arith.constant 0 : index
    %get3A_4092 = tpu.vector_load %arg9[%get3A_4090, %get3A_4091] {strides = array<i32>} : memref<101x16xi32, #tpu.memory_space<vmem>>, vector<1x16xi32>,
    %get3A_4093 = vector.shape_cast %get3A_4092 : vector<1x16xi32> to vector<16xi32>
    %gt3A_4094 = arith.constant 0 : i32
    %gt3A_4095 = vector.broadcast %gt3A_4094 : i32 to vector<16xi32>
    %gt3A_4096 = arith.cmpi sgt, %add3A_4088, %gt3A_4095 : vector<16xi32>
    %select_n3A_4097 = arith.select %gt3A_4096, %get3A_4093, %get3A_4073 : vector<16xi1>, vector<16xi32>
    %swap3A_4098 = arith.constant 1584 : index
    %swap3A_4099 = tpu.vector_load %arg11[%swap3A_4098] {strides = array<i32>} : memref<1616xi32, #tpu.memory_space<vmem>>, vector<16xi32>,
    %swap3A_4100 = vector.shape_cast %swap3A_4099 : vector<16xi32> to vector<16xi32>
    %swap3A_4101 = vector.shape_cast %select_n3A_4097 : vector<16xi32> to vector<16xi32>
    tpu.vector_store %arg11[%swap3A_4098], %swap3A_4101 {strides = array<i32>} : memref<1616xi32, #tpu.memory_space<vmem>>, vector<16xi32>,
    %eq3A_4102 = arith.cmpi eq, %get3A_4093, %get3A_2113 : vector<16xi32>
    %jit3A_4103 = arith.constant 1 : i32
    %jit3A_4104 = arith.constant 0 : i32
    %broadcast_in_dim3A_4105 = vector.broadcast %jit3A_4103 : i32 to vector<16xi32>
    %broadcast_in_dim3A_4106 = vector.broadcast %jit3A_4104 : i32 to vector<16xi32>
    %select_n3A_4107 = arith.select %eq3A_4102, %broadcast_in_dim3A_4105, %broadcast_in_dim3A_4106 : vector<16xi1>, vector<16xi32>
    %add3A_4108 = arith.addi %add3A_4088, %select_n3A_4107 : vector<16xi32>
    %get3A_4109 = arith.constant 100 : i32
    %get3A_4110 = arith.index_cast %get3A_4109 : i32 to index
    %get3A_4111 = arith.constant 0 : index
    %get3A_4112 = tpu.vector_load %arg9[%get3A_4110, %get3A_4111] {strides = array<i32>} : memref<101x16xi32, #tpu.memory_space<vmem>>, vector<1x16xi32>,
    %get3A_4113 = vector.shape_cast %get3A_4112 : vector<1x16xi32> to vector<16xi32>
    %gt3A_4114 = arith.constant 0 : i32
    %gt3A_4115 = vector.broadcast %gt3A_4114 : i32 to vector<16xi32>
    %gt3A_4116 = arith.cmpi sgt, %add3A_4108, %gt3A_4115 : vector<16xi32>
    %select_n3A_4117 = arith.select %gt3A_4116, %get3A_4113, %get3A_4093 : vector<16xi1>, vector<16xi32>
    %swap3A_4118 = arith.constant 1600 : index
    %swap3A_4119 = tpu.vector_load %arg11[%swap3A_4118] {strides = array<i32>} : memref<1616xi32, #tpu.memory_space<vmem>>, vector<16xi32>,
    %swap3A_4120 = vector.shape_cast %swap3A_4119 : vector<16xi32> to vector<16xi32>
    %swap3A_4121 = vector.shape_cast %select_n3A_4117 : vector<16xi32> to vector<16xi32>
    tpu.vector_store %arg11[%swap3A_4118], %swap3A_4121 {strides = array<i32>} : memref<1616xi32, #tpu.memory_space<vmem>>, vector<16xi32>,
    %eq3A_4122 = arith.cmpi eq, %get3A_4113, %get3A_2113 : vector<16xi32>
    %jit3A_4123 = arith.constant 1 : i32
    %jit3A_4124 = arith.constant 0 : i32
    %broadcast_in_dim3A_4125 = vector.broadcast %jit3A_4123 : i32 to vector<16xi32>
    %broadcast_in_dim3A_4126 = vector.broadcast %jit3A_4124 : i32 to vector<16xi32>
    %select_n3A_4127 = arith.select %eq3A_4122, %broadcast_in_dim3A_4125, %broadcast_in_dim3A_4126 : vector<16xi1>, vector<16xi32>
    %add3A_4128 = arith.addi %add3A_4108, %select_n3A_4127 : vector<16xi32>
    %dma_start3A_4129 = arith.constant 0 : i32
    %dma_start3A_4130 = arith.constant 0 : i32
    %dma_start3A_4131 = tpu.memref_slice %arg6[%dma_start3A_4129, %dma_start3A_4130] : memref<100000x32xf32, #tpu.memory_space<hbm>> -> memref<100000x32xf32, #tpu.memory_space<hbm>>
    tpu.enqueue_indirect_dma source(%dma_start3A_4131 : memref<100000x32xf32, #tpu.memory_space<hbm>>) target(%arg12 : memref<1616x32xf32, #tpu.memory_space<vmem>>) offsets(%arg11 : memref<1616xi32, #tpu.memory_space<vmem>>) semaphore(%arg16 : memref<!tpu.dma_semaphore, #tpu.memory_space<semaphore_mem>>)
    %dma_wait3A_4132 = arith.constant 0 : i32
    %dma_wait3A_4133 = arith.constant 0 : i32
    %dma_wait3A_4134 = tpu.memref_slice %arg6[%dma_wait3A_4132, %dma_wait3A_4133] : memref<100000x32xf32, #tpu.memory_space<hbm>> -> memref<100000x32xf32, #tpu.memory_space<hbm>>
    tpu.wait_indirect_dma semaphore(%arg16 : memref<!tpu.dma_semaphore, #tpu.memory_space<semaphore_mem>>) src(%dma_wait3A_4134 : memref<100000x32xf32, #tpu.memory_space<hbm>>) dst(%arg14 : memref<800x32xf32, #tpu.memory_space<vmem>>)
    %dma_wait3A_4135 = arith.constant 0 : i32
    %dma_wait3A_4136 = arith.constant 0 : i32
    %dma_wait3A_4137 = tpu.memref_slice %arg6[%dma_wait3A_4135, %dma_wait3A_4136] : memref<100000x32xf32, #tpu.memory_space<hbm>> -> memref<100000x32xf32, #tpu.memory_space<hbm>>
    tpu.wait_indirect_dma semaphore(%arg16 : memref<!tpu.dma_semaphore, #tpu.memory_space<semaphore_mem>>) src(%dma_wait3A_4137 : memref<100000x32xf32, #tpu.memory_space<hbm>>) dst(%arg12 : memref<1616x32xf32, #tpu.memory_space<vmem>>)
    %mul3A_4138 = arith.constant 101 : i32
    %mul3A_4139 = arith.muli %mul3A_2072, %mul3A_4138 : i32
    %mul3A_4140 = arith.constant 50 : i32
    %mul3A_4141 = arith.muli %mul3A_2072, %mul3A_4140 : i32
    %dma_start3A_4142 = arith.constant 0 : i32
    %dma_start3A_4143 = tpu.memref_slice %arg7[%mul3A_4139, %dma_start3A_4142] : memref<103424x32xf32, #tpu.memory_space<hbm>> -> memref<1616x32xf32, #tpu.memory_space<hbm>>
    %dma_start3A_4144 = arith.constant 0 : i32
    %dma_start3A_4145 = arith.constant 0 : i32
    %dma_start3A_4146 = tpu.memref_slice %dma_start3A_4143[%dma_start3A_4144, %dma_start3A_4145] : memref<1616x32xf32, #tpu.memory_space<hbm>> -> memref<1616x32xf32, #tpu.memory_space<hbm>>
    tpu.enqueue_indirect_dma source(%arg12 : memref<1616x32xf32, #tpu.memory_space<vmem>>) target(%dma_start3A_4146 : memref<1616x32xf32, #tpu.memory_space<hbm>>) offsets(%arg15 : memref<1616xi32, #tpu.memory_space<vmem>>) semaphore(%arg16 : memref<!tpu.dma_semaphore, #tpu.memory_space<semaphore_mem>>)
    %dma_start3A_4147 = arith.constant 0 : i32
    %dma_start3A_4148 = tpu.memref_slice %arg8[%mul3A_4141, %dma_start3A_4147] : memref<51200x32xf32, #tpu.memory_space<hbm>> -> memref<800x32xf32, #tpu.memory_space<hbm>>
    %dma_start3A_4149 = arith.constant 0 : i32
    %dma_start3A_4150 = tpu.memref_slice %arg8[%mul3A_4141, %dma_start3A_4149] : memref<51200x32xf32, #tpu.memory_space<hbm>> -> memref<800x32xf32, #tpu.memory_space<hbm>>
    tpu.enqueue_dma source(%arg14 : memref<800x32xf32, #tpu.memory_space<vmem>>) target(%dma_start3A_4150 : memref<800x32xf32, #tpu.memory_space<hbm>>) target_semaphore(%arg16 : memref<!tpu.dma_semaphore, #tpu.memory_space<semaphore_mem>>)
    %dma_wait3A_4151 = arith.constant 0 : i32
    %dma_wait3A_4152 = tpu.memref_slice %arg7[%mul3A_4139, %dma_wait3A_4151] : memref<103424x32xf32, #tpu.memory_space<hbm>> -> memref<1616x32xf32, #tpu.memory_space<hbm>>
    %dma_wait3A_4153 = arith.constant 0 : i32
    %dma_wait3A_4154 = arith.constant 0 : i32
    %dma_wait3A_4155 = tpu.memref_slice %dma_wait3A_4152[%dma_wait3A_4153, %dma_wait3A_4154] : memref<1616x32xf32, #tpu.memory_space<hbm>> -> memref<1616x32xf32, #tpu.memory_space<hbm>>
    tpu.wait_indirect_dma semaphore(%arg16 : memref<!tpu.dma_semaphore, #tpu.memory_space<semaphore_mem>>) src(%arg12 : memref<1616x32xf32, #tpu.memory_space<vmem>>) dst(%dma_wait3A_4155 : memref<1616x32xf32, #tpu.memory_space<hbm>>)
    %dma_wait3A_4156 = arith.constant 0 : i32
    %dma_wait3A_4157 = tpu.memref_slice %arg8[%mul3A_4141, %dma_wait3A_4156] : memref<51200x32xf32, #tpu.memory_space<hbm>> -> memref<800x32xf32, #tpu.memory_space<hbm>>
    %dma_wait3A_4158 = arith.constant 0 : i32
    %dma_wait3A_4159 = tpu.memref_slice %arg8[%mul3A_4141, %dma_wait3A_4158] : memref<51200x32xf32, #tpu.memory_space<hbm>> -> memref<800x32xf32, #tpu.memory_space<hbm>>
    tpu.wait_dma2 semaphore(%arg16 : memref<!tpu.dma_semaphore, #tpu.memory_space<semaphore_mem>>) src(%arg14 : memref<800x32xf32, #tpu.memory_space<vmem>>) dst(%dma_wait3A_4159 : memref<800x32xf32, #tpu.memory_space<hbm>>)
    return
  }
}

module attributes {stable_mosaic.version = 14 : i64} {
  func.func @_tc_body(%arg0: i32, %arg1: memref<128x50x32xf32, #tpu.memory_space<vmem>>, %arg2: memref<128x101x32xf32, #tpu.memory_space<vmem>>, %arg3: memref<128x50xf32, #tpu.memory_space<vmem>>, %arg4: memref<128x50xf32, #tpu.memory_space<vmem>>, %arg5: memref<128x1xf32, #tpu.memory_space<vmem>>, %arg6: memref<128x1xi32, #tpu.memory_space<vmem>>, %arg7: memref<128x101xf32, #tpu.memory_space<vmem>>, %arg8: memref<1x1xf32, #tpu.memory_space<vmem>>, %arg9: memref<1xf32, #tpu.memory_space<smem>>) attributes {dimension_semantics = [#tpu.dimension_semantics<arbitrary>], iteration_bounds = array<i64: 8>, scalar_prefetch = 0 : i64, scratch_operands = 1 : i64, tpu.core_type = #tpu.core_type<tc>, window_params = [{transform_indices = @transform_0, window_bounds = array<i64: 128, 50, 32>}, {transform_indices = @transform_1, window_bounds = array<i64: 128, 101, 32>}, {transform_indices = @transform_2, window_bounds = array<i64: 128, 50>}, {transform_indices = @transform_3, window_bounds = array<i64: 128, 50>}, {transform_indices = @transform_4, window_bounds = array<i64: 128, 1>}, {transform_indices = @transform_5, window_bounds = array<i64: 128, 1>}, {transform_indices = @transform_6, window_bounds = array<i64: 128, 101>}, {pipeline_mode = #tpu.pipeline_mode<synchronous>, transform_indices = @transform_7, window_bounds = array<i64: 1, 1>}]} {
    %get3A = arith.constant 0 : index
    %get3A_0 = arith.constant 0 : index
    %get3A_1 = vector.load %arg3[%get3A, %get3A_0] : memref<128x50xf32, #tpu.memory_space<vmem>>, vector<128x50xf32>
    %get3A_2 = arith.constant 0 : index
    %get3A_3 = arith.constant 0 : index
    %get3A_4 = vector.load %arg4[%get3A_2, %get3A_3] : memref<128x50xf32, #tpu.memory_space<vmem>>, vector<128x50xf32>
    %get3A_5 = arith.constant 0 : index
    %get3A_6 = arith.constant 0 : index
    %get3A_7 = vector.load %arg5[%get3A_5, %get3A_6] : memref<128x1xf32, #tpu.memory_space<vmem>>, vector<128x1xf32>
    %get3A_8 = arith.constant 0 : index
    %get3A_9 = arith.constant 0 : index
    %get3A_10 = vector.load %arg6[%get3A_8, %get3A_9] : memref<128x1xi32, #tpu.memory_space<vmem>>, vector<128x1xi32>
    %max3A = arith.constant 1 : i32
    %max3A_11 = vector.broadcast %max3A : i32 to vector<128x1xi32>
    %max3A_12 = arith.maxsi %get3A_10, %max3A_11 : vector<128x1xi32>
    %iota3A = tpu.iota {dimensions = array<i32: 1>} : vector<128x50xi32>
    %lt3A = vector.broadcast %max3A_12 : vector<128x1xi32> to vector<128x50xi32>
    %lt3A_13 = arith.cmpi slt, %iota3A, %lt3A : vector<128x50xi32>
    %convert_element_type3A = arith.extui %lt3A_13 : vector<128x50xi1> to vector<128x50xi32>
    %convert_element_type3A_14 = arith.sitofp %convert_element_type3A : vector<128x50xi32> to vector<128x50xf32>
    %sub3A = vector.broadcast %get3A_7 : vector<128x1xf32> to vector<128x50xf32>
    %sub3A_15 = arith.subf %sub3A, %get3A_1 : vector<128x50xf32>
    %abs3A = math.absf %sub3A_15 : vector<128x50xf32>
    %neg3A = arith.constant 0.000000e+00 : f32
    %neg3A_16 = vector.broadcast %neg3A : f32 to vector<128x50xf32>
    %neg3A_17 = arith.subf %neg3A_16, %abs3A : vector<128x50xf32>
    %mul3A = arith.constant 1.000000e-01 : f32
    %mul3A_18 = vector.broadcast %mul3A : f32 to vector<128x50xf32>
    %mul3A_19 = arith.mulf %neg3A_17, %mul3A_18 : vector<128x50xf32>
    %exp3A = math.exp %mul3A_19 : vector<128x50xf32>
    %mul3A_20 = arith.constant 0.00999999977 : f32
    %mul3A_21 = vector.broadcast %mul3A_20 : f32 to vector<128x50xf32>
    %mul3A_22 = arith.mulf %mul3A_21, %get3A_4 : vector<128x50xf32>
    %add3A = arith.constant 1.000000e+00 : f32
    %add3A_23 = vector.broadcast %add3A : f32 to vector<128x50xf32>
    %add3A_24 = arith.addf %add3A_23, %mul3A_22 : vector<128x50xf32>
    %mul3A_25 = arith.mulf %exp3A, %add3A_24 : vector<128x50xf32>
    %mul3A_26 = arith.mulf %mul3A_25, %convert_element_type3A_14 : vector<128x50xf32>
    %reduce_sum3A = arith.constant dense<0.000000e+00> : vector<128xf32>
    %reduce_sum3A_27 = vector.multi_reduction <add>, %mul3A_26, %reduce_sum3A [1] : vector<128x50xf32> to vector<128xf32>
    %broadcast_in_dim3A = vector.shape_cast %reduce_sum3A_27 : vector<128xf32> to vector<128x1xf32>
    %get3A_28 = arith.constant 0 : index
    %get3A_29 = arith.constant 0 : index
    %get3A_30 = arith.constant 0 : index
    %get3A_31 = vector.load %arg1[%get3A_28, %get3A_29, %get3A_30] : memref<128x50x32xf32, #tpu.memory_space<vmem>>, vector<128x50x32xf32>
    %broadcast_in_dim3A_32 = vector.shape_cast %mul3A_26 : vector<128x50xf32> to vector<128x50x1xf32>
    %mul3A_33 = vector.broadcast %broadcast_in_dim3A_32 : vector<128x50x1xf32> to vector<128x50x32xf32>
    %mul3A_34 = arith.mulf %get3A_31, %mul3A_33 : vector<128x50x32xf32>
    %reduce_sum3A_35 = arith.constant dense<0.000000e+00> : vector<128x32xf32>
    %reduce_sum3A_36 = vector.multi_reduction <add>, %mul3A_34, %reduce_sum3A_35 [1] : vector<128x50x32xf32> to vector<128x32xf32>
    %add3A_37 = arith.constant 9.99999997E-7 : f32
    %add3A_38 = vector.broadcast %add3A_37 : f32 to vector<128x1xf32>
    %add3A_39 = arith.addf %broadcast_in_dim3A, %add3A_38 : vector<128x1xf32>
    %div3A = vector.broadcast %add3A_39 : vector<128x1xf32> to vector<128x32xf32>
    %div3A_40 = arith.divf %reduce_sum3A_36, %div3A : vector<128x32xf32>
    %get3A_41 = arith.constant 0 : index
    %get3A_42 = arith.constant 0 : index
    %get3A_43 = arith.constant 0 : index
    %get3A_44 = vector.load %arg2[%get3A_41, %get3A_42, %get3A_43] : memref<128x101x32xf32, #tpu.memory_space<vmem>>, vector<128x101x32xf32>
    %broadcast_in_dim3A_45 = vector.shape_cast %div3A_40 : vector<128x32xf32> to vector<128x1x32xf32>
    %mul3A_46 = vector.broadcast %broadcast_in_dim3A_45 : vector<128x1x32xf32> to vector<128x101x32xf32>
    %mul3A_47 = arith.mulf %get3A_44, %mul3A_46 : vector<128x101x32xf32>
    %reduce_sum3A_48 = arith.constant dense<0.000000e+00> : vector<128x101xf32>
    %reduce_sum3A_49 = vector.multi_reduction <add>, %mul3A_47, %reduce_sum3A_48 [2] : vector<128x101x32xf32> to vector<128x101xf32>
    %reduce_max3A = arith.constant dense<0xFF800000> : vector<128xf32>
    %reduce_max3A_50 = vector.multi_reduction <maximumf>, %reduce_sum3A_49, %reduce_max3A [1] : vector<128x101xf32> to vector<128xf32>
    %broadcast_in_dim3A_51 = vector.shape_cast %reduce_max3A_50 : vector<128xf32> to vector<128x1xf32>
    %sub3A_52 = vector.broadcast %broadcast_in_dim3A_51 : vector<128x1xf32> to vector<128x101xf32>
    %sub3A_53 = arith.subf %reduce_sum3A_49, %sub3A_52 : vector<128x101xf32>
    %exp3A_54 = math.exp %sub3A_53 : vector<128x101xf32>
    %reduce_sum3A_55 = arith.constant dense<0.000000e+00> : vector<128xf32>
    %reduce_sum3A_56 = vector.multi_reduction <add>, %exp3A_54, %reduce_sum3A_55 [1] : vector<128x101xf32> to vector<128xf32>
    %broadcast_in_dim3A_57 = vector.shape_cast %reduce_sum3A_56 : vector<128xf32> to vector<128x1xf32>
    %div3A_58 = vector.broadcast %broadcast_in_dim3A_57 : vector<128x1xf32> to vector<128x101xf32>
    %div3A_59 = arith.divf %exp3A_54, %div3A_58 : vector<128x101xf32>
    %get3A_60 = arith.constant 0 : index
    %get3A_61 = arith.constant 0 : index
    %get3A_62 = vector.load %arg7[%get3A_60, %get3A_61] : memref<128x101xf32, #tpu.memory_space<vmem>>, vector<128x101xf32>
    %mul3A_63 = arith.constant 1.000000e+02 : f32
    %mul3A_64 = vector.broadcast %mul3A_63 : f32 to vector<128x101xf32>
    %mul3A_65 = arith.mulf %mul3A_64, %get3A_62 : vector<128x101xf32>
    %add3A_66 = arith.addf %mul3A_65, %div3A_59 : vector<128x101xf32>
    %add3A_67 = arith.constant 9.99999997E-7 : f32
    %add3A_68 = vector.broadcast %add3A_67 : f32 to vector<128x101xf32>
    %add3A_69 = arith.addf %add3A_66, %add3A_68 : vector<128x101xf32>
    %iota3A_70 = tpu.iota {dimensions = array<i32: 1>} : vector<128x101xi32>
    %eq3A = arith.constant 0 : i32
    %eq3A_71 = vector.broadcast %eq3A : i32 to vector<128x101xi32>
    %eq3A_72 = arith.cmpi eq, %iota3A_70, %eq3A_71 : vector<128x101xi32>
    %select_n3A = arith.select %eq3A_72, %div3A_59, %get3A_62 : vector<128x101xi1>, vector<128x101xf32>
    %div3A_73 = arith.divf %select_n3A, %add3A_69 : vector<128x101xf32>
    %log3A = math.log %div3A_73 : vector<128x101xf32>
    %reduce_sum3A_74 = vector.shape_cast %log3A : vector<128x101xf32> to vector<1x128x101xf32>
    %reduce_sum3A_75 = arith.constant dense<0.000000e+00> : vector<1xf32>
    %reduce_sum3A_76 = vector.multi_reduction <add>, %reduce_sum3A_74, %reduce_sum3A_75 [1, 2] : vector<1x128x101xf32> to vector<1xf32>
    %reduce_sum3A_77 = vector.shape_cast %reduce_sum3A_76 : vector<1xf32> to vector<1x1x1xf32>
    %reduce_sum3A_78 = vector.extract %reduce_sum3A_77[0, 0, 0] : f32 from vector<1x1x1xf32>
    %eq3A_79 = arith.constant 0 : i32
    %eq3A_80 = arith.cmpi eq, %arg0, %eq3A_79 : i32
    %convert_element_type3A_81 = arith.extui %eq3A_80 : i1 to i32
    %cond3A = arith.constant 0 : i32
    %cond3A_82 = arith.cmpi ne, %convert_element_type3A_81, %cond3A : i32
    scf.if %cond3A_82 {
      %swap3A_92 = arith.constant 0.000000e+00 : f32
      %swap3A_93 = arith.constant 0 : index
      %swap3A_94 = memref.load %arg9[%swap3A_93] : memref<1xf32, #tpu.memory_space<smem>>
      memref.store %swap3A_92, %arg9[%swap3A_93] : memref<1xf32, #tpu.memory_space<smem>>
    } else {
    }
    %get3A_83 = arith.constant 0 : index
    %get3A_84 = memref.load %arg9[%get3A_83] : memref<1xf32, #tpu.memory_space<smem>>
    %add3A_85 = arith.addf %get3A_84, %reduce_sum3A_78 : f32
    %swap3A = arith.constant 0 : index
    %swap3A_86 = memref.load %arg9[%swap3A] : memref<1xf32, #tpu.memory_space<smem>>
    memref.store %add3A_85, %arg9[%swap3A] : memref<1xf32, #tpu.memory_space<smem>>
    %eq3A_87 = arith.constant 7 : i32
    %eq3A_88 = arith.cmpi eq, %arg0, %eq3A_87 : i32
    %convert_element_type3A_89 = arith.extui %eq3A_88 : i1 to i32
    %cond3A_90 = arith.constant 0 : i32
    %cond3A_91 = arith.cmpi ne, %convert_element_type3A_89, %cond3A_90 : i32
    scf.if %cond3A_91 {
      %get3A_92 = arith.constant 0 : index
      %get3A_93 = memref.load %arg9[%get3A_92] : memref<1xf32, #tpu.memory_space<smem>>
      %neg3A_94 = arith.constant 0.000000e+00 : f32
      %neg3A_95 = arith.subf %neg3A_94, %get3A_93 : f32
      %div3A_96 = arith.constant 1.034240e+05 : f32
      %div3A_97 = arith.divf %neg3A_95, %div3A_96 : f32
      %broadcast_in_dim3A_98 = vector.broadcast %div3A_97 : f32 to vector<1x1xf32>
      %swap3A_99 = arith.constant 0 : index
      %swap3A_100 = arith.constant 0 : index
      %swap3A_101 = vector.load %arg8[%swap3A_99, %swap3A_100] : memref<1x1xf32, #tpu.memory_space<vmem>>, vector<1x1xf32>
      tpu.vector_store %arg8[%swap3A_99, %swap3A_100], %broadcast_in_dim3A_98 {strides = array<i32>} : memref<1x1xf32, #tpu.memory_space<vmem>>, vector<1x1xf32>,
    } else {
    }
    return
  }
  func.func @transform_0(%arg0: i32) -> (i32, i32, i32) {
    %c0_i32 = arith.constant 0 : i32
    %c0_i32_0 = arith.constant 0 : i32
    %c0_i32_1 = arith.constant 0 : i32
    return %arg0, %c0_i32, %c0_i32_0 : i32, i32, i32
  }
  func.func @transform_1(%arg0: i32) -> (i32, i32, i32) {
    %c0_i32 = arith.constant 0 : i32
    %c0_i32_0 = arith.constant 0 : i32
    %c0_i32_1 = arith.constant 0 : i32
    return %arg0, %c0_i32, %c0_i32_0 : i32, i32, i32
  }
  func.func @transform_2(%arg0: i32) -> (i32, i32) {
    %c0_i32 = arith.constant 0 : i32
    %c0_i32_0 = arith.constant 0 : i32
    return %arg0, %c0_i32 : i32, i32
  }
  func.func @transform_3(%arg0: i32) -> (i32, i32) {
    %c0_i32 = arith.constant 0 : i32
    %c0_i32_0 = arith.constant 0 : i32
    return %arg0, %c0_i32 : i32, i32
  }
  func.func @transform_4(%arg0: i32) -> (i32, i32) {
    %c0_i32 = arith.constant 0 : i32
    %c0_i32_0 = arith.constant 0 : i32
    return %arg0, %c0_i32 : i32, i32
  }
  func.func @transform_5(%arg0: i32) -> (i32, i32) {
    %c0_i32 = arith.constant 0 : i32
    %c0_i32_0 = arith.constant 0 : i32
    return %arg0, %c0_i32 : i32, i32
  }
  func.func @transform_6(%arg0: i32) -> (i32, i32) {
    %c0_i32 = arith.constant 0 : i32
    %c0_i32_0 = arith.constant 0 : i32
    return %arg0, %c0_i32 : i32, i32
  }
  func.func @transform_7(%arg0: i32) -> (i32, i32) {
    %c0_i32 = arith.constant 0 : i32
    %c0_i32_0 = arith.constant 0 : i32
    %c0_i32_1 = arith.constant 0 : i32
    return %c0_i32, %c0_i32_0 : i32, i32
  }
}

</mosaic_0001>

<sc_bundles>
// kernel: kernel.4.cloned.1.call-start
scs
__scs_entry_jumppad:
0x0: {  	(pc) =	sbr.rel $0x88, $3  }
0x1: {  	(tag) =	ssettag $0x0;
	lr =	simm.s32 $0x1  }
0x2: {  	[smem:$0x3F9A] =	sst lr;
	_ =	strace $0xD0000000  }
0x3: {  	_ = 	snop  }
0x4: {  	_ = 	snop  }
0x5: {  	_ = 	snop  }
0x6: {  	_ = 	snop  }
0x7: {  	_ = 	snop  }
__scs_overlays_trampoline_lowered:
0x8: {  	[smem:$0x3FA9] =	sst s0  }
0x9: {  	[smem:$0x3FAA] =	sst s1  }
0xa: {  	[smem:$0x3FAB] =	sst s2  }
0xb: {  	[smem:$0x3FAC] =	sst s3  }
0xc: {  	[smem:$0x3FAD] =	sst s4  }
0xd: {  	[smem:$0x3FAE] =	sst s5  }
0xe: {  	[smem:$0x3FAF] =	sst s6  }
0xf: {  	[smem:$0x3FB0] =	sst s7  }
0x10: {  	[smem:$0x3FB1] =	sst s8  }
0x11: {  	[smem:$0x3FB2] =	sst s9;
	s0 =	simm.s32 @!p0 $0x0  }
0x12: {  	s1 =	sld [smem:$0x3F98];
	s0 =	simm.s32 @p0 $0x1  }
0x13: {  	[smem:$0x3FB3] =	sst s0;
	s0 =	simm.s32 @!p1 $0x0  }
0x14: {  	s2 =	sld [smem:$0x3F97];
	s0 =	simm.s32 @p1 $0x1  }
0x15: {  	[smem:$0x3FB4] =	sst s0;
	s0 =	simm.s32 @!p2 $0x0  }
0x16: {  	s3 =	sld [smem:$0x3FDB];
	s0 =	simm.s32 @p2 $0x1  }
0x17: {  	s4 =	simm.s32 $0x1BF5;
	[smem:$0x3FB6] =	sst s0  }
0x18: {  	s0 =	sld [smem:$0x3F99];
	_ =	swait.ge [sflag:s4], $0x0  }
0x19: {  	s7 =	sld [smem:$0x3F9A]  }
0x1a: {  	s8 =	sadd.s32 $0xFFFFE003, lr  }
0x1b: {  	s9 =	sadd.s32 $0xFFFFFEF7, lr;
	s5 =	simm.s32 $0xFFFFFFFF;
	p2 =	slt.u32 s8, $0xFFFFF086  }
0x1c: {  	p1 =	slt.u32 s9, $0xF7A;
	s5 =	simm.s32 @!p2 $0x0  }
0x1d: {  	s5 =	simm.s32 @p1 $0x1;
	p0 =	seq.s32 s7, s2  }
0x1e: {  	s7 =	smul.u32 @!p0 $0xF7A, s2;
	p2 =	seq.s32 @!p0 s5, $0x0  }
0x1f: {  	s9 =	smul.u32 $0xF7A, s1;
	s8 =	simm.s32 @!p0 $0x1BF5;
	p2 =	por !p2, p0  }
0x20: {  	[sflag:s8] =	ssyncset.s32 @!p0 $0xFFFFF086;
	s6 =	sadd.s32 @!p0 s3, s7;
	s7 =	simm.s32 @!p0 $0x108  }
0x21: {  	s3 =	sadd.s32 s3, s9;
	s6 =	sadd.s32 @!p0 $0x88, s6;
	s7 =	simm.s32 @p2 $0x1082  }
0x22: {  	[simem:s7], [sflag:s8] =	dma.local @!p0 [hbm:s6], $0xF7A  }
0x23: {  	s9 =	sor.u32 $0xD0000000, s2;
	s6 =	simm.s32 $0x108;
	_ =	swait.ge @!p0 [sflag:s8], $0x0  }
0x24: {  	s3 =	sadd.s32 $0x88, s3;
	s6 =	simm.s32 @!p1 $0x1082;
	[sflag:s4] =	ssyncset.s32 $0xFFFFF086  }
0x25: {  	[simem:s6], [sflag:s4] =	dma.local [hbm:s3], $0xF7A  }
0x26: {  	[smem:$0x3F9A] =	sst s1;
	(tag) =	ssettag s2;
	_ =	strace s9  }
0x27: {  	s1 =	sld [smem:$0x3FAA]  }
0x28: {  	s2 =	sld [smem:$0x3FAB]  }
0x29: {  	s4 =	sld [smem:$0x3FAD]  }
0x2a: {  	p0 =	seq.s32 s5, $0x0;
	s5 =	sld [smem:$0x3FAE]  }
0x2b: {  	s6 =	sld [smem:$0x3FAF]  }
0x2c: {  	s7 =	sld [smem:$0x3FB0]  }
0x2d: {  	s3 =	simm.s32 $0x108;
	s8 =	sld [smem:$0x3FB1]  }
0x2e: {  	s3 =	simm.s32 @!p0 $0x1082;
	s9 =	sld [smem:$0x3FB2]  }
0x2f: {  	lr =	sadd.s32 s0, s3;
	s0 =	sld [smem:$0x3FA9]  }
0x30: {  	s3 =	sld [smem:$0x3FAC]  }
0x31: {  	[smem:$0x3FB5] =	sst s10  }
0x32: {  	s10 =	sld [smem:$0x3FB3];
	_ =	sdelay $0x3  }
0x33: {  	p0 =	seq.s32 s10, $0x1;
	s10 =	sld [smem:$0x3FB5];
	_ =	sdelay $0x3  }
0x34: {  	[smem:$0x3FB5] =	sst s10  }
0x35: {  	s10 =	sld [smem:$0x3FB4];
	_ =	sdelay $0x3  }
0x36: {  	p1 =	seq.s32 s10, $0x1;
	s10 =	sld [smem:$0x3FB5];
	_ =	sdelay $0x3  }
0x37: {  	[smem:$0x3FB5] =	sst s10  }
0x38: {  	s10 =	sld [smem:$0x3FB6]  }
0x39: {  	_ = 	snop;
	(pc) =	sbr.ind lr, $3  }
0x3a: {  	_ = 	snop  }
0x3b: {  	_ = 	snop  }
0x3c: {  	p2 =	seq.s32 s10, $0x1;
	s10 =	sld [smem:$0x3FB5]  }
0x3d: {  	_ =	shalt  }
0x3e: {  	_ =	shalt  }
0x3f: {  	_ =	shalt  }
0x40: {  	_ =	shalt  }
0x41: {  	_ =	shalt  }
0x42: {  	_ =	shalt  }
0x43: {  	_ =	shalt  }
0x44: {  	_ =	shalt  }
0x45: {  	_ =	shalt  }
0x46: {  	_ =	shalt  }
0x47: {  	_ =	shalt  }
0x48: {  	_ =	shalt  }
0x49: {  	_ =	shalt  }
0x4a: {  	_ =	shalt  }
0x4b: {  	_ =	shalt  }
0x4c: {  	_ =	shalt  }
0x4d: {  	_ =	shalt  }
0x4e: {  	_ =	shalt  }
0x4f: {  	_ =	shalt  }
0x50: {  	_ =	shalt  }
0x51: {  	_ =	shalt  }
0x52: {  	_ =	shalt  }
0x53: {  	_ =	shalt  }
0x54: {  	_ =	shalt  }
0x55: {  	_ =	shalt  }
0x56: {  	_ =	shalt  }
0x57: {  	_ =	shalt  }
0x58: {  	_ =	shalt  }
0x59: {  	_ =	shalt  }
0x5a: {  	_ =	shalt  }
0x5b: {  	_ =	shalt  }
0x5c: {  	_ =	shalt  }
0x5d: {  	_ =	shalt  }
0x5e: {  	_ =	shalt  }
0x5f: {  	_ =	shalt  }
0x60: {  	_ =	shalt  }
0x61: {  	_ =	shalt  }
0x62: {  	_ =	shalt  }
0x63: {  	_ =	shalt  }
0x64: {  	_ =	shalt  }
0x65: {  	_ =	shalt  }
0x66: {  	_ =	shalt  }
0x67: {  	_ =	shalt  }
0x68: {  	_ =	shalt  }
0x69: {  	_ =	shalt  }
0x6a: {  	_ =	shalt  }
0x6b: {  	_ =	shalt  }
0x6c: {  	_ =	shalt  }
0x6d: {  	_ =	shalt  }
0x6e: {  	_ =	shalt  }
0x6f: {  	_ =	shalt  }
0x70: {  	_ =	shalt  }
0x71: {  	_ =	shalt  }
0x72: {  	_ =	shalt  }
0x73: {  	_ =	shalt  }
0x74: {  	_ =	shalt  }
0x75: {  	_ =	shalt  }
0x76: {  	_ =	shalt  }
0x77: {  	_ =	shalt  }
0x78: {  	_ =	shalt  }
0x79: {  	_ =	shalt  }
0x7a: {  	_ =	shalt  }
0x7b: {  	_ =	shalt  }
0x7c: {  	_ =	shalt  }
0x7d: {  	_ =	shalt  }
0x7e: {  	_ =	shalt  }
0x7f: {  	_ =	shalt  }
0x80: {  	_ =	shalt  }
0x81: {  	_ =	shalt  }
0x82: {  	_ =	shalt  }
0x83: {  	_ =	shalt  }
0x84: {  	_ =	shalt  }
0x85: {  	_ =	shalt  }
0x86: {  	_ =	shalt  }
0x87: {  	_ =	shalt  }
.Lfunc_end0:
.L_simem_size_0:
called_computation_lowered:
.L_overlay_start_0:
0x88: {  	s2 =	sld [smem:$0x3FD9]  }
0x89: {  	s3 =	sld [smem:$0x3FFE];
	_ =	sdelay $0x1  }
0x8a: {  	s1 =	srdreg.scid  }
0x8b: {  	s0 =	sand.u32 $0x1, s1  }
0x8c: {  	s17 =	sshll.u32 s0, $0xA;
	s2 =	sadd.s32 s3, s2  }
0x8d: {  	s2 =	sadd.s32 s2, s17  }
0x8e: {  	[smem:$0x3FC1] =	sst s2  }
0x8f: {  	_ = 	snop  }
0x90: {  	s2 =	sld [smem:$0x3FC7];
	(tm) =	ssettm $0x1  }
0x91: {  	s18 =	sld [smem:$0x3FFB];
	_ =	sdelay $0x3  }
0x92: {  	_ =	strace s18  }
0x93: {  	s3 =	sld [smem:$0x3FFC];
	_ =	sdelay $0x3  }
0x94: {  	_ =	strace s3  }
0x95: {  	s3 =	sld [smem:$0x3FFD];
	_ =	sdelay $0x3  }
0x96: {  	_ =	strace s3  }
0x97: {  	_ =	strace $0x8FFFFFFF  }
0x98: {  	s19 =	sld [smem:$0x3FDB];
	_ =	sdelay $0x1  }
0x99: {  	s4 =	simm.s32 $_scs_section_size  }
0x9a: {  	s5 =	simm.s32 $_size__tile_overlayer_lowered;
	s6 =	simm.s32 $_tile_overlayer_lowered  }
0x9b: {  	s22 =	simm.s32 $0x1BFF;
	s21 =	sshll.u32 s6, $0x1;
	s3 =	sadd.s32 s4, s19  }
0x9c: {  	s7 =	simm.s32 $0x0;
	s20 =	sshll.u32 s5, $0x1;
	s5 =	sadd.s32 s21, s3  }
0x9d: {  	[timem:s7], [sflag:s22] =	dma.local [hbm:s5], s20  }
0x9e: {  	_ =	swait.ge [sflag:s22], s20  }
0x9f: {  	s4 =	ssub.s32 $0x0, s20;
	[sflag:s22] =	ssyncset.done $0x0  }
0xa0: {  	[sflag:s22] =	ssyncadd.s32 s4;
	_ =	sdelay $0x1  }
0xa1: {  	s23 =	simm.s32 $0x1B8B  }
0xa2: {  	_ =	swait.ge [sflag:s23], $0x1  }
0xa3: {  	[sflag:s23] =	ssyncset.done $0x0  }
0xa4: {  	s25 =	simm.s32 $0x1B8E;
	s24 =	sld [smem:$0x3FFE];
	[sflag:s23] =	ssyncadd.s32 $0xFFFFFFFF  }
0xa5: {  	s26 =	simm.s32 $execute0_lowered;
	[smem:$0x3FD2] =	sst s25  }
0xa6: {  	s5 =	sshll.u32 s26, $0x1;
	_ =	strace $0x80000046;
	[dreg:$0x1] =	wrdreg $0xFFFFFFFF  }
0xa7: {  	s28 =	simm.s32 $_size_execute0_lowered;
	s3 =	sadd.s32 s3, s5;
	[dreg:$0x0] =	wrdreg $0x0  }
0xa8: {  	s5 =	sshll.u32 s28, $0x1;
	[dreg:$0x2] =	wrdreg s3  }
0xa9: {  	[dreg:$0x3] =	wrdreg s5  }
0xaa: {  	[dreg:$0x4] =	wrdreg $0xC0  }
0xab: {  	_ =	task [dreg:s7], $0x5FFFF  }
0xac: {  	[dreg:$0x1] =	wrdreg $0xFFFFFFFF  }
0xad: {  	[dreg:$0x0] =	wrdreg $0x60  }
0xae: {  	[dreg:$0x2] =	wrdreg s24  }
0xaf: {  	[dreg:$0x3] =	wrdreg s2  }
0xb0: {  	[dreg:$0x4] =	wrdreg $0x9  }
0xb1: {  	_ =	task.clear_ibuf [dreg:s7], $0x5FFFF;
	_ =	strace $0x90000046  }
0xb2: {  	s29 =	simm.s32 $0x9;
	_ =	strace $0x80000048  }
0xb3: {  	_ =	swait.ge [sflag:s29], $0x1  }
0xb4: {  	[sflag:s29] =	ssyncadd.s32 $0xFFFFFFFF  }
0xb5: {  	_ =	strace $0x90000048  }
0xb6: {  	_ =	sfence  }
0xb7: {  	s30 =	sld [smem:$0x0];
	_ =	sdelay $0x2  }
0xb8: {  	s31 =	sshll.u32 s1, $0xD;
	s1 =	sshrl.u32 s1, $0x2  }
0xb9: {  	s3 =	sand.u32 $0x4000, s31;
	s1 =	sadd.s32 s1, s30  }
0xba: {  	s0 =	sor.u32 s3, s0;
	s1 =	sshll.u32 s1, $0x11  }
0xbb: {  	s0 =	sor.u32 s1, s0  }
0xbc: {  	s0 =	sadd.s32 $0x8F2B, s0  }
0xbd: {  	[sflag:s0] =	ssyncadd.remote.s32 $0x1  }
0xbe: {  	_ =	sfence.sel $0xFFFF  }
0xbf: {  	[dreg:$0x0] =	wrdreg $0xFFFFFFFF;
	(pc) =	sbr.abs _section_cstart, $3  }
0xc0: {  	[dreg:$0x1] =	wrdreg $0xFFFFFFFF  }
0xc1: {  	_ =	task.clear_ibuf [dreg:s7], $0x2FFFF;
	_ =	strace $0x9FFFFFFF  }
0xc2: {  	(tm) =	ssettm $0x7FFFFFFF  }
0xc3: {  	_ =	shalt  }
tec
execute0_lowered:
.L_overlay_start_1:
0x0: {  	(tag) =	ssettag $0x1  }
0x1: {  	s5 =	rddreg [dreg:$0x0]  }
0x2: {  	s10 =	rddreg [dreg:$0x1]  }
0x3: {  	s0 =	rddreg [dreg:$0x2]  }
0x4: {  	s2 =	simm.s32 $0x0;
	s3 =	srdreg.scid;
	s1 =	stileid.u32  }
0x5: {  	s21 =	simm.s32 $0x320;
	s6 =	sand.u32 $0x1, s3;
	s26 =	sshll.u32 s1, $0x1  }
0x6: {  	s22 =	simm.s32 $0xD9D0;
	s23 =	simm.s32 $0x660;
	s7 =	sor.u32 s6, s26  }
0x7: {  	s24 =	simm.s32 $0xCB0;
	[smem:$0x7FF] =	sst s2;
	s8 =	smul.u32 $0x194, s7  }
0x8: {  	s12 =	sadd.s32 $0x1A00, s5;
	s11 =	sadd.s32 $0x3400, s5;
	s9 =	smul.u32 $0xC8, s7  }
0x9: {  	s3 =	sadd.s32 $0x6800, s5;
	s4 =	sadd.s32 $0x188400, s5;
	s15 =	smul.u32 $0x3280, s7  }
0xa: {  	s13 =	sadd.s32 $0x6A00, s5;
	s16 =	smul.u32 $0x1900, s7;
	s17 =	sshllo.u32 s7, $0x1  }
0xb: {  	s14 =	sadd.s32 $0x6BA00, s5;
	s28 =	ssub.s32 $0x2, s6;
	s19 =	smul.u32 $0xCA, s17  }
0xc: {  	_ =	strace $0x80000047;
	s6 =	sshrl.u32 s28, $0x1;
	s20 =	smul.u32 $0x64, s17  }
0xd: {  	s29 =	sshll.u32 s7, $0x2;
	s18 =	ssub.s32 s28, s6;
	s30 =	smul.u32 $0x1940, s17  }
0xe: {  	s5 =	sadd.s32 s10, s29;
	s31 =	sshll.u32 s17, $0x1;
	s17 =	smul.u32 $0xC80, s17  }
0xf: {  	s6 =	sadd.s32 s11, s8;
	s7 =	sadd.s32 s12, s9;
	s8 =	sadd.s32 s13, s15  }
0x10: {  	s9 =	sadd.s32 s14, s16;
	s10 =	sadd.s32 s10, s31;
	s15 =	smax.u32 s18, $0x1  }
0x11: {  	s16 =	simm.s32 $0x13DD0;
	s18 =	simm.s32 $0x650;
	s11 =	sadd.s32 s11, s19  }
0x12: {  	s12 =	sadd.s32 s12, s20;
	s13 =	sadd.s32 s13, s30;
	s14 =	sadd.s32 s14, s17  }
0x13: {  	v0 =	vimm.s32 $0x0;
	s17 =	simm.s32 $0x2;
	s19 =	simm.s32 $0xD6B0;
	s20 =	simm.s32 $0x1  }
.LBB2_1:
0x14: {  	[tilespmem:s16], [sflag:$0x2] =	stream.linear.gather [hbm4b:s3+s2], $0x650, $0x38;
	[tilespmem:$0x14420] =	vst v63  }
0x15: {  	_ =	swait.ge [sflag:s17], $0x650  }
0x16: {  	[sflag:s17] =	ssyncset.done $0x0  }
0x17: {  	[sflag:s17] =	ssyncadd.s32 $0xFFFFF9B0  }
0x18: {  	[tilespmem:s18], [sflag:$0x1] =	stream.linear.gather [hbm4b:s5+s2], $0x10, $0x38;
	[tilespmem:$0x14420] =	vst v63  }
0x19: {  	_ = 	snop  }
0x1a: {  	[tilespmem:s2], [sflag:$0x1] =	stream.linear.gather [hbm4b:s6+s2], $0x650, $0x38;
	[tilespmem:$0x14420] =	vst v63  }
0x1b: {  	_ = 	snop  }
0x1c: {  	[tilespmem:s19], [sflag:$0x1] =	stream.linear.gather [hbm4b:s7+s2], $0x320, $0x38;
	[tilespmem:$0x14420] =	vst v63  }
0x1d: {  	_ =	swait.ge [sflag:s20], $0x10  }
0x1e: {  	[sflag:s20] =	ssyncset.done $0x0  }
0x1f: {  	[sflag:s20] =	ssyncadd.s32 $0xFFFFFFF0  }
0x20: {  	_ =	swait.ge [sflag:s20], $0x650  }
0x21: {  	[sflag:s20] =	ssyncset.done $0x0  }
0x22: {  	[sflag:s20] =	ssyncadd.s32 $0xFFFFF9B0  }
0x23: {  	_ =	swait.ge [sflag:s20], $0x320  }
0x24: {  	[sflag:s20] =	ssyncset.done $0x0  }
0x25: {  	[sflag:s20] =	ssyncadd.s32 $0xFFFFFCE0  }
0x26: {  	[tilespmem:s22], [sflag:$0x1] =	stream.indirect.gather [hbm4b:s4+s21], $0x20, s19, s21, $0xb8;
	[tilespmem:$0x14420] =	vst v63  }
0x27: {  	v1 =	vld [tilespmem:$0x650]  }
0x28: {  	v2 =	vld [tilespmem:$0x0]  }
0x29: {  	v3 =	vld [tilespmem:$0x10]  }
0x2a: {  	v4 =	vld [tilespmem:$0x20]  }
0x2b: {  	v6 =	vld [tilespmem:$0x30]  }
0x2c: {  	v7 =	vld [tilespmem:$0x40]  }
0x2d: {  	v9 =	vld [tilespmem:$0x50]  }
0x2e: {  	v10 =	vld [tilespmem:$0x60]  }
0x2f: {  	v28 =	vld [tilespmem:$0x70]  }
0x30: {  	v12 =	vld [tilespmem:$0x80]  }
0x31: {  	v13 =	vld [tilespmem:$0x90]  }
0x32: {  	v15 =	vld [tilespmem:$0xA0]  }
0x33: {  	v16 =	vld [tilespmem:$0xB0]  }
0x34: {  	v17 =	vld [tilespmem:$0xC0]  }
0x35: {  	v18 =	vld [tilespmem:$0xD0];
	vm0 =	veq.s32 v2, v1;
	vm1 =	veq.s32 v3, v1;
	vm4 =	veq.s32 v4, v1  }
0x36: {  	v19 =	vld [tilespmem:$0xE0];
	vm5 =	veq.s32 v6, v1;
	vm9 =	veq.s32 v7, v1;
	vm10 =	veq.s32 v9, v1  }
0x37: {  	v20 =	vld [tilespmem:$0xF0];
	vm11 =	veq.s32 v10, v1;
	vm15 =	veq.s32 v28, v1;
	v5 =	vsel vm0, $0x1, v0  }
0x38: {  	v21 =	vld [tilespmem:$0x100];
	v2 =	vsel vm0, v3, v2;
	v8 =	vsel vm1, $0x1, v0;
	v27 =	vsel vm4, $0x1, v0  }
0x39: {  	v22 =	vld [tilespmem:$0x110];
	v11 =	vsel vm5, $0x1, v0;
	v29 =	vsel vm9, $0x1, v0;
	v30 =	vsel vm10, $0x1, v0  }
0x3a: {  	v23 =	vld [tilespmem:$0x120];
	v14 =	vsel vm11, $0x1, v0;
	v31 =	vsel vm15, $0x1, v0;
	vm4 =	veq.s32 v12, v1  }
0x3b: {  	v24 =	vld [tilespmem:$0x130];
	vm5 =	veq.s32 v13, v1;
	vm9 =	veq.s32 v15, v1;
	vm10 =	veq.s32 v16, v1  }
0x3c: {  	vm11 =	veq.s32 v17, v1;
	vm15 =	veq.s32 v18, v1;
	v5 =	vadd.s32 v5, v8  }
0x3d: {  	v32 =	vsel vm4, $0x1, v0;
	v33 =	vsel vm5, $0x1, v0;
	v35 =	vsel vm9, $0x1, v0  }
0x3e: {  	v25 =	vld [tilespmem:$0x140];
	v36 =	vsel vm10, $0x1, v0;
	v37 =	vsel vm11, $0x1, v0;
	v39 =	vsel vm15, $0x1, v0  }
0x3f: {  	v26 =	vld [tilespmem:$0x150];
	vm4 =	veq.s32 v19, v1;
	vm5 =	veq.s32 v20, v1;
	vm9 =	veq.s32 v21, v1  }
0x40: {  	vm10 =	veq.s32 v22, v1;
	vm11 =	veq.s32 v23, v1;
	vm15 =	veq.s32 v24, v1  }
0x41: {  	vm6 =	veq.s32 v5, $0x0;
	v8 =	vadd.s32 v27, v5;
	v40 =	vsel vm4, $0x1, v0  }
0x42: {  	v41 =	vsel vm5, $0x1, v0;
	v43 =	vsel vm9, $0x1, v0;
	v44 =	vsel vm10, $0x1, v0  }
0x43: {  	v45 =	vsel vm11, $0x1, v0;
	v47 =	vsel vm15, $0x1, v0;
	vm4 =	veq.s32 v25, v1  }
0x44: {  	v27 =	vld [tilespmem:$0x160];
	vm5 =	veq.s32 v26, v1;
	vm7 =	veq.s32 v8, $0x0;
	v8 =	vadd.s32 v11, v8  }
0x45: {  	v5 =	vsel vm6, v3, v4;
	v48 =	vsel vm4, $0x1, v0;
	vm8 =	veq.s32 v8, $0x0  }
0x46: {  	v4 =	vsel vm7, v4, v6;
	v3 =	vsel vm8, v6, v7;
	v6 =	vadd.s32 v29, v8  }
0x47: {  	v49 =	vsel vm5, $0x1, v0;
	v29 =	vld [tilespmem:$0x180];
	vm12 =	veq.s32 v6, $0x0;
	v6 =	vadd.s32 v30, v6  }
0x48: {  	v8 =	vsel vm12, v7, v9;
	vm13 =	veq.s32 v6, $0x0;
	v14 =	vadd.s32 v14, v6  }
0x49: {  	v30 =	vld [tilespmem:$0x190];
	vm9 =	veq.s32 v27, v1;
	v6 =	vsel vm13, v9, v10;
	v9 =	vadd.s32 v31, v14  }
0x4a: {  	vm14 =	veq.s32 v14, $0x0;
	v51 =	vsel vm9, $0x1, v0;
	vm6 =	veq.s32 v9, $0x0  }
0x4b: {  	v7 =	vsel vm14, v10, v28;
	v9 =	vadd.s32 v32, v9;
	v11 =	vsel vm6, v28, v12  }
0x4c: {  	v31 =	vld [tilespmem:$0x1A0];
	vm7 =	veq.s32 v9, $0x0;
	v34 =	vadd.s32 v33, v9;
	vm11 =	veq.s32 v29, v1  }
0x4d: {  	v32 =	vld [tilespmem:$0x1B0];
	v10 =	vsel vm7, v12, v13;
	vm8 =	veq.s32 v34, $0x0;
	v12 =	vadd.s32 v35, v34  }
0x4e: {  	v28 =	vld [tilespmem:$0x170];
	v53 =	vsel vm11, $0x1, v0;
	vm15 =	veq.s32 v30, v1;
	v9 =	vsel vm8, v13, v15  }
0x4f: {  	v33 =	vld [tilespmem:$0x1C0];
	vm12 =	veq.s32 v12, $0x0;
	v12 =	vadd.s32 v36, v12;
	v55 =	vsel vm15, $0x1, v0  }
0x50: {  	v14 =	vsel vm12, v15, v16;
	vm13 =	veq.s32 v12, $0x0;
	v38 =	vadd.s32 v37, v12  }
0x51: {  	v34 =	vld [tilespmem:$0x1D0];
	vm4 =	veq.s32 v31, v1;
	v12 =	vsel vm13, v16, v17;
	vm14 =	veq.s32 v38, $0x0  }
0x52: {  	v35 =	vld [tilespmem:$0x1E0];
	v15 =	vadd.s32 v39, v38;
	v56 =	vsel vm4, $0x1, v0;
	vm5 =	veq.s32 v32, v1  }
0x53: {  	v13 =	vsel vm14, v17, v18;
	vm6 =	veq.s32 v15, $0x0;
	v15 =	vadd.s32 v40, v15  }
0x54: {  	v36 =	vld [tilespmem:$0x1F0];
	vm10 =	veq.s32 v28, v1;
	v57 =	vsel vm5, $0x1, v0;
	vm9 =	veq.s32 v33, v1  }
0x55: {  	v37 =	vld [tilespmem:$0x200];
	v17 =	vsel vm6, v18, v19;
	vm7 =	veq.s32 v15, $0x0;
	v42 =	vadd.s32 v41, v15  }
0x56: {  	v38 =	vld [tilespmem:$0x210];
	v52 =	vsel vm10, $0x1, v0;
	v59 =	vsel vm9, $0x1, v0;
	vm10 =	veq.s32 v34, v1  }
0x57: {  	v39 =	vld [tilespmem:$0x220];
	vm11 =	veq.s32 v35, v1;
	v16 =	vsel vm7, v19, v20;
	vm8 =	veq.s32 v42, $0x0  }
0x58: {  	v18 =	vadd.s32 v43, v42;
	v60 =	vsel vm10, $0x1, v0;
	v61 =	vsel vm11, $0x1, v0  }
0x59: {  	v40 =	vld [tilespmem:$0x230];
	vm15 =	veq.s32 v36, v1;
	v15 =	vsel vm8, v20, v21;
	vm12 =	veq.s32 v18, $0x0  }
0x5a: {  	v18 =	vadd.s32 v44, v18;
	v63 =	vsel vm15, $0x1, v0;
	vm4 =	veq.s32 v37, v1  }
0x5b: {  	v41 =	vld [tilespmem:$0x240];
	v20 =	vsel vm12, v21, v22;
	vm13 =	veq.s32 v18, $0x0;
	v46 =	vadd.s32 v45, v18  }
0x5c: {  	v42 =	vld [tilespmem:$0x250];
	v44 =	vsel vm4, $0x1, v0;
	vm5 =	veq.s32 v38, v1;
	vm9 =	veq.s32 v39, v1  }
0x5d: {  	v43 =	vld [tilespmem:$0x260];
	v19 =	vsel vm13, v22, v23;
	vm14 =	veq.s32 v46, $0x0;
	v21 =	vadd.s32 v47, v46  }
0x5e: {  	v45 =	vsel vm5, $0x1, v0;
	v47 =	vsel vm9, $0x1, v0;
	vm10 =	veq.s32 v40, v1  }
0x5f: {  	v18 =	vsel vm14, v23, v24;
	vm6 =	veq.s32 v21, $0x0;
	v21 =	vadd.s32 v48, v21  }
0x60: {  	v48 =	vsel vm10, $0x1, v0;
	vm11 =	veq.s32 v41, v1;
	v23 =	vsel vm6, v24, v25  }
0x61: {  	vm7 =	veq.s32 v21, $0x0;
	v50 =	vadd.s32 v49, v21;
	v49 =	vsel vm11, $0x1, v0  }
0x62: {  	vm15 =	veq.s32 v42, v1;
	vm4 =	veq.s32 v43, v1;
	v21 =	vsel vm7, v25, v26  }
0x63: {  	vm8 =	veq.s32 v50, $0x0;
	v24 =	vadd.s32 v51, v50;
	v51 =	vsel vm15, $0x1, v0  }
0x64: {  	v22 =	vsel vm8, v26, v27;
	vm12 =	veq.s32 v24, $0x0;
	v24 =	vadd.s32 v52, v24  }
0x65: {  	v52 =	vsel vm4, $0x1, v0;
	vm13 =	veq.s32 v24, $0x0;
	v54 =	vadd.s32 v53, v24  }
0x66: {  	v26 =	vsel vm12, v27, v28;
	v25 =	vsel vm13, v28, v29;
	v27 =	vadd.s32 v55, v54  }
0x67: {  	vm14 =	veq.s32 v54, $0x0;
	v55 =	vld [tilespmem:$0x2B0];
	vm6 =	veq.s32 v27, $0x0;
	v27 =	vadd.s32 v56, v27  }
0x68: {  	v24 =	vsel vm14, v29, v30;
	vm7 =	veq.s32 v27, $0x0;
	v58 =	vadd.s32 v57, v27  }
0x69: {  	v29 =	vsel vm6, v30, v31;
	v27 =	vsel vm7, v31, v32;
	v30 =	vadd.s32 v59, v58  }
0x6a: {  	vm8 =	veq.s32 v58, $0x0;
	vm12 =	veq.s32 v30, $0x0;
	v30 =	vadd.s32 v60, v30  }
0x6b: {  	v28 =	vsel vm8, v32, v33;
	v32 =	vsel vm12, v33, v34;
	vm13 =	veq.s32 v30, $0x0  }
0x6c: {  	v62 =	vadd.s32 v61, v30;
	vm15 =	veq.s32 v55, v1;
	v31 =	vsel vm13, v34, v35  }
0x6d: {  	vm14 =	veq.s32 v62, $0x0;
	v33 =	vadd.s32 v63, v62;
	v61 =	vsel vm15, $0x1, v0  }
0x6e: {  	v58 =	vld [tilespmem:$0x2D0];
	v30 =	vsel vm14, v35, v36;
	vm6 =	veq.s32 v33, $0x0;
	v33 =	vadd.s32 v44, v33  }
0x6f: {  	v44 =	vld [tilespmem:$0x270];
	v35 =	vsel vm6, v36, v37;
	vm7 =	veq.s32 v33, $0x0;
	v46 =	vadd.s32 v45, v33  }
0x70: {  	v45 =	vld [tilespmem:$0x280];
	v34 =	vsel vm7, v37, v38;
	vm8 =	veq.s32 v46, $0x0;
	v36 =	vadd.s32 v47, v46  }
0x71: {  	v60 =	vld [tilespmem:$0x2E0];
	v33 =	vsel vm8, v38, v39;
	vm12 =	veq.s32 v36, $0x0;
	v36 =	vadd.s32 v48, v36  }
0x72: {  	v46 =	vld [tilespmem:$0x290];
	v38 =	vsel vm12, v39, v40;
	vm13 =	veq.s32 v36, $0x0;
	v50 =	vadd.s32 v49, v36  }
0x73: {  	v47 =	vld [tilespmem:$0x2A0];
	v36 =	vsel vm13, v40, v41;
	vm14 =	veq.s32 v50, $0x0;
	v39 =	vadd.s32 v51, v50  }
0x74: {  	vm5 =	veq.s32 v44, v1;
	v37 =	vsel vm14, v41, v42;
	vm6 =	veq.s32 v39, $0x0  }
0x75: {  	v48 =	vld [tilespmem:$0x2C0];
	v39 =	vadd.s32 v52, v39;
	v53 =	vsel vm5, $0x1, v0;
	vm9 =	veq.s32 v45, v1  }
0x76: {  	v62 =	vld [tilespmem:$0x2F0];
	vm5 =	veq.s32 v58, v1;
	v41 =	vsel vm6, v42, v43;
	vm7 =	veq.s32 v39, $0x0  }
0x77: {  	v54 =	vadd.s32 v53, v39;
	v56 =	vsel vm9, $0x1, v0;
	vm10 =	veq.s32 v46, v1  }
0x78: {  	[tilespmem:$0x660] =	vst v1;
	vm11 =	veq.s32 v47, v1;
	v50 =	vsel vm5, $0x1, v0;
	vm9 =	veq.s32 v60, v1  }
0x79: {  	[tilespmem:$0x670] =	vst v2;
	v51 =	vld [tilespmem:$0x310];
	v40 =	vsel vm7, v43, v44;
	vm8 =	veq.s32 v54, $0x0;
	v2 =	vadd.s32 v56, v54  }
0x7a: {  	[tilespmem:$0x680] =	vst v5;
	v57 =	vsel vm10, $0x1, v0;
	v49 =	vsel vm11, $0x1, v0;
	vm4 =	veq.s32 v48, v1  }
0x7b: {  	[tilespmem:$0x690] =	vst v4;
	v52 =	vsel vm9, $0x1, v0;
	vm10 =	veq.s32 v62, v1;
	v39 =	vsel vm8, v44, v45  }
0x7c: {  	[tilespmem:$0x6A0] =	vst v3;
	v53 =	vld [tilespmem:$0x320];
	v42 =	vadd.s32 v57, v2;
	vm12 =	veq.s32 v2, $0x0;
	v63 =	vsel vm4, $0x1, v0  }
0x7d: {  	[tilespmem:$0x6B0] =	vst v8;
	v43 =	vld [tilespmem:$0x370];
	v54 =	vsel vm10, $0x1, v0;
	v2 =	vsel vm12, v45, v46;
	vm13 =	veq.s32 v42, $0x0  }
0x7e: {  	[tilespmem:$0x6C0] =	vst v6;
	v59 =	vadd.s32 v49, v42;
	vm15 =	veq.s32 v51, v1;
	v4 =	vsel vm13, v46, v47  }
0x7f: {  	[tilespmem:$0x6D0] =	vst v7;
	v49 =	vld [tilespmem:$0x300];
	vm14 =	veq.s32 v59, $0x0;
	v5 =	vadd.s32 v61, v59;
	v59 =	vsel vm15, $0x1, v0  }
0x80: {  	[tilespmem:$0x6E0] =	vst v11;
	v45 =	vld [tilespmem:$0x380];
	v3 =	vsel vm14, v47, v55;
	vm6 =	veq.s32 v5, $0x0;
	v5 =	vadd.s32 v63, v5  }
0x81: {  	[tilespmem:$0x6F0] =	vst v10;
	vm4 =	veq.s32 v53, v1;
	v7 =	vsel vm6, v55, v48;
	vm7 =	veq.s32 v5, $0x0  }
0x82: {  	[tilespmem:$0x700] =	vst v9;
	v8 =	vadd.s32 v50, v5;
	v61 =	vsel vm4, $0x1, v0;
	vm15 =	veq.s32 v43, v1  }
0x83: {  	[tilespmem:$0x710] =	vst v14;
	v55 =	vld [tilespmem:$0x330];
	v5 =	vsel vm7, v48, v58;
	vm8 =	veq.s32 v8, $0x0;
	v8 =	vadd.s32 v52, v8  }
0x84: {  	[tilespmem:$0x720] =	vst v12;
	v50 =	vsel vm15, $0x1, v0;
	v6 =	vsel vm8, v58, v60;
	vm11 =	veq.s32 v49, v1  }
0x85: {  	[tilespmem:$0x730] =	vst v13;
	v47 =	vld [tilespmem:$0x390];
	vm12 =	veq.s32 v8, $0x0;
	v9 =	vadd.s32 v54, v8;
	vm4 =	veq.s32 v45, v1  }
0x86: {  	[tilespmem:$0x740] =	vst v17;
	v58 =	vld [tilespmem:$0x340];
	v56 =	vsel vm11, $0x1, v0;
	v8 =	vsel vm12, v60, v62;
	vm13 =	veq.s32 v9, $0x0  }
0x87: {  	[tilespmem:$0x750] =	vst v16;
	v52 =	vsel vm4, $0x1, v0;
	v57 =	vadd.s32 v56, v9;
	v9 =	vsel vm13, v62, v49  }
0x88: {  	[tilespmem:$0x760] =	vst v15;
	v60 =	vld [tilespmem:$0x350];
	vm14 =	veq.s32 v57, $0x0;
	v12 =	vadd.s32 v59, v57;
	vm5 =	veq.s32 v55, v1  }
0x89: {  	[tilespmem:$0x770] =	vst v20;
	v62 =	vld [tilespmem:$0x360];
	v10 =	vsel vm14, v49, v51;
	vm6 =	veq.s32 v12, $0x0;
	v13 =	vadd.s32 v61, v12  }
0x8a: {  	[tilespmem:$0x780] =	vst v19;
	v57 =	vld [tilespmem:$0x3E0];
	v63 =	vsel vm5, $0x1, v0;
	vm5 =	veq.s32 v47, v1;
	v12 =	vsel vm6, v51, v53  }
0x8b: {  	[tilespmem:$0x790] =	vst v18;
	v59 =	vld [tilespmem:$0x3F0];
	vm7 =	veq.s32 v13, $0x0;
	v15 =	vadd.s32 v63, v13;
	vm9 =	veq.s32 v58, v1  }
0x8c: {  	[tilespmem:$0x7A0] =	vst v23;
	v49 =	vld [tilespmem:$0x3A0];
	v54 =	vsel vm5, $0x1, v0;
	v11 =	vsel vm7, v53, v55;
	vm8 =	veq.s32 v15, $0x0  }
0x8d: {  	[tilespmem:$0x7B0] =	vst v21;
	v44 =	vsel vm9, $0x1, v0;
	vm10 =	veq.s32 v60, v1;
	v13 =	vsel vm8, v55, v58  }
0x8e: {  	[tilespmem:$0x7C0] =	vst v22;
	v61 =	vld [tilespmem:$0x400];
	v15 =	vadd.s32 v44, v15;
	v46 =	vsel vm10, $0x1, v0;
	vm11 =	veq.s32 v62, v1  }
0x8f: {  	[tilespmem:$0x7D0] =	vst v26;
	v51 =	vld [tilespmem:$0x3B0];
	vm12 =	veq.s32 v15, $0x0;
	v15 =	vadd.s32 v46, v15;
	v48 =	vsel vm11, $0x1, v0  }
0x90: {  	[tilespmem:$0x7E0] =	vst v25;
	v63 =	vld [tilespmem:$0x410];
	vm4 =	veq.s32 v57, v1;
	vm5 =	veq.s32 v59, v1;
	v16 =	vsel vm12, v58, v60  }
0x91: {  	[tilespmem:$0x7F0] =	vst v24;
	v53 =	vld [tilespmem:$0x3C0];
	vm13 =	veq.s32 v15, $0x0;
	v21 =	vadd.s32 v48, v15;
	vm9 =	veq.s32 v49, v1  }
0x92: {  	[tilespmem:$0x800] =	vst v29;
	v42 =	vsel vm4, $0x1, v0;
	v44 =	vsel vm5, $0x1, v0;
	v14 =	vsel vm13, v60, v62  }
0x93: {  	[tilespmem:$0x810] =	vst v27;
	v55 =	vld [tilespmem:$0x3D0];
	vm14 =	veq.s32 v21, $0x0;
	v17 =	vadd.s32 v50, v21;
	v56 =	vsel vm9, $0x1, v0  }
0x94: {  	[tilespmem:$0x820] =	vst v28;
	vm10 =	veq.s32 v51, v1;
	vm9 =	veq.s32 v61, v1;
	v15 =	vsel vm14, v62, v43  }
0x95: {  	[tilespmem:$0x830] =	vst v32;
	vm6 =	veq.s32 v17, $0x0;
	v21 =	vadd.s32 v52, v17;
	v58 =	vsel vm10, $0x1, v0  }
0x96: {  	[tilespmem:$0x840] =	vst v31;
	vm11 =	veq.s32 v53, v1;
	v46 =	vsel vm9, $0x1, v0;
	vm10 =	veq.s32 v63, v1  }
0x97: {  	[tilespmem:$0x850] =	vst v30;
	v17 =	vsel vm6, v43, v45;
	vm7 =	veq.s32 v21, $0x0;
	v21 =	vadd.s32 v54, v21  }
0x98: {  	[tilespmem:$0x860] =	vst v35;
	v60 =	vsel vm11, $0x1, v0;
	vm15 =	veq.s32 v55, v1;
	v48 =	vsel vm10, $0x1, v0  }
0x99: {  	[tilespmem:$0x870] =	vst v34;
	v43 =	vld [tilespmem:$0x420];
	v18 =	vsel vm7, v45, v47;
	vm8 =	veq.s32 v21, $0x0;
	v20 =	vadd.s32 v56, v21  }
0x9a: {  	[tilespmem:$0x880] =	vst v33;
	v62 =	vsel vm15, $0x1, v0;
	vm12 =	veq.s32 v20, $0x0;
	v20 =	vadd.s32 v58, v20  }
0x9b: {  	[tilespmem:$0x890] =	vst v38;
	v45 =	vld [tilespmem:$0x430];
	v19 =	vsel vm8, v47, v49;
	vm13 =	veq.s32 v20, $0x0;
	v20 =	vadd.s32 v60, v20  }
0x9c: {  	[tilespmem:$0x8A0] =	vst v36;
	v47 =	vld [tilespmem:$0x440];
	v22 =	vsel vm12, v49, v51;
	vm14 =	veq.s32 v20, $0x0;
	v20 =	vadd.s32 v62, v20  }
0x9d: {  	v30 =	vld [tilespmem:$0x4B0];
	[tilespmem:$0x8B0] =	vst v37;
	v21 =	vsel vm13, v51, v53;
	v24 =	vsel vm14, v53, v55;
	vm6 =	veq.s32 v20, $0x0  }
0x9e: {  	[tilespmem:$0x8C0] =	vst v41;
	v49 =	vld [tilespmem:$0x450];
	v20 =	vadd.s32 v42, v20;
	vm11 =	veq.s32 v43, v1;
	v25 =	vsel vm6, v55, v57  }
0x9f: {  	[tilespmem:$0x8D0] =	vst v40;
	v51 =	vld [tilespmem:$0x460];
	vm7 =	veq.s32 v20, $0x0;
	v20 =	vadd.s32 v44, v20;
	v50 =	vsel vm11, $0x1, v0  }
0xa0: {  	[tilespmem:$0x8E0] =	vst v39;
	v62 =	vld [tilespmem:$0x4A0];
	vm15 =	veq.s32 v45, v1;
	v26 =	vsel vm7, v57, v59;
	vm8 =	veq.s32 v20, $0x0  }
0xa1: {  	[tilespmem:$0x8F0] =	vst v2;
	v20 =	vadd.s32 v46, v20;
	v52 =	vsel vm15, $0x1, v0;
	vm4 =	veq.s32 v47, v1  }
0xa2: {  	[tilespmem:$0x900] =	vst v4;
	v53 =	vld [tilespmem:$0x470];
	v27 =	vsel vm8, v59, v61;
	vm12 =	veq.s32 v20, $0x0;
	v2 =	vadd.s32 v48, v20  }
0xa3: {  	v34 =	vld [tilespmem:$0x4C0];
	[tilespmem:$0x910] =	vst v3;
	v54 =	vsel vm4, $0x1, v0;
	vm5 =	veq.s32 v49, v1;
	v4 =	vsel vm12, v61, v63  }
0xa4: {  	v37 =	vld [tilespmem:$0x4D0];
	[tilespmem:$0x920] =	vst v7;
	vm13 =	veq.s32 v2, $0x0;
	v2 =	vadd.s32 v50, v2;
	v56 =	vsel vm5, $0x1, v0  }
0xa5: {  	[tilespmem:$0x930] =	vst v5;
	v55 =	vld [tilespmem:$0x480];
	vm9 =	veq.s32 v51, v1;
	vm4 =	veq.s32 v62, v1;
	vm5 =	veq.s32 v30, v1  }
0xa6: {  	[tilespmem:$0x940] =	vst v6;
	v44 =	vld [tilespmem:$0x500];
	v3 =	vsel vm13, v63, v43;
	vm14 =	veq.s32 v2, $0x0;
	v2 =	vadd.s32 v52, v2  }
0xa7: {  	v39 =	vld [tilespmem:$0x4E0];
	[tilespmem:$0x950] =	vst v8;
	v61 =	vsel vm9, $0x1, v0;
	vm10 =	veq.s32 v53, v1;
	v38 =	vsel vm4, $0x1, v0  }
0xa8: {  	[tilespmem:$0x960] =	vst v9;
	v46 =	vld [tilespmem:$0x510];
	v40 =	vsel vm5, $0x1, v0;
	vm9 =	veq.s32 v34, v1;
	v7 =	vsel vm14, v43, v45  }
0xa9: {  	[tilespmem:$0x970] =	vst v10;
	vm6 =	veq.s32 v2, $0x0;
	v2 =	vadd.s32 v54, v2;
	v63 =	vsel vm10, $0x1, v0  }
0xaa: {  	[tilespmem:$0x980] =	vst v12;
	v59 =	vld [tilespmem:$0x490];
	vm11 =	veq.s32 v55, v1;
	v43 =	vsel vm9, $0x1, v0;
	vm10 =	veq.s32 v37, v1  }
0xab: {  	[tilespmem:$0x990] =	vst v11;
	vm4 =	veq.s32 v44, v1;
	v57 =	vsel vm6, v45, v47;
	vm7 =	veq.s32 v2, $0x0  }
0xac: {  	[tilespmem:$0x9A0] =	vst v13;
	v42 =	vld [tilespmem:$0x4F0];
	v2 =	vadd.s32 v56, v2;
	v31 =	vsel vm11, $0x1, v0;
	v45 =	vsel vm10, $0x1, v0  }
0xad: {  	[tilespmem:$0x9B0] =	vst v16;
	vm11 =	veq.s32 v39, v1;
	v52 =	vsel vm4, $0x1, v0;
	vm5 =	veq.s32 v46, v1  }
0xae: {  	[tilespmem:$0x9C0] =	vst v14;
	v58 =	vsel vm7, v47, v49;
	vm8 =	veq.s32 v2, $0x0;
	v2 =	vadd.s32 v61, v2  }
0xaf: {  	[tilespmem:$0xA80] =	vst v3;
	vm15 =	veq.s32 v59, v1;
	v47 =	vsel vm11, $0x1, v0;
	v3 =	vsel vm5, $0x1, v0  }
0xb0: {  	[tilespmem:$0xA20] =	vst v21;
	v21 =	vld [tilespmem:$0x580];
	v60 =	vsel vm8, v49, v51;
	vm12 =	veq.s32 v2, $0x0;
	v2 =	vadd.s32 v63, v2  }
0xb1: {  	[tilespmem:$0x9D0] =	vst v15;
	v36 =	vsel vm15, $0x1, v0;
	vm15 =	veq.s32 v42, v1;
	v49 =	vld [tilespmem:$0x520];
	v32 =	vsel vm12, v51, v53  }
0xb2: {  	[tilespmem:$0xAB0] =	vst v58;
	v58 =	vld [tilespmem:$0x560];
	vm13 =	veq.s32 v2, $0x0;
	v2 =	vadd.s32 v31, v2;
	v50 =	vsel vm15, $0x1, v0  }
0xb3: {  	[tilespmem:$0x9E0] =	vst v17;
	v51 =	vld [tilespmem:$0x530];
	v33 =	vsel vm13, v53, v55;
	vm14 =	veq.s32 v2, $0x0;
	v2 =	vadd.s32 v36, v2  }
0xb4: {  	[tilespmem:$0xAC0] =	vst v60;
	v60 =	vld [tilespmem:$0x570];
	v35 =	vsel vm14, v55, v59;
	vm6 =	veq.s32 v2, $0x0;
	v2 =	vadd.s32 v38, v2  }
0xb5: {  	[tilespmem:$0xA40] =	vst v25;
	v25 =	vld [tilespmem:$0x590];
	v8 =	vsel vm6, v59, v62;
	vm7 =	veq.s32 v2, $0x0;
	v2 =	vadd.s32 v40, v2  }
0xb6: {  	[tilespmem:$0xA50] =	vst v26;
	v53 =	vld [tilespmem:$0x540];
	v41 =	vsel vm7, v62, v30;
	vm8 =	veq.s32 v2, $0x0;
	v2 =	vadd.s32 v43, v2  }
0xb7: {  	[tilespmem:$0xAD0] =	vst v32;
	v32 =	vld [tilespmem:$0x5C0];
	vm9 =	veq.s32 v49, v1;
	vm4 =	veq.s32 v58, v1;
	v12 =	vsel vm8, v30, v34  }
0xb8: {  	[tilespmem:$0xAA0] =	vst v57;
	v36 =	vld [tilespmem:$0x5E0];
	vm12 =	veq.s32 v2, $0x0;
	v2 =	vadd.s32 v45, v2;
	v57 =	vsel vm9, $0x1, v0  }
0xb9: {  	[tilespmem:$0xA60] =	vst v27;
	v27 =	vld [tilespmem:$0x5A0];
	vm10 =	veq.s32 v51, v1;
	v26 =	vsel vm4, $0x1, v0;
	vm5 =	veq.s32 v60, v1  }
0xba: {  	[tilespmem:$0x9F0] =	vst v18;
	v55 =	vld [tilespmem:$0x550];
	vm9 =	veq.s32 v21, v1;
	v13 =	vsel vm12, v34, v37;
	vm13 =	veq.s32 v2, $0x0  }
0xbb: {  	[tilespmem:$0xA00] =	vst v19;
	v2 =	vadd.s32 v47, v2;
	v59 =	vsel vm10, $0x1, v0;
	vm11 =	veq.s32 v53, v1  }
0xbc: {  	[tilespmem:$0xA10] =	vst v22;
	v28 =	vsel vm5, $0x1, v0;
	v31 =	vsel vm9, $0x1, v0;
	vm10 =	veq.s32 v25, v1  }
0xbd: {  	[tilespmem:$0xA30] =	vst v24;
	vm4 =	veq.s32 v32, v1;
	vm9 =	veq.s32 v36, v1;
	v48 =	vsel vm13, v37, v39  }
0xbe: {  	[tilespmem:$0xAE0] =	vst v33;
	v30 =	vld [tilespmem:$0x5B0];
	vm14 =	veq.s32 v2, $0x0;
	v2 =	vadd.s32 v50, v2;
	v61 =	vsel vm11, $0x1, v0  }
0xbf: {  	[tilespmem:$0xB10] =	vst v41;
	v41 =	vld [tilespmem:$0x600];
	vm15 =	veq.s32 v55, v1;
	v33 =	vsel vm10, $0x1, v0;
	vm11 =	veq.s32 v27, v1  }
0xc0: {  	[tilespmem:$0xA70] =	vst v4;
	v45 =	vld [tilespmem:$0x610];
	v40 =	vsel vm4, $0x1, v0;
	v47 =	vsel vm9, $0x1, v0;
	v16 =	vsel vm14, v39, v42  }
0xc1: {  	[tilespmem:$0xA90] =	vst v7;
	v34 =	vld [tilespmem:$0x5D0];
	vm6 =	veq.s32 v2, $0x0;
	v2 =	vadd.s32 v52, v2;
	v24 =	vsel vm15, $0x1, v0  }
0xc2: {  	[tilespmem:$0xAF0] =	vst v35;
	v54 =	vsel vm6, v42, v44;
	vm7 =	veq.s32 v2, $0x0;
	v2 =	vadd.s32 v3, v2  }
0xc3: {  	[tilespmem:$0xB00] =	vst v8;
	v3 =	vsel vm7, v44, v46;
	vm8 =	veq.s32 v2, $0x0;
	v2 =	vadd.s32 v57, v2  }
0xc4: {  	[tilespmem:$0xB40] =	vst v48;
	v39 =	vld [tilespmem:$0x5F0];
	vm15 =	veq.s32 v30, v1;
	v56 =	vsel vm8, v46, v49;
	vm12 =	veq.s32 v2, $0x0  }
0xc5: {  	v48 =	vld [tilespmem:$0x620];
	v2 =	vadd.s32 v59, v2;
	[tilespmem:$0xB70] =	vst v3;
	v3 =	vsel vm11, $0x1, v0;
	v38 =	vsel vm15, $0x1, v0  }
0xc6: {  	[tilespmem:$0xB20] =	vst v12;
	vm5 =	veq.s32 v34, v1;
	vm11 =	veq.s32 v41, v1;
	vm15 =	veq.s32 v45, v1  }
0xc7: {  	[tilespmem:$0xB30] =	vst v13;
	v62 =	vsel vm12, v49, v51;
	vm13 =	veq.s32 v2, $0x0;
	v2 =	vadd.s32 v61, v2  }
0xc8: {  	[tilespmem:$0xB50] =	vst v16;
	v42 =	vsel vm5, $0x1, v0;
	v63 =	vsel vm13, v51, v53;
	vm14 =	veq.s32 v2, $0x0  }
0xc9: {  	[tilespmem:$0xB60] =	vst v54;
	v2 =	vadd.s32 v24, v2;
	vm10 =	veq.s32 v39, v1;
	v51 =	vsel vm15, $0x1, v0  }
0xca: {  	[tilespmem:$0xB80] =	vst v56;
	vm4 =	veq.s32 v48, v1;
	vm6 =	veq.s32 v2, $0x0;
	v2 =	vadd.s32 v26, v2  }
0xcb: {  	[tilespmem:$0xB90] =	vst v62;
	v23 =	vsel vm14, v53, v55;
	vm7 =	veq.s32 v2, $0x0;
	v2 =	vadd.s32 v28, v2  }
0xcc: {  	[tilespmem:$0xBA0] =	vst v63;
	v53 =	vsel vm4, $0x1, v0;
	vm8 =	veq.s32 v2, $0x0;
	v2 =	vadd.s32 v31, v2  }
0xcd: {  	v6 =	vsel vm6, v55, v58;
	[tilespmem:$0xBB0] =	vst v23;
	vm12 =	veq.s32 v2, $0x0;
	v2 =	vadd.s32 v33, v2  }
0xce: {  	v29 =	vsel vm7, v58, v60;
	[tilespmem:$0xBC0] =	vst v6;
	vm13 =	veq.s32 v2, $0x0;
	v2 =	vadd.s32 v3, v2  }
0xcf: {  	v9 =	vsel vm8, v60, v21;
	[tilespmem:$0xBD0] =	vst v29;
	v35 =	vsel vm12, v21, v25;
	vm14 =	veq.s32 v2, $0x0  }
0xd0: {  	[tilespmem:$0xBE0] =	vst v9;
	v3 =	vsel vm13, v25, v27;
	v2 =	vadd.s32 v38, v2;
	v37 =	vsel vm14, v27, v30  }
0xd1: {  	v49 =	vld [tilespmem:$0x630];
	vm6 =	veq.s32 v2, $0x0;
	v2 =	vadd.s32 v40, v2;
	[tilespmem:$0xC00] =	vst v3;
	v3 =	vsel vm10, $0x1, v0  }
0xd2: {  	[tilespmem:$0xBF0] =	vst v35;
	v43 =	vsel vm6, v30, v32;
	vm7 =	veq.s32 v2, $0x0;
	v2 =	vadd.s32 v42, v2  }
0xd3: {  	[tilespmem:$0xC10] =	vst v37;
	v44 =	vsel vm7, v32, v34;
	vm8 =	veq.s32 v2, $0x0;
	v2 =	vadd.s32 v47, v2  }
0xd4: {  	[tilespmem:$0xC20] =	vst v43;
	vm12 =	veq.s32 v2, $0x0;
	v2 =	vadd.s32 v3, v2;
	v3 =	vsel vm11, $0x1, v0  }
0xd5: {  	v46 =	vsel vm8, v34, v36;
	[tilespmem:$0xC30] =	vst v44;
	vm13 =	veq.s32 v2, $0x0;
	v2 =	vadd.s32 v3, v2  }
0xd6: {  	v52 =	vld [tilespmem:$0x640];
	vm5 =	veq.s32 v49, v1;
	v5 =	vsel vm12, v36, v39;
	[tilespmem:$0xC40] =	vst v46;
	vm14 =	veq.s32 v2, $0x0  }
0xd7: {  	v3 =	vsel vm13, v39, v41;
	[tilespmem:$0xC50] =	vst v5;
	v2 =	vadd.s32 v51, v2;
	v50 =	vsel vm14, v41, v45  }
0xd8: {  	[tilespmem:$0xC60] =	vst v3;
	vm6 =	veq.s32 v2, $0x0;
	v1 =	vadd.s32 v53, v2;
	v2 =	vsel vm5, $0x1, v0  }
0xd9: {  	[tilespmem:$0xC70] =	vst v50;
	v3 =	vsel vm6, v45, v48;
	vm7 =	veq.s32 v1, $0x0;
	v1 =	vor.u32 v2, v1  }
0xda: {  	[tilespmem:$0xC80] =	vst v3;
	v2 =	vsel vm7, v48, v49;
	vm8 =	veq.s32 v1, $0x0  }
0xdb: {  	[tilespmem:$0xC90] =	vst v2;
	v1 =	vsel vm8, v49, v52  }
0xdc: {  	[tilespmem:$0xCA0] =	vst v1  }
0xdd: {  	[tilespmem:s24], [sflag:$0x1] =	stream.indirect.gather [hbm4b:s4+s18], $0x20, s23, s18, $0xb8;
	[tilespmem:$0x14420] =	vst v63  }
0xde: {  	_ =	swait.ge [sflag:s20], $0x6400  }
0xdf: {  	[sflag:s20] =	ssyncset.done $0x0  }
0xe0: {  	[sflag:s20] =	ssyncadd.s32 $0xFFFF9C00  }
0xe1: {  	_ =	swait.ge [sflag:s20], $0xCA00  }
0xe2: {  	[sflag:s20] =	ssyncset.done $0x0  }
0xe3: {  	[sflag:s20] =	ssyncadd.s32 $0xFFFF3600  }
0xe4: {  	[hbm4b:s8+s18] =	stream.indirect.scatter [tilespmem:s24], [sflag:$0x1], $0x20, s16, s18, $0xb8;
	[tilespmem:$0x14420] =	vst v63  }
0xe5: {  	_ = 	snop  }
0xe6: {  	[hbm4b:s9+s2] =	stream.linear.scatter [tilespmem:s22], [sflag:$0x1], $0x6400, $0x38;
	[tilespmem:$0x14420] =	vst v63  }
0xe7: {  	_ = 	snop  }
0xe8: {  	[tilespmem:s18], [sflag:$0x1] =	stream.linear.gather [hbm4b:s10+s2], $0x10, $0x38;
	[tilespmem:$0x14420] =	vst v63  }
0xe9: {  	_ = 	snop  }
0xea: {  	[tilespmem:s2], [sflag:$0x1] =	stream.linear.gather [hbm4b:s11+s2], $0x650, $0x38;
	[tilespmem:$0x14420] =	vst v63  }
0xeb: {  	_ = 	snop  }
0xec: {  	[tilespmem:s19], [sflag:$0x1] =	stream.linear.gather [hbm4b:s12+s2], $0x320, $0x38;
	[tilespmem:$0x14420] =	vst v63  }
0xed: {  	_ =	swait.ge [sflag:s20], $0x10  }
0xee: {  	[sflag:s20] =	ssyncset.done $0x0  }
0xef: {  	[sflag:s20] =	ssyncadd.s32 $0xFFFFFFF0  }
0xf0: {  	_ =	swait.ge [sflag:s20], $0x650  }
0xf1: {  	[sflag:s20] =	ssyncset.done $0x0  }
0xf2: {  	[sflag:s20] =	ssyncadd.s32 $0xFFFFF9B0  }
0xf3: {  	_ =	swait.ge [sflag:s20], $0x320  }
0xf4: {  	[sflag:s20] =	ssyncset.done $0x0  }
0xf5: {  	[sflag:s20] =	ssyncadd.s32 $0xFFFFFCE0  }
0xf6: {  	_ =	swait.ge [sflag:s20], $0xCA00  }
0xf7: {  	[sflag:s20] =	ssyncset.done $0x0  }
0xf8: {  	[sflag:s20] =	ssyncadd.s32 $0xFFFF3600  }
0xf9: {  	_ =	swait.ge [sflag:s20], $0x6400  }
0xfa: {  	[sflag:s20] =	ssyncset.done $0x0  }
0xfb: {  	[sflag:s20] =	ssyncadd.s32 $0xFFFF9C00  }
0xfc: {  	[tilespmem:s22], [sflag:$0x1] =	stream.indirect.gather [hbm4b:s4+s21], $0x20, s19, s21, $0xb8;
	[tilespmem:$0x14420] =	vst v63  }
0xfd: {  	v1 =	vld [tilespmem:$0x650]  }
0xfe: {  	v2 =	vld [tilespmem:$0x0]  }
0xff: {  	v3 =	vld [tilespmem:$0x10]  }
0x100: {  	v54 =	vld [tilespmem:$0x20]  }
0x101: {  	v55 =	vld [tilespmem:$0x30]  }
0x102: {  	v57 =	vld [tilespmem:$0x40]  }
0x103: {  	v59 =	vld [tilespmem:$0x50]  }
0x104: {  	v61 =	vld [tilespmem:$0x60]  }
0x105: {  	v63 =	vld [tilespmem:$0x70]  }
0x106: {  	v20 =	vld [tilespmem:$0x80]  }
0x107: {  	v22 =	vld [tilespmem:$0x90]  }
0x108: {  	v24 =	vld [tilespmem:$0xA0]  }
0x109: {  	v26 =	vld [tilespmem:$0xB0]  }
0x10a: {  	v28 =	vld [tilespmem:$0xC0];
	vm9 =	veq.s32 v2, v1;
	vm10 =	veq.s32 v3, v1;
	vm11 =	veq.s32 v54, v1  }
0x10b: {  	v31 =	vld [tilespmem:$0xD0];
	vm12 =	veq.s32 v55, v1;
	vm4 =	veq.s32 v57, v1;
	vm5 =	veq.s32 v59, v1  }
0x10c: {  	v33 =	vld [tilespmem:$0xE0];
	vm6 =	veq.s32 v61, v1;
	v56 =	vsel vm9, $0x1, v0;
	v2 =	vsel vm9, v3, v2  }
0x10d: {  	v35 =	vld [tilespmem:$0xF0];
	v58 =	vsel vm10, $0x1, v0;
	v60 =	vsel vm11, $0x1, v0;
	v62 =	vsel vm12, $0x1, v0  }
0x10e: {  	v38 =	vld [tilespmem:$0x100];
	v19 =	vsel vm4, $0x1, v0;
	v21 =	vsel vm5, $0x1, v0;
	v23 =	vsel vm6, $0x1, v0  }
0x10f: {  	v40 =	vld [tilespmem:$0x110];
	vm10 =	veq.s32 v63, v1;
	vm11 =	veq.s32 v20, v1;
	vm12 =	veq.s32 v22, v1  }
0x110: {  	v42 =	vld [tilespmem:$0x120];
	vm4 =	veq.s32 v24, v1;
	vm5 =	veq.s32 v26, v1;
	vm6 =	veq.s32 v28, v1  }
0x111: {  	v45 =	vld [tilespmem:$0x130];
	v5 =	vadd.s32 v56, v58;
	v25 =	vsel vm10, $0x1, v0;
	v27 =	vsel vm11, $0x1, v0  }
0x112: {  	v47 =	vld [tilespmem:$0x140];
	v29 =	vsel vm12, $0x1, v0;
	v32 =	vsel vm4, $0x1, v0;
	v34 =	vsel vm5, $0x1, v0  }
0x113: {  	v49 =	vld [tilespmem:$0x150];
	v36 =	vsel vm6, $0x1, v0;
	vm10 =	veq.s32 v31, v1;
	vm11 =	veq.s32 v33, v1  }
0x114: {  	v52 =	vld [tilespmem:$0x160];
	vm12 =	veq.s32 v35, v1;
	vm4 =	veq.s32 v38, v1;
	vm5 =	veq.s32 v40, v1  }
0x115: {  	vm6 =	veq.s32 v42, v1;
	vm13 =	veq.s32 v5, $0x0;
	v8 =	vadd.s32 v60, v5  }
0x116: {  	v39 =	vsel vm10, $0x1, v0;
	v41 =	vsel vm11, $0x1, v0;
	v43 =	vsel vm12, $0x1, v0  }
0x117: {  	v46 =	vsel vm4, $0x1, v0;
	v48 =	vsel vm5, $0x1, v0;
	v50 =	vsel vm6, $0x1, v0  }
0x118: {  	vm10 =	veq.s32 v45, v1;
	vm11 =	veq.s32 v47, v1;
	vm12 =	veq.s32 v49, v1  }
0x119: {  	v56 =	vld [tilespmem:$0x180];
	vm4 =	veq.s32 v52, v1;
	v5 =	vsel vm13, v3, v54;
	vm14 =	veq.s32 v8, $0x0  }
0x11a: {  	v8 =	vadd.s32 v62, v8;
	v53 =	vsel vm10, $0x1, v0;
	v60 =	vsel vm4, $0x1, v0  }
0x11b: {  	v3 =	vsel vm14, v54, v55;
	vm15 =	veq.s32 v8, $0x0;
	v6 =	vadd.s32 v19, v8  }
0x11c: {  	v4 =	vsel vm15, v55, v57;
	vm7 =	veq.s32 v6, $0x0;
	v6 =	vadd.s32 v21, v6  }
0x11d: {  	v54 =	vld [tilespmem:$0x170];
	v55 =	vsel vm11, $0x1, v0;
	v8 =	vsel vm7, v57, v59;
	vm8 =	veq.s32 v6, $0x0  }
0x11e: {  	v14 =	vadd.s32 v23, v6;
	v57 =	vsel vm12, $0x1, v0;
	vm6 =	veq.s32 v56, v1  }
0x11f: {  	v7 =	vsel vm8, v59, v61;
	vm9 =	veq.s32 v14, $0x0;
	v9 =	vadd.s32 v25, v14  }
0x120: {  	v59 =	vld [tilespmem:$0x190];
	v6 =	vsel vm9, v61, v63;
	vm13 =	veq.s32 v9, $0x0;
	v9 =	vadd.s32 v27, v9  }
0x121: {  	v11 =	vsel vm13, v63, v20;
	vm14 =	veq.s32 v9, $0x0;
	v30 =	vadd.s32 v29, v9  }
0x122: {  	v61 =	vld [tilespmem:$0x1A0];
	vm5 =	veq.s32 v54, v1;
	v10 =	vsel vm14, v20, v22;
	v12 =	vadd.s32 v32, v30  }
0x123: {  	v63 =	vld [tilespmem:$0x1B0];
	vm15 =	veq.s32 v30, $0x0;
	v62 =	vsel vm5, $0x1, v0;
	vm7 =	veq.s32 v12, $0x0  }
0x124: {  	v9 =	vsel vm15, v22, v24;
	v12 =	vadd.s32 v34, v12;
	v14 =	vsel vm7, v24, v26  }
0x125: {  	vm8 =	veq.s32 v12, $0x0;
	v37 =	vadd.s32 v36, v12;
	vm10 =	veq.s32 v59, v1  }
0x126: {  	v12 =	vsel vm8, v26, v28;
	vm9 =	veq.s32 v37, $0x0;
	v15 =	vadd.s32 v39, v37  }
0x127: {  	vm11 =	veq.s32 v61, v1;
	v13 =	vsel vm9, v28, v31;
	vm13 =	veq.s32 v15, $0x0  }
0x128: {  	v15 =	vadd.s32 v41, v15;
	vm12 =	veq.s32 v63, v1;
	v17 =	vsel vm13, v31, v33  }
0x129: {  	vm14 =	veq.s32 v15, $0x0;
	v44 =	vadd.s32 v43, v15;
	v43 =	vsel vm10, $0x1, v0  }
0x12a: {  	v16 =	vsel vm14, v33, v35;
	vm15 =	veq.s32 v44, $0x0;
	v18 =	vadd.s32 v46, v44  }
0x12b: {  	v44 =	vld [tilespmem:$0x1D0];
	v15 =	vsel vm15, v35, v38;
	vm7 =	veq.s32 v18, $0x0;
	v18 =	vadd.s32 v48, v18  }
0x12c: {  	v46 =	vld [tilespmem:$0x1E0];
	v20 =	vsel vm7, v38, v40;
	vm8 =	veq.s32 v18, $0x0;
	v51 =	vadd.s32 v50, v18  }
0x12d: {  	v18 =	vsel vm8, v40, v42;
	vm9 =	veq.s32 v51, $0x0;
	v21 =	vadd.s32 v53, v51  }
0x12e: {  	v40 =	vsel vm6, $0x1, v0;
	vm13 =	veq.s32 v21, $0x0;
	v21 =	vadd.s32 v55, v21  }
0x12f: {  	v51 =	vld [tilespmem:$0x200];
	v19 =	vsel vm9, v42, v45;
	v23 =	vsel vm13, v45, v47;
	vm14 =	veq.s32 v21, $0x0  }
0x130: {  	v53 =	vld [tilespmem:$0x210];
	v58 =	vadd.s32 v57, v21;
	v45 =	vsel vm11, $0x1, v0;
	vm5 =	veq.s32 v44, v1  }
0x131: {  	v42 =	vld [tilespmem:$0x1C0];
	vm6 =	veq.s32 v46, v1;
	v22 =	vsel vm14, v47, v49;
	v24 =	vadd.s32 v60, v58  }
0x132: {  	vm15 =	veq.s32 v58, $0x0;
	v47 =	vsel vm12, $0x1, v0;
	vm7 =	veq.s32 v24, $0x0  }
0x133: {  	v21 =	vsel vm15, v49, v52;
	v24 =	vadd.s32 v62, v24;
	v26 =	vsel vm7, v52, v54  }
0x134: {  	v58 =	vld [tilespmem:$0x230];
	vm8 =	veq.s32 v24, $0x0;
	v41 =	vadd.s32 v40, v24;
	v52 =	vsel vm5, $0x1, v0  }
0x135: {  	v60 =	vld [tilespmem:$0x240];
	vm11 =	veq.s32 v51, v1;
	vm12 =	veq.s32 v53, v1;
	v25 =	vsel vm8, v54, v56  }
0x136: {  	v49 =	vld [tilespmem:$0x1F0];
	vm9 =	veq.s32 v41, $0x0;
	v27 =	vadd.s32 v43, v41;
	vm4 =	veq.s32 v42, v1  }
0x137: {  	v54 =	vsel vm6, $0x1, v0;
	v24 =	vsel vm9, v56, v59;
	vm13 =	veq.s32 v27, $0x0  }
0x138: {  	v27 =	vadd.s32 v45, v27;
	v50 =	vsel vm4, $0x1, v0;
	v29 =	vsel vm13, v59, v61  }
0x139: {  	vm14 =	veq.s32 v27, $0x0;
	v48 =	vadd.s32 v47, v27;
	v59 =	vsel vm11, $0x1, v0  }
0x13a: {  	v56 =	vld [tilespmem:$0x220];
	vm5 =	veq.s32 v58, v1;
	vm6 =	veq.s32 v60, v1;
	v27 =	vsel vm14, v61, v63  }
0x13b: {  	vm15 =	veq.s32 v48, $0x0;
	v30 =	vadd.s32 v50, v48;
	vm10 =	veq.s32 v49, v1  }
0x13c: {  	v61 =	vsel vm12, $0x1, v0;
	vm7 =	veq.s32 v30, $0x0;
	v30 =	vadd.s32 v52, v30  }
0x13d: {  	v48 =	vld [tilespmem:$0x260];
	v28 =	vsel vm15, v63, v42;
	v57 =	vsel vm10, $0x1, v0;
	vm8 =	veq.s32 v30, $0x0  }
0x13e: {  	v50 =	vld [tilespmem:$0x270];
	v32 =	vsel vm7, v42, v44;
	v55 =	vadd.s32 v54, v30;
	v31 =	vsel vm8, v44, v46  }
0x13f: {  	v63 =	vld [tilespmem:$0x250];
	vm9 =	veq.s32 v55, $0x0;
	v33 =	vadd.s32 v57, v55;
	vm4 =	veq.s32 v56, v1  }
0x140: {  	v30 =	vsel vm9, v46, v49;
	vm13 =	veq.s32 v33, $0x0;
	v33 =	vadd.s32 v59, v33  }
0x141: {  	v47 =	vsel vm4, $0x1, v0;
	v35 =	vsel vm13, v49, v51;
	vm14 =	veq.s32 v33, $0x0  }
0x142: {  	v55 =	vld [tilespmem:$0x290];
	v62 =	vadd.s32 v61, v33;
	v49 =	vsel vm5, $0x1, v0;
	vm11 =	veq.s32 v48, v1  }
0x143: {  	v57 =	vld [tilespmem:$0x2A0];
	vm12 =	veq.s32 v50, v1;
	v33 =	vsel vm14, v51, v53;
	vm15 =	veq.s32 v62, $0x0  }
0x144: {  	v36 =	vadd.s32 v47, v62;
	v51 =	vsel vm6, $0x1, v0;
	vm10 =	veq.s32 v63, v1  }
0x145: {  	v34 =	vsel vm15, v53, v56;
	vm7 =	veq.s32 v36, $0x0;
	v36 =	vadd.s32 v49, v36  }
0x146: {  	v62 =	vld [tilespmem:$0x2C0];
	v54 =	vsel vm10, $0x1, v0;
	v38 =	vsel vm7, v56, v58;
	vm8 =	veq.s32 v36, $0x0  }
0x147: {  	v53 =	vld [tilespmem:$0x280];
	v52 =	vadd.s32 v51, v36;
	v56 =	vsel vm11, $0x1, v0;
	vm5 =	veq.s32 v55, v1  }
0x148: {  	vm6 =	veq.s32 v57, v1;
	v37 =	vsel vm8, v58, v60;
	v39 =	vadd.s32 v54, v52  }
0x149: {  	v49 =	vld [tilespmem:$0x2D0];
	vm9 =	veq.s32 v52, $0x0;
	v58 =	vsel vm12, $0x1, v0;
	vm13 =	veq.s32 v39, $0x0  }
0x14a: {  	v51 =	vld [tilespmem:$0x2E0];
	v36 =	vsel vm9, v60, v63;
	v39 =	vadd.s32 v56, v39;
	v41 =	vsel vm13, v63, v48  }
0x14b: {  	v60 =	vld [tilespmem:$0x2B0];
	vm14 =	veq.s32 v39, $0x0;
	v59 =	vadd.s32 v58, v39;
	v63 =	vsel vm5, $0x1, v0  }
0x14c: {  	vm11 =	veq.s32 v62, v1;
	v40 =	vsel vm14, v48, v50;
	vm4 =	veq.s32 v53, v1  }
0x14d: {  	[tilespmem:$0x660] =	vst v1;
	vm15 =	veq.s32 v59, $0x0;
	v54 =	vsel vm11, $0x1, v0;
	v61 =	vsel vm4, $0x1, v0  }
0x14e: {  	[tilespmem:$0x670] =	vst v2;
	vm12 =	veq.s32 v49, v1;
	v39 =	vsel vm15, v50, v53;
	v2 =	vadd.s32 v61, v59  }
0x14f: {  	[tilespmem:$0x680] =	vst v5;
	v47 =	vld [tilespmem:$0x340];
	vm4 =	veq.s32 v51, v1;
	v50 =	vadd.s32 v63, v2;
	vm7 =	veq.s32 v2, $0x0  }
0x150: {  	[tilespmem:$0x690] =	vst v3;
	v59 =	vld [tilespmem:$0x310];
	v2 =	vsel vm6, $0x1, v0;
	vm10 =	veq.s32 v60, v1;
	v3 =	vsel vm7, v53, v55  }
0x151: {  	[tilespmem:$0x6A0] =	vst v4;
	v61 =	vld [tilespmem:$0x320];
	vm8 =	veq.s32 v50, $0x0;
	v5 =	vadd.s32 v2, v50;
	v52 =	vsel vm10, $0x1, v0  }
0x152: {  	[tilespmem:$0x6B0] =	vst v8;
	v63 =	vld [tilespmem:$0x330];
	v2 =	vsel vm8, v55, v57;
	vm9 =	veq.s32 v5, $0x0;
	v5 =	vadd.s32 v52, v5  }
0x153: {  	[tilespmem:$0x6C0] =	vst v7;
	v53 =	vld [tilespmem:$0x2F0];
	v4 =	vsel vm9, v57, v60;
	v56 =	vadd.s32 v54, v5;
	vm13 =	veq.s32 v5, $0x0  }
0x154: {  	[tilespmem:$0x6D0] =	vst v6;
	v55 =	vld [tilespmem:$0x300];
	v57 =	vsel vm12, $0x1, v0;
	v7 =	vsel vm13, v60, v62;
	vm14 =	veq.s32 v56, $0x0  }
0x155: {  	[tilespmem:$0x6E0] =	vst v11;
	v58 =	vadd.s32 v57, v56;
	v60 =	vsel vm4, $0x1, v0;
	vm10 =	veq.s32 v59, v1  }
0x156: {  	[tilespmem:$0x6F0] =	vst v10;
	v54 =	vld [tilespmem:$0x370];
	vm11 =	veq.s32 v61, v1;
	vm4 =	veq.s32 v47, v1;
	v5 =	vsel vm14, v62, v49  }
0x157: {  	[tilespmem:$0x700] =	vst v9;
	v56 =	vld [tilespmem:$0x380];
	vm15 =	veq.s32 v58, $0x0;
	v8 =	vadd.s32 v60, v58;
	v48 =	vsel vm10, $0x1, v0  }
0x158: {  	[tilespmem:$0x710] =	vst v14;
	v50 =	vsel vm11, $0x1, v0;
	vm12 =	veq.s32 v63, v1;
	vm5 =	veq.s32 v53, v1  }
0x159: {  	[tilespmem:$0x720] =	vst v12;
	v58 =	vld [tilespmem:$0x390];
	v6 =	vsel vm15, v49, v51;
	v62 =	vsel vm5, $0x1, v0;
	vm6 =	veq.s32 v55, v1  }
0x15a: {  	[tilespmem:$0x730] =	vst v13;
	v46 =	vld [tilespmem:$0x3E0];
	vm7 =	veq.s32 v8, $0x0;
	v9 =	vadd.s32 v62, v8;
	v12 =	vsel vm6, $0x1, v0  }
0x15b: {  	[tilespmem:$0x740] =	vst v17;
	v49 =	vld [tilespmem:$0x350];
	v8 =	vsel vm7, v51, v53;
	vm10 =	veq.s32 v54, v1;
	vm8 =	veq.s32 v9, $0x0  }
0x15c: {  	[tilespmem:$0x750] =	vst v16;
	v44 =	vadd.s32 v12, v9;
	v62 =	vsel vm10, $0x1, v0;
	vm11 =	veq.s32 v56, v1  }
0x15d: {  	[tilespmem:$0x760] =	vst v15;
	v9 =	vsel vm8, v53, v55;
	vm9 =	veq.s32 v44, $0x0;
	v12 =	vadd.s32 v48, v44  }
0x15e: {  	[tilespmem:$0x800] =	vst v29;
	v53 =	vsel vm12, $0x1, v0;
	v29 =	vsel vm11, $0x1, v0;
	vm12 =	veq.s32 v58, v1  }
0x15f: {  	[tilespmem:$0x770] =	vst v20;
	v51 =	vld [tilespmem:$0x360];
	vm11 =	veq.s32 v46, v1;
	v10 =	vsel vm9, v55, v59;
	v52 =	vadd.s32 v50, v12  }
0x160: {  	[tilespmem:$0x780] =	vst v18;
	v42 =	vld [tilespmem:$0x3C0];
	vm13 =	veq.s32 v12, $0x0;
	v55 =	vsel vm4, $0x1, v0;
	vm5 =	veq.s32 v49, v1  }
0x161: {  	[tilespmem:$0x790] =	vst v19;
	v44 =	vld [tilespmem:$0x3D0];
	v43 =	vsel vm12, $0x1, v0;
	v13 =	vsel vm13, v59, v61;
	vm14 =	veq.s32 v52, $0x0  }
0x162: {  	[tilespmem:$0x7A0] =	vst v23;
	v48 =	vld [tilespmem:$0x3F0];
	v15 =	vadd.s32 v53, v52;
	v57 =	vsel vm5, $0x1, v0;
	v53 =	vsel vm11, $0x1, v0  }
0x163: {  	[tilespmem:$0x7B0] =	vst v22;
	v11 =	vsel vm14, v61, v63;
	vm15 =	veq.s32 v15, $0x0;
	v14 =	vadd.s32 v55, v15  }
0x164: {  	[tilespmem:$0x7C0] =	vst v21;
	vm6 =	veq.s32 v51, v1;
	v12 =	vsel vm15, v63, v47;
	v15 =	vadd.s32 v57, v14  }
0x165: {  	[tilespmem:$0x7D0] =	vst v26;
	vm7 =	veq.s32 v14, $0x0;
	v59 =	vsel vm6, $0x1, v0;
	vm6 =	veq.s32 v42, v1  }
0x166: {  	[tilespmem:$0x7E0] =	vst v25;
	v61 =	vld [tilespmem:$0x3A0];
	v14 =	vsel vm7, v47, v49;
	vm8 =	veq.s32 v15, $0x0;
	v60 =	vadd.s32 v59, v15  }
0x167: {  	[tilespmem:$0x7F0] =	vst v24;
	v50 =	vld [tilespmem:$0x400];
	vm10 =	veq.s32 v44, v1;
	vm12 =	veq.s32 v48, v1;
	v15 =	vsel vm8, v49, v51  }
0x168: {  	[tilespmem:$0x810] =	vst v27;
	v63 =	vld [tilespmem:$0x3B0];
	vm9 =	veq.s32 v60, $0x0;
	v17 =	vadd.s32 v62, v60;
	v49 =	vsel vm6, $0x1, v0  }
0x169: {  	[tilespmem:$0x820] =	vst v28;
	v52 =	vld [tilespmem:$0x410];
	v55 =	vsel vm12, $0x1, v0;
	v16 =	vsel vm9, v51, v54;
	vm13 =	veq.s32 v17, $0x0  }
0x16a: {  	[tilespmem:$0x830] =	vst v32;
	v60 =	vld [tilespmem:$0x450];
	v22 =	vadd.s32 v29, v17;
	v51 =	vsel vm10, $0x1, v0;
	v18 =	vsel vm13, v54, v56  }
0x16b: {  	[tilespmem:$0x840] =	vst v31;
	v62 =	vld [tilespmem:$0x460];
	vm14 =	veq.s32 v22, $0x0;
	v22 =	vadd.s32 v43, v22;
	vm4 =	veq.s32 v61, v1  }
0x16c: {  	[tilespmem:$0x870] =	vst v33;
	v33 =	vld [tilespmem:$0x470];
	v17 =	vsel vm14, v56, v58;
	vm15 =	veq.s32 v22, $0x0;
	v45 =	vsel vm4, $0x1, v0  }
0x16d: {  	[tilespmem:$0x850] =	vst v30;
	vm5 =	veq.s32 v63, v1;
	vm4 =	veq.s32 v50, v1;
	v20 =	vsel vm15, v58, v61  }
0x16e: {  	[tilespmem:$0x860] =	vst v35;
	v54 =	vld [tilespmem:$0x420];
	v22 =	vadd.s32 v45, v22;
	v47 =	vsel vm5, $0x1, v0;
	v57 =	vsel vm4, $0x1, v0  }
0x16f: {  	[tilespmem:$0x890] =	vst v38;
	v38 =	vld [tilespmem:$0x490];
	vm5 =	veq.s32 v52, v1;
	v25 =	vadd.s32 v47, v22;
	vm7 =	veq.s32 v22, $0x0  }
0x170: {  	[tilespmem:$0x880] =	vst v34;
	v56 =	vld [tilespmem:$0x430];
	v59 =	vsel vm5, $0x1, v0;
	vm12 =	veq.s32 v60, v1;
	vm4 =	veq.s32 v62, v1  }
0x171: {  	[tilespmem:$0x8A0] =	vst v37;
	v58 =	vld [tilespmem:$0x440];
	vm5 =	veq.s32 v33, v1;
	v21 =	vsel vm7, v61, v63;
	vm8 =	veq.s32 v25, $0x0  }
0x172: {  	[tilespmem:$0x8D0] =	vst v40;
	v45 =	vld [tilespmem:$0x4C0];
	v22 =	vadd.s32 v49, v25;
	v40 =	vsel vm4, $0x1, v0;
	v23 =	vsel vm8, v63, v42  }
0x173: {  	[tilespmem:$0x8B0] =	vst v36;
	vm9 =	veq.s32 v22, $0x0;
	v22 =	vadd.s32 v51, v22;
	vm6 =	veq.s32 v54, v1  }
0x174: {  	[tilespmem:$0x8C0] =	vst v41;
	v41 =	vld [tilespmem:$0x4A0];
	v24 =	vsel vm9, v42, v44;
	v28 =	vadd.s32 v53, v22;
	vm13 =	veq.s32 v22, $0x0  }
0x175: {  	[tilespmem:$0x8E0] =	vst v39;
	vm10 =	veq.s32 v56, v1;
	v42 =	vsel vm5, $0x1, v0;
	v19 =	vsel vm13, v44, v46  }
0x176: {  	v35 =	vld [tilespmem:$0x480];
	[tilespmem:$0x8F0] =	vst v3;
	vm14 =	veq.s32 v28, $0x0;
	v22 =	vadd.s32 v55, v28;
	v30 =	vsel vm10, $0x1, v0  }
0x177: {  	[tilespmem:$0x900] =	vst v2;
	vm11 =	veq.s32 v58, v1;
	vm10 =	veq.s32 v38, v1;
	vm4 =	veq.s32 v45, v1  }
0x178: {  	[tilespmem:$0x910] =	vst v4;
	v26 =	vsel vm14, v46, v48;
	vm15 =	veq.s32 v22, $0x0;
	v3 =	vadd.s32 v57, v22  }
0x179: {  	[tilespmem:$0x920] =	vst v7;
	v34 =	vsel vm11, $0x1, v0;
	v47 =	vsel vm10, $0x1, v0;
	vm11 =	veq.s32 v41, v1  }
0x17a: {  	[tilespmem:$0x930] =	vst v5;
	v43 =	vld [tilespmem:$0x4B0];
	v53 =	vsel vm4, $0x1, v0;
	v27 =	vsel vm15, v48, v50;
	v2 =	vadd.s32 v59, v3  }
0x17b: {  	[tilespmem:$0x940] =	vst v6;
	vm7 =	veq.s32 v3, $0x0;
	v3 =	vsel vm6, $0x1, v0;
	vm6 =	veq.s32 v35, v1  }
0x17c: {  	[tilespmem:$0x950] =	vst v8;
	v49 =	vsel vm11, $0x1, v0;
	vm8 =	veq.s32 v2, $0x0;
	v2 =	vadd.s32 v3, v2  }
0x17d: {  	[tilespmem:$0x960] =	vst v9;
	v48 =	vld [tilespmem:$0x4D0];
	v61 =	vsel vm7, v50, v52;
	vm9 =	veq.s32 v2, $0x0;
	v2 =	vadd.s32 v30, v2  }
0x17e: {  	[tilespmem:$0x970] =	vst v10;
	v50 =	vld [tilespmem:$0x4E0];
	v3 =	vsel vm8, v52, v54;
	v63 =	vsel vm9, v54, v56;
	v6 =	vadd.s32 v34, v2  }
0x17f: {  	[tilespmem:$0x980] =	vst v13;
	v52 =	vld [tilespmem:$0x4F0];
	vm13 =	veq.s32 v2, $0x0;
	v2 =	vsel vm12, $0x1, v0;
	vm12 =	veq.s32 v43, v1  }
0x180: {  	[tilespmem:$0xA70] =	vst v61;
	v61 =	vld [tilespmem:$0x530];
	v36 =	vsel vm13, v56, v58;
	vm14 =	veq.s32 v6, $0x0;
	v2 =	vadd.s32 v2, v6  }
0x181: {  	[tilespmem:$0x990] =	vst v11;
	v37 =	vsel vm14, v58, v60;
	vm15 =	veq.s32 v2, $0x0;
	v2 =	vadd.s32 v40, v2  }
0x182: {  	[tilespmem:$0x9A0] =	vst v12;
	v54 =	vld [tilespmem:$0x500];
	vm5 =	veq.s32 v48, v1;
	v39 =	vsel vm15, v60, v62;
	v11 =	vadd.s32 v42, v2  }
0x183: {  	[tilespmem:$0xA10] =	vst v21;
	v21 =	vld [tilespmem:$0x550];
	vm7 =	veq.s32 v2, $0x0;
	v2 =	vsel vm6, $0x1, v0;
	v55 =	vsel vm5, $0x1, v0  }
0x184: {  	[tilespmem:$0x9B0] =	vst v14;
	v25 =	vld [tilespmem:$0x560];
	vm6 =	veq.s32 v50, v1;
	v7 =	vsel vm7, v62, v33;
	vm8 =	veq.s32 v11, $0x0  }
0x185: {  	[tilespmem:$0x9C0] =	vst v15;
	v56 =	vld [tilespmem:$0x510];
	v2 =	vadd.s32 v2, v11;
	vm10 =	veq.s32 v52, v1;
	vm5 =	veq.s32 v61, v1  }
0x186: {  	[tilespmem:$0x9D0] =	vst v16;
	v44 =	vsel vm8, v33, v35;
	vm9 =	veq.s32 v2, $0x0;
	v2 =	vadd.s32 v47, v2  }
0x187: {  	[tilespmem:$0xA50] =	vst v26;
	v58 =	vld [tilespmem:$0x520];
	v60 =	vsel vm10, $0x1, v0;
	vm11 =	veq.s32 v54, v1;
	v26 =	vsel vm5, $0x1, v0  }
0x188: {  	[tilespmem:$0x9E0] =	vst v18;
	vm10 =	veq.s32 v21, v1;
	v46 =	vsel vm9, v35, v38;
	v15 =	vadd.s32 v49, v2  }
0x189: {  	v30 =	vld [tilespmem:$0x580];
	[tilespmem:$0xA80] =	vst v3;
	vm13 =	veq.s32 v2, $0x0;
	v2 =	vsel vm12, $0x1, v0;
	v3 =	vsel vm11, $0x1, v0  }
0x18a: {  	[tilespmem:$0x9F0] =	vst v17;
	v62 =	vld [tilespmem:$0x540];
	vm12 =	veq.s32 v56, v1;
	v32 =	vsel vm10, $0x1, v0;
	vm11 =	veq.s32 v25, v1  }
0x18b: {  	[tilespmem:$0xA00] =	vst v20;
	v9 =	vsel vm13, v38, v41;
	vm14 =	veq.s32 v15, $0x0;
	v2 =	vadd.s32 v2, v15  }
0x18c: {  	[tilespmem:$0xA30] =	vst v24;
	v33 =	vld [tilespmem:$0x590];
	vm4 =	veq.s32 v58, v1;
	v34 =	vsel vm11, $0x1, v0;
	v51 =	vsel vm14, v41, v43  }
0x18d: {  	[tilespmem:$0xAE0] =	vst v44;
	v44 =	vld [tilespmem:$0x5E0];
	vm15 =	veq.s32 v2, $0x0;
	v2 =	vadd.s32 v53, v2;
	v24 =	vsel vm4, $0x1, v0  }
0x18e: {  	[tilespmem:$0xA60] =	vst v27;
	v27 =	vld [tilespmem:$0x570];
	vm4 =	veq.s32 v30, v1;
	v13 =	vsel vm15, v43, v45;
	v57 =	vadd.s32 v55, v2  }
0x18f: {  	[tilespmem:$0xA20] =	vst v23;
	v38 =	vld [tilespmem:$0x5B0];
	vm7 =	veq.s32 v2, $0x0;
	v2 =	vsel vm6, $0x1, v0;
	vm6 =	veq.s32 v62, v1  }
0x190: {  	[tilespmem:$0xA40] =	vst v19;
	v41 =	vld [tilespmem:$0x5C0];
	v40 =	vsel vm4, $0x1, v0;
	v12 =	vsel vm7, v45, v48;
	vm8 =	veq.s32 v57, $0x0  }
0x191: {  	[tilespmem:$0xA90] =	vst v63;
	v53 =	vld [tilespmem:$0x610];
	v2 =	vadd.s32 v2, v57;
	vm5 =	veq.s32 v33, v1;
	v16 =	vsel vm8, v48, v50  }
0x192: {  	[tilespmem:$0xAA0] =	vst v36;
	vm9 =	veq.s32 v2, $0x0;
	v2 =	vadd.s32 v60, v2;
	vm4 =	veq.s32 v44, v1  }
0x193: {  	[tilespmem:$0xAB0] =	vst v37;
	v55 =	vld [tilespmem:$0x620];
	v59 =	vsel vm9, v50, v52;
	v3 =	vadd.s32 v3, v2;
	vm13 =	veq.s32 v2, $0x0  }
0x194: {  	[tilespmem:$0xAC0] =	vst v39;
	v2 =	vsel vm12, $0x1, v0;
	vm12 =	veq.s32 v27, v1;
	vm10 =	veq.s32 v38, v1  }
0x195: {  	[tilespmem:$0xAD0] =	vst v7;
	v35 =	vld [tilespmem:$0x5A0];
	v63 =	vsel vm13, v52, v54;
	vm14 =	veq.s32 v3, $0x0;
	v2 =	vadd.s32 v2, v3  }
0x196: {  	v47 =	vld [tilespmem:$0x5F0];
	[tilespmem:$0xAF0] =	vst v46;
	v46 =	vsel vm10, $0x1, v0;
	vm11 =	veq.s32 v41, v1;
	vm10 =	veq.s32 v53, v1  }
0x197: {  	[tilespmem:$0xB00] =	vst v9;
	v3 =	vsel vm14, v54, v56;
	vm15 =	veq.s32 v2, $0x0;
	v2 =	vadd.s32 v24, v2  }
0x198: {  	[tilespmem:$0xB10] =	vst v51;
	v48 =	vsel vm11, $0x1, v0;
	v54 =	vsel vm4, $0x1, v0;
	vm11 =	veq.s32 v55, v1  }
0x199: {  	[tilespmem:$0xB20] =	vst v13;
	v23 =	vsel vm15, v56, v58;
	v7 =	vadd.s32 v26, v2;
	vm7 =	veq.s32 v2, $0x0  }
0x19a: {  	v42 =	vld [tilespmem:$0x5D0];
	v2 =	vsel vm6, $0x1, v0;
	[tilespmem:$0xB70] =	vst v3;
	v3 =	vsel vm5, $0x1, v0;
	vm6 =	veq.s32 v35, v1  }
0x19b: {  	[tilespmem:$0xB60] =	vst v63;
	vm5 =	veq.s32 v47, v1;
	v63 =	vsel vm11, $0x1, v0;
	v28 =	vsel vm7, v58, v61  }
0x19c: {  	[tilespmem:$0xB30] =	vst v12;
	vm8 =	veq.s32 v7, $0x0;
	v2 =	vadd.s32 v2, v7;
	v56 =	vsel vm5, $0x1, v0  }
0x19d: {  	[tilespmem:$0xB40] =	vst v16;
	v29 =	vsel vm8, v61, v62;
	vm9 =	veq.s32 v2, $0x0;
	v2 =	vadd.s32 v32, v2  }
0x19e: {  	v49 =	vld [tilespmem:$0x600];
	[tilespmem:$0xB50] =	vst v59;
	v61 =	vsel vm10, $0x1, v0;
	v31 =	vsel vm9, v62, v21;
	v36 =	vadd.s32 v34, v2  }
0x19f: {  	[tilespmem:$0xB80] =	vst v23;
	vm13 =	veq.s32 v2, $0x0;
	v2 =	vsel vm12, $0x1, v0;
	vm12 =	veq.s32 v42, v1  }
0x1a0: {  	[tilespmem:$0xB90] =	vst v28;
	v6 =	vsel vm13, v21, v25;
	vm14 =	veq.s32 v36, $0x0;
	v2 =	vadd.s32 v2, v36  }
0x1a1: {  	[tilespmem:$0xBA0] =	vst v29;
	v37 =	vsel vm14, v25, v27;
	vm15 =	veq.s32 v2, $0x0;
	v2 =	vadd.s32 v40, v2  }
0x1a2: {  	v57 =	vld [tilespmem:$0x630];
	[tilespmem:$0xBB0] =	vst v31;
	v3 =	vadd.s32 v3, v2;
	vm7 =	veq.s32 v2, $0x0;
	v2 =	vsel vm6, $0x1, v0  }
0x1a3: {  	[tilespmem:$0xBC0] =	vst v6;
	v39 =	vsel vm15, v27, v30;
	vm6 =	veq.s32 v49, v1;
	v2 =	vadd.s32 v2, v3  }
0x1a4: {  	[tilespmem:$0xBD0] =	vst v37;
	v43 =	vsel vm7, v30, v33;
	vm8 =	veq.s32 v3, $0x0;
	vm9 =	veq.s32 v2, $0x0  }
0x1a5: {  	[tilespmem:$0xBE0] =	vst v39;
	v3 =	vsel vm8, v33, v35;
	v2 =	vadd.s32 v46, v2;
	v45 =	vsel vm9, v35, v38  }
0x1a6: {  	[tilespmem:$0xBF0] =	vst v43;
	v50 =	vadd.s32 v48, v2;
	vm13 =	veq.s32 v2, $0x0;
	v2 =	vsel vm12, $0x1, v0  }
0x1a7: {  	[tilespmem:$0xC00] =	vst v3;
	vm12 =	veq.s32 v57, v1;
	v51 =	vsel vm13, v38, v41;
	v2 =	vadd.s32 v2, v50  }
0x1a8: {  	vm14 =	veq.s32 v50, $0x0;
	[tilespmem:$0xC10] =	vst v45;
	v1 =	vsel vm12, $0x1, v0;
	vm15 =	veq.s32 v2, $0x0  }
0x1a9: {  	v52 =	vsel vm14, v41, v42;
	v2 =	vadd.s32 v54, v2;
	[tilespmem:$0xC20] =	vst v51;
	v3 =	vsel vm15, v42, v44  }
0x1aa: {  	v58 =	vadd.s32 v56, v2;
	vm7 =	veq.s32 v2, $0x0;
	v2 =	vsel vm6, $0x1, v0;
	[tilespmem:$0xC30] =	vst v52  }
0x1ab: {  	v62 =	vld [tilespmem:$0x640];
	vm8 =	veq.s32 v58, $0x0;
	v2 =	vadd.s32 v2, v58;
	v59 =	vsel vm7, v44, v47;
	[tilespmem:$0xC40] =	vst v3  }
0x1ac: {  	v3 =	vsel vm8, v47, v49;
	vm9 =	veq.s32 v2, $0x0;
	[tilespmem:$0xC50] =	vst v59;
	v2 =	vadd.s32 v61, v2  }
0x1ad: {  	v60 =	vsel vm9, v49, v53;
	[tilespmem:$0xC60] =	vst v3;
	vm13 =	veq.s32 v2, $0x0;
	v2 =	vadd.s32 v63, v2  }
0x1ae: {  	[tilespmem:$0xC70] =	vst v60;
	v3 =	vsel vm13, v53, v55;
	vm14 =	veq.s32 v2, $0x0;
	v1 =	vor.u32 v1, v2  }
0x1af: {  	[tilespmem:$0xC80] =	vst v3;
	v2 =	vsel vm14, v55, v57;
	vm15 =	veq.s32 v1, $0x0  }
0x1b0: {  	[tilespmem:$0xC90] =	vst v2;
	v1 =	vsel vm15, v57, v62  }
0x1b1: {  	[tilespmem:$0xCA0] =	vst v1  }
0x1b2: {  	[tilespmem:s24], [sflag:$0x1] =	stream.indirect.gather [hbm4b:s4+s18], $0x20, s23, s18, $0xb8;
	[tilespmem:$0x14420] =	vst v63  }
0x1b3: {  	_ =	swait.ge [sflag:s20], $0x6400  }
0x1b4: {  	[sflag:s20] =	ssyncset.done $0x0  }
0x1b5: {  	[sflag:s20] =	ssyncadd.s32 $0xFFFF9C00  }
0x1b6: {  	_ =	swait.ge [sflag:s20], $0xCA00  }
0x1b7: {  	[sflag:s20] =	ssyncset.done $0x0  }
0x1b8: {  	[sflag:s20] =	ssyncadd.s32 $0xFFFF3600  }
0x1b9: {  	[hbm4b:s13+s18] =	stream.indirect.scatter [tilespmem:s24], [sflag:$0x1], $0x20, s16, s18, $0xb8;
	[tilespmem:$0x14420] =	vst v63  }
0x1ba: {  	_ = 	snop  }
0x1bb: {  	[hbm4b:s14+s2] =	stream.linear.scatter [tilespmem:s22], [sflag:$0x1], $0x6400, $0x38;
	[tilespmem:$0x14420] =	vst v63  }
0x1bc: {  	p0 =	sne.s32 s15, $0x1;
	_ =	swait.ge [sflag:s20], $0xCA00  }
.Ltmp0:
0x1bd: {  	[sflag:s20] =	ssyncset.done $0x0;
	(pc) =	sbr.rel @p0 .LBB2_1-.Ltmp0, $4  }
0x1be: {  	[sflag:s20] =	ssyncadd.s32 $0xFFFF3600  }
0x1bf: {  	_ =	swait.ge [sflag:s20], $0x6400  }
0x1c0: {  	[sflag:s20] =	ssyncset.done $0x0  }
0x1c1: {  	s15 =	sadd.s32 $0xFFFFFFFF, s15;
	[sflag:s20] =	ssyncadd.s32 $0xFFFF9C00  }
0x1c2: {  	_ =	sfence.sel $0x180000  }
0x1c3: {  	[bflag:$0x0] =	sbarrier.arrive $0xFFFF  }
0x1c4: {  	p0 =	sne.s32 s1, $0x0;
	_ =	strace $0x90000047  }
0x1c5: {  	s0 =	sadd.s32 @!p0 $0x100000, s0;
	[bflag:$0x2] =	sbarrier.arrive $0xFFFF  }
0x1c6: {  	[sflag:s0] =	ssyncadd.tile.s32 @!p0 $0x1;
	_ =	shalt  }
.Lfunc_end2:
_tile_overlayer_lowered:
.L_overlay_start_2:
0x1c7: {  	(tag) =	ssettag $0x2  }
0x1c8: {  	s0 =	rddreg [dreg:$0x0];
	s2 =	stileid.u32  }
0x1c9: {  	s1 =	rddreg [dreg:$0x1];
	p0 =	sne.s32 s2, $0x0  }
0x1ca: {  	s3 =	rddreg [dreg:$0x2];
	[bflag:$0x3] =	sbarrier.arrive $0xFFFF;
	s2 =	simm.s32 @!p0 $0x1C02  }
0x1cb: {  	[timem:s3], [sflag:s2] =	dma.local @!p0 [hbm:s0], s1  }
0x1cc: {  	s0 =	simm.s32 @!p0 $0x2  }
0x1cd: {  	_ =	swait.ge @!p0 [sflag:s0], s1  }
0x1ce: {  	s1 =	ssub.s32 @!p0 $0x0, s1;
	[sflag:s0] =	ssyncset.done @!p0 $0x0  }
0x1cf: {  	[sflag:s0] =	ssyncadd.s32 @!p0 s1  }
0x1d0: {  	[bflag:$0x3] =	sbarrier.arrive $0xFFFF  }
0x1d1: {  	_ =	shalt  }

</sc_bundles>
